<compile_context>
chip_gen: v7x
topology: tpu7x:2x2x1
jax: 0.10.2.dev20260603
libtpu: 0.0.44.dev20260713+nightly
codegen_flags: <defaults>
</compile_context>

<pallas_src>
import dataclasses
import functools

import jax
import jax.numpy as jnp
from jax import lax
from jax.experimental import pallas as pl
from jax.experimental.pallas import tpu as pltpu
from jax.experimental.pallas import tpu_sc as plsc

B = 1024
D = 256
NW = 256
NS = 65536
TOP_K = 64
CHUNK = 128
NCHUNK = NS // CHUNK
MAXCH = 512
CAND = 1024
NTILES = 32
ROWS_PER_TILE = B // NTILES


def _sem_score_kernel(q_ref, k_ref, n_ref, out_ref, m_ref):
    k = k_ref[...]
    kn = k / jnp.maximum(n_ref[...], 1e-6)
    s = lax.dot_general(q_ref[...], kn, (((1,), (1,)), ((), ())),
                        preferred_element_type=jnp.float32)
    out_ref[...] = s
    for j in range(s.shape[1] // CHUNK):
        m_ref[0, :, j:j + 1] = jnp.max(
            s[:, j * CHUNK:(j + 1) * CHUNK], axis=-1, keepdims=True)


def _iota16():
    return lax.broadcasted_iota(jnp.int32, (16,), 0)


def _select_kernel(sem_hbm, ws_hbm, m_hbm, tau_hbm,
                   ci_hbm, cs_hbm, cnt_hbm,
                   m_v, ws_v, tau_v, glist_v, bases_v, fetch_v,
                   ci_v, cs_v, scr_v):
    wid = lax.axis_index("s") * 2 + lax.axis_index("c")

    for j in range(MAXCH // 16):
        glist_v[j // 8, pl.ds((j % 8) * 16, 16)] = jnp.zeros((16,), jnp.int32)

    @pl.loop(0, ROWS_PER_TILE)
    def _row(rr):
        row = wid * ROWS_PER_TILE + rr
        pltpu.sync_copy(tau_hbm.at[row], tau_v)
        pltpu.sync_copy(ws_hbm.at[row], ws_v)
        pltpu.sync_copy(m_hbm.at[row], m_v)
        tau = tau_v[...]

        nc = jnp.zeros((16,), jnp.int32)
        row_base = row * NCHUNK
        for j in range(NCHUNK // 16):
            mv = m_v[pl.ds(16 * j, 16)]
            msk = mv >= tau
            m32 = jnp.where(msk, 1, 0).astype(jnp.int32)
            pos = nc + plsc.cumsum(m32) - m32
            ok = msk & (pos < MAXCH)
            cid = 16 * j + _iota16()
            plsc.store_scatter(glist_v, [pos // CHUNK, pos % CHUNK],
                               row_base + cid, mask=ok)
            plsc.store_scatter(bases_v, [pos], NW + cid * CHUNK, mask=ok)
            nc = nc + plsc.all_reduce_population_count(msk)

        nc_s = jnp.minimum(jnp.max(nc, axis=0), MAXCH)

        nb = (nc_s + 127) // 128

        @pl.loop(0, nb)
        def _batch(bi):
            pltpu.sync_copy(sem_hbm.at[glist_v.at[bi]],
                            fetch_v.at[pl.ds(bi * 128, 128)])

        for j in range(CAND // 16):
            cs_v[pl.ds(16 * j, 16)] = jnp.full((16,), -jnp.inf, jnp.float32)

        cc = jnp.zeros((16,), jnp.int32)
        for j in range(NW // 16):
            s = ws_v[pl.ds(16 * j, 16)]
            msk = s >= tau
            m32 = jnp.where(msk, 1, 0).astype(jnp.int32)
            pos = cc + plsc.cumsum(m32) - m32
            ok = msk & (pos < CAND)
            plsc.store_scatter(cs_v, [pos], s, mask=ok)
            plsc.store_scatter(ci_v, [pos], 16 * j + _iota16(), mask=ok)
            cc = cc + plsc.all_reduce_population_count(msk)

        def chunk_body(i, cc):
            base = plsc.load_gather(bases_v, [jnp.full((16,), i, jnp.int32)])
            for j in range(CHUNK // 16):
                s = fetch_v.at[i][pl.ds(16 * j, 16)]
                msk = s >= tau
                m32 = jnp.where(msk, 1, 0).astype(jnp.int32)
                pos = cc + plsc.cumsum(m32) - m32
                ok = msk & (pos < CAND)
                plsc.store_scatter(cs_v, [pos], s, mask=ok)
                plsc.store_scatter(ci_v, [pos], base + 16 * j + _iota16(), mask=ok)
                cc = cc + plsc.all_reduce_population_count(msk)
            return cc

        cc = lax.fori_loop(0, nc_s, chunk_body, cc)

        scr_v[...] = cc + jnp.where(nc > MAXCH, 1 << 20, 0)
        pltpu.sync_copy(scr_v, cnt_hbm.at[row])
        pltpu.sync_copy(cs_v, cs_hbm.at[row])
        pltpu.sync_copy(ci_v, ci_hbm.at[row])


def _run_select(sem_chunks, working_scores, m, tau_b):
    mesh = plsc.VectorSubcoreMesh(core_axis_name="c", subcore_axis_name="s")
    cp = pltpu.CompilerParams()
    if "needs_layout_passes" in pltpu.CompilerParams.__dataclass_fields__:
        cp = dataclasses.replace(cp, needs_layout_passes=False)
    sel = functools.partial(
        pl.kernel,
        mesh=mesh,
        compiler_params=cp,
        out_type=[
            jax.ShapeDtypeStruct((B, CAND), jnp.int32),
            jax.ShapeDtypeStruct((B, CAND), jnp.float32),
            jax.ShapeDtypeStruct((B, 16), jnp.int32),
        ],
        scratch_types=[
            pltpu.VMEM((NCHUNK,), jnp.float32),
            pltpu.VMEM((NW,), jnp.float32),
            pltpu.VMEM((16,), jnp.float32),
            pltpu.VMEM((MAXCH // 128, 128), jnp.int32),
            pltpu.VMEM((MAXCH,), jnp.int32),
            pltpu.VMEM((MAXCH, CHUNK), jnp.float32),
            pltpu.VMEM((CAND,), jnp.int32),
            pltpu.VMEM((CAND,), jnp.float32),
            pltpu.VMEM((16,), jnp.int32),
        ],
    )(_select_kernel)
    return sel(sem_chunks, working_scores, m, tau_b)


def kernel(current, previous, working_keys, working_values,
           semantic_keys, semantic_values, W):
    q = jnp.concatenate([current, previous], axis=-1) @ W.T
    q = q / jnp.maximum(jnp.linalg.norm(q, axis=-1, keepdims=True), 1e-6)

    nwk = working_keys / jnp.maximum(
        jnp.linalg.norm(working_keys, axis=-1, keepdims=True), 1e-6)
    working_scores = jnp.einsum('bd,bnd->bn', q, nwk)

    sk_norm = jnp.linalg.norm(semantic_keys, axis=-1, keepdims=True)

    NSB = 512
    semantic_scores, m = pl.pallas_call(
        _sem_score_kernel,
        grid=(NS // NSB,),
        in_specs=[pl.BlockSpec((B, D), lambda i: (0, 0)),
                  pl.BlockSpec((NSB, D), lambda i: (i, 0)),
                  pl.BlockSpec((NSB, 1), lambda i: (i, 0))],
        out_specs=[pl.BlockSpec((B, NSB), lambda i: (0, i)),
                   pl.BlockSpec((1, B, NSB // CHUNK), lambda i: (i, 0, 0))],
        out_shape=[jax.ShapeDtypeStruct((B, NS), jnp.float32),
                   jax.ShapeDtypeStruct((NS // NSB, B, NSB // CHUNK),
                                        jnp.float32)],
    )(q, semantic_keys, sk_norm)
    m = jnp.transpose(m, (1, 0, 2)).reshape(B, NCHUNK)

    tau = jnp.min(jnp.max(m.reshape(B, TOP_K, NCHUNK // TOP_K), axis=-1),
                  axis=-1)
    tau_b = jnp.broadcast_to(tau[:, None], (B, 16))

    sem_chunks = semantic_scores.reshape(B * NCHUNK, CHUNK)
    ci, cs, cnt = _run_select(sem_chunks, working_scores, m, tau_b)

    counts = cnt[:, 0]

    def _fast(_):
        top_scores, pos = lax.top_k(cs, TOP_K)
        top_indices = jnp.take_along_axis(ci, pos, axis=1)
        return top_scores, top_indices

    def _slow(_):
        scores = jnp.concatenate([working_scores, semantic_scores], axis=-1)
        ts, ti = lax.top_k(scores, TOP_K)
        return ts, ti

    ok = jnp.all(counts <= CAND)
    top_scores, top_indices = lax.cond(ok, _fast, _slow, operand=None)

    weights = jax.nn.softmax(top_scores, axis=-1)
    is_working = top_indices < NW
    w_idx = jnp.clip(top_indices, 0, NW - 1)
    s_idx = jnp.clip(top_indices - NW, 0, NS - 1)
    w_sel = jnp.take_along_axis(working_values, w_idx[..., None], axis=1)
    s_sel = jnp.take(semantic_values, s_idx, axis=0)
    selected_values = jnp.where(is_working[..., None], w_sel, s_sel)
    memory_read = jnp.sum(selected_values * weights[..., None], axis=1)

    aux = {
        "top_indices": top_indices,
        "top_scores": top_scores,
        "weights": weights,
        "working_ratio": jnp.mean((top_indices < NW).astype(jnp.float32)),
    }
    return memory_read, aux

# --- scband reference (transcript-rebuilt; emitter-appended) ---
"""Pipeline reference for scband-sbmemory-router-28587302323142 (READ-ONLY COPY).

The authoritative reference and input builder live on the scoring server;
editing this copy changes nothing except your own understanding.
"""

import jax, jax.numpy as jnp
import numpy as np


def _normalize(x, eps=1e-6):
    n = jnp.linalg.norm(x, axis=-1, keepdims=True)
    return x / jnp.maximum(n, eps)


def setup_inputs(seed: int = 0) -> dict:
    key = jax.random.key(seed)
    ks = jax.random.split(key, 7)
    B, D, Nw, Ns = 1024, 256, 256, 65536
    return {
        "current": jax.random.normal(ks[0], (B, D), dtype=jnp.float32),
        "previous": jax.random.normal(ks[1], (B, D), dtype=jnp.float32),
        "working_keys": jax.random.normal(ks[2], (B, Nw, D), dtype=jnp.float32),
        "working_values": jax.random.normal(ks[3], (B, Nw, D), dtype=jnp.float32),
        "semantic_keys": jax.random.normal(ks[4], (Ns, D), dtype=jnp.float32),
        "semantic_values": jax.random.normal(ks[5], (Ns, D), dtype=jnp.float32),
        "W": jax.random.normal(ks[6], (D, 2 * D), dtype=jnp.float32) * (1.0 / np.sqrt(2 * D)),
    }


def reference(current, previous, working_keys, working_values, semantic_keys, semantic_values, W):
    TOP_K = 64
    B, Nw, D = working_keys.shape
    Ns = semantic_keys.shape[0]
    # query = F.normalize(Linear(cat([current, previous])))
    q = _normalize(jnp.concatenate([current, previous], axis=-1) @ W.T)
    norm_working_keys = _normalize(working_keys)
    norm_semantic_keys = _normalize(semantic_keys)
    working_scores = jnp.einsum('bd,bnd->bn', q, norm_working_keys)
    semantic_scores = q @ norm_semantic_keys.T
    scores = jnp.concatenate([working_scores, semantic_scores], axis=-1)
    k = min(TOP_K, Nw + Ns)
    top_scores, top_indices = jax.lax.top_k(scores, k)
    weights = jax.nn.softmax(top_scores, axis=-1)
    # Gather from the virtual concat [working_values ; broadcast(semantic_values)]
    # without materializing the B x (Nw+Ns) x D tensor (mathematically identical
    # to torch.gather on the concatenated/expanded tensor).
    is_working = top_indices < Nw
    w_idx = jnp.clip(top_indices, 0, Nw - 1)
    s_idx = jnp.clip(top_indices - Nw, 0, Ns - 1)
    w_sel = jnp.take_along_axis(working_values, w_idx[..., None], axis=1)
    s_sel = jnp.take(semantic_values, s_idx, axis=0)
    selected_values = jnp.where(is_working[..., None], w_sel, s_sel)
    memory_read = jnp.sum(selected_values * weights[..., None], axis=1)
    aux = {
        "top_indices": top_indices,
        "top_scores": top_scores,
        "weights": weights,
        "working_ratio": jnp.mean((top_indices < Nw).astype(jnp.float32)),
    }
    return memory_read, aux

if __name__ == "__main__":
    import jax
    _d = setup_inputs()
    print(jax.jit(kernel)(*tuple(_d.values())))

</pallas_src>

<mosaic_0001>
#map = affine_map<(d0, d1) -> (0, 0)>
module attributes {stable_mosaic.version = 14 : i64} {
  func.func @_select_kernel(%arg0: i32, %arg1: i32, %arg2: memref<524288x128xf32, #tpu.memory_space<hbm>>, %arg3: memref<1024x256xf32, #tpu.memory_space<hbm>>, %arg4: memref<1024x512xf32, #tpu.memory_space<hbm>>, %arg5: memref<1024x16xf32, #tpu.memory_space<hbm>>, %arg6: memref<1024x1024xi32, #tpu.memory_space<hbm>>, %arg7: memref<1024x1024xf32, #tpu.memory_space<hbm>>, %arg8: memref<1024x16xi32, #tpu.memory_space<hbm>>, %arg9: memref<512xf32, #tpu.memory_space<vmem>>, %arg10: memref<256xf32, #tpu.memory_space<vmem>>, %arg11: memref<16xf32, #tpu.memory_space<vmem>>, %arg12: memref<4x128xi32, #tpu.memory_space<vmem>>, %arg13: memref<512xi32, #tpu.memory_space<vmem>>, %arg14: memref<512x128xf32, #tpu.memory_space<vmem>>, %arg15: memref<1024xi32, #tpu.memory_space<vmem>>, %arg16: memref<1024xf32, #tpu.memory_space<vmem>>, %arg17: memref<16xi32, #tpu.memory_space<vmem>>) attributes {dimension_semantics = [#tpu.dimension_semantics<core_parallel>, #tpu.dimension_semantics<subcore_parallel>], iteration_bounds = array<i64: 2, 16>, scalar_prefetch = 0 : i64, scratch_operands = 9 : i64, tpu.core_type = #tpu.core_type<sc_vector_subcore>, window_params = [{transform_indices = #map}, {transform_indices = #map}, {transform_indices = #map}, {transform_indices = #map}, {transform_indices = #map}, {transform_indices = #map}, {transform_indices = #map}]} {
    %mul3A = arith.constant 2 : i32
    %mul3A_0 = arith.muli %arg1, %mul3A : i32
    %add3A = arith.addi %mul3A_0, %arg0 : i32
    %broadcast_in_dim3A = arith.constant 0 : i32
    %broadcast_in_dim3A_1 = vector.broadcast %broadcast_in_dim3A : i32 to vector<16xi32>
    %swap3A = arith.constant 0 : i32
    %swap3A_2 = arith.index_cast %swap3A : i32 to index
    %swap3A_3 = arith.constant 0 : index
    %swap3A_4 = tpu.vector_load %arg12[%swap3A_2, %swap3A_3] {strides = array<i32>} : memref<4x128xi32, #tpu.memory_space<vmem>>, vector<16xi32>,
    tpu.vector_store %arg12[%swap3A_2, %swap3A_3], %broadcast_in_dim3A_1 {strides = array<i32>} : memref<4x128xi32, #tpu.memory_space<vmem>>, vector<16xi32>,
    %broadcast_in_dim3A_5 = arith.constant 0 : i32
    %broadcast_in_dim3A_6 = vector.broadcast %broadcast_in_dim3A_5 : i32 to vector<16xi32>
    %swap3A_7 = arith.constant 0 : i32
    %swap3A_8 = arith.index_cast %swap3A_7 : i32 to index
    %swap3A_9 = arith.constant 16 : index
    %swap3A_10 = tpu.vector_load %arg12[%swap3A_8, %swap3A_9] {strides = array<i32>} : memref<4x128xi32, #tpu.memory_space<vmem>>, vector<16xi32>,
    tpu.vector_store %arg12[%swap3A_8, %swap3A_9], %broadcast_in_dim3A_6 {strides = array<i32>} : memref<4x128xi32, #tpu.memory_space<vmem>>, vector<16xi32>,
    %broadcast_in_dim3A_11 = arith.constant 0 : i32
    %broadcast_in_dim3A_12 = vector.broadcast %broadcast_in_dim3A_11 : i32 to vector<16xi32>
    %swap3A_13 = arith.constant 0 : i32
    %swap3A_14 = arith.index_cast %swap3A_13 : i32 to index
    %swap3A_15 = arith.constant 32 : index
    %swap3A_16 = tpu.vector_load %arg12[%swap3A_14, %swap3A_15] {strides = array<i32>} : memref<4x128xi32, #tpu.memory_space<vmem>>, vector<16xi32>,
    tpu.vector_store %arg12[%swap3A_14, %swap3A_15], %broadcast_in_dim3A_12 {strides = array<i32>} : memref<4x128xi32, #tpu.memory_space<vmem>>, vector<16xi32>,
    %broadcast_in_dim3A_17 = arith.constant 0 : i32
    %broadcast_in_dim3A_18 = vector.broadcast %broadcast_in_dim3A_17 : i32 to vector<16xi32>
    %swap3A_19 = arith.constant 0 : i32
    %swap3A_20 = arith.index_cast %swap3A_19 : i32 to index
    %swap3A_21 = arith.constant 48 : index
    %swap3A_22 = tpu.vector_load %arg12[%swap3A_20, %swap3A_21] {strides = array<i32>} : memref<4x128xi32, #tpu.memory_space<vmem>>, vector<16xi32>,
    tpu.vector_store %arg12[%swap3A_20, %swap3A_21], %broadcast_in_dim3A_18 {strides = array<i32>} : memref<4x128xi32, #tpu.memory_space<vmem>>, vector<16xi32>,
    %broadcast_in_dim3A_23 = arith.constant 0 : i32
    %broadcast_in_dim3A_24 = vector.broadcast %broadcast_in_dim3A_23 : i32 to vector<16xi32>
    %swap3A_25 = arith.constant 0 : i32
    %swap3A_26 = arith.index_cast %swap3A_25 : i32 to index
    %swap3A_27 = arith.constant 64 : index
    %swap3A_28 = tpu.vector_load %arg12[%swap3A_26, %swap3A_27] {strides = array<i32>} : memref<4x128xi32, #tpu.memory_space<vmem>>, vector<16xi32>,
    tpu.vector_store %arg12[%swap3A_26, %swap3A_27], %broadcast_in_dim3A_24 {strides = array<i32>} : memref<4x128xi32, #tpu.memory_space<vmem>>, vector<16xi32>,
    %broadcast_in_dim3A_29 = arith.constant 0 : i32
    %broadcast_in_dim3A_30 = vector.broadcast %broadcast_in_dim3A_29 : i32 to vector<16xi32>
    %swap3A_31 = arith.constant 0 : i32
    %swap3A_32 = arith.index_cast %swap3A_31 : i32 to index
    %swap3A_33 = arith.constant 80 : index
    %swap3A_34 = tpu.vector_load %arg12[%swap3A_32, %swap3A_33] {strides = array<i32>} : memref<4x128xi32, #tpu.memory_space<vmem>>, vector<16xi32>,
    tpu.vector_store %arg12[%swap3A_32, %swap3A_33], %broadcast_in_dim3A_30 {strides = array<i32>} : memref<4x128xi32, #tpu.memory_space<vmem>>, vector<16xi32>,
    %broadcast_in_dim3A_35 = arith.constant 0 : i32
    %broadcast_in_dim3A_36 = vector.broadcast %broadcast_in_dim3A_35 : i32 to vector<16xi32>
    %swap3A_37 = arith.constant 0 : i32
    %swap3A_38 = arith.index_cast %swap3A_37 : i32 to index
    %swap3A_39 = arith.constant 96 : index
    %swap3A_40 = tpu.vector_load %arg12[%swap3A_38, %swap3A_39] {strides = array<i32>} : memref<4x128xi32, #tpu.memory_space<vmem>>, vector<16xi32>,
    tpu.vector_store %arg12[%swap3A_38, %swap3A_39], %broadcast_in_dim3A_36 {strides = array<i32>} : memref<4x128xi32, #tpu.memory_space<vmem>>, vector<16xi32>,
    %broadcast_in_dim3A_41 = arith.constant 0 : i32
    %broadcast_in_dim3A_42 = vector.broadcast %broadcast_in_dim3A_41 : i32 to vector<16xi32>
    %swap3A_43 = arith.constant 0 : i32
    %swap3A_44 = arith.index_cast %swap3A_43 : i32 to index
    %swap3A_45 = arith.constant 112 : index
    %swap3A_46 = tpu.vector_load %arg12[%swap3A_44, %swap3A_45] {strides = array<i32>} : memref<4x128xi32, #tpu.memory_space<vmem>>, vector<16xi32>,
    tpu.vector_store %arg12[%swap3A_44, %swap3A_45], %broadcast_in_dim3A_42 {strides = array<i32>} : memref<4x128xi32, #tpu.memory_space<vmem>>, vector<16xi32>,
    %broadcast_in_dim3A_47 = arith.constant 0 : i32
    %broadcast_in_dim3A_48 = vector.broadcast %broadcast_in_dim3A_47 : i32 to vector<16xi32>
    %swap3A_49 = arith.constant 1 : i32
    %swap3A_50 = arith.index_cast %swap3A_49 : i32 to index
    %swap3A_51 = arith.constant 0 : index
    %swap3A_52 = tpu.vector_load %arg12[%swap3A_50, %swap3A_51] {strides = array<i32>} : memref<4x128xi32, #tpu.memory_space<vmem>>, vector<16xi32>,
    tpu.vector_store %arg12[%swap3A_50, %swap3A_51], %broadcast_in_dim3A_48 {strides = array<i32>} : memref<4x128xi32, #tpu.memory_space<vmem>>, vector<16xi32>,
    %broadcast_in_dim3A_53 = arith.constant 0 : i32
    %broadcast_in_dim3A_54 = vector.broadcast %broadcast_in_dim3A_53 : i32 to vector<16xi32>
    %swap3A_55 = arith.constant 1 : i32
    %swap3A_56 = arith.index_cast %swap3A_55 : i32 to index
    %swap3A_57 = arith.constant 16 : index
    %swap3A_58 = tpu.vector_load %arg12[%swap3A_56, %swap3A_57] {strides = array<i32>} : memref<4x128xi32, #tpu.memory_space<vmem>>, vector<16xi32>,
    tpu.vector_store %arg12[%swap3A_56, %swap3A_57], %broadcast_in_dim3A_54 {strides = array<i32>} : memref<4x128xi32, #tpu.memory_space<vmem>>, vector<16xi32>,
    %broadcast_in_dim3A_59 = arith.constant 0 : i32
    %broadcast_in_dim3A_60 = vector.broadcast %broadcast_in_dim3A_59 : i32 to vector<16xi32>
    %swap3A_61 = arith.constant 1 : i32
    %swap3A_62 = arith.index_cast %swap3A_61 : i32 to index
    %swap3A_63 = arith.constant 32 : index
    %swap3A_64 = tpu.vector_load %arg12[%swap3A_62, %swap3A_63] {strides = array<i32>} : memref<4x128xi32, #tpu.memory_space<vmem>>, vector<16xi32>,
    tpu.vector_store %arg12[%swap3A_62, %swap3A_63], %broadcast_in_dim3A_60 {strides = array<i32>} : memref<4x128xi32, #tpu.memory_space<vmem>>, vector<16xi32>,
    %broadcast_in_dim3A_65 = arith.constant 0 : i32
    %broadcast_in_dim3A_66 = vector.broadcast %broadcast_in_dim3A_65 : i32 to vector<16xi32>
    %swap3A_67 = arith.constant 1 : i32
    %swap3A_68 = arith.index_cast %swap3A_67 : i32 to index
    %swap3A_69 = arith.constant 48 : index
    %swap3A_70 = tpu.vector_load %arg12[%swap3A_68, %swap3A_69] {strides = array<i32>} : memref<4x128xi32, #tpu.memory_space<vmem>>, vector<16xi32>,
    tpu.vector_store %arg12[%swap3A_68, %swap3A_69], %broadcast_in_dim3A_66 {strides = array<i32>} : memref<4x128xi32, #tpu.memory_space<vmem>>, vector<16xi32>,
    %broadcast_in_dim3A_71 = arith.constant 0 : i32
    %broadcast_in_dim3A_72 = vector.broadcast %broadcast_in_dim3A_71 : i32 to vector<16xi32>
    %swap3A_73 = arith.constant 1 : i32
    %swap3A_74 = arith.index_cast %swap3A_73 : i32 to index
    %swap3A_75 = arith.constant 64 : index
    %swap3A_76 = tpu.vector_load %arg12[%swap3A_74, %swap3A_75] {strides = array<i32>} : memref<4x128xi32, #tpu.memory_space<vmem>>, vector<16xi32>,
    tpu.vector_store %arg12[%swap3A_74, %swap3A_75], %broadcast_in_dim3A_72 {strides = array<i32>} : memref<4x128xi32, #tpu.memory_space<vmem>>, vector<16xi32>,
    %broadcast_in_dim3A_77 = arith.constant 0 : i32
    %broadcast_in_dim3A_78 = vector.broadcast %broadcast_in_dim3A_77 : i32 to vector<16xi32>
    %swap3A_79 = arith.constant 1 : i32
    %swap3A_80 = arith.index_cast %swap3A_79 : i32 to index
    %swap3A_81 = arith.constant 80 : index
    %swap3A_82 = tpu.vector_load %arg12[%swap3A_80, %swap3A_81] {strides = array<i32>} : memref<4x128xi32, #tpu.memory_space<vmem>>, vector<16xi32>,
    tpu.vector_store %arg12[%swap3A_80, %swap3A_81], %broadcast_in_dim3A_78 {strides = array<i32>} : memref<4x128xi32, #tpu.memory_space<vmem>>, vector<16xi32>,
    %broadcast_in_dim3A_83 = arith.constant 0 : i32
    %broadcast_in_dim3A_84 = vector.broadcast %broadcast_in_dim3A_83 : i32 to vector<16xi32>
    %swap3A_85 = arith.constant 1 : i32
    %swap3A_86 = arith.index_cast %swap3A_85 : i32 to index
    %swap3A_87 = arith.constant 96 : index
    %swap3A_88 = tpu.vector_load %arg12[%swap3A_86, %swap3A_87] {strides = array<i32>} : memref<4x128xi32, #tpu.memory_space<vmem>>, vector<16xi32>,
    tpu.vector_store %arg12[%swap3A_86, %swap3A_87], %broadcast_in_dim3A_84 {strides = array<i32>} : memref<4x128xi32, #tpu.memory_space<vmem>>, vector<16xi32>,
    %broadcast_in_dim3A_89 = arith.constant 0 : i32
    %broadcast_in_dim3A_90 = vector.broadcast %broadcast_in_dim3A_89 : i32 to vector<16xi32>
    %swap3A_91 = arith.constant 1 : i32
    %swap3A_92 = arith.index_cast %swap3A_91 : i32 to index
    %swap3A_93 = arith.constant 112 : index
    %swap3A_94 = tpu.vector_load %arg12[%swap3A_92, %swap3A_93] {strides = array<i32>} : memref<4x128xi32, #tpu.memory_space<vmem>>, vector<16xi32>,
    tpu.vector_store %arg12[%swap3A_92, %swap3A_93], %broadcast_in_dim3A_90 {strides = array<i32>} : memref<4x128xi32, #tpu.memory_space<vmem>>, vector<16xi32>,
    %broadcast_in_dim3A_95 = arith.constant 0 : i32
    %broadcast_in_dim3A_96 = vector.broadcast %broadcast_in_dim3A_95 : i32 to vector<16xi32>
    %swap3A_97 = arith.constant 2 : i32
    %swap3A_98 = arith.index_cast %swap3A_97 : i32 to index
    %swap3A_99 = arith.constant 0 : index
    %swap3A_100 = tpu.vector_load %arg12[%swap3A_98, %swap3A_99] {strides = array<i32>} : memref<4x128xi32, #tpu.memory_space<vmem>>, vector<16xi32>,
    tpu.vector_store %arg12[%swap3A_98, %swap3A_99], %broadcast_in_dim3A_96 {strides = array<i32>} : memref<4x128xi32, #tpu.memory_space<vmem>>, vector<16xi32>,
    %broadcast_in_dim3A_101 = arith.constant 0 : i32
    %broadcast_in_dim3A_102 = vector.broadcast %broadcast_in_dim3A_101 : i32 to vector<16xi32>
    %swap3A_103 = arith.constant 2 : i32
    %swap3A_104 = arith.index_cast %swap3A_103 : i32 to index
    %swap3A_105 = arith.constant 16 : index
    %swap3A_106 = tpu.vector_load %arg12[%swap3A_104, %swap3A_105] {strides = array<i32>} : memref<4x128xi32, #tpu.memory_space<vmem>>, vector<16xi32>,
    tpu.vector_store %arg12[%swap3A_104, %swap3A_105], %broadcast_in_dim3A_102 {strides = array<i32>} : memref<4x128xi32, #tpu.memory_space<vmem>>, vector<16xi32>,
    %broadcast_in_dim3A_107 = arith.constant 0 : i32
    %broadcast_in_dim3A_108 = vector.broadcast %broadcast_in_dim3A_107 : i32 to vector<16xi32>
    %swap3A_109 = arith.constant 2 : i32
    %swap3A_110 = arith.index_cast %swap3A_109 : i32 to index
    %swap3A_111 = arith.constant 32 : index
    %swap3A_112 = tpu.vector_load %arg12[%swap3A_110, %swap3A_111] {strides = array<i32>} : memref<4x128xi32, #tpu.memory_space<vmem>>, vector<16xi32>,
    tpu.vector_store %arg12[%swap3A_110, %swap3A_111], %broadcast_in_dim3A_108 {strides = array<i32>} : memref<4x128xi32, #tpu.memory_space<vmem>>, vector<16xi32>,
    %broadcast_in_dim3A_113 = arith.constant 0 : i32
    %broadcast_in_dim3A_114 = vector.broadcast %broadcast_in_dim3A_113 : i32 to vector<16xi32>
    %swap3A_115 = arith.constant 2 : i32
    %swap3A_116 = arith.index_cast %swap3A_115 : i32 to index
    %swap3A_117 = arith.constant 48 : index
    %swap3A_118 = tpu.vector_load %arg12[%swap3A_116, %swap3A_117] {strides = array<i32>} : memref<4x128xi32, #tpu.memory_space<vmem>>, vector<16xi32>,
    tpu.vector_store %arg12[%swap3A_116, %swap3A_117], %broadcast_in_dim3A_114 {strides = array<i32>} : memref<4x128xi32, #tpu.memory_space<vmem>>, vector<16xi32>,
    %broadcast_in_dim3A_119 = arith.constant 0 : i32
    %broadcast_in_dim3A_120 = vector.broadcast %broadcast_in_dim3A_119 : i32 to vector<16xi32>
    %swap3A_121 = arith.constant 2 : i32
    %swap3A_122 = arith.index_cast %swap3A_121 : i32 to index
    %swap3A_123 = arith.constant 64 : index
    %swap3A_124 = tpu.vector_load %arg12[%swap3A_122, %swap3A_123] {strides = array<i32>} : memref<4x128xi32, #tpu.memory_space<vmem>>, vector<16xi32>,
    tpu.vector_store %arg12[%swap3A_122, %swap3A_123], %broadcast_in_dim3A_120 {strides = array<i32>} : memref<4x128xi32, #tpu.memory_space<vmem>>, vector<16xi32>,
    %broadcast_in_dim3A_125 = arith.constant 0 : i32
    %broadcast_in_dim3A_126 = vector.broadcast %broadcast_in_dim3A_125 : i32 to vector<16xi32>
    %swap3A_127 = arith.constant 2 : i32
    %swap3A_128 = arith.index_cast %swap3A_127 : i32 to index
    %swap3A_129 = arith.constant 80 : index
    %swap3A_130 = tpu.vector_load %arg12[%swap3A_128, %swap3A_129] {strides = array<i32>} : memref<4x128xi32, #tpu.memory_space<vmem>>, vector<16xi32>,
    tpu.vector_store %arg12[%swap3A_128, %swap3A_129], %broadcast_in_dim3A_126 {strides = array<i32>} : memref<4x128xi32, #tpu.memory_space<vmem>>, vector<16xi32>,
    %broadcast_in_dim3A_131 = arith.constant 0 : i32
    %broadcast_in_dim3A_132 = vector.broadcast %broadcast_in_dim3A_131 : i32 to vector<16xi32>
    %swap3A_133 = arith.constant 2 : i32
    %swap3A_134 = arith.index_cast %swap3A_133 : i32 to index
    %swap3A_135 = arith.constant 96 : index
    %swap3A_136 = tpu.vector_load %arg12[%swap3A_134, %swap3A_135] {strides = array<i32>} : memref<4x128xi32, #tpu.memory_space<vmem>>, vector<16xi32>,
    tpu.vector_store %arg12[%swap3A_134, %swap3A_135], %broadcast_in_dim3A_132 {strides = array<i32>} : memref<4x128xi32, #tpu.memory_space<vmem>>, vector<16xi32>,
    %broadcast_in_dim3A_137 = arith.constant 0 : i32
    %broadcast_in_dim3A_138 = vector.broadcast %broadcast_in_dim3A_137 : i32 to vector<16xi32>
    %swap3A_139 = arith.constant 2 : i32
    %swap3A_140 = arith.index_cast %swap3A_139 : i32 to index
    %swap3A_141 = arith.constant 112 : index
    %swap3A_142 = tpu.vector_load %arg12[%swap3A_140, %swap3A_141] {strides = array<i32>} : memref<4x128xi32, #tpu.memory_space<vmem>>, vector<16xi32>,
    tpu.vector_store %arg12[%swap3A_140, %swap3A_141], %broadcast_in_dim3A_138 {strides = array<i32>} : memref<4x128xi32, #tpu.memory_space<vmem>>, vector<16xi32>,
    %broadcast_in_dim3A_143 = arith.constant 0 : i32
    %broadcast_in_dim3A_144 = vector.broadcast %broadcast_in_dim3A_143 : i32 to vector<16xi32>
    %swap3A_145 = arith.constant 3 : i32
    %swap3A_146 = arith.index_cast %swap3A_145 : i32 to index
    %swap3A_147 = arith.constant 0 : index
    %swap3A_148 = tpu.vector_load %arg12[%swap3A_146, %swap3A_147] {strides = array<i32>} : memref<4x128xi32, #tpu.memory_space<vmem>>, vector<16xi32>,
    tpu.vector_store %arg12[%swap3A_146, %swap3A_147], %broadcast_in_dim3A_144 {strides = array<i32>} : memref<4x128xi32, #tpu.memory_space<vmem>>, vector<16xi32>,
    %broadcast_in_dim3A_149 = arith.constant 0 : i32
    %broadcast_in_dim3A_150 = vector.broadcast %broadcast_in_dim3A_149 : i32 to vector<16xi32>
    %swap3A_151 = arith.constant 3 : i32
    %swap3A_152 = arith.index_cast %swap3A_151 : i32 to index
    %swap3A_153 = arith.constant 16 : index
    %swap3A_154 = tpu.vector_load %arg12[%swap3A_152, %swap3A_153] {strides = array<i32>} : memref<4x128xi32, #tpu.memory_space<vmem>>, vector<16xi32>,
    tpu.vector_store %arg12[%swap3A_152, %swap3A_153], %broadcast_in_dim3A_150 {strides = array<i32>} : memref<4x128xi32, #tpu.memory_space<vmem>>, vector<16xi32>,
    %broadcast_in_dim3A_155 = arith.constant 0 : i32
    %broadcast_in_dim3A_156 = vector.broadcast %broadcast_in_dim3A_155 : i32 to vector<16xi32>
    %swap3A_157 = arith.constant 3 : i32
    %swap3A_158 = arith.index_cast %swap3A_157 : i32 to index
    %swap3A_159 = arith.constant 32 : index
    %swap3A_160 = tpu.vector_load %arg12[%swap3A_158, %swap3A_159] {strides = array<i32>} : memref<4x128xi32, #tpu.memory_space<vmem>>, vector<16xi32>,
    tpu.vector_store %arg12[%swap3A_158, %swap3A_159], %broadcast_in_dim3A_156 {strides = array<i32>} : memref<4x128xi32, #tpu.memory_space<vmem>>, vector<16xi32>,
    %broadcast_in_dim3A_161 = arith.constant 0 : i32
    %broadcast_in_dim3A_162 = vector.broadcast %broadcast_in_dim3A_161 : i32 to vector<16xi32>
    %swap3A_163 = arith.constant 3 : i32
    %swap3A_164 = arith.index_cast %swap3A_163 : i32 to index
    %swap3A_165 = arith.constant 48 : index
    %swap3A_166 = tpu.vector_load %arg12[%swap3A_164, %swap3A_165] {strides = array<i32>} : memref<4x128xi32, #tpu.memory_space<vmem>>, vector<16xi32>,
    tpu.vector_store %arg12[%swap3A_164, %swap3A_165], %broadcast_in_dim3A_162 {strides = array<i32>} : memref<4x128xi32, #tpu.memory_space<vmem>>, vector<16xi32>,
    %broadcast_in_dim3A_167 = arith.constant 0 : i32
    %broadcast_in_dim3A_168 = vector.broadcast %broadcast_in_dim3A_167 : i32 to vector<16xi32>
    %swap3A_169 = arith.constant 3 : i32
    %swap3A_170 = arith.index_cast %swap3A_169 : i32 to index
    %swap3A_171 = arith.constant 64 : index
    %swap3A_172 = tpu.vector_load %arg12[%swap3A_170, %swap3A_171] {strides = array<i32>} : memref<4x128xi32, #tpu.memory_space<vmem>>, vector<16xi32>,
    tpu.vector_store %arg12[%swap3A_170, %swap3A_171], %broadcast_in_dim3A_168 {strides = array<i32>} : memref<4x128xi32, #tpu.memory_space<vmem>>, vector<16xi32>,
    %broadcast_in_dim3A_173 = arith.constant 0 : i32
    %broadcast_in_dim3A_174 = vector.broadcast %broadcast_in_dim3A_173 : i32 to vector<16xi32>
    %swap3A_175 = arith.constant 3 : i32
    %swap3A_176 = arith.index_cast %swap3A_175 : i32 to index
    %swap3A_177 = arith.constant 80 : index
    %swap3A_178 = tpu.vector_load %arg12[%swap3A_176, %swap3A_177] {strides = array<i32>} : memref<4x128xi32, #tpu.memory_space<vmem>>, vector<16xi32>,
    tpu.vector_store %arg12[%swap3A_176, %swap3A_177], %broadcast_in_dim3A_174 {strides = array<i32>} : memref<4x128xi32, #tpu.memory_space<vmem>>, vector<16xi32>,
    %broadcast_in_dim3A_179 = arith.constant 0 : i32
    %broadcast_in_dim3A_180 = vector.broadcast %broadcast_in_dim3A_179 : i32 to vector<16xi32>
    %swap3A_181 = arith.constant 3 : i32
    %swap3A_182 = arith.index_cast %swap3A_181 : i32 to index
    %swap3A_183 = arith.constant 96 : index
    %swap3A_184 = tpu.vector_load %arg12[%swap3A_182, %swap3A_183] {strides = array<i32>} : memref<4x128xi32, #tpu.memory_space<vmem>>, vector<16xi32>,
    tpu.vector_store %arg12[%swap3A_182, %swap3A_183], %broadcast_in_dim3A_180 {strides = array<i32>} : memref<4x128xi32, #tpu.memory_space<vmem>>, vector<16xi32>,
    %broadcast_in_dim3A_185 = arith.constant 0 : i32
    %broadcast_in_dim3A_186 = vector.broadcast %broadcast_in_dim3A_185 : i32 to vector<16xi32>
    %swap3A_187 = arith.constant 3 : i32
    %swap3A_188 = arith.index_cast %swap3A_187 : i32 to index
    %swap3A_189 = arith.constant 112 : index
    %swap3A_190 = tpu.vector_load %arg12[%swap3A_188, %swap3A_189] {strides = array<i32>} : memref<4x128xi32, #tpu.memory_space<vmem>>, vector<16xi32>,
    tpu.vector_store %arg12[%swap3A_188, %swap3A_189], %broadcast_in_dim3A_186 {strides = array<i32>} : memref<4x128xi32, #tpu.memory_space<vmem>>, vector<16xi32>,
    %scan3A = arith.constant 0 : i32
    %scan3A_191 = arith.constant 32 : i32
    %scan3A_192 = arith.addi %scan3A, %scan3A_191 : i32
    %scan3A_193 = arith.constant 1 : i32
    scf.for %scan3A_195 = %scan3A to %scan3A_192 step %scan3A_193  : i32 {
      %mul3A_196 = arith.constant 1 : i32
      %mul3A_197 = arith.muli %scan3A_195, %mul3A_196 : i32
      %add3A_198 = arith.constant 0 : i32
      %add3A_199 = arith.addi %add3A_198, %mul3A_197 : i32
      %mul3A_200 = arith.constant 32 : i32
      %mul3A_201 = arith.muli %add3A, %mul3A_200 : i32
      %add3A_202 = arith.addi %mul3A_201, %add3A_199 : i32
      "tpu.region"() ({
        %run_scoped3A = tpu.sem_alloc : memref<!tpu.dma_semaphore, #tpu.memory_space<semaphore_mem>>
        %dma_start3A = arith.constant 0 : i32
        %dma_start3A_3581 = tpu.memref_slice %arg5[%add3A_202, %dma_start3A] : memref<1024x16xf32, #tpu.memory_space<hbm>> -> memref<1x16xf32, #tpu.memory_space<hbm>>
        %dma_start3A_3582 = tpu.memref_squeeze %dma_start3A_3581 : memref<1x16xf32, #tpu.memory_space<hbm>> -> memref<16xf32, #tpu.memory_space<hbm>>
        %dma_start3A_3583 = arith.constant 0 : i32
        %dma_start3A_3584 = tpu.memref_slice %arg5[%add3A_202, %dma_start3A_3583] : memref<1024x16xf32, #tpu.memory_space<hbm>> -> memref<1x16xf32, #tpu.memory_space<hbm>>
        %dma_start3A_3585 = tpu.memref_squeeze %dma_start3A_3584 : memref<1x16xf32, #tpu.memory_space<hbm>> -> memref<16xf32, #tpu.memory_space<hbm>>
        tpu.enqueue_dma source(%dma_start3A_3585 : memref<16xf32, #tpu.memory_space<hbm>>) target(%arg11 : memref<16xf32, #tpu.memory_space<vmem>>) target_semaphore(%run_scoped3A : memref<!tpu.dma_semaphore, #tpu.memory_space<semaphore_mem>>)
        %dma_wait3A = arith.constant 0 : i32
        %dma_wait3A_3586 = tpu.memref_slice %arg5[%add3A_202, %dma_wait3A] : memref<1024x16xf32, #tpu.memory_space<hbm>> -> memref<1x16xf32, #tpu.memory_space<hbm>>
        %dma_wait3A_3587 = tpu.memref_squeeze %dma_wait3A_3586 : memref<1x16xf32, #tpu.memory_space<hbm>> -> memref<16xf32, #tpu.memory_space<hbm>>
        %dma_wait3A_3588 = arith.constant 0 : i32
        %dma_wait3A_3589 = tpu.memref_slice %arg5[%add3A_202, %dma_wait3A_3588] : memref<1024x16xf32, #tpu.memory_space<hbm>> -> memref<1x16xf32, #tpu.memory_space<hbm>>
        %dma_wait3A_3590 = tpu.memref_squeeze %dma_wait3A_3589 : memref<1x16xf32, #tpu.memory_space<hbm>> -> memref<16xf32, #tpu.memory_space<hbm>>
        tpu.wait_dma2 semaphore(%run_scoped3A : memref<!tpu.dma_semaphore, #tpu.memory_space<semaphore_mem>>) src(%dma_wait3A_3590 : memref<16xf32, #tpu.memory_space<hbm>>) dst(%arg11 : memref<16xf32, #tpu.memory_space<vmem>>)
        tpu.yield
      }) : () -> ()
      "tpu.region"() ({
        %run_scoped3A = tpu.sem_alloc : memref<!tpu.dma_semaphore, #tpu.memory_space<semaphore_mem>>
        %dma_start3A = arith.constant 0 : i32
        %dma_start3A_3581 = tpu.memref_slice %arg3[%add3A_202, %dma_start3A] : memref<1024x256xf32, #tpu.memory_space<hbm>> -> memref<1x256xf32, #tpu.memory_space<hbm>>
        %dma_start3A_3582 = tpu.memref_squeeze %dma_start3A_3581 : memref<1x256xf32, #tpu.memory_space<hbm>> -> memref<256xf32, #tpu.memory_space<hbm>>
        %dma_start3A_3583 = arith.constant 0 : i32
        %dma_start3A_3584 = tpu.memref_slice %arg3[%add3A_202, %dma_start3A_3583] : memref<1024x256xf32, #tpu.memory_space<hbm>> -> memref<1x256xf32, #tpu.memory_space<hbm>>
        %dma_start3A_3585 = tpu.memref_squeeze %dma_start3A_3584 : memref<1x256xf32, #tpu.memory_space<hbm>> -> memref<256xf32, #tpu.memory_space<hbm>>
        tpu.enqueue_dma source(%dma_start3A_3585 : memref<256xf32, #tpu.memory_space<hbm>>) target(%arg10 : memref<256xf32, #tpu.memory_space<vmem>>) target_semaphore(%run_scoped3A : memref<!tpu.dma_semaphore, #tpu.memory_space<semaphore_mem>>)
        %dma_wait3A = arith.constant 0 : i32
        %dma_wait3A_3586 = tpu.memref_slice %arg3[%add3A_202, %dma_wait3A] : memref<1024x256xf32, #tpu.memory_space<hbm>> -> memref<1x256xf32, #tpu.memory_space<hbm>>
        %dma_wait3A_3587 = tpu.memref_squeeze %dma_wait3A_3586 : memref<1x256xf32, #tpu.memory_space<hbm>> -> memref<256xf32, #tpu.memory_space<hbm>>
        %dma_wait3A_3588 = arith.constant 0 : i32
        %dma_wait3A_3589 = tpu.memref_slice %arg3[%add3A_202, %dma_wait3A_3588] : memref<1024x256xf32, #tpu.memory_space<hbm>> -> memref<1x256xf32, #tpu.memory_space<hbm>>
        %dma_wait3A_3590 = tpu.memref_squeeze %dma_wait3A_3589 : memref<1x256xf32, #tpu.memory_space<hbm>> -> memref<256xf32, #tpu.memory_space<hbm>>
        tpu.wait_dma2 semaphore(%run_scoped3A : memref<!tpu.dma_semaphore, #tpu.memory_space<semaphore_mem>>) src(%dma_wait3A_3590 : memref<256xf32, #tpu.memory_space<hbm>>) dst(%arg10 : memref<256xf32, #tpu.memory_space<vmem>>)
        tpu.yield
      }) : () -> ()
      "tpu.region"() ({
        %run_scoped3A = tpu.sem_alloc : memref<!tpu.dma_semaphore, #tpu.memory_space<semaphore_mem>>
        %dma_start3A = arith.constant 0 : i32
        %dma_start3A_3581 = tpu.memref_slice %arg4[%add3A_202, %dma_start3A] : memref<1024x512xf32, #tpu.memory_space<hbm>> -> memref<1x512xf32, #tpu.memory_space<hbm>>
        %dma_start3A_3582 = tpu.memref_squeeze %dma_start3A_3581 : memref<1x512xf32, #tpu.memory_space<hbm>> -> memref<512xf32, #tpu.memory_space<hbm>>
        %dma_start3A_3583 = arith.constant 0 : i32
        %dma_start3A_3584 = tpu.memref_slice %arg4[%add3A_202, %dma_start3A_3583] : memref<1024x512xf32, #tpu.memory_space<hbm>> -> memref<1x512xf32, #tpu.memory_space<hbm>>
        %dma_start3A_3585 = tpu.memref_squeeze %dma_start3A_3584 : memref<1x512xf32, #tpu.memory_space<hbm>> -> memref<512xf32, #tpu.memory_space<hbm>>
        tpu.enqueue_dma source(%dma_start3A_3585 : memref<512xf32, #tpu.memory_space<hbm>>) target(%arg9 : memref<512xf32, #tpu.memory_space<vmem>>) target_semaphore(%run_scoped3A : memref<!tpu.dma_semaphore, #tpu.memory_space<semaphore_mem>>)
        %dma_wait3A = arith.constant 0 : i32
        %dma_wait3A_3586 = tpu.memref_slice %arg4[%add3A_202, %dma_wait3A] : memref<1024x512xf32, #tpu.memory_space<hbm>> -> memref<1x512xf32, #tpu.memory_space<hbm>>
        %dma_wait3A_3587 = tpu.memref_squeeze %dma_wait3A_3586 : memref<1x512xf32, #tpu.memory_space<hbm>> -> memref<512xf32, #tpu.memory_space<hbm>>
        %dma_wait3A_3588 = arith.constant 0 : i32
        %dma_wait3A_3589 = tpu.memref_slice %arg4[%add3A_202, %dma_wait3A_3588] : memref<1024x512xf32, #tpu.memory_space<hbm>> -> memref<1x512xf32, #tpu.memory_space<hbm>>
        %dma_wait3A_3590 = tpu.memref_squeeze %dma_wait3A_3589 : memref<1x512xf32, #tpu.memory_space<hbm>> -> memref<512xf32, #tpu.memory_space<hbm>>
        tpu.wait_dma2 semaphore(%run_scoped3A : memref<!tpu.dma_semaphore, #tpu.memory_space<semaphore_mem>>) src(%dma_wait3A_3590 : memref<512xf32, #tpu.memory_space<hbm>>) dst(%arg9 : memref<512xf32, #tpu.memory_space<vmem>>)
        tpu.yield
      }) : () -> ()
      %get3A = arith.constant 0 : index
      %get3A_203 = tpu.vector_load %arg11[%get3A] {strides = array<i32>} : memref<16xf32, #tpu.memory_space<vmem>>, vector<16xf32>,
      %broadcast_in_dim3A_204 = arith.constant 0 : i32
      %broadcast_in_dim3A_205 = vector.broadcast %broadcast_in_dim3A_204 : i32 to vector<16xi32>
      %mul3A_206 = arith.constant 512 : i32
      %mul3A_207 = arith.muli %add3A_202, %mul3A_206 : i32
      %get3A_208 = arith.constant 0 : index
      %get3A_209 = tpu.vector_load %arg9[%get3A_208] {strides = array<i32>} : memref<512xf32, #tpu.memory_space<vmem>>, vector<16xf32>,
      %ge3A = arith.cmpf oge, %get3A_209, %get3A_203 : vector<16xf32>
      %jit3A = arith.constant 1 : i32
      %jit3A_210 = arith.constant 0 : i32
      %broadcast_in_dim3A_211 = vector.broadcast %jit3A : i32 to vector<16xi32>
      %broadcast_in_dim3A_212 = vector.broadcast %jit3A_210 : i32 to vector<16xi32>
      %select_n3A = arith.select %ge3A, %broadcast_in_dim3A_211, %broadcast_in_dim3A_212 : vector<16xi1>, vector<16xi32>
      %broadcast_in_dim3A_213 = arith.constant true
      %broadcast_in_dim3A_214 = vector.broadcast %broadcast_in_dim3A_213 : i1 to vector<16xi1>
      %masked_cumsum3A = tpu.scan <sum>, %select_n3A masked %broadcast_in_dim3A_214 : vector<16xi32>, vector<16xi1> -> vector<16xi32>
      %add3A_215 = arith.addi %broadcast_in_dim3A_205, %masked_cumsum3A : vector<16xi32>
      %sub3A = arith.subi %add3A_215, %select_n3A : vector<16xi32>
      %lt3A = arith.constant 512 : i32
      %lt3A_216 = vector.broadcast %lt3A : i32 to vector<16xi32>
      %lt3A_217 = arith.cmpi slt, %sub3A, %lt3A_216 : vector<16xi32>
      %and3A = arith.andi %ge3A, %lt3A_217 : vector<16xi1>
      %iota3A = tpu.iota {dimensions = array<i32: 0>} : vector<16xi32>
      %add3A_218 = arith.constant 0 : i32
      %add3A_219 = vector.broadcast %add3A_218 : i32 to vector<16xi32>
      %add3A_220 = arith.addi %add3A_219, %iota3A : vector<16xi32>
      %jit3A_221 = arith.constant 128 : i32
      %div3A = vector.broadcast %jit3A_221 : i32 to vector<16xi32>
      %div3A_222 = arith.divsi %sub3A, %div3A : vector<16xi32>
      %sign3A = arith.constant 0 : i32
      %sign3A_223 = vector.broadcast %sign3A : i32 to vector<16xi32>
      %sign3A_224 = arith.cmpi sgt, %sub3A, %sign3A_223 : vector<16xi32>
      %sign3A_225 = arith.extui %sign3A_224 : vector<16xi1> to vector<16xi32>
      %sign3A_226 = arith.constant 0 : i32
      %sign3A_227 = vector.broadcast %sign3A_226 : i32 to vector<16xi32>
      %sign3A_228 = arith.cmpi slt, %sub3A, %sign3A_227 : vector<16xi32>
      %sign3A_229 = arith.extui %sign3A_228 : vector<16xi1> to vector<16xi32>
      %sign3A_230 = arith.subi %sign3A_225, %sign3A_229 : vector<16xi32>
      %sign3A_231 = arith.constant 0 : i32
      %sign3A_232 = arith.cmpi sgt, %jit3A_221, %sign3A_231 : i32
      %sign3A_233 = arith.extui %sign3A_232 : i1 to i32
      %sign3A_234 = arith.constant 0 : i32
      %sign3A_235 = arith.cmpi slt, %jit3A_221, %sign3A_234 : i32
      %sign3A_236 = arith.extui %sign3A_235 : i1 to i32
      %sign3A_237 = arith.subi %sign3A_233, %sign3A_236 : i32
      %ne3A = vector.broadcast %sign3A_237 : i32 to vector<16xi32>
      %ne3A_238 = arith.cmpi ne, %sign3A_230, %ne3A : vector<16xi32>
      %rem3A = vector.broadcast %jit3A_221 : i32 to vector<16xi32>
      %rem3A_239 = arith.remsi %sub3A, %rem3A : vector<16xi32>
      %ne3A_240 = arith.constant 0 : i32
      %ne3A_241 = vector.broadcast %ne3A_240 : i32 to vector<16xi32>
      %ne3A_242 = arith.cmpi ne, %rem3A_239, %ne3A_241 : vector<16xi32>
      %and3A_243 = arith.andi %ne3A_238, %ne3A_242 : vector<16xi1>
      %sub3A_244 = arith.constant 1 : i32
      %sub3A_245 = vector.broadcast %sub3A_244 : i32 to vector<16xi32>
      %sub3A_246 = arith.subi %div3A_222, %sub3A_245 : vector<16xi32>
      %select_n3A_247 = arith.select %and3A_243, %sub3A_246, %div3A_222 : vector<16xi1>, vector<16xi32>
      %jit3A_248 = arith.constant 128 : i32
      %eq3A = arith.constant 0 : i32
      %eq3A_249 = arith.cmpi eq, %jit3A_248, %eq3A : i32
      %jit3A_250 = arith.constant 1 : i32
      %select_n3A_251 = arith.select %eq3A_249, %jit3A_250, %jit3A_248 : i32
      %rem3A_252 = vector.broadcast %select_n3A_251 : i32 to vector<16xi32>
      %rem3A_253 = arith.remsi %sub3A, %rem3A_252 : vector<16xi32>
      %ne3A_254 = arith.constant 0 : i32
      %ne3A_255 = vector.broadcast %ne3A_254 : i32 to vector<16xi32>
      %ne3A_256 = arith.cmpi ne, %rem3A_253, %ne3A_255 : vector<16xi32>
      %lt3A_257 = arith.constant 0 : i32
      %lt3A_258 = vector.broadcast %lt3A_257 : i32 to vector<16xi32>
      %lt3A_259 = arith.cmpi slt, %rem3A_253, %lt3A_258 : vector<16xi32>
      %lt3A_260 = arith.constant 0 : i32
      %lt3A_261 = arith.cmpi slt, %select_n3A_251, %lt3A_260 : i32
      %ne3A_262 = vector.broadcast %lt3A_261 : i1 to vector<16xi1>
      %ne3A_263 = vector.broadcast %ne3A_262 : vector<16xi1> to vector<16xi1>
      %ne3A_264 = arith.xori %lt3A_259, %ne3A_263 : vector<16xi1>
      %and3A_265 = arith.andi %ne3A_264, %ne3A_256 : vector<16xi1>
      %add3A_266 = vector.broadcast %select_n3A_251 : i32 to vector<16xi32>
      %add3A_267 = arith.addi %rem3A_253, %add3A_266 : vector<16xi32>
      %select_n3A_268 = arith.select %and3A_265, %add3A_267, %rem3A_253 : vector<16xi1>, vector<16xi32>
      %add3A_269 = vector.broadcast %mul3A_207 : i32 to vector<16xi32>
      %add3A_270 = arith.addi %add3A_269, %add3A_220 : vector<16xi32>
      tpu.vector_store_idx %arg12[%select_n3A_247, %select_n3A_268], %add3A_270 masked %and3A : memref<4x128xi32, #tpu.memory_space<vmem>>[vector<16xi32>, vector<16xi32>], vector<16xi32>, vector<16xi1>
      %mul3A_271 = arith.constant 128 : i32
      %mul3A_272 = vector.broadcast %mul3A_271 : i32 to vector<16xi32>
      %mul3A_273 = arith.muli %add3A_220, %mul3A_272 : vector<16xi32>
      %add3A_274 = arith.constant 256 : i32
      %add3A_275 = vector.broadcast %add3A_274 : i32 to vector<16xi32>
      %add3A_276 = arith.addi %add3A_275, %mul3A_273 : vector<16xi32>
      tpu.vector_store_idx %arg13[%sub3A], %add3A_276 masked %and3A : memref<512xi32, #tpu.memory_space<vmem>>[vector<16xi32>], vector<16xi32>, vector<16xi1>
      %all_reduce_population_count3A = tpu.all_reduce %ge3A {dim = 0 : i64, kind = #tpu.reduction_kind<sum>} : vector<16xi1> -> vector<16xi32>
      %add3A_277 = arith.addi %broadcast_in_dim3A_205, %all_reduce_population_count3A : vector<16xi32>
      %get3A_278 = arith.constant 16 : index
      %get3A_279 = tpu.vector_load %arg9[%get3A_278] {strides = array<i32>} : memref<512xf32, #tpu.memory_space<vmem>>, vector<16xf32>,
      %ge3A_280 = arith.cmpf oge, %get3A_279, %get3A_203 : vector<16xf32>
      %jit3A_281 = arith.constant 1 : i32
      %jit3A_282 = arith.constant 0 : i32
      %broadcast_in_dim3A_283 = vector.broadcast %jit3A_281 : i32 to vector<16xi32>
      %broadcast_in_dim3A_284 = vector.broadcast %jit3A_282 : i32 to vector<16xi32>
      %select_n3A_285 = arith.select %ge3A_280, %broadcast_in_dim3A_283, %broadcast_in_dim3A_284 : vector<16xi1>, vector<16xi32>
      %broadcast_in_dim3A_286 = arith.constant true
      %broadcast_in_dim3A_287 = vector.broadcast %broadcast_in_dim3A_286 : i1 to vector<16xi1>
      %masked_cumsum3A_288 = tpu.scan <sum>, %select_n3A_285 masked %broadcast_in_dim3A_287 : vector<16xi32>, vector<16xi1> -> vector<16xi32>
      %add3A_289 = arith.addi %add3A_277, %masked_cumsum3A_288 : vector<16xi32>
      %sub3A_290 = arith.subi %add3A_289, %select_n3A_285 : vector<16xi32>
      %lt3A_291 = arith.constant 512 : i32
      %lt3A_292 = vector.broadcast %lt3A_291 : i32 to vector<16xi32>
      %lt3A_293 = arith.cmpi slt, %sub3A_290, %lt3A_292 : vector<16xi32>
      %and3A_294 = arith.andi %ge3A_280, %lt3A_293 : vector<16xi1>
      %iota3A_295 = tpu.iota {dimensions = array<i32: 0>} : vector<16xi32>
      %add3A_296 = arith.constant 16 : i32
      %add3A_297 = vector.broadcast %add3A_296 : i32 to vector<16xi32>
      %add3A_298 = arith.addi %add3A_297, %iota3A_295 : vector<16xi32>
      %jit3A_299 = arith.constant 128 : i32
      %div3A_300 = vector.broadcast %jit3A_299 : i32 to vector<16xi32>
      %div3A_301 = arith.divsi %sub3A_290, %div3A_300 : vector<16xi32>
      %sign3A_302 = arith.constant 0 : i32
      %sign3A_303 = vector.broadcast %sign3A_302 : i32 to vector<16xi32>
      %sign3A_304 = arith.cmpi sgt, %sub3A_290, %sign3A_303 : vector<16xi32>
      %sign3A_305 = arith.extui %sign3A_304 : vector<16xi1> to vector<16xi32>
      %sign3A_306 = arith.constant 0 : i32
      %sign3A_307 = vector.broadcast %sign3A_306 : i32 to vector<16xi32>
      %sign3A_308 = arith.cmpi slt, %sub3A_290, %sign3A_307 : vector<16xi32>
      %sign3A_309 = arith.extui %sign3A_308 : vector<16xi1> to vector<16xi32>
      %sign3A_310 = arith.subi %sign3A_305, %sign3A_309 : vector<16xi32>
      %sign3A_311 = arith.constant 0 : i32
      %sign3A_312 = arith.cmpi sgt, %jit3A_299, %sign3A_311 : i32
      %sign3A_313 = arith.extui %sign3A_312 : i1 to i32
      %sign3A_314 = arith.constant 0 : i32
      %sign3A_315 = arith.cmpi slt, %jit3A_299, %sign3A_314 : i32
      %sign3A_316 = arith.extui %sign3A_315 : i1 to i32
      %sign3A_317 = arith.subi %sign3A_313, %sign3A_316 : i32
      %ne3A_318 = vector.broadcast %sign3A_317 : i32 to vector<16xi32>
      %ne3A_319 = arith.cmpi ne, %sign3A_310, %ne3A_318 : vector<16xi32>
      %rem3A_320 = vector.broadcast %jit3A_299 : i32 to vector<16xi32>
      %rem3A_321 = arith.remsi %sub3A_290, %rem3A_320 : vector<16xi32>
      %ne3A_322 = arith.constant 0 : i32
      %ne3A_323 = vector.broadcast %ne3A_322 : i32 to vector<16xi32>
      %ne3A_324 = arith.cmpi ne, %rem3A_321, %ne3A_323 : vector<16xi32>
      %and3A_325 = arith.andi %ne3A_319, %ne3A_324 : vector<16xi1>
      %sub3A_326 = arith.constant 1 : i32
      %sub3A_327 = vector.broadcast %sub3A_326 : i32 to vector<16xi32>
      %sub3A_328 = arith.subi %div3A_301, %sub3A_327 : vector<16xi32>
      %select_n3A_329 = arith.select %and3A_325, %sub3A_328, %div3A_301 : vector<16xi1>, vector<16xi32>
      %jit3A_330 = arith.constant 128 : i32
      %eq3A_331 = arith.constant 0 : i32
      %eq3A_332 = arith.cmpi eq, %jit3A_330, %eq3A_331 : i32
      %jit3A_333 = arith.constant 1 : i32
      %select_n3A_334 = arith.select %eq3A_332, %jit3A_333, %jit3A_330 : i32
      %rem3A_335 = vector.broadcast %select_n3A_334 : i32 to vector<16xi32>
      %rem3A_336 = arith.remsi %sub3A_290, %rem3A_335 : vector<16xi32>
      %ne3A_337 = arith.constant 0 : i32
      %ne3A_338 = vector.broadcast %ne3A_337 : i32 to vector<16xi32>
      %ne3A_339 = arith.cmpi ne, %rem3A_336, %ne3A_338 : vector<16xi32>
      %lt3A_340 = arith.constant 0 : i32
      %lt3A_341 = vector.broadcast %lt3A_340 : i32 to vector<16xi32>
      %lt3A_342 = arith.cmpi slt, %rem3A_336, %lt3A_341 : vector<16xi32>
      %lt3A_343 = arith.constant 0 : i32
      %lt3A_344 = arith.cmpi slt, %select_n3A_334, %lt3A_343 : i32
      %ne3A_345 = vector.broadcast %lt3A_344 : i1 to vector<16xi1>
      %ne3A_346 = vector.broadcast %ne3A_345 : vector<16xi1> to vector<16xi1>
      %ne3A_347 = arith.xori %lt3A_342, %ne3A_346 : vector<16xi1>
      %and3A_348 = arith.andi %ne3A_347, %ne3A_339 : vector<16xi1>
      %add3A_349 = vector.broadcast %select_n3A_334 : i32 to vector<16xi32>
      %add3A_350 = arith.addi %rem3A_336, %add3A_349 : vector<16xi32>
      %select_n3A_351 = arith.select %and3A_348, %add3A_350, %rem3A_336 : vector<16xi1>, vector<16xi32>
      %add3A_352 = vector.broadcast %mul3A_207 : i32 to vector<16xi32>
      %add3A_353 = arith.addi %add3A_352, %add3A_298 : vector<16xi32>
      tpu.vector_store_idx %arg12[%select_n3A_329, %select_n3A_351], %add3A_353 masked %and3A_294 : memref<4x128xi32, #tpu.memory_space<vmem>>[vector<16xi32>, vector<16xi32>], vector<16xi32>, vector<16xi1>
      %mul3A_354 = arith.constant 128 : i32
      %mul3A_355 = vector.broadcast %mul3A_354 : i32 to vector<16xi32>
      %mul3A_356 = arith.muli %add3A_298, %mul3A_355 : vector<16xi32>
      %add3A_357 = arith.constant 256 : i32
      %add3A_358 = vector.broadcast %add3A_357 : i32 to vector<16xi32>
      %add3A_359 = arith.addi %add3A_358, %mul3A_356 : vector<16xi32>
      tpu.vector_store_idx %arg13[%sub3A_290], %add3A_359 masked %and3A_294 : memref<512xi32, #tpu.memory_space<vmem>>[vector<16xi32>], vector<16xi32>, vector<16xi1>
      %all_reduce_population_count3A_360 = tpu.all_reduce %ge3A_280 {dim = 0 : i64, kind = #tpu.reduction_kind<sum>} : vector<16xi1> -> vector<16xi32>
      %add3A_361 = arith.addi %add3A_277, %all_reduce_population_count3A_360 : vector<16xi32>
      %get3A_362 = arith.constant 32 : index
      %get3A_363 = tpu.vector_load %arg9[%get3A_362] {strides = array<i32>} : memref<512xf32, #tpu.memory_space<vmem>>, vector<16xf32>,
      %ge3A_364 = arith.cmpf oge, %get3A_363, %get3A_203 : vector<16xf32>
      %jit3A_365 = arith.constant 1 : i32
      %jit3A_366 = arith.constant 0 : i32
      %broadcast_in_dim3A_367 = vector.broadcast %jit3A_365 : i32 to vector<16xi32>
      %broadcast_in_dim3A_368 = vector.broadcast %jit3A_366 : i32 to vector<16xi32>
      %select_n3A_369 = arith.select %ge3A_364, %broadcast_in_dim3A_367, %broadcast_in_dim3A_368 : vector<16xi1>, vector<16xi32>
      %broadcast_in_dim3A_370 = arith.constant true
      %broadcast_in_dim3A_371 = vector.broadcast %broadcast_in_dim3A_370 : i1 to vector<16xi1>
      %masked_cumsum3A_372 = tpu.scan <sum>, %select_n3A_369 masked %broadcast_in_dim3A_371 : vector<16xi32>, vector<16xi1> -> vector<16xi32>
      %add3A_373 = arith.addi %add3A_361, %masked_cumsum3A_372 : vector<16xi32>
      %sub3A_374 = arith.subi %add3A_373, %select_n3A_369 : vector<16xi32>
      %lt3A_375 = arith.constant 512 : i32
      %lt3A_376 = vector.broadcast %lt3A_375 : i32 to vector<16xi32>
      %lt3A_377 = arith.cmpi slt, %sub3A_374, %lt3A_376 : vector<16xi32>
      %and3A_378 = arith.andi %ge3A_364, %lt3A_377 : vector<16xi1>
      %iota3A_379 = tpu.iota {dimensions = array<i32: 0>} : vector<16xi32>
      %add3A_380 = arith.constant 32 : i32
      %add3A_381 = vector.broadcast %add3A_380 : i32 to vector<16xi32>
      %add3A_382 = arith.addi %add3A_381, %iota3A_379 : vector<16xi32>
      %jit3A_383 = arith.constant 128 : i32
      %div3A_384 = vector.broadcast %jit3A_383 : i32 to vector<16xi32>
      %div3A_385 = arith.divsi %sub3A_374, %div3A_384 : vector<16xi32>
      %sign3A_386 = arith.constant 0 : i32
      %sign3A_387 = vector.broadcast %sign3A_386 : i32 to vector<16xi32>
      %sign3A_388 = arith.cmpi sgt, %sub3A_374, %sign3A_387 : vector<16xi32>
      %sign3A_389 = arith.extui %sign3A_388 : vector<16xi1> to vector<16xi32>
      %sign3A_390 = arith.constant 0 : i32
      %sign3A_391 = vector.broadcast %sign3A_390 : i32 to vector<16xi32>
      %sign3A_392 = arith.cmpi slt, %sub3A_374, %sign3A_391 : vector<16xi32>
      %sign3A_393 = arith.extui %sign3A_392 : vector<16xi1> to vector<16xi32>
      %sign3A_394 = arith.subi %sign3A_389, %sign3A_393 : vector<16xi32>
      %sign3A_395 = arith.constant 0 : i32
      %sign3A_396 = arith.cmpi sgt, %jit3A_383, %sign3A_395 : i32
      %sign3A_397 = arith.extui %sign3A_396 : i1 to i32
      %sign3A_398 = arith.constant 0 : i32
      %sign3A_399 = arith.cmpi slt, %jit3A_383, %sign3A_398 : i32
      %sign3A_400 = arith.extui %sign3A_399 : i1 to i32
      %sign3A_401 = arith.subi %sign3A_397, %sign3A_400 : i32
      %ne3A_402 = vector.broadcast %sign3A_401 : i32 to vector<16xi32>
      %ne3A_403 = arith.cmpi ne, %sign3A_394, %ne3A_402 : vector<16xi32>
      %rem3A_404 = vector.broadcast %jit3A_383 : i32 to vector<16xi32>
      %rem3A_405 = arith.remsi %sub3A_374, %rem3A_404 : vector<16xi32>
      %ne3A_406 = arith.constant 0 : i32
      %ne3A_407 = vector.broadcast %ne3A_406 : i32 to vector<16xi32>
      %ne3A_408 = arith.cmpi ne, %rem3A_405, %ne3A_407 : vector<16xi32>
      %and3A_409 = arith.andi %ne3A_403, %ne3A_408 : vector<16xi1>
      %sub3A_410 = arith.constant 1 : i32
      %sub3A_411 = vector.broadcast %sub3A_410 : i32 to vector<16xi32>
      %sub3A_412 = arith.subi %div3A_385, %sub3A_411 : vector<16xi32>
      %select_n3A_413 = arith.select %and3A_409, %sub3A_412, %div3A_385 : vector<16xi1>, vector<16xi32>
      %jit3A_414 = arith.constant 128 : i32
      %eq3A_415 = arith.constant 0 : i32
      %eq3A_416 = arith.cmpi eq, %jit3A_414, %eq3A_415 : i32
      %jit3A_417 = arith.constant 1 : i32
      %select_n3A_418 = arith.select %eq3A_416, %jit3A_417, %jit3A_414 : i32
      %rem3A_419 = vector.broadcast %select_n3A_418 : i32 to vector<16xi32>
      %rem3A_420 = arith.remsi %sub3A_374, %rem3A_419 : vector<16xi32>
      %ne3A_421 = arith.constant 0 : i32
      %ne3A_422 = vector.broadcast %ne3A_421 : i32 to vector<16xi32>
      %ne3A_423 = arith.cmpi ne, %rem3A_420, %ne3A_422 : vector<16xi32>
      %lt3A_424 = arith.constant 0 : i32
      %lt3A_425 = vector.broadcast %lt3A_424 : i32 to vector<16xi32>
      %lt3A_426 = arith.cmpi slt, %rem3A_420, %lt3A_425 : vector<16xi32>
      %lt3A_427 = arith.constant 0 : i32
      %lt3A_428 = arith.cmpi slt, %select_n3A_418, %lt3A_427 : i32
      %ne3A_429 = vector.broadcast %lt3A_428 : i1 to vector<16xi1>
      %ne3A_430 = vector.broadcast %ne3A_429 : vector<16xi1> to vector<16xi1>
      %ne3A_431 = arith.xori %lt3A_426, %ne3A_430 : vector<16xi1>
      %and3A_432 = arith.andi %ne3A_431, %ne3A_423 : vector<16xi1>
      %add3A_433 = vector.broadcast %select_n3A_418 : i32 to vector<16xi32>
      %add3A_434 = arith.addi %rem3A_420, %add3A_433 : vector<16xi32>
      %select_n3A_435 = arith.select %and3A_432, %add3A_434, %rem3A_420 : vector<16xi1>, vector<16xi32>
      %add3A_436 = vector.broadcast %mul3A_207 : i32 to vector<16xi32>
      %add3A_437 = arith.addi %add3A_436, %add3A_382 : vector<16xi32>
      tpu.vector_store_idx %arg12[%select_n3A_413, %select_n3A_435], %add3A_437 masked %and3A_378 : memref<4x128xi32, #tpu.memory_space<vmem>>[vector<16xi32>, vector<16xi32>], vector<16xi32>, vector<16xi1>
      %mul3A_438 = arith.constant 128 : i32
      %mul3A_439 = vector.broadcast %mul3A_438 : i32 to vector<16xi32>
      %mul3A_440 = arith.muli %add3A_382, %mul3A_439 : vector<16xi32>
      %add3A_441 = arith.constant 256 : i32
      %add3A_442 = vector.broadcast %add3A_441 : i32 to vector<16xi32>
      %add3A_443 = arith.addi %add3A_442, %mul3A_440 : vector<16xi32>
      tpu.vector_store_idx %arg13[%sub3A_374], %add3A_443 masked %and3A_378 : memref<512xi32, #tpu.memory_space<vmem>>[vector<16xi32>], vector<16xi32>, vector<16xi1>
      %all_reduce_population_count3A_444 = tpu.all_reduce %ge3A_364 {dim = 0 : i64, kind = #tpu.reduction_kind<sum>} : vector<16xi1> -> vector<16xi32>
      %add3A_445 = arith.addi %add3A_361, %all_reduce_population_count3A_444 : vector<16xi32>
      %get3A_446 = arith.constant 48 : index
      %get3A_447 = tpu.vector_load %arg9[%get3A_446] {strides = array<i32>} : memref<512xf32, #tpu.memory_space<vmem>>, vector<16xf32>,
      %ge3A_448 = arith.cmpf oge, %get3A_447, %get3A_203 : vector<16xf32>
      %jit3A_449 = arith.constant 1 : i32
      %jit3A_450 = arith.constant 0 : i32
      %broadcast_in_dim3A_451 = vector.broadcast %jit3A_449 : i32 to vector<16xi32>
      %broadcast_in_dim3A_452 = vector.broadcast %jit3A_450 : i32 to vector<16xi32>
      %select_n3A_453 = arith.select %ge3A_448, %broadcast_in_dim3A_451, %broadcast_in_dim3A_452 : vector<16xi1>, vector<16xi32>
      %broadcast_in_dim3A_454 = arith.constant true
      %broadcast_in_dim3A_455 = vector.broadcast %broadcast_in_dim3A_454 : i1 to vector<16xi1>
      %masked_cumsum3A_456 = tpu.scan <sum>, %select_n3A_453 masked %broadcast_in_dim3A_455 : vector<16xi32>, vector<16xi1> -> vector<16xi32>
      %add3A_457 = arith.addi %add3A_445, %masked_cumsum3A_456 : vector<16xi32>
      %sub3A_458 = arith.subi %add3A_457, %select_n3A_453 : vector<16xi32>
      %lt3A_459 = arith.constant 512 : i32
      %lt3A_460 = vector.broadcast %lt3A_459 : i32 to vector<16xi32>
      %lt3A_461 = arith.cmpi slt, %sub3A_458, %lt3A_460 : vector<16xi32>
      %and3A_462 = arith.andi %ge3A_448, %lt3A_461 : vector<16xi1>
      %iota3A_463 = tpu.iota {dimensions = array<i32: 0>} : vector<16xi32>
      %add3A_464 = arith.constant 48 : i32
      %add3A_465 = vector.broadcast %add3A_464 : i32 to vector<16xi32>
      %add3A_466 = arith.addi %add3A_465, %iota3A_463 : vector<16xi32>
      %jit3A_467 = arith.constant 128 : i32
      %div3A_468 = vector.broadcast %jit3A_467 : i32 to vector<16xi32>
      %div3A_469 = arith.divsi %sub3A_458, %div3A_468 : vector<16xi32>
      %sign3A_470 = arith.constant 0 : i32
      %sign3A_471 = vector.broadcast %sign3A_470 : i32 to vector<16xi32>
      %sign3A_472 = arith.cmpi sgt, %sub3A_458, %sign3A_471 : vector<16xi32>
      %sign3A_473 = arith.extui %sign3A_472 : vector<16xi1> to vector<16xi32>
      %sign3A_474 = arith.constant 0 : i32
      %sign3A_475 = vector.broadcast %sign3A_474 : i32 to vector<16xi32>
      %sign3A_476 = arith.cmpi slt, %sub3A_458, %sign3A_475 : vector<16xi32>
      %sign3A_477 = arith.extui %sign3A_476 : vector<16xi1> to vector<16xi32>
      %sign3A_478 = arith.subi %sign3A_473, %sign3A_477 : vector<16xi32>
      %sign3A_479 = arith.constant 0 : i32
      %sign3A_480 = arith.cmpi sgt, %jit3A_467, %sign3A_479 : i32
      %sign3A_481 = arith.extui %sign3A_480 : i1 to i32
      %sign3A_482 = arith.constant 0 : i32
      %sign3A_483 = arith.cmpi slt, %jit3A_467, %sign3A_482 : i32
      %sign3A_484 = arith.extui %sign3A_483 : i1 to i32
      %sign3A_485 = arith.subi %sign3A_481, %sign3A_484 : i32
      %ne3A_486 = vector.broadcast %sign3A_485 : i32 to vector<16xi32>
      %ne3A_487 = arith.cmpi ne, %sign3A_478, %ne3A_486 : vector<16xi32>
      %rem3A_488 = vector.broadcast %jit3A_467 : i32 to vector<16xi32>
      %rem3A_489 = arith.remsi %sub3A_458, %rem3A_488 : vector<16xi32>
      %ne3A_490 = arith.constant 0 : i32
      %ne3A_491 = vector.broadcast %ne3A_490 : i32 to vector<16xi32>
      %ne3A_492 = arith.cmpi ne, %rem3A_489, %ne3A_491 : vector<16xi32>
      %and3A_493 = arith.andi %ne3A_487, %ne3A_492 : vector<16xi1>
      %sub3A_494 = arith.constant 1 : i32
      %sub3A_495 = vector.broadcast %sub3A_494 : i32 to vector<16xi32>
      %sub3A_496 = arith.subi %div3A_469, %sub3A_495 : vector<16xi32>
      %select_n3A_497 = arith.select %and3A_493, %sub3A_496, %div3A_469 : vector<16xi1>, vector<16xi32>
      %jit3A_498 = arith.constant 128 : i32
      %eq3A_499 = arith.constant 0 : i32
      %eq3A_500 = arith.cmpi eq, %jit3A_498, %eq3A_499 : i32
      %jit3A_501 = arith.constant 1 : i32
      %select_n3A_502 = arith.select %eq3A_500, %jit3A_501, %jit3A_498 : i32
      %rem3A_503 = vector.broadcast %select_n3A_502 : i32 to vector<16xi32>
      %rem3A_504 = arith.remsi %sub3A_458, %rem3A_503 : vector<16xi32>
      %ne3A_505 = arith.constant 0 : i32
      %ne3A_506 = vector.broadcast %ne3A_505 : i32 to vector<16xi32>
      %ne3A_507 = arith.cmpi ne, %rem3A_504, %ne3A_506 : vector<16xi32>
      %lt3A_508 = arith.constant 0 : i32
      %lt3A_509 = vector.broadcast %lt3A_508 : i32 to vector<16xi32>
      %lt3A_510 = arith.cmpi slt, %rem3A_504, %lt3A_509 : vector<16xi32>
      %lt3A_511 = arith.constant 0 : i32
      %lt3A_512 = arith.cmpi slt, %select_n3A_502, %lt3A_511 : i32
      %ne3A_513 = vector.broadcast %lt3A_512 : i1 to vector<16xi1>
      %ne3A_514 = vector.broadcast %ne3A_513 : vector<16xi1> to vector<16xi1>
      %ne3A_515 = arith.xori %lt3A_510, %ne3A_514 : vector<16xi1>
      %and3A_516 = arith.andi %ne3A_515, %ne3A_507 : vector<16xi1>
      %add3A_517 = vector.broadcast %select_n3A_502 : i32 to vector<16xi32>
      %add3A_518 = arith.addi %rem3A_504, %add3A_517 : vector<16xi32>
      %select_n3A_519 = arith.select %and3A_516, %add3A_518, %rem3A_504 : vector<16xi1>, vector<16xi32>
      %add3A_520 = vector.broadcast %mul3A_207 : i32 to vector<16xi32>
      %add3A_521 = arith.addi %add3A_520, %add3A_466 : vector<16xi32>
      tpu.vector_store_idx %arg12[%select_n3A_497, %select_n3A_519], %add3A_521 masked %and3A_462 : memref<4x128xi32, #tpu.memory_space<vmem>>[vector<16xi32>, vector<16xi32>], vector<16xi32>, vector<16xi1>
      %mul3A_522 = arith.constant 128 : i32
      %mul3A_523 = vector.broadcast %mul3A_522 : i32 to vector<16xi32>
      %mul3A_524 = arith.muli %add3A_466, %mul3A_523 : vector<16xi32>
      %add3A_525 = arith.constant 256 : i32
      %add3A_526 = vector.broadcast %add3A_525 : i32 to vector<16xi32>
      %add3A_527 = arith.addi %add3A_526, %mul3A_524 : vector<16xi32>
      tpu.vector_store_idx %arg13[%sub3A_458], %add3A_527 masked %and3A_462 : memref<512xi32, #tpu.memory_space<vmem>>[vector<16xi32>], vector<16xi32>, vector<16xi1>
      %all_reduce_population_count3A_528 = tpu.all_reduce %ge3A_448 {dim = 0 : i64, kind = #tpu.reduction_kind<sum>} : vector<16xi1> -> vector<16xi32>
      %add3A_529 = arith.addi %add3A_445, %all_reduce_population_count3A_528 : vector<16xi32>
      %get3A_530 = arith.constant 64 : index
      %get3A_531 = tpu.vector_load %arg9[%get3A_530] {strides = array<i32>} : memref<512xf32, #tpu.memory_space<vmem>>, vector<16xf32>,
      %ge3A_532 = arith.cmpf oge, %get3A_531, %get3A_203 : vector<16xf32>
      %jit3A_533 = arith.constant 1 : i32
      %jit3A_534 = arith.constant 0 : i32
      %broadcast_in_dim3A_535 = vector.broadcast %jit3A_533 : i32 to vector<16xi32>
      %broadcast_in_dim3A_536 = vector.broadcast %jit3A_534 : i32 to vector<16xi32>
      %select_n3A_537 = arith.select %ge3A_532, %broadcast_in_dim3A_535, %broadcast_in_dim3A_536 : vector<16xi1>, vector<16xi32>
      %broadcast_in_dim3A_538 = arith.constant true
      %broadcast_in_dim3A_539 = vector.broadcast %broadcast_in_dim3A_538 : i1 to vector<16xi1>
      %masked_cumsum3A_540 = tpu.scan <sum>, %select_n3A_537 masked %broadcast_in_dim3A_539 : vector<16xi32>, vector<16xi1> -> vector<16xi32>
      %add3A_541 = arith.addi %add3A_529, %masked_cumsum3A_540 : vector<16xi32>
      %sub3A_542 = arith.subi %add3A_541, %select_n3A_537 : vector<16xi32>
      %lt3A_543 = arith.constant 512 : i32
      %lt3A_544 = vector.broadcast %lt3A_543 : i32 to vector<16xi32>
      %lt3A_545 = arith.cmpi slt, %sub3A_542, %lt3A_544 : vector<16xi32>
      %and3A_546 = arith.andi %ge3A_532, %lt3A_545 : vector<16xi1>
      %iota3A_547 = tpu.iota {dimensions = array<i32: 0>} : vector<16xi32>
      %add3A_548 = arith.constant 64 : i32
      %add3A_549 = vector.broadcast %add3A_548 : i32 to vector<16xi32>
      %add3A_550 = arith.addi %add3A_549, %iota3A_547 : vector<16xi32>
      %jit3A_551 = arith.constant 128 : i32
      %div3A_552 = vector.broadcast %jit3A_551 : i32 to vector<16xi32>
      %div3A_553 = arith.divsi %sub3A_542, %div3A_552 : vector<16xi32>
      %sign3A_554 = arith.constant 0 : i32
      %sign3A_555 = vector.broadcast %sign3A_554 : i32 to vector<16xi32>
      %sign3A_556 = arith.cmpi sgt, %sub3A_542, %sign3A_555 : vector<16xi32>
      %sign3A_557 = arith.extui %sign3A_556 : vector<16xi1> to vector<16xi32>
      %sign3A_558 = arith.constant 0 : i32
      %sign3A_559 = vector.broadcast %sign3A_558 : i32 to vector<16xi32>
      %sign3A_560 = arith.cmpi slt, %sub3A_542, %sign3A_559 : vector<16xi32>
      %sign3A_561 = arith.extui %sign3A_560 : vector<16xi1> to vector<16xi32>
      %sign3A_562 = arith.subi %sign3A_557, %sign3A_561 : vector<16xi32>
      %sign3A_563 = arith.constant 0 : i32
      %sign3A_564 = arith.cmpi sgt, %jit3A_551, %sign3A_563 : i32
      %sign3A_565 = arith.extui %sign3A_564 : i1 to i32
      %sign3A_566 = arith.constant 0 : i32
      %sign3A_567 = arith.cmpi slt, %jit3A_551, %sign3A_566 : i32
      %sign3A_568 = arith.extui %sign3A_567 : i1 to i32
      %sign3A_569 = arith.subi %sign3A_565, %sign3A_568 : i32
      %ne3A_570 = vector.broadcast %sign3A_569 : i32 to vector<16xi32>
      %ne3A_571 = arith.cmpi ne, %sign3A_562, %ne3A_570 : vector<16xi32>
      %rem3A_572 = vector.broadcast %jit3A_551 : i32 to vector<16xi32>
      %rem3A_573 = arith.remsi %sub3A_542, %rem3A_572 : vector<16xi32>
      %ne3A_574 = arith.constant 0 : i32
      %ne3A_575 = vector.broadcast %ne3A_574 : i32 to vector<16xi32>
      %ne3A_576 = arith.cmpi ne, %rem3A_573, %ne3A_575 : vector<16xi32>
      %and3A_577 = arith.andi %ne3A_571, %ne3A_576 : vector<16xi1>
      %sub3A_578 = arith.constant 1 : i32
      %sub3A_579 = vector.broadcast %sub3A_578 : i32 to vector<16xi32>
      %sub3A_580 = arith.subi %div3A_553, %sub3A_579 : vector<16xi32>
      %select_n3A_581 = arith.select %and3A_577, %sub3A_580, %div3A_553 : vector<16xi1>, vector<16xi32>
      %jit3A_582 = arith.constant 128 : i32
      %eq3A_583 = arith.constant 0 : i32
      %eq3A_584 = arith.cmpi eq, %jit3A_582, %eq3A_583 : i32
      %jit3A_585 = arith.constant 1 : i32
      %select_n3A_586 = arith.select %eq3A_584, %jit3A_585, %jit3A_582 : i32
      %rem3A_587 = vector.broadcast %select_n3A_586 : i32 to vector<16xi32>
      %rem3A_588 = arith.remsi %sub3A_542, %rem3A_587 : vector<16xi32>
      %ne3A_589 = arith.constant 0 : i32
      %ne3A_590 = vector.broadcast %ne3A_589 : i32 to vector<16xi32>
      %ne3A_591 = arith.cmpi ne, %rem3A_588, %ne3A_590 : vector<16xi32>
      %lt3A_592 = arith.constant 0 : i32
      %lt3A_593 = vector.broadcast %lt3A_592 : i32 to vector<16xi32>
      %lt3A_594 = arith.cmpi slt, %rem3A_588, %lt3A_593 : vector<16xi32>
      %lt3A_595 = arith.constant 0 : i32
      %lt3A_596 = arith.cmpi slt, %select_n3A_586, %lt3A_595 : i32
      %ne3A_597 = vector.broadcast %lt3A_596 : i1 to vector<16xi1>
      %ne3A_598 = vector.broadcast %ne3A_597 : vector<16xi1> to vector<16xi1>
      %ne3A_599 = arith.xori %lt3A_594, %ne3A_598 : vector<16xi1>
      %and3A_600 = arith.andi %ne3A_599, %ne3A_591 : vector<16xi1>
      %add3A_601 = vector.broadcast %select_n3A_586 : i32 to vector<16xi32>
      %add3A_602 = arith.addi %rem3A_588, %add3A_601 : vector<16xi32>
      %select_n3A_603 = arith.select %and3A_600, %add3A_602, %rem3A_588 : vector<16xi1>, vector<16xi32>
      %add3A_604 = vector.broadcast %mul3A_207 : i32 to vector<16xi32>
      %add3A_605 = arith.addi %add3A_604, %add3A_550 : vector<16xi32>
      tpu.vector_store_idx %arg12[%select_n3A_581, %select_n3A_603], %add3A_605 masked %and3A_546 : memref<4x128xi32, #tpu.memory_space<vmem>>[vector<16xi32>, vector<16xi32>], vector<16xi32>, vector<16xi1>
      %mul3A_606 = arith.constant 128 : i32
      %mul3A_607 = vector.broadcast %mul3A_606 : i32 to vector<16xi32>
      %mul3A_608 = arith.muli %add3A_550, %mul3A_607 : vector<16xi32>
      %add3A_609 = arith.constant 256 : i32
      %add3A_610 = vector.broadcast %add3A_609 : i32 to vector<16xi32>
      %add3A_611 = arith.addi %add3A_610, %mul3A_608 : vector<16xi32>
      tpu.vector_store_idx %arg13[%sub3A_542], %add3A_611 masked %and3A_546 : memref<512xi32, #tpu.memory_space<vmem>>[vector<16xi32>], vector<16xi32>, vector<16xi1>
      %all_reduce_population_count3A_612 = tpu.all_reduce %ge3A_532 {dim = 0 : i64, kind = #tpu.reduction_kind<sum>} : vector<16xi1> -> vector<16xi32>
      %add3A_613 = arith.addi %add3A_529, %all_reduce_population_count3A_612 : vector<16xi32>
      %get3A_614 = arith.constant 80 : index
      %get3A_615 = tpu.vector_load %arg9[%get3A_614] {strides = array<i32>} : memref<512xf32, #tpu.memory_space<vmem>>, vector<16xf32>,
      %ge3A_616 = arith.cmpf oge, %get3A_615, %get3A_203 : vector<16xf32>
      %jit3A_617 = arith.constant 1 : i32
      %jit3A_618 = arith.constant 0 : i32
      %broadcast_in_dim3A_619 = vector.broadcast %jit3A_617 : i32 to vector<16xi32>
      %broadcast_in_dim3A_620 = vector.broadcast %jit3A_618 : i32 to vector<16xi32>
      %select_n3A_621 = arith.select %ge3A_616, %broadcast_in_dim3A_619, %broadcast_in_dim3A_620 : vector<16xi1>, vector<16xi32>
      %broadcast_in_dim3A_622 = arith.constant true
      %broadcast_in_dim3A_623 = vector.broadcast %broadcast_in_dim3A_622 : i1 to vector<16xi1>
      %masked_cumsum3A_624 = tpu.scan <sum>, %select_n3A_621 masked %broadcast_in_dim3A_623 : vector<16xi32>, vector<16xi1> -> vector<16xi32>
      %add3A_625 = arith.addi %add3A_613, %masked_cumsum3A_624 : vector<16xi32>
      %sub3A_626 = arith.subi %add3A_625, %select_n3A_621 : vector<16xi32>
      %lt3A_627 = arith.constant 512 : i32
      %lt3A_628 = vector.broadcast %lt3A_627 : i32 to vector<16xi32>
      %lt3A_629 = arith.cmpi slt, %sub3A_626, %lt3A_628 : vector<16xi32>
      %and3A_630 = arith.andi %ge3A_616, %lt3A_629 : vector<16xi1>
      %iota3A_631 = tpu.iota {dimensions = array<i32: 0>} : vector<16xi32>
      %add3A_632 = arith.constant 80 : i32
      %add3A_633 = vector.broadcast %add3A_632 : i32 to vector<16xi32>
      %add3A_634 = arith.addi %add3A_633, %iota3A_631 : vector<16xi32>
      %jit3A_635 = arith.constant 128 : i32
      %div3A_636 = vector.broadcast %jit3A_635 : i32 to vector<16xi32>
      %div3A_637 = arith.divsi %sub3A_626, %div3A_636 : vector<16xi32>
      %sign3A_638 = arith.constant 0 : i32
      %sign3A_639 = vector.broadcast %sign3A_638 : i32 to vector<16xi32>
      %sign3A_640 = arith.cmpi sgt, %sub3A_626, %sign3A_639 : vector<16xi32>
      %sign3A_641 = arith.extui %sign3A_640 : vector<16xi1> to vector<16xi32>
      %sign3A_642 = arith.constant 0 : i32
      %sign3A_643 = vector.broadcast %sign3A_642 : i32 to vector<16xi32>
      %sign3A_644 = arith.cmpi slt, %sub3A_626, %sign3A_643 : vector<16xi32>
      %sign3A_645 = arith.extui %sign3A_644 : vector<16xi1> to vector<16xi32>
      %sign3A_646 = arith.subi %sign3A_641, %sign3A_645 : vector<16xi32>
      %sign3A_647 = arith.constant 0 : i32
      %sign3A_648 = arith.cmpi sgt, %jit3A_635, %sign3A_647 : i32
      %sign3A_649 = arith.extui %sign3A_648 : i1 to i32
      %sign3A_650 = arith.constant 0 : i32
      %sign3A_651 = arith.cmpi slt, %jit3A_635, %sign3A_650 : i32
      %sign3A_652 = arith.extui %sign3A_651 : i1 to i32
      %sign3A_653 = arith.subi %sign3A_649, %sign3A_652 : i32
      %ne3A_654 = vector.broadcast %sign3A_653 : i32 to vector<16xi32>
      %ne3A_655 = arith.cmpi ne, %sign3A_646, %ne3A_654 : vector<16xi32>
      %rem3A_656 = vector.broadcast %jit3A_635 : i32 to vector<16xi32>
      %rem3A_657 = arith.remsi %sub3A_626, %rem3A_656 : vector<16xi32>
      %ne3A_658 = arith.constant 0 : i32
      %ne3A_659 = vector.broadcast %ne3A_658 : i32 to vector<16xi32>
      %ne3A_660 = arith.cmpi ne, %rem3A_657, %ne3A_659 : vector<16xi32>
      %and3A_661 = arith.andi %ne3A_655, %ne3A_660 : vector<16xi1>
      %sub3A_662 = arith.constant 1 : i32
      %sub3A_663 = vector.broadcast %sub3A_662 : i32 to vector<16xi32>
      %sub3A_664 = arith.subi %div3A_637, %sub3A_663 : vector<16xi32>
      %select_n3A_665 = arith.select %and3A_661, %sub3A_664, %div3A_637 : vector<16xi1>, vector<16xi32>
      %jit3A_666 = arith.constant 128 : i32
      %eq3A_667 = arith.constant 0 : i32
      %eq3A_668 = arith.cmpi eq, %jit3A_666, %eq3A_667 : i32
      %jit3A_669 = arith.constant 1 : i32
      %select_n3A_670 = arith.select %eq3A_668, %jit3A_669, %jit3A_666 : i32
      %rem3A_671 = vector.broadcast %select_n3A_670 : i32 to vector<16xi32>
      %rem3A_672 = arith.remsi %sub3A_626, %rem3A_671 : vector<16xi32>
      %ne3A_673 = arith.constant 0 : i32
      %ne3A_674 = vector.broadcast %ne3A_673 : i32 to vector<16xi32>
      %ne3A_675 = arith.cmpi ne, %rem3A_672, %ne3A_674 : vector<16xi32>
      %lt3A_676 = arith.constant 0 : i32
      %lt3A_677 = vector.broadcast %lt3A_676 : i32 to vector<16xi32>
      %lt3A_678 = arith.cmpi slt, %rem3A_672, %lt3A_677 : vector<16xi32>
      %lt3A_679 = arith.constant 0 : i32
      %lt3A_680 = arith.cmpi slt, %select_n3A_670, %lt3A_679 : i32
      %ne3A_681 = vector.broadcast %lt3A_680 : i1 to vector<16xi1>
      %ne3A_682 = vector.broadcast %ne3A_681 : vector<16xi1> to vector<16xi1>
      %ne3A_683 = arith.xori %lt3A_678, %ne3A_682 : vector<16xi1>
      %and3A_684 = arith.andi %ne3A_683, %ne3A_675 : vector<16xi1>
      %add3A_685 = vector.broadcast %select_n3A_670 : i32 to vector<16xi32>
      %add3A_686 = arith.addi %rem3A_672, %add3A_685 : vector<16xi32>
      %select_n3A_687 = arith.select %and3A_684, %add3A_686, %rem3A_672 : vector<16xi1>, vector<16xi32>
      %add3A_688 = vector.broadcast %mul3A_207 : i32 to vector<16xi32>
      %add3A_689 = arith.addi %add3A_688, %add3A_634 : vector<16xi32>
      tpu.vector_store_idx %arg12[%select_n3A_665, %select_n3A_687], %add3A_689 masked %and3A_630 : memref<4x128xi32, #tpu.memory_space<vmem>>[vector<16xi32>, vector<16xi32>], vector<16xi32>, vector<16xi1>
      %mul3A_690 = arith.constant 128 : i32
      %mul3A_691 = vector.broadcast %mul3A_690 : i32 to vector<16xi32>
      %mul3A_692 = arith.muli %add3A_634, %mul3A_691 : vector<16xi32>
      %add3A_693 = arith.constant 256 : i32
      %add3A_694 = vector.broadcast %add3A_693 : i32 to vector<16xi32>
      %add3A_695 = arith.addi %add3A_694, %mul3A_692 : vector<16xi32>
      tpu.vector_store_idx %arg13[%sub3A_626], %add3A_695 masked %and3A_630 : memref<512xi32, #tpu.memory_space<vmem>>[vector<16xi32>], vector<16xi32>, vector<16xi1>
      %all_reduce_population_count3A_696 = tpu.all_reduce %ge3A_616 {dim = 0 : i64, kind = #tpu.reduction_kind<sum>} : vector<16xi1> -> vector<16xi32>
      %add3A_697 = arith.addi %add3A_613, %all_reduce_population_count3A_696 : vector<16xi32>
      %get3A_698 = arith.constant 96 : index
      %get3A_699 = tpu.vector_load %arg9[%get3A_698] {strides = array<i32>} : memref<512xf32, #tpu.memory_space<vmem>>, vector<16xf32>,
      %ge3A_700 = arith.cmpf oge, %get3A_699, %get3A_203 : vector<16xf32>
      %jit3A_701 = arith.constant 1 : i32
      %jit3A_702 = arith.constant 0 : i32
      %broadcast_in_dim3A_703 = vector.broadcast %jit3A_701 : i32 to vector<16xi32>
      %broadcast_in_dim3A_704 = vector.broadcast %jit3A_702 : i32 to vector<16xi32>
      %select_n3A_705 = arith.select %ge3A_700, %broadcast_in_dim3A_703, %broadcast_in_dim3A_704 : vector<16xi1>, vector<16xi32>
      %broadcast_in_dim3A_706 = arith.constant true
      %broadcast_in_dim3A_707 = vector.broadcast %broadcast_in_dim3A_706 : i1 to vector<16xi1>
      %masked_cumsum3A_708 = tpu.scan <sum>, %select_n3A_705 masked %broadcast_in_dim3A_707 : vector<16xi32>, vector<16xi1> -> vector<16xi32>
      %add3A_709 = arith.addi %add3A_697, %masked_cumsum3A_708 : vector<16xi32>
      %sub3A_710 = arith.subi %add3A_709, %select_n3A_705 : vector<16xi32>
      %lt3A_711 = arith.constant 512 : i32
      %lt3A_712 = vector.broadcast %lt3A_711 : i32 to vector<16xi32>
      %lt3A_713 = arith.cmpi slt, %sub3A_710, %lt3A_712 : vector<16xi32>
      %and3A_714 = arith.andi %ge3A_700, %lt3A_713 : vector<16xi1>
      %iota3A_715 = tpu.iota {dimensions = array<i32: 0>} : vector<16xi32>
      %add3A_716 = arith.constant 96 : i32
      %add3A_717 = vector.broadcast %add3A_716 : i32 to vector<16xi32>
      %add3A_718 = arith.addi %add3A_717, %iota3A_715 : vector<16xi32>
      %jit3A_719 = arith.constant 128 : i32
      %div3A_720 = vector.broadcast %jit3A_719 : i32 to vector<16xi32>
      %div3A_721 = arith.divsi %sub3A_710, %div3A_720 : vector<16xi32>
      %sign3A_722 = arith.constant 0 : i32
      %sign3A_723 = vector.broadcast %sign3A_722 : i32 to vector<16xi32>
      %sign3A_724 = arith.cmpi sgt, %sub3A_710, %sign3A_723 : vector<16xi32>
      %sign3A_725 = arith.extui %sign3A_724 : vector<16xi1> to vector<16xi32>
      %sign3A_726 = arith.constant 0 : i32
      %sign3A_727 = vector.broadcast %sign3A_726 : i32 to vector<16xi32>
      %sign3A_728 = arith.cmpi slt, %sub3A_710, %sign3A_727 : vector<16xi32>
      %sign3A_729 = arith.extui %sign3A_728 : vector<16xi1> to vector<16xi32>
      %sign3A_730 = arith.subi %sign3A_725, %sign3A_729 : vector<16xi32>
      %sign3A_731 = arith.constant 0 : i32
      %sign3A_732 = arith.cmpi sgt, %jit3A_719, %sign3A_731 : i32
      %sign3A_733 = arith.extui %sign3A_732 : i1 to i32
      %sign3A_734 = arith.constant 0 : i32
      %sign3A_735 = arith.cmpi slt, %jit3A_719, %sign3A_734 : i32
      %sign3A_736 = arith.extui %sign3A_735 : i1 to i32
      %sign3A_737 = arith.subi %sign3A_733, %sign3A_736 : i32
      %ne3A_738 = vector.broadcast %sign3A_737 : i32 to vector<16xi32>
      %ne3A_739 = arith.cmpi ne, %sign3A_730, %ne3A_738 : vector<16xi32>
      %rem3A_740 = vector.broadcast %jit3A_719 : i32 to vector<16xi32>
      %rem3A_741 = arith.remsi %sub3A_710, %rem3A_740 : vector<16xi32>
      %ne3A_742 = arith.constant 0 : i32
      %ne3A_743 = vector.broadcast %ne3A_742 : i32 to vector<16xi32>
      %ne3A_744 = arith.cmpi ne, %rem3A_741, %ne3A_743 : vector<16xi32>
      %and3A_745 = arith.andi %ne3A_739, %ne3A_744 : vector<16xi1>
      %sub3A_746 = arith.constant 1 : i32
      %sub3A_747 = vector.broadcast %sub3A_746 : i32 to vector<16xi32>
      %sub3A_748 = arith.subi %div3A_721, %sub3A_747 : vector<16xi32>
      %select_n3A_749 = arith.select %and3A_745, %sub3A_748, %div3A_721 : vector<16xi1>, vector<16xi32>
      %jit3A_750 = arith.constant 128 : i32
      %eq3A_751 = arith.constant 0 : i32
      %eq3A_752 = arith.cmpi eq, %jit3A_750, %eq3A_751 : i32
      %jit3A_753 = arith.constant 1 : i32
      %select_n3A_754 = arith.select %eq3A_752, %jit3A_753, %jit3A_750 : i32
      %rem3A_755 = vector.broadcast %select_n3A_754 : i32 to vector<16xi32>
      %rem3A_756 = arith.remsi %sub3A_710, %rem3A_755 : vector<16xi32>
      %ne3A_757 = arith.constant 0 : i32
      %ne3A_758 = vector.broadcast %ne3A_757 : i32 to vector<16xi32>
      %ne3A_759 = arith.cmpi ne, %rem3A_756, %ne3A_758 : vector<16xi32>
      %lt3A_760 = arith.constant 0 : i32
      %lt3A_761 = vector.broadcast %lt3A_760 : i32 to vector<16xi32>
      %lt3A_762 = arith.cmpi slt, %rem3A_756, %lt3A_761 : vector<16xi32>
      %lt3A_763 = arith.constant 0 : i32
      %lt3A_764 = arith.cmpi slt, %select_n3A_754, %lt3A_763 : i32
      %ne3A_765 = vector.broadcast %lt3A_764 : i1 to vector<16xi1>
      %ne3A_766 = vector.broadcast %ne3A_765 : vector<16xi1> to vector<16xi1>
      %ne3A_767 = arith.xori %lt3A_762, %ne3A_766 : vector<16xi1>
      %and3A_768 = arith.andi %ne3A_767, %ne3A_759 : vector<16xi1>
      %add3A_769 = vector.broadcast %select_n3A_754 : i32 to vector<16xi32>
      %add3A_770 = arith.addi %rem3A_756, %add3A_769 : vector<16xi32>
      %select_n3A_771 = arith.select %and3A_768, %add3A_770, %rem3A_756 : vector<16xi1>, vector<16xi32>
      %add3A_772 = vector.broadcast %mul3A_207 : i32 to vector<16xi32>
      %add3A_773 = arith.addi %add3A_772, %add3A_718 : vector<16xi32>
      tpu.vector_store_idx %arg12[%select_n3A_749, %select_n3A_771], %add3A_773 masked %and3A_714 : memref<4x128xi32, #tpu.memory_space<vmem>>[vector<16xi32>, vector<16xi32>], vector<16xi32>, vector<16xi1>
      %mul3A_774 = arith.constant 128 : i32
      %mul3A_775 = vector.broadcast %mul3A_774 : i32 to vector<16xi32>
      %mul3A_776 = arith.muli %add3A_718, %mul3A_775 : vector<16xi32>
      %add3A_777 = arith.constant 256 : i32
      %add3A_778 = vector.broadcast %add3A_777 : i32 to vector<16xi32>
      %add3A_779 = arith.addi %add3A_778, %mul3A_776 : vector<16xi32>
      tpu.vector_store_idx %arg13[%sub3A_710], %add3A_779 masked %and3A_714 : memref<512xi32, #tpu.memory_space<vmem>>[vector<16xi32>], vector<16xi32>, vector<16xi1>
      %all_reduce_population_count3A_780 = tpu.all_reduce %ge3A_700 {dim = 0 : i64, kind = #tpu.reduction_kind<sum>} : vector<16xi1> -> vector<16xi32>
      %add3A_781 = arith.addi %add3A_697, %all_reduce_population_count3A_780 : vector<16xi32>
      %get3A_782 = arith.constant 112 : index
      %get3A_783 = tpu.vector_load %arg9[%get3A_782] {strides = array<i32>} : memref<512xf32, #tpu.memory_space<vmem>>, vector<16xf32>,
      %ge3A_784 = arith.cmpf oge, %get3A_783, %get3A_203 : vector<16xf32>
      %jit3A_785 = arith.constant 1 : i32
      %jit3A_786 = arith.constant 0 : i32
      %broadcast_in_dim3A_787 = vector.broadcast %jit3A_785 : i32 to vector<16xi32>
      %broadcast_in_dim3A_788 = vector.broadcast %jit3A_786 : i32 to vector<16xi32>
      %select_n3A_789 = arith.select %ge3A_784, %broadcast_in_dim3A_787, %broadcast_in_dim3A_788 : vector<16xi1>, vector<16xi32>
      %broadcast_in_dim3A_790 = arith.constant true
      %broadcast_in_dim3A_791 = vector.broadcast %broadcast_in_dim3A_790 : i1 to vector<16xi1>
      %masked_cumsum3A_792 = tpu.scan <sum>, %select_n3A_789 masked %broadcast_in_dim3A_791 : vector<16xi32>, vector<16xi1> -> vector<16xi32>
      %add3A_793 = arith.addi %add3A_781, %masked_cumsum3A_792 : vector<16xi32>
      %sub3A_794 = arith.subi %add3A_793, %select_n3A_789 : vector<16xi32>
      %lt3A_795 = arith.constant 512 : i32
      %lt3A_796 = vector.broadcast %lt3A_795 : i32 to vector<16xi32>
      %lt3A_797 = arith.cmpi slt, %sub3A_794, %lt3A_796 : vector<16xi32>
      %and3A_798 = arith.andi %ge3A_784, %lt3A_797 : vector<16xi1>
      %iota3A_799 = tpu.iota {dimensions = array<i32: 0>} : vector<16xi32>
      %add3A_800 = arith.constant 112 : i32
      %add3A_801 = vector.broadcast %add3A_800 : i32 to vector<16xi32>
      %add3A_802 = arith.addi %add3A_801, %iota3A_799 : vector<16xi32>
      %jit3A_803 = arith.constant 128 : i32
      %div3A_804 = vector.broadcast %jit3A_803 : i32 to vector<16xi32>
      %div3A_805 = arith.divsi %sub3A_794, %div3A_804 : vector<16xi32>
      %sign3A_806 = arith.constant 0 : i32
      %sign3A_807 = vector.broadcast %sign3A_806 : i32 to vector<16xi32>
      %sign3A_808 = arith.cmpi sgt, %sub3A_794, %sign3A_807 : vector<16xi32>
      %sign3A_809 = arith.extui %sign3A_808 : vector<16xi1> to vector<16xi32>
      %sign3A_810 = arith.constant 0 : i32
      %sign3A_811 = vector.broadcast %sign3A_810 : i32 to vector<16xi32>
      %sign3A_812 = arith.cmpi slt, %sub3A_794, %sign3A_811 : vector<16xi32>
      %sign3A_813 = arith.extui %sign3A_812 : vector<16xi1> to vector<16xi32>
      %sign3A_814 = arith.subi %sign3A_809, %sign3A_813 : vector<16xi32>
      %sign3A_815 = arith.constant 0 : i32
      %sign3A_816 = arith.cmpi sgt, %jit3A_803, %sign3A_815 : i32
      %sign3A_817 = arith.extui %sign3A_816 : i1 to i32
      %sign3A_818 = arith.constant 0 : i32
      %sign3A_819 = arith.cmpi slt, %jit3A_803, %sign3A_818 : i32
      %sign3A_820 = arith.extui %sign3A_819 : i1 to i32
      %sign3A_821 = arith.subi %sign3A_817, %sign3A_820 : i32
      %ne3A_822 = vector.broadcast %sign3A_821 : i32 to vector<16xi32>
      %ne3A_823 = arith.cmpi ne, %sign3A_814, %ne3A_822 : vector<16xi32>
      %rem3A_824 = vector.broadcast %jit3A_803 : i32 to vector<16xi32>
      %rem3A_825 = arith.remsi %sub3A_794, %rem3A_824 : vector<16xi32>
      %ne3A_826 = arith.constant 0 : i32
      %ne3A_827 = vector.broadcast %ne3A_826 : i32 to vector<16xi32>
      %ne3A_828 = arith.cmpi ne, %rem3A_825, %ne3A_827 : vector<16xi32>
      %and3A_829 = arith.andi %ne3A_823, %ne3A_828 : vector<16xi1>
      %sub3A_830 = arith.constant 1 : i32
      %sub3A_831 = vector.broadcast %sub3A_830 : i32 to vector<16xi32>
      %sub3A_832 = arith.subi %div3A_805, %sub3A_831 : vector<16xi32>
      %select_n3A_833 = arith.select %and3A_829, %sub3A_832, %div3A_805 : vector<16xi1>, vector<16xi32>
      %jit3A_834 = arith.constant 128 : i32
      %eq3A_835 = arith.constant 0 : i32
      %eq3A_836 = arith.cmpi eq, %jit3A_834, %eq3A_835 : i32
      %jit3A_837 = arith.constant 1 : i32
      %select_n3A_838 = arith.select %eq3A_836, %jit3A_837, %jit3A_834 : i32
      %rem3A_839 = vector.broadcast %select_n3A_838 : i32 to vector<16xi32>
      %rem3A_840 = arith.remsi %sub3A_794, %rem3A_839 : vector<16xi32>
      %ne3A_841 = arith.constant 0 : i32
      %ne3A_842 = vector.broadcast %ne3A_841 : i32 to vector<16xi32>
      %ne3A_843 = arith.cmpi ne, %rem3A_840, %ne3A_842 : vector<16xi32>
      %lt3A_844 = arith.constant 0 : i32
      %lt3A_845 = vector.broadcast %lt3A_844 : i32 to vector<16xi32>
      %lt3A_846 = arith.cmpi slt, %rem3A_840, %lt3A_845 : vector<16xi32>
      %lt3A_847 = arith.constant 0 : i32
      %lt3A_848 = arith.cmpi slt, %select_n3A_838, %lt3A_847 : i32
      %ne3A_849 = vector.broadcast %lt3A_848 : i1 to vector<16xi1>
      %ne3A_850 = vector.broadcast %ne3A_849 : vector<16xi1> to vector<16xi1>
      %ne3A_851 = arith.xori %lt3A_846, %ne3A_850 : vector<16xi1>
      %and3A_852 = arith.andi %ne3A_851, %ne3A_843 : vector<16xi1>
      %add3A_853 = vector.broadcast %select_n3A_838 : i32 to vector<16xi32>
      %add3A_854 = arith.addi %rem3A_840, %add3A_853 : vector<16xi32>
      %select_n3A_855 = arith.select %and3A_852, %add3A_854, %rem3A_840 : vector<16xi1>, vector<16xi32>
      %add3A_856 = vector.broadcast %mul3A_207 : i32 to vector<16xi32>
      %add3A_857 = arith.addi %add3A_856, %add3A_802 : vector<16xi32>
      tpu.vector_store_idx %arg12[%select_n3A_833, %select_n3A_855], %add3A_857 masked %and3A_798 : memref<4x128xi32, #tpu.memory_space<vmem>>[vector<16xi32>, vector<16xi32>], vector<16xi32>, vector<16xi1>
      %mul3A_858 = arith.constant 128 : i32
      %mul3A_859 = vector.broadcast %mul3A_858 : i32 to vector<16xi32>
      %mul3A_860 = arith.muli %add3A_802, %mul3A_859 : vector<16xi32>
      %add3A_861 = arith.constant 256 : i32
      %add3A_862 = vector.broadcast %add3A_861 : i32 to vector<16xi32>
      %add3A_863 = arith.addi %add3A_862, %mul3A_860 : vector<16xi32>
      tpu.vector_store_idx %arg13[%sub3A_794], %add3A_863 masked %and3A_798 : memref<512xi32, #tpu.memory_space<vmem>>[vector<16xi32>], vector<16xi32>, vector<16xi1>
      %all_reduce_population_count3A_864 = tpu.all_reduce %ge3A_784 {dim = 0 : i64, kind = #tpu.reduction_kind<sum>} : vector<16xi1> -> vector<16xi32>
      %add3A_865 = arith.addi %add3A_781, %all_reduce_population_count3A_864 : vector<16xi32>
      %get3A_866 = arith.constant 128 : index
      %get3A_867 = tpu.vector_load %arg9[%get3A_866] {strides = array<i32>} : memref<512xf32, #tpu.memory_space<vmem>>, vector<16xf32>,
      %ge3A_868 = arith.cmpf oge, %get3A_867, %get3A_203 : vector<16xf32>
      %jit3A_869 = arith.constant 1 : i32
      %jit3A_870 = arith.constant 0 : i32
      %broadcast_in_dim3A_871 = vector.broadcast %jit3A_869 : i32 to vector<16xi32>
      %broadcast_in_dim3A_872 = vector.broadcast %jit3A_870 : i32 to vector<16xi32>
      %select_n3A_873 = arith.select %ge3A_868, %broadcast_in_dim3A_871, %broadcast_in_dim3A_872 : vector<16xi1>, vector<16xi32>
      %broadcast_in_dim3A_874 = arith.constant true
      %broadcast_in_dim3A_875 = vector.broadcast %broadcast_in_dim3A_874 : i1 to vector<16xi1>
      %masked_cumsum3A_876 = tpu.scan <sum>, %select_n3A_873 masked %broadcast_in_dim3A_875 : vector<16xi32>, vector<16xi1> -> vector<16xi32>
      %add3A_877 = arith.addi %add3A_865, %masked_cumsum3A_876 : vector<16xi32>
      %sub3A_878 = arith.subi %add3A_877, %select_n3A_873 : vector<16xi32>
      %lt3A_879 = arith.constant 512 : i32
      %lt3A_880 = vector.broadcast %lt3A_879 : i32 to vector<16xi32>
      %lt3A_881 = arith.cmpi slt, %sub3A_878, %lt3A_880 : vector<16xi32>
      %and3A_882 = arith.andi %ge3A_868, %lt3A_881 : vector<16xi1>
      %iota3A_883 = tpu.iota {dimensions = array<i32: 0>} : vector<16xi32>
      %add3A_884 = arith.constant 128 : i32
      %add3A_885 = vector.broadcast %add3A_884 : i32 to vector<16xi32>
      %add3A_886 = arith.addi %add3A_885, %iota3A_883 : vector<16xi32>
      %jit3A_887 = arith.constant 128 : i32
      %div3A_888 = vector.broadcast %jit3A_887 : i32 to vector<16xi32>
      %div3A_889 = arith.divsi %sub3A_878, %div3A_888 : vector<16xi32>
      %sign3A_890 = arith.constant 0 : i32
      %sign3A_891 = vector.broadcast %sign3A_890 : i32 to vector<16xi32>
      %sign3A_892 = arith.cmpi sgt, %sub3A_878, %sign3A_891 : vector<16xi32>
      %sign3A_893 = arith.extui %sign3A_892 : vector<16xi1> to vector<16xi32>
      %sign3A_894 = arith.constant 0 : i32
      %sign3A_895 = vector.broadcast %sign3A_894 : i32 to vector<16xi32>
      %sign3A_896 = arith.cmpi slt, %sub3A_878, %sign3A_895 : vector<16xi32>
      %sign3A_897 = arith.extui %sign3A_896 : vector<16xi1> to vector<16xi32>
      %sign3A_898 = arith.subi %sign3A_893, %sign3A_897 : vector<16xi32>
      %sign3A_899 = arith.constant 0 : i32
      %sign3A_900 = arith.cmpi sgt, %jit3A_887, %sign3A_899 : i32
      %sign3A_901 = arith.extui %sign3A_900 : i1 to i32
      %sign3A_902 = arith.constant 0 : i32
      %sign3A_903 = arith.cmpi slt, %jit3A_887, %sign3A_902 : i32
      %sign3A_904 = arith.extui %sign3A_903 : i1 to i32
      %sign3A_905 = arith.subi %sign3A_901, %sign3A_904 : i32
      %ne3A_906 = vector.broadcast %sign3A_905 : i32 to vector<16xi32>
      %ne3A_907 = arith.cmpi ne, %sign3A_898, %ne3A_906 : vector<16xi32>
      %rem3A_908 = vector.broadcast %jit3A_887 : i32 to vector<16xi32>
      %rem3A_909 = arith.remsi %sub3A_878, %rem3A_908 : vector<16xi32>
      %ne3A_910 = arith.constant 0 : i32
      %ne3A_911 = vector.broadcast %ne3A_910 : i32 to vector<16xi32>
      %ne3A_912 = arith.cmpi ne, %rem3A_909, %ne3A_911 : vector<16xi32>
      %and3A_913 = arith.andi %ne3A_907, %ne3A_912 : vector<16xi1>
      %sub3A_914 = arith.constant 1 : i32
      %sub3A_915 = vector.broadcast %sub3A_914 : i32 to vector<16xi32>
      %sub3A_916 = arith.subi %div3A_889, %sub3A_915 : vector<16xi32>
      %select_n3A_917 = arith.select %and3A_913, %sub3A_916, %div3A_889 : vector<16xi1>, vector<16xi32>
      %jit3A_918 = arith.constant 128 : i32
      %eq3A_919 = arith.constant 0 : i32
      %eq3A_920 = arith.cmpi eq, %jit3A_918, %eq3A_919 : i32
      %jit3A_921 = arith.constant 1 : i32
      %select_n3A_922 = arith.select %eq3A_920, %jit3A_921, %jit3A_918 : i32
      %rem3A_923 = vector.broadcast %select_n3A_922 : i32 to vector<16xi32>
      %rem3A_924 = arith.remsi %sub3A_878, %rem3A_923 : vector<16xi32>
      %ne3A_925 = arith.constant 0 : i32
      %ne3A_926 = vector.broadcast %ne3A_925 : i32 to vector<16xi32>
      %ne3A_927 = arith.cmpi ne, %rem3A_924, %ne3A_926 : vector<16xi32>
      %lt3A_928 = arith.constant 0 : i32
      %lt3A_929 = vector.broadcast %lt3A_928 : i32 to vector<16xi32>
      %lt3A_930 = arith.cmpi slt, %rem3A_924, %lt3A_929 : vector<16xi32>
      %lt3A_931 = arith.constant 0 : i32
      %lt3A_932 = arith.cmpi slt, %select_n3A_922, %lt3A_931 : i32
      %ne3A_933 = vector.broadcast %lt3A_932 : i1 to vector<16xi1>
      %ne3A_934 = vector.broadcast %ne3A_933 : vector<16xi1> to vector<16xi1>
      %ne3A_935 = arith.xori %lt3A_930, %ne3A_934 : vector<16xi1>
      %and3A_936 = arith.andi %ne3A_935, %ne3A_927 : vector<16xi1>
      %add3A_937 = vector.broadcast %select_n3A_922 : i32 to vector<16xi32>
      %add3A_938 = arith.addi %rem3A_924, %add3A_937 : vector<16xi32>
      %select_n3A_939 = arith.select %and3A_936, %add3A_938, %rem3A_924 : vector<16xi1>, vector<16xi32>
      %add3A_940 = vector.broadcast %mul3A_207 : i32 to vector<16xi32>
      %add3A_941 = arith.addi %add3A_940, %add3A_886 : vector<16xi32>
      tpu.vector_store_idx %arg12[%select_n3A_917, %select_n3A_939], %add3A_941 masked %and3A_882 : memref<4x128xi32, #tpu.memory_space<vmem>>[vector<16xi32>, vector<16xi32>], vector<16xi32>, vector<16xi1>
      %mul3A_942 = arith.constant 128 : i32
      %mul3A_943 = vector.broadcast %mul3A_942 : i32 to vector<16xi32>
      %mul3A_944 = arith.muli %add3A_886, %mul3A_943 : vector<16xi32>
      %add3A_945 = arith.constant 256 : i32
      %add3A_946 = vector.broadcast %add3A_945 : i32 to vector<16xi32>
      %add3A_947 = arith.addi %add3A_946, %mul3A_944 : vector<16xi32>
      tpu.vector_store_idx %arg13[%sub3A_878], %add3A_947 masked %and3A_882 : memref<512xi32, #tpu.memory_space<vmem>>[vector<16xi32>], vector<16xi32>, vector<16xi1>
      %all_reduce_population_count3A_948 = tpu.all_reduce %ge3A_868 {dim = 0 : i64, kind = #tpu.reduction_kind<sum>} : vector<16xi1> -> vector<16xi32>
      %add3A_949 = arith.addi %add3A_865, %all_reduce_population_count3A_948 : vector<16xi32>
      %get3A_950 = arith.constant 144 : index
      %get3A_951 = tpu.vector_load %arg9[%get3A_950] {strides = array<i32>} : memref<512xf32, #tpu.memory_space<vmem>>, vector<16xf32>,
      %ge3A_952 = arith.cmpf oge, %get3A_951, %get3A_203 : vector<16xf32>
      %jit3A_953 = arith.constant 1 : i32
      %jit3A_954 = arith.constant 0 : i32
      %broadcast_in_dim3A_955 = vector.broadcast %jit3A_953 : i32 to vector<16xi32>
      %broadcast_in_dim3A_956 = vector.broadcast %jit3A_954 : i32 to vector<16xi32>
      %select_n3A_957 = arith.select %ge3A_952, %broadcast_in_dim3A_955, %broadcast_in_dim3A_956 : vector<16xi1>, vector<16xi32>
      %broadcast_in_dim3A_958 = arith.constant true
      %broadcast_in_dim3A_959 = vector.broadcast %broadcast_in_dim3A_958 : i1 to vector<16xi1>
      %masked_cumsum3A_960 = tpu.scan <sum>, %select_n3A_957 masked %broadcast_in_dim3A_959 : vector<16xi32>, vector<16xi1> -> vector<16xi32>
      %add3A_961 = arith.addi %add3A_949, %masked_cumsum3A_960 : vector<16xi32>
      %sub3A_962 = arith.subi %add3A_961, %select_n3A_957 : vector<16xi32>
      %lt3A_963 = arith.constant 512 : i32
      %lt3A_964 = vector.broadcast %lt3A_963 : i32 to vector<16xi32>
      %lt3A_965 = arith.cmpi slt, %sub3A_962, %lt3A_964 : vector<16xi32>
      %and3A_966 = arith.andi %ge3A_952, %lt3A_965 : vector<16xi1>
      %iota3A_967 = tpu.iota {dimensions = array<i32: 0>} : vector<16xi32>
      %add3A_968 = arith.constant 144 : i32
      %add3A_969 = vector.broadcast %add3A_968 : i32 to vector<16xi32>
      %add3A_970 = arith.addi %add3A_969, %iota3A_967 : vector<16xi32>
      %jit3A_971 = arith.constant 128 : i32
      %div3A_972 = vector.broadcast %jit3A_971 : i32 to vector<16xi32>
      %div3A_973 = arith.divsi %sub3A_962, %div3A_972 : vector<16xi32>
      %sign3A_974 = arith.constant 0 : i32
      %sign3A_975 = vector.broadcast %sign3A_974 : i32 to vector<16xi32>
      %sign3A_976 = arith.cmpi sgt, %sub3A_962, %sign3A_975 : vector<16xi32>
      %sign3A_977 = arith.extui %sign3A_976 : vector<16xi1> to vector<16xi32>
      %sign3A_978 = arith.constant 0 : i32
      %sign3A_979 = vector.broadcast %sign3A_978 : i32 to vector<16xi32>
      %sign3A_980 = arith.cmpi slt, %sub3A_962, %sign3A_979 : vector<16xi32>
      %sign3A_981 = arith.extui %sign3A_980 : vector<16xi1> to vector<16xi32>
      %sign3A_982 = arith.subi %sign3A_977, %sign3A_981 : vector<16xi32>
      %sign3A_983 = arith.constant 0 : i32
      %sign3A_984 = arith.cmpi sgt, %jit3A_971, %sign3A_983 : i32
      %sign3A_985 = arith.extui %sign3A_984 : i1 to i32
      %sign3A_986 = arith.constant 0 : i32
      %sign3A_987 = arith.cmpi slt, %jit3A_971, %sign3A_986 : i32
      %sign3A_988 = arith.extui %sign3A_987 : i1 to i32
      %sign3A_989 = arith.subi %sign3A_985, %sign3A_988 : i32
      %ne3A_990 = vector.broadcast %sign3A_989 : i32 to vector<16xi32>
      %ne3A_991 = arith.cmpi ne, %sign3A_982, %ne3A_990 : vector<16xi32>
      %rem3A_992 = vector.broadcast %jit3A_971 : i32 to vector<16xi32>
      %rem3A_993 = arith.remsi %sub3A_962, %rem3A_992 : vector<16xi32>
      %ne3A_994 = arith.constant 0 : i32
      %ne3A_995 = vector.broadcast %ne3A_994 : i32 to vector<16xi32>
      %ne3A_996 = arith.cmpi ne, %rem3A_993, %ne3A_995 : vector<16xi32>
      %and3A_997 = arith.andi %ne3A_991, %ne3A_996 : vector<16xi1>
      %sub3A_998 = arith.constant 1 : i32
      %sub3A_999 = vector.broadcast %sub3A_998 : i32 to vector<16xi32>
      %sub3A_1000 = arith.subi %div3A_973, %sub3A_999 : vector<16xi32>
      %select_n3A_1001 = arith.select %and3A_997, %sub3A_1000, %div3A_973 : vector<16xi1>, vector<16xi32>
      %jit3A_1002 = arith.constant 128 : i32
      %eq3A_1003 = arith.constant 0 : i32
      %eq3A_1004 = arith.cmpi eq, %jit3A_1002, %eq3A_1003 : i32
      %jit3A_1005 = arith.constant 1 : i32
      %select_n3A_1006 = arith.select %eq3A_1004, %jit3A_1005, %jit3A_1002 : i32
      %rem3A_1007 = vector.broadcast %select_n3A_1006 : i32 to vector<16xi32>
      %rem3A_1008 = arith.remsi %sub3A_962, %rem3A_1007 : vector<16xi32>
      %ne3A_1009 = arith.constant 0 : i32
      %ne3A_1010 = vector.broadcast %ne3A_1009 : i32 to vector<16xi32>
      %ne3A_1011 = arith.cmpi ne, %rem3A_1008, %ne3A_1010 : vector<16xi32>
      %lt3A_1012 = arith.constant 0 : i32
      %lt3A_1013 = vector.broadcast %lt3A_1012 : i32 to vector<16xi32>
      %lt3A_1014 = arith.cmpi slt, %rem3A_1008, %lt3A_1013 : vector<16xi32>
      %lt3A_1015 = arith.constant 0 : i32
      %lt3A_1016 = arith.cmpi slt, %select_n3A_1006, %lt3A_1015 : i32
      %ne3A_1017 = vector.broadcast %lt3A_1016 : i1 to vector<16xi1>
      %ne3A_1018 = vector.broadcast %ne3A_1017 : vector<16xi1> to vector<16xi1>
      %ne3A_1019 = arith.xori %lt3A_1014, %ne3A_1018 : vector<16xi1>
      %and3A_1020 = arith.andi %ne3A_1019, %ne3A_1011 : vector<16xi1>
      %add3A_1021 = vector.broadcast %select_n3A_1006 : i32 to vector<16xi32>
      %add3A_1022 = arith.addi %rem3A_1008, %add3A_1021 : vector<16xi32>
      %select_n3A_1023 = arith.select %and3A_1020, %add3A_1022, %rem3A_1008 : vector<16xi1>, vector<16xi32>
      %add3A_1024 = vector.broadcast %mul3A_207 : i32 to vector<16xi32>
      %add3A_1025 = arith.addi %add3A_1024, %add3A_970 : vector<16xi32>
      tpu.vector_store_idx %arg12[%select_n3A_1001, %select_n3A_1023], %add3A_1025 masked %and3A_966 : memref<4x128xi32, #tpu.memory_space<vmem>>[vector<16xi32>, vector<16xi32>], vector<16xi32>, vector<16xi1>
      %mul3A_1026 = arith.constant 128 : i32
      %mul3A_1027 = vector.broadcast %mul3A_1026 : i32 to vector<16xi32>
      %mul3A_1028 = arith.muli %add3A_970, %mul3A_1027 : vector<16xi32>
      %add3A_1029 = arith.constant 256 : i32
      %add3A_1030 = vector.broadcast %add3A_1029 : i32 to vector<16xi32>
      %add3A_1031 = arith.addi %add3A_1030, %mul3A_1028 : vector<16xi32>
      tpu.vector_store_idx %arg13[%sub3A_962], %add3A_1031 masked %and3A_966 : memref<512xi32, #tpu.memory_space<vmem>>[vector<16xi32>], vector<16xi32>, vector<16xi1>
      %all_reduce_population_count3A_1032 = tpu.all_reduce %ge3A_952 {dim = 0 : i64, kind = #tpu.reduction_kind<sum>} : vector<16xi1> -> vector<16xi32>
      %add3A_1033 = arith.addi %add3A_949, %all_reduce_population_count3A_1032 : vector<16xi32>
      %get3A_1034 = arith.constant 160 : index
      %get3A_1035 = tpu.vector_load %arg9[%get3A_1034] {strides = array<i32>} : memref<512xf32, #tpu.memory_space<vmem>>, vector<16xf32>,
      %ge3A_1036 = arith.cmpf oge, %get3A_1035, %get3A_203 : vector<16xf32>
      %jit3A_1037 = arith.constant 1 : i32
      %jit3A_1038 = arith.constant 0 : i32
      %broadcast_in_dim3A_1039 = vector.broadcast %jit3A_1037 : i32 to vector<16xi32>
      %broadcast_in_dim3A_1040 = vector.broadcast %jit3A_1038 : i32 to vector<16xi32>
      %select_n3A_1041 = arith.select %ge3A_1036, %broadcast_in_dim3A_1039, %broadcast_in_dim3A_1040 : vector<16xi1>, vector<16xi32>
      %broadcast_in_dim3A_1042 = arith.constant true
      %broadcast_in_dim3A_1043 = vector.broadcast %broadcast_in_dim3A_1042 : i1 to vector<16xi1>
      %masked_cumsum3A_1044 = tpu.scan <sum>, %select_n3A_1041 masked %broadcast_in_dim3A_1043 : vector<16xi32>, vector<16xi1> -> vector<16xi32>
      %add3A_1045 = arith.addi %add3A_1033, %masked_cumsum3A_1044 : vector<16xi32>
      %sub3A_1046 = arith.subi %add3A_1045, %select_n3A_1041 : vector<16xi32>
      %lt3A_1047 = arith.constant 512 : i32
      %lt3A_1048 = vector.broadcast %lt3A_1047 : i32 to vector<16xi32>
      %lt3A_1049 = arith.cmpi slt, %sub3A_1046, %lt3A_1048 : vector<16xi32>
      %and3A_1050 = arith.andi %ge3A_1036, %lt3A_1049 : vector<16xi1>
      %iota3A_1051 = tpu.iota {dimensions = array<i32: 0>} : vector<16xi32>
      %add3A_1052 = arith.constant 160 : i32
      %add3A_1053 = vector.broadcast %add3A_1052 : i32 to vector<16xi32>
      %add3A_1054 = arith.addi %add3A_1053, %iota3A_1051 : vector<16xi32>
      %jit3A_1055 = arith.constant 128 : i32
      %div3A_1056 = vector.broadcast %jit3A_1055 : i32 to vector<16xi32>
      %div3A_1057 = arith.divsi %sub3A_1046, %div3A_1056 : vector<16xi32>
      %sign3A_1058 = arith.constant 0 : i32
      %sign3A_1059 = vector.broadcast %sign3A_1058 : i32 to vector<16xi32>
      %sign3A_1060 = arith.cmpi sgt, %sub3A_1046, %sign3A_1059 : vector<16xi32>
      %sign3A_1061 = arith.extui %sign3A_1060 : vector<16xi1> to vector<16xi32>
      %sign3A_1062 = arith.constant 0 : i32
      %sign3A_1063 = vector.broadcast %sign3A_1062 : i32 to vector<16xi32>
      %sign3A_1064 = arith.cmpi slt, %sub3A_1046, %sign3A_1063 : vector<16xi32>
      %sign3A_1065 = arith.extui %sign3A_1064 : vector<16xi1> to vector<16xi32>
      %sign3A_1066 = arith.subi %sign3A_1061, %sign3A_1065 : vector<16xi32>
      %sign3A_1067 = arith.constant 0 : i32
      %sign3A_1068 = arith.cmpi sgt, %jit3A_1055, %sign3A_1067 : i32
      %sign3A_1069 = arith.extui %sign3A_1068 : i1 to i32
      %sign3A_1070 = arith.constant 0 : i32
      %sign3A_1071 = arith.cmpi slt, %jit3A_1055, %sign3A_1070 : i32
      %sign3A_1072 = arith.extui %sign3A_1071 : i1 to i32
      %sign3A_1073 = arith.subi %sign3A_1069, %sign3A_1072 : i32
      %ne3A_1074 = vector.broadcast %sign3A_1073 : i32 to vector<16xi32>
      %ne3A_1075 = arith.cmpi ne, %sign3A_1066, %ne3A_1074 : vector<16xi32>
      %rem3A_1076 = vector.broadcast %jit3A_1055 : i32 to vector<16xi32>
      %rem3A_1077 = arith.remsi %sub3A_1046, %rem3A_1076 : vector<16xi32>
      %ne3A_1078 = arith.constant 0 : i32
      %ne3A_1079 = vector.broadcast %ne3A_1078 : i32 to vector<16xi32>
      %ne3A_1080 = arith.cmpi ne, %rem3A_1077, %ne3A_1079 : vector<16xi32>
      %and3A_1081 = arith.andi %ne3A_1075, %ne3A_1080 : vector<16xi1>
      %sub3A_1082 = arith.constant 1 : i32
      %sub3A_1083 = vector.broadcast %sub3A_1082 : i32 to vector<16xi32>
      %sub3A_1084 = arith.subi %div3A_1057, %sub3A_1083 : vector<16xi32>
      %select_n3A_1085 = arith.select %and3A_1081, %sub3A_1084, %div3A_1057 : vector<16xi1>, vector<16xi32>
      %jit3A_1086 = arith.constant 128 : i32
      %eq3A_1087 = arith.constant 0 : i32
      %eq3A_1088 = arith.cmpi eq, %jit3A_1086, %eq3A_1087 : i32
      %jit3A_1089 = arith.constant 1 : i32
      %select_n3A_1090 = arith.select %eq3A_1088, %jit3A_1089, %jit3A_1086 : i32
      %rem3A_1091 = vector.broadcast %select_n3A_1090 : i32 to vector<16xi32>
      %rem3A_1092 = arith.remsi %sub3A_1046, %rem3A_1091 : vector<16xi32>
      %ne3A_1093 = arith.constant 0 : i32
      %ne3A_1094 = vector.broadcast %ne3A_1093 : i32 to vector<16xi32>
      %ne3A_1095 = arith.cmpi ne, %rem3A_1092, %ne3A_1094 : vector<16xi32>
      %lt3A_1096 = arith.constant 0 : i32
      %lt3A_1097 = vector.broadcast %lt3A_1096 : i32 to vector<16xi32>
      %lt3A_1098 = arith.cmpi slt, %rem3A_1092, %lt3A_1097 : vector<16xi32>
      %lt3A_1099 = arith.constant 0 : i32
      %lt3A_1100 = arith.cmpi slt, %select_n3A_1090, %lt3A_1099 : i32
      %ne3A_1101 = vector.broadcast %lt3A_1100 : i1 to vector<16xi1>
      %ne3A_1102 = vector.broadcast %ne3A_1101 : vector<16xi1> to vector<16xi1>
      %ne3A_1103 = arith.xori %lt3A_1098, %ne3A_1102 : vector<16xi1>
      %and3A_1104 = arith.andi %ne3A_1103, %ne3A_1095 : vector<16xi1>
      %add3A_1105 = vector.broadcast %select_n3A_1090 : i32 to vector<16xi32>
      %add3A_1106 = arith.addi %rem3A_1092, %add3A_1105 : vector<16xi32>
      %select_n3A_1107 = arith.select %and3A_1104, %add3A_1106, %rem3A_1092 : vector<16xi1>, vector<16xi32>
      %add3A_1108 = vector.broadcast %mul3A_207 : i32 to vector<16xi32>
      %add3A_1109 = arith.addi %add3A_1108, %add3A_1054 : vector<16xi32>
      tpu.vector_store_idx %arg12[%select_n3A_1085, %select_n3A_1107], %add3A_1109 masked %and3A_1050 : memref<4x128xi32, #tpu.memory_space<vmem>>[vector<16xi32>, vector<16xi32>], vector<16xi32>, vector<16xi1>
      %mul3A_1110 = arith.constant 128 : i32
      %mul3A_1111 = vector.broadcast %mul3A_1110 : i32 to vector<16xi32>
      %mul3A_1112 = arith.muli %add3A_1054, %mul3A_1111 : vector<16xi32>
      %add3A_1113 = arith.constant 256 : i32
      %add3A_1114 = vector.broadcast %add3A_1113 : i32 to vector<16xi32>
      %add3A_1115 = arith.addi %add3A_1114, %mul3A_1112 : vector<16xi32>
      tpu.vector_store_idx %arg13[%sub3A_1046], %add3A_1115 masked %and3A_1050 : memref<512xi32, #tpu.memory_space<vmem>>[vector<16xi32>], vector<16xi32>, vector<16xi1>
      %all_reduce_population_count3A_1116 = tpu.all_reduce %ge3A_1036 {dim = 0 : i64, kind = #tpu.reduction_kind<sum>} : vector<16xi1> -> vector<16xi32>
      %add3A_1117 = arith.addi %add3A_1033, %all_reduce_population_count3A_1116 : vector<16xi32>
      %get3A_1118 = arith.constant 176 : index
      %get3A_1119 = tpu.vector_load %arg9[%get3A_1118] {strides = array<i32>} : memref<512xf32, #tpu.memory_space<vmem>>, vector<16xf32>,
      %ge3A_1120 = arith.cmpf oge, %get3A_1119, %get3A_203 : vector<16xf32>
      %jit3A_1121 = arith.constant 1 : i32
      %jit3A_1122 = arith.constant 0 : i32
      %broadcast_in_dim3A_1123 = vector.broadcast %jit3A_1121 : i32 to vector<16xi32>
      %broadcast_in_dim3A_1124 = vector.broadcast %jit3A_1122 : i32 to vector<16xi32>
      %select_n3A_1125 = arith.select %ge3A_1120, %broadcast_in_dim3A_1123, %broadcast_in_dim3A_1124 : vector<16xi1>, vector<16xi32>
      %broadcast_in_dim3A_1126 = arith.constant true
      %broadcast_in_dim3A_1127 = vector.broadcast %broadcast_in_dim3A_1126 : i1 to vector<16xi1>
      %masked_cumsum3A_1128 = tpu.scan <sum>, %select_n3A_1125 masked %broadcast_in_dim3A_1127 : vector<16xi32>, vector<16xi1> -> vector<16xi32>
      %add3A_1129 = arith.addi %add3A_1117, %masked_cumsum3A_1128 : vector<16xi32>
      %sub3A_1130 = arith.subi %add3A_1129, %select_n3A_1125 : vector<16xi32>
      %lt3A_1131 = arith.constant 512 : i32
      %lt3A_1132 = vector.broadcast %lt3A_1131 : i32 to vector<16xi32>
      %lt3A_1133 = arith.cmpi slt, %sub3A_1130, %lt3A_1132 : vector<16xi32>
      %and3A_1134 = arith.andi %ge3A_1120, %lt3A_1133 : vector<16xi1>
      %iota3A_1135 = tpu.iota {dimensions = array<i32: 0>} : vector<16xi32>
      %add3A_1136 = arith.constant 176 : i32
      %add3A_1137 = vector.broadcast %add3A_1136 : i32 to vector<16xi32>
      %add3A_1138 = arith.addi %add3A_1137, %iota3A_1135 : vector<16xi32>
      %jit3A_1139 = arith.constant 128 : i32
      %div3A_1140 = vector.broadcast %jit3A_1139 : i32 to vector<16xi32>
      %div3A_1141 = arith.divsi %sub3A_1130, %div3A_1140 : vector<16xi32>
      %sign3A_1142 = arith.constant 0 : i32
      %sign3A_1143 = vector.broadcast %sign3A_1142 : i32 to vector<16xi32>
      %sign3A_1144 = arith.cmpi sgt, %sub3A_1130, %sign3A_1143 : vector<16xi32>
      %sign3A_1145 = arith.extui %sign3A_1144 : vector<16xi1> to vector<16xi32>
      %sign3A_1146 = arith.constant 0 : i32
      %sign3A_1147 = vector.broadcast %sign3A_1146 : i32 to vector<16xi32>
      %sign3A_1148 = arith.cmpi slt, %sub3A_1130, %sign3A_1147 : vector<16xi32>
      %sign3A_1149 = arith.extui %sign3A_1148 : vector<16xi1> to vector<16xi32>
      %sign3A_1150 = arith.subi %sign3A_1145, %sign3A_1149 : vector<16xi32>
      %sign3A_1151 = arith.constant 0 : i32
      %sign3A_1152 = arith.cmpi sgt, %jit3A_1139, %sign3A_1151 : i32
      %sign3A_1153 = arith.extui %sign3A_1152 : i1 to i32
      %sign3A_1154 = arith.constant 0 : i32
      %sign3A_1155 = arith.cmpi slt, %jit3A_1139, %sign3A_1154 : i32
      %sign3A_1156 = arith.extui %sign3A_1155 : i1 to i32
      %sign3A_1157 = arith.subi %sign3A_1153, %sign3A_1156 : i32
      %ne3A_1158 = vector.broadcast %sign3A_1157 : i32 to vector<16xi32>
      %ne3A_1159 = arith.cmpi ne, %sign3A_1150, %ne3A_1158 : vector<16xi32>
      %rem3A_1160 = vector.broadcast %jit3A_1139 : i32 to vector<16xi32>
      %rem3A_1161 = arith.remsi %sub3A_1130, %rem3A_1160 : vector<16xi32>
      %ne3A_1162 = arith.constant 0 : i32
      %ne3A_1163 = vector.broadcast %ne3A_1162 : i32 to vector<16xi32>
      %ne3A_1164 = arith.cmpi ne, %rem3A_1161, %ne3A_1163 : vector<16xi32>
      %and3A_1165 = arith.andi %ne3A_1159, %ne3A_1164 : vector<16xi1>
      %sub3A_1166 = arith.constant 1 : i32
      %sub3A_1167 = vector.broadcast %sub3A_1166 : i32 to vector<16xi32>
      %sub3A_1168 = arith.subi %div3A_1141, %sub3A_1167 : vector<16xi32>
      %select_n3A_1169 = arith.select %and3A_1165, %sub3A_1168, %div3A_1141 : vector<16xi1>, vector<16xi32>
      %jit3A_1170 = arith.constant 128 : i32
      %eq3A_1171 = arith.constant 0 : i32
      %eq3A_1172 = arith.cmpi eq, %jit3A_1170, %eq3A_1171 : i32
      %jit3A_1173 = arith.constant 1 : i32
      %select_n3A_1174 = arith.select %eq3A_1172, %jit3A_1173, %jit3A_1170 : i32
      %rem3A_1175 = vector.broadcast %select_n3A_1174 : i32 to vector<16xi32>
      %rem3A_1176 = arith.remsi %sub3A_1130, %rem3A_1175 : vector<16xi32>
      %ne3A_1177 = arith.constant 0 : i32
      %ne3A_1178 = vector.broadcast %ne3A_1177 : i32 to vector<16xi32>
      %ne3A_1179 = arith.cmpi ne, %rem3A_1176, %ne3A_1178 : vector<16xi32>
      %lt3A_1180 = arith.constant 0 : i32
      %lt3A_1181 = vector.broadcast %lt3A_1180 : i32 to vector<16xi32>
      %lt3A_1182 = arith.cmpi slt, %rem3A_1176, %lt3A_1181 : vector<16xi32>
      %lt3A_1183 = arith.constant 0 : i32
      %lt3A_1184 = arith.cmpi slt, %select_n3A_1174, %lt3A_1183 : i32
      %ne3A_1185 = vector.broadcast %lt3A_1184 : i1 to vector<16xi1>
      %ne3A_1186 = vector.broadcast %ne3A_1185 : vector<16xi1> to vector<16xi1>
      %ne3A_1187 = arith.xori %lt3A_1182, %ne3A_1186 : vector<16xi1>
      %and3A_1188 = arith.andi %ne3A_1187, %ne3A_1179 : vector<16xi1>
      %add3A_1189 = vector.broadcast %select_n3A_1174 : i32 to vector<16xi32>
      %add3A_1190 = arith.addi %rem3A_1176, %add3A_1189 : vector<16xi32>
      %select_n3A_1191 = arith.select %and3A_1188, %add3A_1190, %rem3A_1176 : vector<16xi1>, vector<16xi32>
      %add3A_1192 = vector.broadcast %mul3A_207 : i32 to vector<16xi32>
      %add3A_1193 = arith.addi %add3A_1192, %add3A_1138 : vector<16xi32>
      tpu.vector_store_idx %arg12[%select_n3A_1169, %select_n3A_1191], %add3A_1193 masked %and3A_1134 : memref<4x128xi32, #tpu.memory_space<vmem>>[vector<16xi32>, vector<16xi32>], vector<16xi32>, vector<16xi1>
      %mul3A_1194 = arith.constant 128 : i32
      %mul3A_1195 = vector.broadcast %mul3A_1194 : i32 to vector<16xi32>
      %mul3A_1196 = arith.muli %add3A_1138, %mul3A_1195 : vector<16xi32>
      %add3A_1197 = arith.constant 256 : i32
      %add3A_1198 = vector.broadcast %add3A_1197 : i32 to vector<16xi32>
      %add3A_1199 = arith.addi %add3A_1198, %mul3A_1196 : vector<16xi32>
      tpu.vector_store_idx %arg13[%sub3A_1130], %add3A_1199 masked %and3A_1134 : memref<512xi32, #tpu.memory_space<vmem>>[vector<16xi32>], vector<16xi32>, vector<16xi1>
      %all_reduce_population_count3A_1200 = tpu.all_reduce %ge3A_1120 {dim = 0 : i64, kind = #tpu.reduction_kind<sum>} : vector<16xi1> -> vector<16xi32>
      %add3A_1201 = arith.addi %add3A_1117, %all_reduce_population_count3A_1200 : vector<16xi32>
      %get3A_1202 = arith.constant 192 : index
      %get3A_1203 = tpu.vector_load %arg9[%get3A_1202] {strides = array<i32>} : memref<512xf32, #tpu.memory_space<vmem>>, vector<16xf32>,
      %ge3A_1204 = arith.cmpf oge, %get3A_1203, %get3A_203 : vector<16xf32>
      %jit3A_1205 = arith.constant 1 : i32
      %jit3A_1206 = arith.constant 0 : i32
      %broadcast_in_dim3A_1207 = vector.broadcast %jit3A_1205 : i32 to vector<16xi32>
      %broadcast_in_dim3A_1208 = vector.broadcast %jit3A_1206 : i32 to vector<16xi32>
      %select_n3A_1209 = arith.select %ge3A_1204, %broadcast_in_dim3A_1207, %broadcast_in_dim3A_1208 : vector<16xi1>, vector<16xi32>
      %broadcast_in_dim3A_1210 = arith.constant true
      %broadcast_in_dim3A_1211 = vector.broadcast %broadcast_in_dim3A_1210 : i1 to vector<16xi1>
      %masked_cumsum3A_1212 = tpu.scan <sum>, %select_n3A_1209 masked %broadcast_in_dim3A_1211 : vector<16xi32>, vector<16xi1> -> vector<16xi32>
      %add3A_1213 = arith.addi %add3A_1201, %masked_cumsum3A_1212 : vector<16xi32>
      %sub3A_1214 = arith.subi %add3A_1213, %select_n3A_1209 : vector<16xi32>
      %lt3A_1215 = arith.constant 512 : i32
      %lt3A_1216 = vector.broadcast %lt3A_1215 : i32 to vector<16xi32>
      %lt3A_1217 = arith.cmpi slt, %sub3A_1214, %lt3A_1216 : vector<16xi32>
      %and3A_1218 = arith.andi %ge3A_1204, %lt3A_1217 : vector<16xi1>
      %iota3A_1219 = tpu.iota {dimensions = array<i32: 0>} : vector<16xi32>
      %add3A_1220 = arith.constant 192 : i32
      %add3A_1221 = vector.broadcast %add3A_1220 : i32 to vector<16xi32>
      %add3A_1222 = arith.addi %add3A_1221, %iota3A_1219 : vector<16xi32>
      %jit3A_1223 = arith.constant 128 : i32
      %div3A_1224 = vector.broadcast %jit3A_1223 : i32 to vector<16xi32>
      %div3A_1225 = arith.divsi %sub3A_1214, %div3A_1224 : vector<16xi32>
      %sign3A_1226 = arith.constant 0 : i32
      %sign3A_1227 = vector.broadcast %sign3A_1226 : i32 to vector<16xi32>
      %sign3A_1228 = arith.cmpi sgt, %sub3A_1214, %sign3A_1227 : vector<16xi32>
      %sign3A_1229 = arith.extui %sign3A_1228 : vector<16xi1> to vector<16xi32>
      %sign3A_1230 = arith.constant 0 : i32
      %sign3A_1231 = vector.broadcast %sign3A_1230 : i32 to vector<16xi32>
      %sign3A_1232 = arith.cmpi slt, %sub3A_1214, %sign3A_1231 : vector<16xi32>
      %sign3A_1233 = arith.extui %sign3A_1232 : vector<16xi1> to vector<16xi32>
      %sign3A_1234 = arith.subi %sign3A_1229, %sign3A_1233 : vector<16xi32>
      %sign3A_1235 = arith.constant 0 : i32
      %sign3A_1236 = arith.cmpi sgt, %jit3A_1223, %sign3A_1235 : i32
      %sign3A_1237 = arith.extui %sign3A_1236 : i1 to i32
      %sign3A_1238 = arith.constant 0 : i32
      %sign3A_1239 = arith.cmpi slt, %jit3A_1223, %sign3A_1238 : i32
      %sign3A_1240 = arith.extui %sign3A_1239 : i1 to i32
      %sign3A_1241 = arith.subi %sign3A_1237, %sign3A_1240 : i32
      %ne3A_1242 = vector.broadcast %sign3A_1241 : i32 to vector<16xi32>
      %ne3A_1243 = arith.cmpi ne, %sign3A_1234, %ne3A_1242 : vector<16xi32>
      %rem3A_1244 = vector.broadcast %jit3A_1223 : i32 to vector<16xi32>
      %rem3A_1245 = arith.remsi %sub3A_1214, %rem3A_1244 : vector<16xi32>
      %ne3A_1246 = arith.constant 0 : i32
      %ne3A_1247 = vector.broadcast %ne3A_1246 : i32 to vector<16xi32>
      %ne3A_1248 = arith.cmpi ne, %rem3A_1245, %ne3A_1247 : vector<16xi32>
      %and3A_1249 = arith.andi %ne3A_1243, %ne3A_1248 : vector<16xi1>
      %sub3A_1250 = arith.constant 1 : i32
      %sub3A_1251 = vector.broadcast %sub3A_1250 : i32 to vector<16xi32>
      %sub3A_1252 = arith.subi %div3A_1225, %sub3A_1251 : vector<16xi32>
      %select_n3A_1253 = arith.select %and3A_1249, %sub3A_1252, %div3A_1225 : vector<16xi1>, vector<16xi32>
      %jit3A_1254 = arith.constant 128 : i32
      %eq3A_1255 = arith.constant 0 : i32
      %eq3A_1256 = arith.cmpi eq, %jit3A_1254, %eq3A_1255 : i32
      %jit3A_1257 = arith.constant 1 : i32
      %select_n3A_1258 = arith.select %eq3A_1256, %jit3A_1257, %jit3A_1254 : i32
      %rem3A_1259 = vector.broadcast %select_n3A_1258 : i32 to vector<16xi32>
      %rem3A_1260 = arith.remsi %sub3A_1214, %rem3A_1259 : vector<16xi32>
      %ne3A_1261 = arith.constant 0 : i32
      %ne3A_1262 = vector.broadcast %ne3A_1261 : i32 to vector<16xi32>
      %ne3A_1263 = arith.cmpi ne, %rem3A_1260, %ne3A_1262 : vector<16xi32>
      %lt3A_1264 = arith.constant 0 : i32
      %lt3A_1265 = vector.broadcast %lt3A_1264 : i32 to vector<16xi32>
      %lt3A_1266 = arith.cmpi slt, %rem3A_1260, %lt3A_1265 : vector<16xi32>
      %lt3A_1267 = arith.constant 0 : i32
      %lt3A_1268 = arith.cmpi slt, %select_n3A_1258, %lt3A_1267 : i32
      %ne3A_1269 = vector.broadcast %lt3A_1268 : i1 to vector<16xi1>
      %ne3A_1270 = vector.broadcast %ne3A_1269 : vector<16xi1> to vector<16xi1>
      %ne3A_1271 = arith.xori %lt3A_1266, %ne3A_1270 : vector<16xi1>
      %and3A_1272 = arith.andi %ne3A_1271, %ne3A_1263 : vector<16xi1>
      %add3A_1273 = vector.broadcast %select_n3A_1258 : i32 to vector<16xi32>
      %add3A_1274 = arith.addi %rem3A_1260, %add3A_1273 : vector<16xi32>
      %select_n3A_1275 = arith.select %and3A_1272, %add3A_1274, %rem3A_1260 : vector<16xi1>, vector<16xi32>
      %add3A_1276 = vector.broadcast %mul3A_207 : i32 to vector<16xi32>
      %add3A_1277 = arith.addi %add3A_1276, %add3A_1222 : vector<16xi32>
      tpu.vector_store_idx %arg12[%select_n3A_1253, %select_n3A_1275], %add3A_1277 masked %and3A_1218 : memref<4x128xi32, #tpu.memory_space<vmem>>[vector<16xi32>, vector<16xi32>], vector<16xi32>, vector<16xi1>
      %mul3A_1278 = arith.constant 128 : i32
      %mul3A_1279 = vector.broadcast %mul3A_1278 : i32 to vector<16xi32>
      %mul3A_1280 = arith.muli %add3A_1222, %mul3A_1279 : vector<16xi32>
      %add3A_1281 = arith.constant 256 : i32
      %add3A_1282 = vector.broadcast %add3A_1281 : i32 to vector<16xi32>
      %add3A_1283 = arith.addi %add3A_1282, %mul3A_1280 : vector<16xi32>
      tpu.vector_store_idx %arg13[%sub3A_1214], %add3A_1283 masked %and3A_1218 : memref<512xi32, #tpu.memory_space<vmem>>[vector<16xi32>], vector<16xi32>, vector<16xi1>
      %all_reduce_population_count3A_1284 = tpu.all_reduce %ge3A_1204 {dim = 0 : i64, kind = #tpu.reduction_kind<sum>} : vector<16xi1> -> vector<16xi32>
      %add3A_1285 = arith.addi %add3A_1201, %all_reduce_population_count3A_1284 : vector<16xi32>
      %get3A_1286 = arith.constant 208 : index
      %get3A_1287 = tpu.vector_load %arg9[%get3A_1286] {strides = array<i32>} : memref<512xf32, #tpu.memory_space<vmem>>, vector<16xf32>,
      %ge3A_1288 = arith.cmpf oge, %get3A_1287, %get3A_203 : vector<16xf32>
      %jit3A_1289 = arith.constant 1 : i32
      %jit3A_1290 = arith.constant 0 : i32
      %broadcast_in_dim3A_1291 = vector.broadcast %jit3A_1289 : i32 to vector<16xi32>
      %broadcast_in_dim3A_1292 = vector.broadcast %jit3A_1290 : i32 to vector<16xi32>
      %select_n3A_1293 = arith.select %ge3A_1288, %broadcast_in_dim3A_1291, %broadcast_in_dim3A_1292 : vector<16xi1>, vector<16xi32>
      %broadcast_in_dim3A_1294 = arith.constant true
      %broadcast_in_dim3A_1295 = vector.broadcast %broadcast_in_dim3A_1294 : i1 to vector<16xi1>
      %masked_cumsum3A_1296 = tpu.scan <sum>, %select_n3A_1293 masked %broadcast_in_dim3A_1295 : vector<16xi32>, vector<16xi1> -> vector<16xi32>
      %add3A_1297 = arith.addi %add3A_1285, %masked_cumsum3A_1296 : vector<16xi32>
      %sub3A_1298 = arith.subi %add3A_1297, %select_n3A_1293 : vector<16xi32>
      %lt3A_1299 = arith.constant 512 : i32
      %lt3A_1300 = vector.broadcast %lt3A_1299 : i32 to vector<16xi32>
      %lt3A_1301 = arith.cmpi slt, %sub3A_1298, %lt3A_1300 : vector<16xi32>
      %and3A_1302 = arith.andi %ge3A_1288, %lt3A_1301 : vector<16xi1>
      %iota3A_1303 = tpu.iota {dimensions = array<i32: 0>} : vector<16xi32>
      %add3A_1304 = arith.constant 208 : i32
      %add3A_1305 = vector.broadcast %add3A_1304 : i32 to vector<16xi32>
      %add3A_1306 = arith.addi %add3A_1305, %iota3A_1303 : vector<16xi32>
      %jit3A_1307 = arith.constant 128 : i32
      %div3A_1308 = vector.broadcast %jit3A_1307 : i32 to vector<16xi32>
      %div3A_1309 = arith.divsi %sub3A_1298, %div3A_1308 : vector<16xi32>
      %sign3A_1310 = arith.constant 0 : i32
      %sign3A_1311 = vector.broadcast %sign3A_1310 : i32 to vector<16xi32>
      %sign3A_1312 = arith.cmpi sgt, %sub3A_1298, %sign3A_1311 : vector<16xi32>
      %sign3A_1313 = arith.extui %sign3A_1312 : vector<16xi1> to vector<16xi32>
      %sign3A_1314 = arith.constant 0 : i32
      %sign3A_1315 = vector.broadcast %sign3A_1314 : i32 to vector<16xi32>
      %sign3A_1316 = arith.cmpi slt, %sub3A_1298, %sign3A_1315 : vector<16xi32>
      %sign3A_1317 = arith.extui %sign3A_1316 : vector<16xi1> to vector<16xi32>
      %sign3A_1318 = arith.subi %sign3A_1313, %sign3A_1317 : vector<16xi32>
      %sign3A_1319 = arith.constant 0 : i32
      %sign3A_1320 = arith.cmpi sgt, %jit3A_1307, %sign3A_1319 : i32
      %sign3A_1321 = arith.extui %sign3A_1320 : i1 to i32
      %sign3A_1322 = arith.constant 0 : i32
      %sign3A_1323 = arith.cmpi slt, %jit3A_1307, %sign3A_1322 : i32
      %sign3A_1324 = arith.extui %sign3A_1323 : i1 to i32
      %sign3A_1325 = arith.subi %sign3A_1321, %sign3A_1324 : i32
      %ne3A_1326 = vector.broadcast %sign3A_1325 : i32 to vector<16xi32>
      %ne3A_1327 = arith.cmpi ne, %sign3A_1318, %ne3A_1326 : vector<16xi32>
      %rem3A_1328 = vector.broadcast %jit3A_1307 : i32 to vector<16xi32>
      %rem3A_1329 = arith.remsi %sub3A_1298, %rem3A_1328 : vector<16xi32>
      %ne3A_1330 = arith.constant 0 : i32
      %ne3A_1331 = vector.broadcast %ne3A_1330 : i32 to vector<16xi32>
      %ne3A_1332 = arith.cmpi ne, %rem3A_1329, %ne3A_1331 : vector<16xi32>
      %and3A_1333 = arith.andi %ne3A_1327, %ne3A_1332 : vector<16xi1>
      %sub3A_1334 = arith.constant 1 : i32
      %sub3A_1335 = vector.broadcast %sub3A_1334 : i32 to vector<16xi32>
      %sub3A_1336 = arith.subi %div3A_1309, %sub3A_1335 : vector<16xi32>
      %select_n3A_1337 = arith.select %and3A_1333, %sub3A_1336, %div3A_1309 : vector<16xi1>, vector<16xi32>
      %jit3A_1338 = arith.constant 128 : i32
      %eq3A_1339 = arith.constant 0 : i32
      %eq3A_1340 = arith.cmpi eq, %jit3A_1338, %eq3A_1339 : i32
      %jit3A_1341 = arith.constant 1 : i32
      %select_n3A_1342 = arith.select %eq3A_1340, %jit3A_1341, %jit3A_1338 : i32
      %rem3A_1343 = vector.broadcast %select_n3A_1342 : i32 to vector<16xi32>
      %rem3A_1344 = arith.remsi %sub3A_1298, %rem3A_1343 : vector<16xi32>
      %ne3A_1345 = arith.constant 0 : i32
      %ne3A_1346 = vector.broadcast %ne3A_1345 : i32 to vector<16xi32>
      %ne3A_1347 = arith.cmpi ne, %rem3A_1344, %ne3A_1346 : vector<16xi32>
      %lt3A_1348 = arith.constant 0 : i32
      %lt3A_1349 = vector.broadcast %lt3A_1348 : i32 to vector<16xi32>
      %lt3A_1350 = arith.cmpi slt, %rem3A_1344, %lt3A_1349 : vector<16xi32>
      %lt3A_1351 = arith.constant 0 : i32
      %lt3A_1352 = arith.cmpi slt, %select_n3A_1342, %lt3A_1351 : i32
      %ne3A_1353 = vector.broadcast %lt3A_1352 : i1 to vector<16xi1>
      %ne3A_1354 = vector.broadcast %ne3A_1353 : vector<16xi1> to vector<16xi1>
      %ne3A_1355 = arith.xori %lt3A_1350, %ne3A_1354 : vector<16xi1>
      %and3A_1356 = arith.andi %ne3A_1355, %ne3A_1347 : vector<16xi1>
      %add3A_1357 = vector.broadcast %select_n3A_1342 : i32 to vector<16xi32>
      %add3A_1358 = arith.addi %rem3A_1344, %add3A_1357 : vector<16xi32>
      %select_n3A_1359 = arith.select %and3A_1356, %add3A_1358, %rem3A_1344 : vector<16xi1>, vector<16xi32>
      %add3A_1360 = vector.broadcast %mul3A_207 : i32 to vector<16xi32>
      %add3A_1361 = arith.addi %add3A_1360, %add3A_1306 : vector<16xi32>
      tpu.vector_store_idx %arg12[%select_n3A_1337, %select_n3A_1359], %add3A_1361 masked %and3A_1302 : memref<4x128xi32, #tpu.memory_space<vmem>>[vector<16xi32>, vector<16xi32>], vector<16xi32>, vector<16xi1>
      %mul3A_1362 = arith.constant 128 : i32
      %mul3A_1363 = vector.broadcast %mul3A_1362 : i32 to vector<16xi32>
      %mul3A_1364 = arith.muli %add3A_1306, %mul3A_1363 : vector<16xi32>
      %add3A_1365 = arith.constant 256 : i32
      %add3A_1366 = vector.broadcast %add3A_1365 : i32 to vector<16xi32>
      %add3A_1367 = arith.addi %add3A_1366, %mul3A_1364 : vector<16xi32>
      tpu.vector_store_idx %arg13[%sub3A_1298], %add3A_1367 masked %and3A_1302 : memref<512xi32, #tpu.memory_space<vmem>>[vector<16xi32>], vector<16xi32>, vector<16xi1>
      %all_reduce_population_count3A_1368 = tpu.all_reduce %ge3A_1288 {dim = 0 : i64, kind = #tpu.reduction_kind<sum>} : vector<16xi1> -> vector<16xi32>
      %add3A_1369 = arith.addi %add3A_1285, %all_reduce_population_count3A_1368 : vector<16xi32>
      %get3A_1370 = arith.constant 224 : index
      %get3A_1371 = tpu.vector_load %arg9[%get3A_1370] {strides = array<i32>} : memref<512xf32, #tpu.memory_space<vmem>>, vector<16xf32>,
      %ge3A_1372 = arith.cmpf oge, %get3A_1371, %get3A_203 : vector<16xf32>
      %jit3A_1373 = arith.constant 1 : i32
      %jit3A_1374 = arith.constant 0 : i32
      %broadcast_in_dim3A_1375 = vector.broadcast %jit3A_1373 : i32 to vector<16xi32>
      %broadcast_in_dim3A_1376 = vector.broadcast %jit3A_1374 : i32 to vector<16xi32>
      %select_n3A_1377 = arith.select %ge3A_1372, %broadcast_in_dim3A_1375, %broadcast_in_dim3A_1376 : vector<16xi1>, vector<16xi32>
      %broadcast_in_dim3A_1378 = arith.constant true
      %broadcast_in_dim3A_1379 = vector.broadcast %broadcast_in_dim3A_1378 : i1 to vector<16xi1>
      %masked_cumsum3A_1380 = tpu.scan <sum>, %select_n3A_1377 masked %broadcast_in_dim3A_1379 : vector<16xi32>, vector<16xi1> -> vector<16xi32>
      %add3A_1381 = arith.addi %add3A_1369, %masked_cumsum3A_1380 : vector<16xi32>
      %sub3A_1382 = arith.subi %add3A_1381, %select_n3A_1377 : vector<16xi32>
      %lt3A_1383 = arith.constant 512 : i32
      %lt3A_1384 = vector.broadcast %lt3A_1383 : i32 to vector<16xi32>
      %lt3A_1385 = arith.cmpi slt, %sub3A_1382, %lt3A_1384 : vector<16xi32>
      %and3A_1386 = arith.andi %ge3A_1372, %lt3A_1385 : vector<16xi1>
      %iota3A_1387 = tpu.iota {dimensions = array<i32: 0>} : vector<16xi32>
      %add3A_1388 = arith.constant 224 : i32
      %add3A_1389 = vector.broadcast %add3A_1388 : i32 to vector<16xi32>
      %add3A_1390 = arith.addi %add3A_1389, %iota3A_1387 : vector<16xi32>
      %jit3A_1391 = arith.constant 128 : i32
      %div3A_1392 = vector.broadcast %jit3A_1391 : i32 to vector<16xi32>
      %div3A_1393 = arith.divsi %sub3A_1382, %div3A_1392 : vector<16xi32>
      %sign3A_1394 = arith.constant 0 : i32
      %sign3A_1395 = vector.broadcast %sign3A_1394 : i32 to vector<16xi32>
      %sign3A_1396 = arith.cmpi sgt, %sub3A_1382, %sign3A_1395 : vector<16xi32>
      %sign3A_1397 = arith.extui %sign3A_1396 : vector<16xi1> to vector<16xi32>
      %sign3A_1398 = arith.constant 0 : i32
      %sign3A_1399 = vector.broadcast %sign3A_1398 : i32 to vector<16xi32>
      %sign3A_1400 = arith.cmpi slt, %sub3A_1382, %sign3A_1399 : vector<16xi32>
      %sign3A_1401 = arith.extui %sign3A_1400 : vector<16xi1> to vector<16xi32>
      %sign3A_1402 = arith.subi %sign3A_1397, %sign3A_1401 : vector<16xi32>
      %sign3A_1403 = arith.constant 0 : i32
      %sign3A_1404 = arith.cmpi sgt, %jit3A_1391, %sign3A_1403 : i32
      %sign3A_1405 = arith.extui %sign3A_1404 : i1 to i32
      %sign3A_1406 = arith.constant 0 : i32
      %sign3A_1407 = arith.cmpi slt, %jit3A_1391, %sign3A_1406 : i32
      %sign3A_1408 = arith.extui %sign3A_1407 : i1 to i32
      %sign3A_1409 = arith.subi %sign3A_1405, %sign3A_1408 : i32
      %ne3A_1410 = vector.broadcast %sign3A_1409 : i32 to vector<16xi32>
      %ne3A_1411 = arith.cmpi ne, %sign3A_1402, %ne3A_1410 : vector<16xi32>
      %rem3A_1412 = vector.broadcast %jit3A_1391 : i32 to vector<16xi32>
      %rem3A_1413 = arith.remsi %sub3A_1382, %rem3A_1412 : vector<16xi32>
      %ne3A_1414 = arith.constant 0 : i32
      %ne3A_1415 = vector.broadcast %ne3A_1414 : i32 to vector<16xi32>
      %ne3A_1416 = arith.cmpi ne, %rem3A_1413, %ne3A_1415 : vector<16xi32>
      %and3A_1417 = arith.andi %ne3A_1411, %ne3A_1416 : vector<16xi1>
      %sub3A_1418 = arith.constant 1 : i32
      %sub3A_1419 = vector.broadcast %sub3A_1418 : i32 to vector<16xi32>
      %sub3A_1420 = arith.subi %div3A_1393, %sub3A_1419 : vector<16xi32>
      %select_n3A_1421 = arith.select %and3A_1417, %sub3A_1420, %div3A_1393 : vector<16xi1>, vector<16xi32>
      %jit3A_1422 = arith.constant 128 : i32
      %eq3A_1423 = arith.constant 0 : i32
      %eq3A_1424 = arith.cmpi eq, %jit3A_1422, %eq3A_1423 : i32
      %jit3A_1425 = arith.constant 1 : i32
      %select_n3A_1426 = arith.select %eq3A_1424, %jit3A_1425, %jit3A_1422 : i32
      %rem3A_1427 = vector.broadcast %select_n3A_1426 : i32 to vector<16xi32>
      %rem3A_1428 = arith.remsi %sub3A_1382, %rem3A_1427 : vector<16xi32>
      %ne3A_1429 = arith.constant 0 : i32
      %ne3A_1430 = vector.broadcast %ne3A_1429 : i32 to vector<16xi32>
      %ne3A_1431 = arith.cmpi ne, %rem3A_1428, %ne3A_1430 : vector<16xi32>
      %lt3A_1432 = arith.constant 0 : i32
      %lt3A_1433 = vector.broadcast %lt3A_1432 : i32 to vector<16xi32>
      %lt3A_1434 = arith.cmpi slt, %rem3A_1428, %lt3A_1433 : vector<16xi32>
      %lt3A_1435 = arith.constant 0 : i32
      %lt3A_1436 = arith.cmpi slt, %select_n3A_1426, %lt3A_1435 : i32
      %ne3A_1437 = vector.broadcast %lt3A_1436 : i1 to vector<16xi1>
      %ne3A_1438 = vector.broadcast %ne3A_1437 : vector<16xi1> to vector<16xi1>
      %ne3A_1439 = arith.xori %lt3A_1434, %ne3A_1438 : vector<16xi1>
      %and3A_1440 = arith.andi %ne3A_1439, %ne3A_1431 : vector<16xi1>
      %add3A_1441 = vector.broadcast %select_n3A_1426 : i32 to vector<16xi32>
      %add3A_1442 = arith.addi %rem3A_1428, %add3A_1441 : vector<16xi32>
      %select_n3A_1443 = arith.select %and3A_1440, %add3A_1442, %rem3A_1428 : vector<16xi1>, vector<16xi32>
      %add3A_1444 = vector.broadcast %mul3A_207 : i32 to vector<16xi32>
      %add3A_1445 = arith.addi %add3A_1444, %add3A_1390 : vector<16xi32>
      tpu.vector_store_idx %arg12[%select_n3A_1421, %select_n3A_1443], %add3A_1445 masked %and3A_1386 : memref<4x128xi32, #tpu.memory_space<vmem>>[vector<16xi32>, vector<16xi32>], vector<16xi32>, vector<16xi1>
      %mul3A_1446 = arith.constant 128 : i32
      %mul3A_1447 = vector.broadcast %mul3A_1446 : i32 to vector<16xi32>
      %mul3A_1448 = arith.muli %add3A_1390, %mul3A_1447 : vector<16xi32>
      %add3A_1449 = arith.constant 256 : i32
      %add3A_1450 = vector.broadcast %add3A_1449 : i32 to vector<16xi32>
      %add3A_1451 = arith.addi %add3A_1450, %mul3A_1448 : vector<16xi32>
      tpu.vector_store_idx %arg13[%sub3A_1382], %add3A_1451 masked %and3A_1386 : memref<512xi32, #tpu.memory_space<vmem>>[vector<16xi32>], vector<16xi32>, vector<16xi1>
      %all_reduce_population_count3A_1452 = tpu.all_reduce %ge3A_1372 {dim = 0 : i64, kind = #tpu.reduction_kind<sum>} : vector<16xi1> -> vector<16xi32>
      %add3A_1453 = arith.addi %add3A_1369, %all_reduce_population_count3A_1452 : vector<16xi32>
      %get3A_1454 = arith.constant 240 : index
      %get3A_1455 = tpu.vector_load %arg9[%get3A_1454] {strides = array<i32>} : memref<512xf32, #tpu.memory_space<vmem>>, vector<16xf32>,
      %ge3A_1456 = arith.cmpf oge, %get3A_1455, %get3A_203 : vector<16xf32>
      %jit3A_1457 = arith.constant 1 : i32
      %jit3A_1458 = arith.constant 0 : i32
      %broadcast_in_dim3A_1459 = vector.broadcast %jit3A_1457 : i32 to vector<16xi32>
      %broadcast_in_dim3A_1460 = vector.broadcast %jit3A_1458 : i32 to vector<16xi32>
      %select_n3A_1461 = arith.select %ge3A_1456, %broadcast_in_dim3A_1459, %broadcast_in_dim3A_1460 : vector<16xi1>, vector<16xi32>
      %broadcast_in_dim3A_1462 = arith.constant true
      %broadcast_in_dim3A_1463 = vector.broadcast %broadcast_in_dim3A_1462 : i1 to vector<16xi1>
      %masked_cumsum3A_1464 = tpu.scan <sum>, %select_n3A_1461 masked %broadcast_in_dim3A_1463 : vector<16xi32>, vector<16xi1> -> vector<16xi32>
      %add3A_1465 = arith.addi %add3A_1453, %masked_cumsum3A_1464 : vector<16xi32>
      %sub3A_1466 = arith.subi %add3A_1465, %select_n3A_1461 : vector<16xi32>
      %lt3A_1467 = arith.constant 512 : i32
      %lt3A_1468 = vector.broadcast %lt3A_1467 : i32 to vector<16xi32>
      %lt3A_1469 = arith.cmpi slt, %sub3A_1466, %lt3A_1468 : vector<16xi32>
      %and3A_1470 = arith.andi %ge3A_1456, %lt3A_1469 : vector<16xi1>
      %iota3A_1471 = tpu.iota {dimensions = array<i32: 0>} : vector<16xi32>
      %add3A_1472 = arith.constant 240 : i32
      %add3A_1473 = vector.broadcast %add3A_1472 : i32 to vector<16xi32>
      %add3A_1474 = arith.addi %add3A_1473, %iota3A_1471 : vector<16xi32>
      %jit3A_1475 = arith.constant 128 : i32
      %div3A_1476 = vector.broadcast %jit3A_1475 : i32 to vector<16xi32>
      %div3A_1477 = arith.divsi %sub3A_1466, %div3A_1476 : vector<16xi32>
      %sign3A_1478 = arith.constant 0 : i32
      %sign3A_1479 = vector.broadcast %sign3A_1478 : i32 to vector<16xi32>
      %sign3A_1480 = arith.cmpi sgt, %sub3A_1466, %sign3A_1479 : vector<16xi32>
      %sign3A_1481 = arith.extui %sign3A_1480 : vector<16xi1> to vector<16xi32>
      %sign3A_1482 = arith.constant 0 : i32
      %sign3A_1483 = vector.broadcast %sign3A_1482 : i32 to vector<16xi32>
      %sign3A_1484 = arith.cmpi slt, %sub3A_1466, %sign3A_1483 : vector<16xi32>
      %sign3A_1485 = arith.extui %sign3A_1484 : vector<16xi1> to vector<16xi32>
      %sign3A_1486 = arith.subi %sign3A_1481, %sign3A_1485 : vector<16xi32>
      %sign3A_1487 = arith.constant 0 : i32
      %sign3A_1488 = arith.cmpi sgt, %jit3A_1475, %sign3A_1487 : i32
      %sign3A_1489 = arith.extui %sign3A_1488 : i1 to i32
      %sign3A_1490 = arith.constant 0 : i32
      %sign3A_1491 = arith.cmpi slt, %jit3A_1475, %sign3A_1490 : i32
      %sign3A_1492 = arith.extui %sign3A_1491 : i1 to i32
      %sign3A_1493 = arith.subi %sign3A_1489, %sign3A_1492 : i32
      %ne3A_1494 = vector.broadcast %sign3A_1493 : i32 to vector<16xi32>
      %ne3A_1495 = arith.cmpi ne, %sign3A_1486, %ne3A_1494 : vector<16xi32>
      %rem3A_1496 = vector.broadcast %jit3A_1475 : i32 to vector<16xi32>
      %rem3A_1497 = arith.remsi %sub3A_1466, %rem3A_1496 : vector<16xi32>
      %ne3A_1498 = arith.constant 0 : i32
      %ne3A_1499 = vector.broadcast %ne3A_1498 : i32 to vector<16xi32>
      %ne3A_1500 = arith.cmpi ne, %rem3A_1497, %ne3A_1499 : vector<16xi32>
      %and3A_1501 = arith.andi %ne3A_1495, %ne3A_1500 : vector<16xi1>
      %sub3A_1502 = arith.constant 1 : i32
      %sub3A_1503 = vector.broadcast %sub3A_1502 : i32 to vector<16xi32>
      %sub3A_1504 = arith.subi %div3A_1477, %sub3A_1503 : vector<16xi32>
      %select_n3A_1505 = arith.select %and3A_1501, %sub3A_1504, %div3A_1477 : vector<16xi1>, vector<16xi32>
      %jit3A_1506 = arith.constant 128 : i32
      %eq3A_1507 = arith.constant 0 : i32
      %eq3A_1508 = arith.cmpi eq, %jit3A_1506, %eq3A_1507 : i32
      %jit3A_1509 = arith.constant 1 : i32
      %select_n3A_1510 = arith.select %eq3A_1508, %jit3A_1509, %jit3A_1506 : i32
      %rem3A_1511 = vector.broadcast %select_n3A_1510 : i32 to vector<16xi32>
      %rem3A_1512 = arith.remsi %sub3A_1466, %rem3A_1511 : vector<16xi32>
      %ne3A_1513 = arith.constant 0 : i32
      %ne3A_1514 = vector.broadcast %ne3A_1513 : i32 to vector<16xi32>
      %ne3A_1515 = arith.cmpi ne, %rem3A_1512, %ne3A_1514 : vector<16xi32>
      %lt3A_1516 = arith.constant 0 : i32
      %lt3A_1517 = vector.broadcast %lt3A_1516 : i32 to vector<16xi32>
      %lt3A_1518 = arith.cmpi slt, %rem3A_1512, %lt3A_1517 : vector<16xi32>
      %lt3A_1519 = arith.constant 0 : i32
      %lt3A_1520 = arith.cmpi slt, %select_n3A_1510, %lt3A_1519 : i32
      %ne3A_1521 = vector.broadcast %lt3A_1520 : i1 to vector<16xi1>
      %ne3A_1522 = vector.broadcast %ne3A_1521 : vector<16xi1> to vector<16xi1>
      %ne3A_1523 = arith.xori %lt3A_1518, %ne3A_1522 : vector<16xi1>
      %and3A_1524 = arith.andi %ne3A_1523, %ne3A_1515 : vector<16xi1>
      %add3A_1525 = vector.broadcast %select_n3A_1510 : i32 to vector<16xi32>
      %add3A_1526 = arith.addi %rem3A_1512, %add3A_1525 : vector<16xi32>
      %select_n3A_1527 = arith.select %and3A_1524, %add3A_1526, %rem3A_1512 : vector<16xi1>, vector<16xi32>
      %add3A_1528 = vector.broadcast %mul3A_207 : i32 to vector<16xi32>
      %add3A_1529 = arith.addi %add3A_1528, %add3A_1474 : vector<16xi32>
      tpu.vector_store_idx %arg12[%select_n3A_1505, %select_n3A_1527], %add3A_1529 masked %and3A_1470 : memref<4x128xi32, #tpu.memory_space<vmem>>[vector<16xi32>, vector<16xi32>], vector<16xi32>, vector<16xi1>
      %mul3A_1530 = arith.constant 128 : i32
      %mul3A_1531 = vector.broadcast %mul3A_1530 : i32 to vector<16xi32>
      %mul3A_1532 = arith.muli %add3A_1474, %mul3A_1531 : vector<16xi32>
      %add3A_1533 = arith.constant 256 : i32
      %add3A_1534 = vector.broadcast %add3A_1533 : i32 to vector<16xi32>
      %add3A_1535 = arith.addi %add3A_1534, %mul3A_1532 : vector<16xi32>
      tpu.vector_store_idx %arg13[%sub3A_1466], %add3A_1535 masked %and3A_1470 : memref<512xi32, #tpu.memory_space<vmem>>[vector<16xi32>], vector<16xi32>, vector<16xi1>
      %all_reduce_population_count3A_1536 = tpu.all_reduce %ge3A_1456 {dim = 0 : i64, kind = #tpu.reduction_kind<sum>} : vector<16xi1> -> vector<16xi32>
      %add3A_1537 = arith.addi %add3A_1453, %all_reduce_population_count3A_1536 : vector<16xi32>
      %get3A_1538 = arith.constant 256 : index
      %get3A_1539 = tpu.vector_load %arg9[%get3A_1538] {strides = array<i32>} : memref<512xf32, #tpu.memory_space<vmem>>, vector<16xf32>,
      %ge3A_1540 = arith.cmpf oge, %get3A_1539, %get3A_203 : vector<16xf32>
      %jit3A_1541 = arith.constant 1 : i32
      %jit3A_1542 = arith.constant 0 : i32
      %broadcast_in_dim3A_1543 = vector.broadcast %jit3A_1541 : i32 to vector<16xi32>
      %broadcast_in_dim3A_1544 = vector.broadcast %jit3A_1542 : i32 to vector<16xi32>
      %select_n3A_1545 = arith.select %ge3A_1540, %broadcast_in_dim3A_1543, %broadcast_in_dim3A_1544 : vector<16xi1>, vector<16xi32>
      %broadcast_in_dim3A_1546 = arith.constant true
      %broadcast_in_dim3A_1547 = vector.broadcast %broadcast_in_dim3A_1546 : i1 to vector<16xi1>
      %masked_cumsum3A_1548 = tpu.scan <sum>, %select_n3A_1545 masked %broadcast_in_dim3A_1547 : vector<16xi32>, vector<16xi1> -> vector<16xi32>
      %add3A_1549 = arith.addi %add3A_1537, %masked_cumsum3A_1548 : vector<16xi32>
      %sub3A_1550 = arith.subi %add3A_1549, %select_n3A_1545 : vector<16xi32>
      %lt3A_1551 = arith.constant 512 : i32
      %lt3A_1552 = vector.broadcast %lt3A_1551 : i32 to vector<16xi32>
      %lt3A_1553 = arith.cmpi slt, %sub3A_1550, %lt3A_1552 : vector<16xi32>
      %and3A_1554 = arith.andi %ge3A_1540, %lt3A_1553 : vector<16xi1>
      %iota3A_1555 = tpu.iota {dimensions = array<i32: 0>} : vector<16xi32>
      %add3A_1556 = arith.constant 256 : i32
      %add3A_1557 = vector.broadcast %add3A_1556 : i32 to vector<16xi32>
      %add3A_1558 = arith.addi %add3A_1557, %iota3A_1555 : vector<16xi32>
      %jit3A_1559 = arith.constant 128 : i32
      %div3A_1560 = vector.broadcast %jit3A_1559 : i32 to vector<16xi32>
      %div3A_1561 = arith.divsi %sub3A_1550, %div3A_1560 : vector<16xi32>
      %sign3A_1562 = arith.constant 0 : i32
      %sign3A_1563 = vector.broadcast %sign3A_1562 : i32 to vector<16xi32>
      %sign3A_1564 = arith.cmpi sgt, %sub3A_1550, %sign3A_1563 : vector<16xi32>
      %sign3A_1565 = arith.extui %sign3A_1564 : vector<16xi1> to vector<16xi32>
      %sign3A_1566 = arith.constant 0 : i32
      %sign3A_1567 = vector.broadcast %sign3A_1566 : i32 to vector<16xi32>
      %sign3A_1568 = arith.cmpi slt, %sub3A_1550, %sign3A_1567 : vector<16xi32>
      %sign3A_1569 = arith.extui %sign3A_1568 : vector<16xi1> to vector<16xi32>
      %sign3A_1570 = arith.subi %sign3A_1565, %sign3A_1569 : vector<16xi32>
      %sign3A_1571 = arith.constant 0 : i32
      %sign3A_1572 = arith.cmpi sgt, %jit3A_1559, %sign3A_1571 : i32
      %sign3A_1573 = arith.extui %sign3A_1572 : i1 to i32
      %sign3A_1574 = arith.constant 0 : i32
      %sign3A_1575 = arith.cmpi slt, %jit3A_1559, %sign3A_1574 : i32
      %sign3A_1576 = arith.extui %sign3A_1575 : i1 to i32
      %sign3A_1577 = arith.subi %sign3A_1573, %sign3A_1576 : i32
      %ne3A_1578 = vector.broadcast %sign3A_1577 : i32 to vector<16xi32>
      %ne3A_1579 = arith.cmpi ne, %sign3A_1570, %ne3A_1578 : vector<16xi32>
      %rem3A_1580 = vector.broadcast %jit3A_1559 : i32 to vector<16xi32>
      %rem3A_1581 = arith.remsi %sub3A_1550, %rem3A_1580 : vector<16xi32>
      %ne3A_1582 = arith.constant 0 : i32
      %ne3A_1583 = vector.broadcast %ne3A_1582 : i32 to vector<16xi32>
      %ne3A_1584 = arith.cmpi ne, %rem3A_1581, %ne3A_1583 : vector<16xi32>
      %and3A_1585 = arith.andi %ne3A_1579, %ne3A_1584 : vector<16xi1>
      %sub3A_1586 = arith.constant 1 : i32
      %sub3A_1587 = vector.broadcast %sub3A_1586 : i32 to vector<16xi32>
      %sub3A_1588 = arith.subi %div3A_1561, %sub3A_1587 : vector<16xi32>
      %select_n3A_1589 = arith.select %and3A_1585, %sub3A_1588, %div3A_1561 : vector<16xi1>, vector<16xi32>
      %jit3A_1590 = arith.constant 128 : i32
      %eq3A_1591 = arith.constant 0 : i32
      %eq3A_1592 = arith.cmpi eq, %jit3A_1590, %eq3A_1591 : i32
      %jit3A_1593 = arith.constant 1 : i32
      %select_n3A_1594 = arith.select %eq3A_1592, %jit3A_1593, %jit3A_1590 : i32
      %rem3A_1595 = vector.broadcast %select_n3A_1594 : i32 to vector<16xi32>
      %rem3A_1596 = arith.remsi %sub3A_1550, %rem3A_1595 : vector<16xi32>
      %ne3A_1597 = arith.constant 0 : i32
      %ne3A_1598 = vector.broadcast %ne3A_1597 : i32 to vector<16xi32>
      %ne3A_1599 = arith.cmpi ne, %rem3A_1596, %ne3A_1598 : vector<16xi32>
      %lt3A_1600 = arith.constant 0 : i32
      %lt3A_1601 = vector.broadcast %lt3A_1600 : i32 to vector<16xi32>
      %lt3A_1602 = arith.cmpi slt, %rem3A_1596, %lt3A_1601 : vector<16xi32>
      %lt3A_1603 = arith.constant 0 : i32
      %lt3A_1604 = arith.cmpi slt, %select_n3A_1594, %lt3A_1603 : i32
      %ne3A_1605 = vector.broadcast %lt3A_1604 : i1 to vector<16xi1>
      %ne3A_1606 = vector.broadcast %ne3A_1605 : vector<16xi1> to vector<16xi1>
      %ne3A_1607 = arith.xori %lt3A_1602, %ne3A_1606 : vector<16xi1>
      %and3A_1608 = arith.andi %ne3A_1607, %ne3A_1599 : vector<16xi1>
      %add3A_1609 = vector.broadcast %select_n3A_1594 : i32 to vector<16xi32>
      %add3A_1610 = arith.addi %rem3A_1596, %add3A_1609 : vector<16xi32>
      %select_n3A_1611 = arith.select %and3A_1608, %add3A_1610, %rem3A_1596 : vector<16xi1>, vector<16xi32>
      %add3A_1612 = vector.broadcast %mul3A_207 : i32 to vector<16xi32>
      %add3A_1613 = arith.addi %add3A_1612, %add3A_1558 : vector<16xi32>
      tpu.vector_store_idx %arg12[%select_n3A_1589, %select_n3A_1611], %add3A_1613 masked %and3A_1554 : memref<4x128xi32, #tpu.memory_space<vmem>>[vector<16xi32>, vector<16xi32>], vector<16xi32>, vector<16xi1>
      %mul3A_1614 = arith.constant 128 : i32
      %mul3A_1615 = vector.broadcast %mul3A_1614 : i32 to vector<16xi32>
      %mul3A_1616 = arith.muli %add3A_1558, %mul3A_1615 : vector<16xi32>
      %add3A_1617 = arith.constant 256 : i32
      %add3A_1618 = vector.broadcast %add3A_1617 : i32 to vector<16xi32>
      %add3A_1619 = arith.addi %add3A_1618, %mul3A_1616 : vector<16xi32>
      tpu.vector_store_idx %arg13[%sub3A_1550], %add3A_1619 masked %and3A_1554 : memref<512xi32, #tpu.memory_space<vmem>>[vector<16xi32>], vector<16xi32>, vector<16xi1>
      %all_reduce_population_count3A_1620 = tpu.all_reduce %ge3A_1540 {dim = 0 : i64, kind = #tpu.reduction_kind<sum>} : vector<16xi1> -> vector<16xi32>
      %add3A_1621 = arith.addi %add3A_1537, %all_reduce_population_count3A_1620 : vector<16xi32>
      %get3A_1622 = arith.constant 272 : index
      %get3A_1623 = tpu.vector_load %arg9[%get3A_1622] {strides = array<i32>} : memref<512xf32, #tpu.memory_space<vmem>>, vector<16xf32>,
      %ge3A_1624 = arith.cmpf oge, %get3A_1623, %get3A_203 : vector<16xf32>
      %jit3A_1625 = arith.constant 1 : i32
      %jit3A_1626 = arith.constant 0 : i32
      %broadcast_in_dim3A_1627 = vector.broadcast %jit3A_1625 : i32 to vector<16xi32>
      %broadcast_in_dim3A_1628 = vector.broadcast %jit3A_1626 : i32 to vector<16xi32>
      %select_n3A_1629 = arith.select %ge3A_1624, %broadcast_in_dim3A_1627, %broadcast_in_dim3A_1628 : vector<16xi1>, vector<16xi32>
      %broadcast_in_dim3A_1630 = arith.constant true
      %broadcast_in_dim3A_1631 = vector.broadcast %broadcast_in_dim3A_1630 : i1 to vector<16xi1>
      %masked_cumsum3A_1632 = tpu.scan <sum>, %select_n3A_1629 masked %broadcast_in_dim3A_1631 : vector<16xi32>, vector<16xi1> -> vector<16xi32>
      %add3A_1633 = arith.addi %add3A_1621, %masked_cumsum3A_1632 : vector<16xi32>
      %sub3A_1634 = arith.subi %add3A_1633, %select_n3A_1629 : vector<16xi32>
      %lt3A_1635 = arith.constant 512 : i32
      %lt3A_1636 = vector.broadcast %lt3A_1635 : i32 to vector<16xi32>
      %lt3A_1637 = arith.cmpi slt, %sub3A_1634, %lt3A_1636 : vector<16xi32>
      %and3A_1638 = arith.andi %ge3A_1624, %lt3A_1637 : vector<16xi1>
      %iota3A_1639 = tpu.iota {dimensions = array<i32: 0>} : vector<16xi32>
      %add3A_1640 = arith.constant 272 : i32
      %add3A_1641 = vector.broadcast %add3A_1640 : i32 to vector<16xi32>
      %add3A_1642 = arith.addi %add3A_1641, %iota3A_1639 : vector<16xi32>
      %jit3A_1643 = arith.constant 128 : i32
      %div3A_1644 = vector.broadcast %jit3A_1643 : i32 to vector<16xi32>
      %div3A_1645 = arith.divsi %sub3A_1634, %div3A_1644 : vector<16xi32>
      %sign3A_1646 = arith.constant 0 : i32
      %sign3A_1647 = vector.broadcast %sign3A_1646 : i32 to vector<16xi32>
      %sign3A_1648 = arith.cmpi sgt, %sub3A_1634, %sign3A_1647 : vector<16xi32>
      %sign3A_1649 = arith.extui %sign3A_1648 : vector<16xi1> to vector<16xi32>
      %sign3A_1650 = arith.constant 0 : i32
      %sign3A_1651 = vector.broadcast %sign3A_1650 : i32 to vector<16xi32>
      %sign3A_1652 = arith.cmpi slt, %sub3A_1634, %sign3A_1651 : vector<16xi32>
      %sign3A_1653 = arith.extui %sign3A_1652 : vector<16xi1> to vector<16xi32>
      %sign3A_1654 = arith.subi %sign3A_1649, %sign3A_1653 : vector<16xi32>
      %sign3A_1655 = arith.constant 0 : i32
      %sign3A_1656 = arith.cmpi sgt, %jit3A_1643, %sign3A_1655 : i32
      %sign3A_1657 = arith.extui %sign3A_1656 : i1 to i32
      %sign3A_1658 = arith.constant 0 : i32
      %sign3A_1659 = arith.cmpi slt, %jit3A_1643, %sign3A_1658 : i32
      %sign3A_1660 = arith.extui %sign3A_1659 : i1 to i32
      %sign3A_1661 = arith.subi %sign3A_1657, %sign3A_1660 : i32
      %ne3A_1662 = vector.broadcast %sign3A_1661 : i32 to vector<16xi32>
      %ne3A_1663 = arith.cmpi ne, %sign3A_1654, %ne3A_1662 : vector<16xi32>
      %rem3A_1664 = vector.broadcast %jit3A_1643 : i32 to vector<16xi32>
      %rem3A_1665 = arith.remsi %sub3A_1634, %rem3A_1664 : vector<16xi32>
      %ne3A_1666 = arith.constant 0 : i32
      %ne3A_1667 = vector.broadcast %ne3A_1666 : i32 to vector<16xi32>
      %ne3A_1668 = arith.cmpi ne, %rem3A_1665, %ne3A_1667 : vector<16xi32>
      %and3A_1669 = arith.andi %ne3A_1663, %ne3A_1668 : vector<16xi1>
      %sub3A_1670 = arith.constant 1 : i32
      %sub3A_1671 = vector.broadcast %sub3A_1670 : i32 to vector<16xi32>
      %sub3A_1672 = arith.subi %div3A_1645, %sub3A_1671 : vector<16xi32>
      %select_n3A_1673 = arith.select %and3A_1669, %sub3A_1672, %div3A_1645 : vector<16xi1>, vector<16xi32>
      %jit3A_1674 = arith.constant 128 : i32
      %eq3A_1675 = arith.constant 0 : i32
      %eq3A_1676 = arith.cmpi eq, %jit3A_1674, %eq3A_1675 : i32
      %jit3A_1677 = arith.constant 1 : i32
      %select_n3A_1678 = arith.select %eq3A_1676, %jit3A_1677, %jit3A_1674 : i32
      %rem3A_1679 = vector.broadcast %select_n3A_1678 : i32 to vector<16xi32>
      %rem3A_1680 = arith.remsi %sub3A_1634, %rem3A_1679 : vector<16xi32>
      %ne3A_1681 = arith.constant 0 : i32
      %ne3A_1682 = vector.broadcast %ne3A_1681 : i32 to vector<16xi32>
      %ne3A_1683 = arith.cmpi ne, %rem3A_1680, %ne3A_1682 : vector<16xi32>
      %lt3A_1684 = arith.constant 0 : i32
      %lt3A_1685 = vector.broadcast %lt3A_1684 : i32 to vector<16xi32>
      %lt3A_1686 = arith.cmpi slt, %rem3A_1680, %lt3A_1685 : vector<16xi32>
      %lt3A_1687 = arith.constant 0 : i32
      %lt3A_1688 = arith.cmpi slt, %select_n3A_1678, %lt3A_1687 : i32
      %ne3A_1689 = vector.broadcast %lt3A_1688 : i1 to vector<16xi1>
      %ne3A_1690 = vector.broadcast %ne3A_1689 : vector<16xi1> to vector<16xi1>
      %ne3A_1691 = arith.xori %lt3A_1686, %ne3A_1690 : vector<16xi1>
      %and3A_1692 = arith.andi %ne3A_1691, %ne3A_1683 : vector<16xi1>
      %add3A_1693 = vector.broadcast %select_n3A_1678 : i32 to vector<16xi32>
      %add3A_1694 = arith.addi %rem3A_1680, %add3A_1693 : vector<16xi32>
      %select_n3A_1695 = arith.select %and3A_1692, %add3A_1694, %rem3A_1680 : vector<16xi1>, vector<16xi32>
      %add3A_1696 = vector.broadcast %mul3A_207 : i32 to vector<16xi32>
      %add3A_1697 = arith.addi %add3A_1696, %add3A_1642 : vector<16xi32>
      tpu.vector_store_idx %arg12[%select_n3A_1673, %select_n3A_1695], %add3A_1697 masked %and3A_1638 : memref<4x128xi32, #tpu.memory_space<vmem>>[vector<16xi32>, vector<16xi32>], vector<16xi32>, vector<16xi1>
      %mul3A_1698 = arith.constant 128 : i32
      %mul3A_1699 = vector.broadcast %mul3A_1698 : i32 to vector<16xi32>
      %mul3A_1700 = arith.muli %add3A_1642, %mul3A_1699 : vector<16xi32>
      %add3A_1701 = arith.constant 256 : i32
      %add3A_1702 = vector.broadcast %add3A_1701 : i32 to vector<16xi32>
      %add3A_1703 = arith.addi %add3A_1702, %mul3A_1700 : vector<16xi32>
      tpu.vector_store_idx %arg13[%sub3A_1634], %add3A_1703 masked %and3A_1638 : memref<512xi32, #tpu.memory_space<vmem>>[vector<16xi32>], vector<16xi32>, vector<16xi1>
      %all_reduce_population_count3A_1704 = tpu.all_reduce %ge3A_1624 {dim = 0 : i64, kind = #tpu.reduction_kind<sum>} : vector<16xi1> -> vector<16xi32>
      %add3A_1705 = arith.addi %add3A_1621, %all_reduce_population_count3A_1704 : vector<16xi32>
      %get3A_1706 = arith.constant 288 : index
      %get3A_1707 = tpu.vector_load %arg9[%get3A_1706] {strides = array<i32>} : memref<512xf32, #tpu.memory_space<vmem>>, vector<16xf32>,
      %ge3A_1708 = arith.cmpf oge, %get3A_1707, %get3A_203 : vector<16xf32>
      %jit3A_1709 = arith.constant 1 : i32
      %jit3A_1710 = arith.constant 0 : i32
      %broadcast_in_dim3A_1711 = vector.broadcast %jit3A_1709 : i32 to vector<16xi32>
      %broadcast_in_dim3A_1712 = vector.broadcast %jit3A_1710 : i32 to vector<16xi32>
      %select_n3A_1713 = arith.select %ge3A_1708, %broadcast_in_dim3A_1711, %broadcast_in_dim3A_1712 : vector<16xi1>, vector<16xi32>
      %broadcast_in_dim3A_1714 = arith.constant true
      %broadcast_in_dim3A_1715 = vector.broadcast %broadcast_in_dim3A_1714 : i1 to vector<16xi1>
      %masked_cumsum3A_1716 = tpu.scan <sum>, %select_n3A_1713 masked %broadcast_in_dim3A_1715 : vector<16xi32>, vector<16xi1> -> vector<16xi32>
      %add3A_1717 = arith.addi %add3A_1705, %masked_cumsum3A_1716 : vector<16xi32>
      %sub3A_1718 = arith.subi %add3A_1717, %select_n3A_1713 : vector<16xi32>
      %lt3A_1719 = arith.constant 512 : i32
      %lt3A_1720 = vector.broadcast %lt3A_1719 : i32 to vector<16xi32>
      %lt3A_1721 = arith.cmpi slt, %sub3A_1718, %lt3A_1720 : vector<16xi32>
      %and3A_1722 = arith.andi %ge3A_1708, %lt3A_1721 : vector<16xi1>
      %iota3A_1723 = tpu.iota {dimensions = array<i32: 0>} : vector<16xi32>
      %add3A_1724 = arith.constant 288 : i32
      %add3A_1725 = vector.broadcast %add3A_1724 : i32 to vector<16xi32>
      %add3A_1726 = arith.addi %add3A_1725, %iota3A_1723 : vector<16xi32>
      %jit3A_1727 = arith.constant 128 : i32
      %div3A_1728 = vector.broadcast %jit3A_1727 : i32 to vector<16xi32>
      %div3A_1729 = arith.divsi %sub3A_1718, %div3A_1728 : vector<16xi32>
      %sign3A_1730 = arith.constant 0 : i32
      %sign3A_1731 = vector.broadcast %sign3A_1730 : i32 to vector<16xi32>
      %sign3A_1732 = arith.cmpi sgt, %sub3A_1718, %sign3A_1731 : vector<16xi32>
      %sign3A_1733 = arith.extui %sign3A_1732 : vector<16xi1> to vector<16xi32>
      %sign3A_1734 = arith.constant 0 : i32
      %sign3A_1735 = vector.broadcast %sign3A_1734 : i32 to vector<16xi32>
      %sign3A_1736 = arith.cmpi slt, %sub3A_1718, %sign3A_1735 : vector<16xi32>
      %sign3A_1737 = arith.extui %sign3A_1736 : vector<16xi1> to vector<16xi32>
      %sign3A_1738 = arith.subi %sign3A_1733, %sign3A_1737 : vector<16xi32>
      %sign3A_1739 = arith.constant 0 : i32
      %sign3A_1740 = arith.cmpi sgt, %jit3A_1727, %sign3A_1739 : i32
      %sign3A_1741 = arith.extui %sign3A_1740 : i1 to i32
      %sign3A_1742 = arith.constant 0 : i32
      %sign3A_1743 = arith.cmpi slt, %jit3A_1727, %sign3A_1742 : i32
      %sign3A_1744 = arith.extui %sign3A_1743 : i1 to i32
      %sign3A_1745 = arith.subi %sign3A_1741, %sign3A_1744 : i32
      %ne3A_1746 = vector.broadcast %sign3A_1745 : i32 to vector<16xi32>
      %ne3A_1747 = arith.cmpi ne, %sign3A_1738, %ne3A_1746 : vector<16xi32>
      %rem3A_1748 = vector.broadcast %jit3A_1727 : i32 to vector<16xi32>
      %rem3A_1749 = arith.remsi %sub3A_1718, %rem3A_1748 : vector<16xi32>
      %ne3A_1750 = arith.constant 0 : i32
      %ne3A_1751 = vector.broadcast %ne3A_1750 : i32 to vector<16xi32>
      %ne3A_1752 = arith.cmpi ne, %rem3A_1749, %ne3A_1751 : vector<16xi32>
      %and3A_1753 = arith.andi %ne3A_1747, %ne3A_1752 : vector<16xi1>
      %sub3A_1754 = arith.constant 1 : i32
      %sub3A_1755 = vector.broadcast %sub3A_1754 : i32 to vector<16xi32>
      %sub3A_1756 = arith.subi %div3A_1729, %sub3A_1755 : vector<16xi32>
      %select_n3A_1757 = arith.select %and3A_1753, %sub3A_1756, %div3A_1729 : vector<16xi1>, vector<16xi32>
      %jit3A_1758 = arith.constant 128 : i32
      %eq3A_1759 = arith.constant 0 : i32
      %eq3A_1760 = arith.cmpi eq, %jit3A_1758, %eq3A_1759 : i32
      %jit3A_1761 = arith.constant 1 : i32
      %select_n3A_1762 = arith.select %eq3A_1760, %jit3A_1761, %jit3A_1758 : i32
      %rem3A_1763 = vector.broadcast %select_n3A_1762 : i32 to vector<16xi32>
      %rem3A_1764 = arith.remsi %sub3A_1718, %rem3A_1763 : vector<16xi32>
      %ne3A_1765 = arith.constant 0 : i32
      %ne3A_1766 = vector.broadcast %ne3A_1765 : i32 to vector<16xi32>
      %ne3A_1767 = arith.cmpi ne, %rem3A_1764, %ne3A_1766 : vector<16xi32>
      %lt3A_1768 = arith.constant 0 : i32
      %lt3A_1769 = vector.broadcast %lt3A_1768 : i32 to vector<16xi32>
      %lt3A_1770 = arith.cmpi slt, %rem3A_1764, %lt3A_1769 : vector<16xi32>
      %lt3A_1771 = arith.constant 0 : i32
      %lt3A_1772 = arith.cmpi slt, %select_n3A_1762, %lt3A_1771 : i32
      %ne3A_1773 = vector.broadcast %lt3A_1772 : i1 to vector<16xi1>
      %ne3A_1774 = vector.broadcast %ne3A_1773 : vector<16xi1> to vector<16xi1>
      %ne3A_1775 = arith.xori %lt3A_1770, %ne3A_1774 : vector<16xi1>
      %and3A_1776 = arith.andi %ne3A_1775, %ne3A_1767 : vector<16xi1>
      %add3A_1777 = vector.broadcast %select_n3A_1762 : i32 to vector<16xi32>
      %add3A_1778 = arith.addi %rem3A_1764, %add3A_1777 : vector<16xi32>
      %select_n3A_1779 = arith.select %and3A_1776, %add3A_1778, %rem3A_1764 : vector<16xi1>, vector<16xi32>
      %add3A_1780 = vector.broadcast %mul3A_207 : i32 to vector<16xi32>
      %add3A_1781 = arith.addi %add3A_1780, %add3A_1726 : vector<16xi32>
      tpu.vector_store_idx %arg12[%select_n3A_1757, %select_n3A_1779], %add3A_1781 masked %and3A_1722 : memref<4x128xi32, #tpu.memory_space<vmem>>[vector<16xi32>, vector<16xi32>], vector<16xi32>, vector<16xi1>
      %mul3A_1782 = arith.constant 128 : i32
      %mul3A_1783 = vector.broadcast %mul3A_1782 : i32 to vector<16xi32>
      %mul3A_1784 = arith.muli %add3A_1726, %mul3A_1783 : vector<16xi32>
      %add3A_1785 = arith.constant 256 : i32
      %add3A_1786 = vector.broadcast %add3A_1785 : i32 to vector<16xi32>
      %add3A_1787 = arith.addi %add3A_1786, %mul3A_1784 : vector<16xi32>
      tpu.vector_store_idx %arg13[%sub3A_1718], %add3A_1787 masked %and3A_1722 : memref<512xi32, #tpu.memory_space<vmem>>[vector<16xi32>], vector<16xi32>, vector<16xi1>
      %all_reduce_population_count3A_1788 = tpu.all_reduce %ge3A_1708 {dim = 0 : i64, kind = #tpu.reduction_kind<sum>} : vector<16xi1> -> vector<16xi32>
      %add3A_1789 = arith.addi %add3A_1705, %all_reduce_population_count3A_1788 : vector<16xi32>
      %get3A_1790 = arith.constant 304 : index
      %get3A_1791 = tpu.vector_load %arg9[%get3A_1790] {strides = array<i32>} : memref<512xf32, #tpu.memory_space<vmem>>, vector<16xf32>,
      %ge3A_1792 = arith.cmpf oge, %get3A_1791, %get3A_203 : vector<16xf32>
      %jit3A_1793 = arith.constant 1 : i32
      %jit3A_1794 = arith.constant 0 : i32
      %broadcast_in_dim3A_1795 = vector.broadcast %jit3A_1793 : i32 to vector<16xi32>
      %broadcast_in_dim3A_1796 = vector.broadcast %jit3A_1794 : i32 to vector<16xi32>
      %select_n3A_1797 = arith.select %ge3A_1792, %broadcast_in_dim3A_1795, %broadcast_in_dim3A_1796 : vector<16xi1>, vector<16xi32>
      %broadcast_in_dim3A_1798 = arith.constant true
      %broadcast_in_dim3A_1799 = vector.broadcast %broadcast_in_dim3A_1798 : i1 to vector<16xi1>
      %masked_cumsum3A_1800 = tpu.scan <sum>, %select_n3A_1797 masked %broadcast_in_dim3A_1799 : vector<16xi32>, vector<16xi1> -> vector<16xi32>
      %add3A_1801 = arith.addi %add3A_1789, %masked_cumsum3A_1800 : vector<16xi32>
      %sub3A_1802 = arith.subi %add3A_1801, %select_n3A_1797 : vector<16xi32>
      %lt3A_1803 = arith.constant 512 : i32
      %lt3A_1804 = vector.broadcast %lt3A_1803 : i32 to vector<16xi32>
      %lt3A_1805 = arith.cmpi slt, %sub3A_1802, %lt3A_1804 : vector<16xi32>
      %and3A_1806 = arith.andi %ge3A_1792, %lt3A_1805 : vector<16xi1>
      %iota3A_1807 = tpu.iota {dimensions = array<i32: 0>} : vector<16xi32>
      %add3A_1808 = arith.constant 304 : i32
      %add3A_1809 = vector.broadcast %add3A_1808 : i32 to vector<16xi32>
      %add3A_1810 = arith.addi %add3A_1809, %iota3A_1807 : vector<16xi32>
      %jit3A_1811 = arith.constant 128 : i32
      %div3A_1812 = vector.broadcast %jit3A_1811 : i32 to vector<16xi32>
      %div3A_1813 = arith.divsi %sub3A_1802, %div3A_1812 : vector<16xi32>
      %sign3A_1814 = arith.constant 0 : i32
      %sign3A_1815 = vector.broadcast %sign3A_1814 : i32 to vector<16xi32>
      %sign3A_1816 = arith.cmpi sgt, %sub3A_1802, %sign3A_1815 : vector<16xi32>
      %sign3A_1817 = arith.extui %sign3A_1816 : vector<16xi1> to vector<16xi32>
      %sign3A_1818 = arith.constant 0 : i32
      %sign3A_1819 = vector.broadcast %sign3A_1818 : i32 to vector<16xi32>
      %sign3A_1820 = arith.cmpi slt, %sub3A_1802, %sign3A_1819 : vector<16xi32>
      %sign3A_1821 = arith.extui %sign3A_1820 : vector<16xi1> to vector<16xi32>
      %sign3A_1822 = arith.subi %sign3A_1817, %sign3A_1821 : vector<16xi32>
      %sign3A_1823 = arith.constant 0 : i32
      %sign3A_1824 = arith.cmpi sgt, %jit3A_1811, %sign3A_1823 : i32
      %sign3A_1825 = arith.extui %sign3A_1824 : i1 to i32
      %sign3A_1826 = arith.constant 0 : i32
      %sign3A_1827 = arith.cmpi slt, %jit3A_1811, %sign3A_1826 : i32
      %sign3A_1828 = arith.extui %sign3A_1827 : i1 to i32
      %sign3A_1829 = arith.subi %sign3A_1825, %sign3A_1828 : i32
      %ne3A_1830 = vector.broadcast %sign3A_1829 : i32 to vector<16xi32>
      %ne3A_1831 = arith.cmpi ne, %sign3A_1822, %ne3A_1830 : vector<16xi32>
      %rem3A_1832 = vector.broadcast %jit3A_1811 : i32 to vector<16xi32>
      %rem3A_1833 = arith.remsi %sub3A_1802, %rem3A_1832 : vector<16xi32>
      %ne3A_1834 = arith.constant 0 : i32
      %ne3A_1835 = vector.broadcast %ne3A_1834 : i32 to vector<16xi32>
      %ne3A_1836 = arith.cmpi ne, %rem3A_1833, %ne3A_1835 : vector<16xi32>
      %and3A_1837 = arith.andi %ne3A_1831, %ne3A_1836 : vector<16xi1>
      %sub3A_1838 = arith.constant 1 : i32
      %sub3A_1839 = vector.broadcast %sub3A_1838 : i32 to vector<16xi32>
      %sub3A_1840 = arith.subi %div3A_1813, %sub3A_1839 : vector<16xi32>
      %select_n3A_1841 = arith.select %and3A_1837, %sub3A_1840, %div3A_1813 : vector<16xi1>, vector<16xi32>
      %jit3A_1842 = arith.constant 128 : i32
      %eq3A_1843 = arith.constant 0 : i32
      %eq3A_1844 = arith.cmpi eq, %jit3A_1842, %eq3A_1843 : i32
      %jit3A_1845 = arith.constant 1 : i32
      %select_n3A_1846 = arith.select %eq3A_1844, %jit3A_1845, %jit3A_1842 : i32
      %rem3A_1847 = vector.broadcast %select_n3A_1846 : i32 to vector<16xi32>
      %rem3A_1848 = arith.remsi %sub3A_1802, %rem3A_1847 : vector<16xi32>
      %ne3A_1849 = arith.constant 0 : i32
      %ne3A_1850 = vector.broadcast %ne3A_1849 : i32 to vector<16xi32>
      %ne3A_1851 = arith.cmpi ne, %rem3A_1848, %ne3A_1850 : vector<16xi32>
      %lt3A_1852 = arith.constant 0 : i32
      %lt3A_1853 = vector.broadcast %lt3A_1852 : i32 to vector<16xi32>
      %lt3A_1854 = arith.cmpi slt, %rem3A_1848, %lt3A_1853 : vector<16xi32>
      %lt3A_1855 = arith.constant 0 : i32
      %lt3A_1856 = arith.cmpi slt, %select_n3A_1846, %lt3A_1855 : i32
      %ne3A_1857 = vector.broadcast %lt3A_1856 : i1 to vector<16xi1>
      %ne3A_1858 = vector.broadcast %ne3A_1857 : vector<16xi1> to vector<16xi1>
      %ne3A_1859 = arith.xori %lt3A_1854, %ne3A_1858 : vector<16xi1>
      %and3A_1860 = arith.andi %ne3A_1859, %ne3A_1851 : vector<16xi1>
      %add3A_1861 = vector.broadcast %select_n3A_1846 : i32 to vector<16xi32>
      %add3A_1862 = arith.addi %rem3A_1848, %add3A_1861 : vector<16xi32>
      %select_n3A_1863 = arith.select %and3A_1860, %add3A_1862, %rem3A_1848 : vector<16xi1>, vector<16xi32>
      %add3A_1864 = vector.broadcast %mul3A_207 : i32 to vector<16xi32>
      %add3A_1865 = arith.addi %add3A_1864, %add3A_1810 : vector<16xi32>
      tpu.vector_store_idx %arg12[%select_n3A_1841, %select_n3A_1863], %add3A_1865 masked %and3A_1806 : memref<4x128xi32, #tpu.memory_space<vmem>>[vector<16xi32>, vector<16xi32>], vector<16xi32>, vector<16xi1>
      %mul3A_1866 = arith.constant 128 : i32
      %mul3A_1867 = vector.broadcast %mul3A_1866 : i32 to vector<16xi32>
      %mul3A_1868 = arith.muli %add3A_1810, %mul3A_1867 : vector<16xi32>
      %add3A_1869 = arith.constant 256 : i32
      %add3A_1870 = vector.broadcast %add3A_1869 : i32 to vector<16xi32>
      %add3A_1871 = arith.addi %add3A_1870, %mul3A_1868 : vector<16xi32>
      tpu.vector_store_idx %arg13[%sub3A_1802], %add3A_1871 masked %and3A_1806 : memref<512xi32, #tpu.memory_space<vmem>>[vector<16xi32>], vector<16xi32>, vector<16xi1>
      %all_reduce_population_count3A_1872 = tpu.all_reduce %ge3A_1792 {dim = 0 : i64, kind = #tpu.reduction_kind<sum>} : vector<16xi1> -> vector<16xi32>
      %add3A_1873 = arith.addi %add3A_1789, %all_reduce_population_count3A_1872 : vector<16xi32>
      %get3A_1874 = arith.constant 320 : index
      %get3A_1875 = tpu.vector_load %arg9[%get3A_1874] {strides = array<i32>} : memref<512xf32, #tpu.memory_space<vmem>>, vector<16xf32>,
      %ge3A_1876 = arith.cmpf oge, %get3A_1875, %get3A_203 : vector<16xf32>
      %jit3A_1877 = arith.constant 1 : i32
      %jit3A_1878 = arith.constant 0 : i32
      %broadcast_in_dim3A_1879 = vector.broadcast %jit3A_1877 : i32 to vector<16xi32>
      %broadcast_in_dim3A_1880 = vector.broadcast %jit3A_1878 : i32 to vector<16xi32>
      %select_n3A_1881 = arith.select %ge3A_1876, %broadcast_in_dim3A_1879, %broadcast_in_dim3A_1880 : vector<16xi1>, vector<16xi32>
      %broadcast_in_dim3A_1882 = arith.constant true
      %broadcast_in_dim3A_1883 = vector.broadcast %broadcast_in_dim3A_1882 : i1 to vector<16xi1>
      %masked_cumsum3A_1884 = tpu.scan <sum>, %select_n3A_1881 masked %broadcast_in_dim3A_1883 : vector<16xi32>, vector<16xi1> -> vector<16xi32>
      %add3A_1885 = arith.addi %add3A_1873, %masked_cumsum3A_1884 : vector<16xi32>
      %sub3A_1886 = arith.subi %add3A_1885, %select_n3A_1881 : vector<16xi32>
      %lt3A_1887 = arith.constant 512 : i32
      %lt3A_1888 = vector.broadcast %lt3A_1887 : i32 to vector<16xi32>
      %lt3A_1889 = arith.cmpi slt, %sub3A_1886, %lt3A_1888 : vector<16xi32>
      %and3A_1890 = arith.andi %ge3A_1876, %lt3A_1889 : vector<16xi1>
      %iota3A_1891 = tpu.iota {dimensions = array<i32: 0>} : vector<16xi32>
      %add3A_1892 = arith.constant 320 : i32
      %add3A_1893 = vector.broadcast %add3A_1892 : i32 to vector<16xi32>
      %add3A_1894 = arith.addi %add3A_1893, %iota3A_1891 : vector<16xi32>
      %jit3A_1895 = arith.constant 128 : i32
      %div3A_1896 = vector.broadcast %jit3A_1895 : i32 to vector<16xi32>
      %div3A_1897 = arith.divsi %sub3A_1886, %div3A_1896 : vector<16xi32>
      %sign3A_1898 = arith.constant 0 : i32
      %sign3A_1899 = vector.broadcast %sign3A_1898 : i32 to vector<16xi32>
      %sign3A_1900 = arith.cmpi sgt, %sub3A_1886, %sign3A_1899 : vector<16xi32>
      %sign3A_1901 = arith.extui %sign3A_1900 : vector<16xi1> to vector<16xi32>
      %sign3A_1902 = arith.constant 0 : i32
      %sign3A_1903 = vector.broadcast %sign3A_1902 : i32 to vector<16xi32>
      %sign3A_1904 = arith.cmpi slt, %sub3A_1886, %sign3A_1903 : vector<16xi32>
      %sign3A_1905 = arith.extui %sign3A_1904 : vector<16xi1> to vector<16xi32>
      %sign3A_1906 = arith.subi %sign3A_1901, %sign3A_1905 : vector<16xi32>
      %sign3A_1907 = arith.constant 0 : i32
      %sign3A_1908 = arith.cmpi sgt, %jit3A_1895, %sign3A_1907 : i32
      %sign3A_1909 = arith.extui %sign3A_1908 : i1 to i32
      %sign3A_1910 = arith.constant 0 : i32
      %sign3A_1911 = arith.cmpi slt, %jit3A_1895, %sign3A_1910 : i32
      %sign3A_1912 = arith.extui %sign3A_1911 : i1 to i32
      %sign3A_1913 = arith.subi %sign3A_1909, %sign3A_1912 : i32
      %ne3A_1914 = vector.broadcast %sign3A_1913 : i32 to vector<16xi32>
      %ne3A_1915 = arith.cmpi ne, %sign3A_1906, %ne3A_1914 : vector<16xi32>
      %rem3A_1916 = vector.broadcast %jit3A_1895 : i32 to vector<16xi32>
      %rem3A_1917 = arith.remsi %sub3A_1886, %rem3A_1916 : vector<16xi32>
      %ne3A_1918 = arith.constant 0 : i32
      %ne3A_1919 = vector.broadcast %ne3A_1918 : i32 to vector<16xi32>
      %ne3A_1920 = arith.cmpi ne, %rem3A_1917, %ne3A_1919 : vector<16xi32>
      %and3A_1921 = arith.andi %ne3A_1915, %ne3A_1920 : vector<16xi1>
      %sub3A_1922 = arith.constant 1 : i32
      %sub3A_1923 = vector.broadcast %sub3A_1922 : i32 to vector<16xi32>
      %sub3A_1924 = arith.subi %div3A_1897, %sub3A_1923 : vector<16xi32>
      %select_n3A_1925 = arith.select %and3A_1921, %sub3A_1924, %div3A_1897 : vector<16xi1>, vector<16xi32>
      %jit3A_1926 = arith.constant 128 : i32
      %eq3A_1927 = arith.constant 0 : i32
      %eq3A_1928 = arith.cmpi eq, %jit3A_1926, %eq3A_1927 : i32
      %jit3A_1929 = arith.constant 1 : i32
      %select_n3A_1930 = arith.select %eq3A_1928, %jit3A_1929, %jit3A_1926 : i32
      %rem3A_1931 = vector.broadcast %select_n3A_1930 : i32 to vector<16xi32>
      %rem3A_1932 = arith.remsi %sub3A_1886, %rem3A_1931 : vector<16xi32>
      %ne3A_1933 = arith.constant 0 : i32
      %ne3A_1934 = vector.broadcast %ne3A_1933 : i32 to vector<16xi32>
      %ne3A_1935 = arith.cmpi ne, %rem3A_1932, %ne3A_1934 : vector<16xi32>
      %lt3A_1936 = arith.constant 0 : i32
      %lt3A_1937 = vector.broadcast %lt3A_1936 : i32 to vector<16xi32>
      %lt3A_1938 = arith.cmpi slt, %rem3A_1932, %lt3A_1937 : vector<16xi32>
      %lt3A_1939 = arith.constant 0 : i32
      %lt3A_1940 = arith.cmpi slt, %select_n3A_1930, %lt3A_1939 : i32
      %ne3A_1941 = vector.broadcast %lt3A_1940 : i1 to vector<16xi1>
      %ne3A_1942 = vector.broadcast %ne3A_1941 : vector<16xi1> to vector<16xi1>
      %ne3A_1943 = arith.xori %lt3A_1938, %ne3A_1942 : vector<16xi1>
      %and3A_1944 = arith.andi %ne3A_1943, %ne3A_1935 : vector<16xi1>
      %add3A_1945 = vector.broadcast %select_n3A_1930 : i32 to vector<16xi32>
      %add3A_1946 = arith.addi %rem3A_1932, %add3A_1945 : vector<16xi32>
      %select_n3A_1947 = arith.select %and3A_1944, %add3A_1946, %rem3A_1932 : vector<16xi1>, vector<16xi32>
      %add3A_1948 = vector.broadcast %mul3A_207 : i32 to vector<16xi32>
      %add3A_1949 = arith.addi %add3A_1948, %add3A_1894 : vector<16xi32>
      tpu.vector_store_idx %arg12[%select_n3A_1925, %select_n3A_1947], %add3A_1949 masked %and3A_1890 : memref<4x128xi32, #tpu.memory_space<vmem>>[vector<16xi32>, vector<16xi32>], vector<16xi32>, vector<16xi1>
      %mul3A_1950 = arith.constant 128 : i32
      %mul3A_1951 = vector.broadcast %mul3A_1950 : i32 to vector<16xi32>
      %mul3A_1952 = arith.muli %add3A_1894, %mul3A_1951 : vector<16xi32>
      %add3A_1953 = arith.constant 256 : i32
      %add3A_1954 = vector.broadcast %add3A_1953 : i32 to vector<16xi32>
      %add3A_1955 = arith.addi %add3A_1954, %mul3A_1952 : vector<16xi32>
      tpu.vector_store_idx %arg13[%sub3A_1886], %add3A_1955 masked %and3A_1890 : memref<512xi32, #tpu.memory_space<vmem>>[vector<16xi32>], vector<16xi32>, vector<16xi1>
      %all_reduce_population_count3A_1956 = tpu.all_reduce %ge3A_1876 {dim = 0 : i64, kind = #tpu.reduction_kind<sum>} : vector<16xi1> -> vector<16xi32>
      %add3A_1957 = arith.addi %add3A_1873, %all_reduce_population_count3A_1956 : vector<16xi32>
      %get3A_1958 = arith.constant 336 : index
      %get3A_1959 = tpu.vector_load %arg9[%get3A_1958] {strides = array<i32>} : memref<512xf32, #tpu.memory_space<vmem>>, vector<16xf32>,
      %ge3A_1960 = arith.cmpf oge, %get3A_1959, %get3A_203 : vector<16xf32>
      %jit3A_1961 = arith.constant 1 : i32
      %jit3A_1962 = arith.constant 0 : i32
      %broadcast_in_dim3A_1963 = vector.broadcast %jit3A_1961 : i32 to vector<16xi32>
      %broadcast_in_dim3A_1964 = vector.broadcast %jit3A_1962 : i32 to vector<16xi32>
      %select_n3A_1965 = arith.select %ge3A_1960, %broadcast_in_dim3A_1963, %broadcast_in_dim3A_1964 : vector<16xi1>, vector<16xi32>
      %broadcast_in_dim3A_1966 = arith.constant true
      %broadcast_in_dim3A_1967 = vector.broadcast %broadcast_in_dim3A_1966 : i1 to vector<16xi1>
      %masked_cumsum3A_1968 = tpu.scan <sum>, %select_n3A_1965 masked %broadcast_in_dim3A_1967 : vector<16xi32>, vector<16xi1> -> vector<16xi32>
      %add3A_1969 = arith.addi %add3A_1957, %masked_cumsum3A_1968 : vector<16xi32>
      %sub3A_1970 = arith.subi %add3A_1969, %select_n3A_1965 : vector<16xi32>
      %lt3A_1971 = arith.constant 512 : i32
      %lt3A_1972 = vector.broadcast %lt3A_1971 : i32 to vector<16xi32>
      %lt3A_1973 = arith.cmpi slt, %sub3A_1970, %lt3A_1972 : vector<16xi32>
      %and3A_1974 = arith.andi %ge3A_1960, %lt3A_1973 : vector<16xi1>
      %iota3A_1975 = tpu.iota {dimensions = array<i32: 0>} : vector<16xi32>
      %add3A_1976 = arith.constant 336 : i32
      %add3A_1977 = vector.broadcast %add3A_1976 : i32 to vector<16xi32>
      %add3A_1978 = arith.addi %add3A_1977, %iota3A_1975 : vector<16xi32>
      %jit3A_1979 = arith.constant 128 : i32
      %div3A_1980 = vector.broadcast %jit3A_1979 : i32 to vector<16xi32>
      %div3A_1981 = arith.divsi %sub3A_1970, %div3A_1980 : vector<16xi32>
      %sign3A_1982 = arith.constant 0 : i32
      %sign3A_1983 = vector.broadcast %sign3A_1982 : i32 to vector<16xi32>
      %sign3A_1984 = arith.cmpi sgt, %sub3A_1970, %sign3A_1983 : vector<16xi32>
      %sign3A_1985 = arith.extui %sign3A_1984 : vector<16xi1> to vector<16xi32>
      %sign3A_1986 = arith.constant 0 : i32
      %sign3A_1987 = vector.broadcast %sign3A_1986 : i32 to vector<16xi32>
      %sign3A_1988 = arith.cmpi slt, %sub3A_1970, %sign3A_1987 : vector<16xi32>
      %sign3A_1989 = arith.extui %sign3A_1988 : vector<16xi1> to vector<16xi32>
      %sign3A_1990 = arith.subi %sign3A_1985, %sign3A_1989 : vector<16xi32>
      %sign3A_1991 = arith.constant 0 : i32
      %sign3A_1992 = arith.cmpi sgt, %jit3A_1979, %sign3A_1991 : i32
      %sign3A_1993 = arith.extui %sign3A_1992 : i1 to i32
      %sign3A_1994 = arith.constant 0 : i32
      %sign3A_1995 = arith.cmpi slt, %jit3A_1979, %sign3A_1994 : i32
      %sign3A_1996 = arith.extui %sign3A_1995 : i1 to i32
      %sign3A_1997 = arith.subi %sign3A_1993, %sign3A_1996 : i32
      %ne3A_1998 = vector.broadcast %sign3A_1997 : i32 to vector<16xi32>
      %ne3A_1999 = arith.cmpi ne, %sign3A_1990, %ne3A_1998 : vector<16xi32>
      %rem3A_2000 = vector.broadcast %jit3A_1979 : i32 to vector<16xi32>
      %rem3A_2001 = arith.remsi %sub3A_1970, %rem3A_2000 : vector<16xi32>
      %ne3A_2002 = arith.constant 0 : i32
      %ne3A_2003 = vector.broadcast %ne3A_2002 : i32 to vector<16xi32>
      %ne3A_2004 = arith.cmpi ne, %rem3A_2001, %ne3A_2003 : vector<16xi32>
      %and3A_2005 = arith.andi %ne3A_1999, %ne3A_2004 : vector<16xi1>
      %sub3A_2006 = arith.constant 1 : i32
      %sub3A_2007 = vector.broadcast %sub3A_2006 : i32 to vector<16xi32>
      %sub3A_2008 = arith.subi %div3A_1981, %sub3A_2007 : vector<16xi32>
      %select_n3A_2009 = arith.select %and3A_2005, %sub3A_2008, %div3A_1981 : vector<16xi1>, vector<16xi32>
      %jit3A_2010 = arith.constant 128 : i32
      %eq3A_2011 = arith.constant 0 : i32
      %eq3A_2012 = arith.cmpi eq, %jit3A_2010, %eq3A_2011 : i32
      %jit3A_2013 = arith.constant 1 : i32
      %select_n3A_2014 = arith.select %eq3A_2012, %jit3A_2013, %jit3A_2010 : i32
      %rem3A_2015 = vector.broadcast %select_n3A_2014 : i32 to vector<16xi32>
      %rem3A_2016 = arith.remsi %sub3A_1970, %rem3A_2015 : vector<16xi32>
      %ne3A_2017 = arith.constant 0 : i32
      %ne3A_2018 = vector.broadcast %ne3A_2017 : i32 to vector<16xi32>
      %ne3A_2019 = arith.cmpi ne, %rem3A_2016, %ne3A_2018 : vector<16xi32>
      %lt3A_2020 = arith.constant 0 : i32
      %lt3A_2021 = vector.broadcast %lt3A_2020 : i32 to vector<16xi32>
      %lt3A_2022 = arith.cmpi slt, %rem3A_2016, %lt3A_2021 : vector<16xi32>
      %lt3A_2023 = arith.constant 0 : i32
      %lt3A_2024 = arith.cmpi slt, %select_n3A_2014, %lt3A_2023 : i32
      %ne3A_2025 = vector.broadcast %lt3A_2024 : i1 to vector<16xi1>
      %ne3A_2026 = vector.broadcast %ne3A_2025 : vector<16xi1> to vector<16xi1>
      %ne3A_2027 = arith.xori %lt3A_2022, %ne3A_2026 : vector<16xi1>
      %and3A_2028 = arith.andi %ne3A_2027, %ne3A_2019 : vector<16xi1>
      %add3A_2029 = vector.broadcast %select_n3A_2014 : i32 to vector<16xi32>
      %add3A_2030 = arith.addi %rem3A_2016, %add3A_2029 : vector<16xi32>
      %select_n3A_2031 = arith.select %and3A_2028, %add3A_2030, %rem3A_2016 : vector<16xi1>, vector<16xi32>
      %add3A_2032 = vector.broadcast %mul3A_207 : i32 to vector<16xi32>
      %add3A_2033 = arith.addi %add3A_2032, %add3A_1978 : vector<16xi32>
      tpu.vector_store_idx %arg12[%select_n3A_2009, %select_n3A_2031], %add3A_2033 masked %and3A_1974 : memref<4x128xi32, #tpu.memory_space<vmem>>[vector<16xi32>, vector<16xi32>], vector<16xi32>, vector<16xi1>
      %mul3A_2034 = arith.constant 128 : i32
      %mul3A_2035 = vector.broadcast %mul3A_2034 : i32 to vector<16xi32>
      %mul3A_2036 = arith.muli %add3A_1978, %mul3A_2035 : vector<16xi32>
      %add3A_2037 = arith.constant 256 : i32
      %add3A_2038 = vector.broadcast %add3A_2037 : i32 to vector<16xi32>
      %add3A_2039 = arith.addi %add3A_2038, %mul3A_2036 : vector<16xi32>
      tpu.vector_store_idx %arg13[%sub3A_1970], %add3A_2039 masked %and3A_1974 : memref<512xi32, #tpu.memory_space<vmem>>[vector<16xi32>], vector<16xi32>, vector<16xi1>
      %all_reduce_population_count3A_2040 = tpu.all_reduce %ge3A_1960 {dim = 0 : i64, kind = #tpu.reduction_kind<sum>} : vector<16xi1> -> vector<16xi32>
      %add3A_2041 = arith.addi %add3A_1957, %all_reduce_population_count3A_2040 : vector<16xi32>
      %get3A_2042 = arith.constant 352 : index
      %get3A_2043 = tpu.vector_load %arg9[%get3A_2042] {strides = array<i32>} : memref<512xf32, #tpu.memory_space<vmem>>, vector<16xf32>,
      %ge3A_2044 = arith.cmpf oge, %get3A_2043, %get3A_203 : vector<16xf32>
      %jit3A_2045 = arith.constant 1 : i32
      %jit3A_2046 = arith.constant 0 : i32
      %broadcast_in_dim3A_2047 = vector.broadcast %jit3A_2045 : i32 to vector<16xi32>
      %broadcast_in_dim3A_2048 = vector.broadcast %jit3A_2046 : i32 to vector<16xi32>
      %select_n3A_2049 = arith.select %ge3A_2044, %broadcast_in_dim3A_2047, %broadcast_in_dim3A_2048 : vector<16xi1>, vector<16xi32>
      %broadcast_in_dim3A_2050 = arith.constant true
      %broadcast_in_dim3A_2051 = vector.broadcast %broadcast_in_dim3A_2050 : i1 to vector<16xi1>
      %masked_cumsum3A_2052 = tpu.scan <sum>, %select_n3A_2049 masked %broadcast_in_dim3A_2051 : vector<16xi32>, vector<16xi1> -> vector<16xi32>
      %add3A_2053 = arith.addi %add3A_2041, %masked_cumsum3A_2052 : vector<16xi32>
      %sub3A_2054 = arith.subi %add3A_2053, %select_n3A_2049 : vector<16xi32>
      %lt3A_2055 = arith.constant 512 : i32
      %lt3A_2056 = vector.broadcast %lt3A_2055 : i32 to vector<16xi32>
      %lt3A_2057 = arith.cmpi slt, %sub3A_2054, %lt3A_2056 : vector<16xi32>
      %and3A_2058 = arith.andi %ge3A_2044, %lt3A_2057 : vector<16xi1>
      %iota3A_2059 = tpu.iota {dimensions = array<i32: 0>} : vector<16xi32>
      %add3A_2060 = arith.constant 352 : i32
      %add3A_2061 = vector.broadcast %add3A_2060 : i32 to vector<16xi32>
      %add3A_2062 = arith.addi %add3A_2061, %iota3A_2059 : vector<16xi32>
      %jit3A_2063 = arith.constant 128 : i32
      %div3A_2064 = vector.broadcast %jit3A_2063 : i32 to vector<16xi32>
      %div3A_2065 = arith.divsi %sub3A_2054, %div3A_2064 : vector<16xi32>
      %sign3A_2066 = arith.constant 0 : i32
      %sign3A_2067 = vector.broadcast %sign3A_2066 : i32 to vector<16xi32>
      %sign3A_2068 = arith.cmpi sgt, %sub3A_2054, %sign3A_2067 : vector<16xi32>
      %sign3A_2069 = arith.extui %sign3A_2068 : vector<16xi1> to vector<16xi32>
      %sign3A_2070 = arith.constant 0 : i32
      %sign3A_2071 = vector.broadcast %sign3A_2070 : i32 to vector<16xi32>
      %sign3A_2072 = arith.cmpi slt, %sub3A_2054, %sign3A_2071 : vector<16xi32>
      %sign3A_2073 = arith.extui %sign3A_2072 : vector<16xi1> to vector<16xi32>
      %sign3A_2074 = arith.subi %sign3A_2069, %sign3A_2073 : vector<16xi32>
      %sign3A_2075 = arith.constant 0 : i32
      %sign3A_2076 = arith.cmpi sgt, %jit3A_2063, %sign3A_2075 : i32
      %sign3A_2077 = arith.extui %sign3A_2076 : i1 to i32
      %sign3A_2078 = arith.constant 0 : i32
      %sign3A_2079 = arith.cmpi slt, %jit3A_2063, %sign3A_2078 : i32
      %sign3A_2080 = arith.extui %sign3A_2079 : i1 to i32
      %sign3A_2081 = arith.subi %sign3A_2077, %sign3A_2080 : i32
      %ne3A_2082 = vector.broadcast %sign3A_2081 : i32 to vector<16xi32>
      %ne3A_2083 = arith.cmpi ne, %sign3A_2074, %ne3A_2082 : vector<16xi32>
      %rem3A_2084 = vector.broadcast %jit3A_2063 : i32 to vector<16xi32>
      %rem3A_2085 = arith.remsi %sub3A_2054, %rem3A_2084 : vector<16xi32>
      %ne3A_2086 = arith.constant 0 : i32
      %ne3A_2087 = vector.broadcast %ne3A_2086 : i32 to vector<16xi32>
      %ne3A_2088 = arith.cmpi ne, %rem3A_2085, %ne3A_2087 : vector<16xi32>
      %and3A_2089 = arith.andi %ne3A_2083, %ne3A_2088 : vector<16xi1>
      %sub3A_2090 = arith.constant 1 : i32
      %sub3A_2091 = vector.broadcast %sub3A_2090 : i32 to vector<16xi32>
      %sub3A_2092 = arith.subi %div3A_2065, %sub3A_2091 : vector<16xi32>
      %select_n3A_2093 = arith.select %and3A_2089, %sub3A_2092, %div3A_2065 : vector<16xi1>, vector<16xi32>
      %jit3A_2094 = arith.constant 128 : i32
      %eq3A_2095 = arith.constant 0 : i32
      %eq3A_2096 = arith.cmpi eq, %jit3A_2094, %eq3A_2095 : i32
      %jit3A_2097 = arith.constant 1 : i32
      %select_n3A_2098 = arith.select %eq3A_2096, %jit3A_2097, %jit3A_2094 : i32
      %rem3A_2099 = vector.broadcast %select_n3A_2098 : i32 to vector<16xi32>
      %rem3A_2100 = arith.remsi %sub3A_2054, %rem3A_2099 : vector<16xi32>
      %ne3A_2101 = arith.constant 0 : i32
      %ne3A_2102 = vector.broadcast %ne3A_2101 : i32 to vector<16xi32>
      %ne3A_2103 = arith.cmpi ne, %rem3A_2100, %ne3A_2102 : vector<16xi32>
      %lt3A_2104 = arith.constant 0 : i32
      %lt3A_2105 = vector.broadcast %lt3A_2104 : i32 to vector<16xi32>
      %lt3A_2106 = arith.cmpi slt, %rem3A_2100, %lt3A_2105 : vector<16xi32>
      %lt3A_2107 = arith.constant 0 : i32
      %lt3A_2108 = arith.cmpi slt, %select_n3A_2098, %lt3A_2107 : i32
      %ne3A_2109 = vector.broadcast %lt3A_2108 : i1 to vector<16xi1>
      %ne3A_2110 = vector.broadcast %ne3A_2109 : vector<16xi1> to vector<16xi1>
      %ne3A_2111 = arith.xori %lt3A_2106, %ne3A_2110 : vector<16xi1>
      %and3A_2112 = arith.andi %ne3A_2111, %ne3A_2103 : vector<16xi1>
      %add3A_2113 = vector.broadcast %select_n3A_2098 : i32 to vector<16xi32>
      %add3A_2114 = arith.addi %rem3A_2100, %add3A_2113 : vector<16xi32>
      %select_n3A_2115 = arith.select %and3A_2112, %add3A_2114, %rem3A_2100 : vector<16xi1>, vector<16xi32>
      %add3A_2116 = vector.broadcast %mul3A_207 : i32 to vector<16xi32>
      %add3A_2117 = arith.addi %add3A_2116, %add3A_2062 : vector<16xi32>
      tpu.vector_store_idx %arg12[%select_n3A_2093, %select_n3A_2115], %add3A_2117 masked %and3A_2058 : memref<4x128xi32, #tpu.memory_space<vmem>>[vector<16xi32>, vector<16xi32>], vector<16xi32>, vector<16xi1>
      %mul3A_2118 = arith.constant 128 : i32
      %mul3A_2119 = vector.broadcast %mul3A_2118 : i32 to vector<16xi32>
      %mul3A_2120 = arith.muli %add3A_2062, %mul3A_2119 : vector<16xi32>
      %add3A_2121 = arith.constant 256 : i32
      %add3A_2122 = vector.broadcast %add3A_2121 : i32 to vector<16xi32>
      %add3A_2123 = arith.addi %add3A_2122, %mul3A_2120 : vector<16xi32>
      tpu.vector_store_idx %arg13[%sub3A_2054], %add3A_2123 masked %and3A_2058 : memref<512xi32, #tpu.memory_space<vmem>>[vector<16xi32>], vector<16xi32>, vector<16xi1>
      %all_reduce_population_count3A_2124 = tpu.all_reduce %ge3A_2044 {dim = 0 : i64, kind = #tpu.reduction_kind<sum>} : vector<16xi1> -> vector<16xi32>
      %add3A_2125 = arith.addi %add3A_2041, %all_reduce_population_count3A_2124 : vector<16xi32>
      %get3A_2126 = arith.constant 368 : index
      %get3A_2127 = tpu.vector_load %arg9[%get3A_2126] {strides = array<i32>} : memref<512xf32, #tpu.memory_space<vmem>>, vector<16xf32>,
      %ge3A_2128 = arith.cmpf oge, %get3A_2127, %get3A_203 : vector<16xf32>
      %jit3A_2129 = arith.constant 1 : i32
      %jit3A_2130 = arith.constant 0 : i32
      %broadcast_in_dim3A_2131 = vector.broadcast %jit3A_2129 : i32 to vector<16xi32>
      %broadcast_in_dim3A_2132 = vector.broadcast %jit3A_2130 : i32 to vector<16xi32>
      %select_n3A_2133 = arith.select %ge3A_2128, %broadcast_in_dim3A_2131, %broadcast_in_dim3A_2132 : vector<16xi1>, vector<16xi32>
      %broadcast_in_dim3A_2134 = arith.constant true
      %broadcast_in_dim3A_2135 = vector.broadcast %broadcast_in_dim3A_2134 : i1 to vector<16xi1>
      %masked_cumsum3A_2136 = tpu.scan <sum>, %select_n3A_2133 masked %broadcast_in_dim3A_2135 : vector<16xi32>, vector<16xi1> -> vector<16xi32>
      %add3A_2137 = arith.addi %add3A_2125, %masked_cumsum3A_2136 : vector<16xi32>
      %sub3A_2138 = arith.subi %add3A_2137, %select_n3A_2133 : vector<16xi32>
      %lt3A_2139 = arith.constant 512 : i32
      %lt3A_2140 = vector.broadcast %lt3A_2139 : i32 to vector<16xi32>
      %lt3A_2141 = arith.cmpi slt, %sub3A_2138, %lt3A_2140 : vector<16xi32>
      %and3A_2142 = arith.andi %ge3A_2128, %lt3A_2141 : vector<16xi1>
      %iota3A_2143 = tpu.iota {dimensions = array<i32: 0>} : vector<16xi32>
      %add3A_2144 = arith.constant 368 : i32
      %add3A_2145 = vector.broadcast %add3A_2144 : i32 to vector<16xi32>
      %add3A_2146 = arith.addi %add3A_2145, %iota3A_2143 : vector<16xi32>
      %jit3A_2147 = arith.constant 128 : i32
      %div3A_2148 = vector.broadcast %jit3A_2147 : i32 to vector<16xi32>
      %div3A_2149 = arith.divsi %sub3A_2138, %div3A_2148 : vector<16xi32>
      %sign3A_2150 = arith.constant 0 : i32
      %sign3A_2151 = vector.broadcast %sign3A_2150 : i32 to vector<16xi32>
      %sign3A_2152 = arith.cmpi sgt, %sub3A_2138, %sign3A_2151 : vector<16xi32>
      %sign3A_2153 = arith.extui %sign3A_2152 : vector<16xi1> to vector<16xi32>
      %sign3A_2154 = arith.constant 0 : i32
      %sign3A_2155 = vector.broadcast %sign3A_2154 : i32 to vector<16xi32>
      %sign3A_2156 = arith.cmpi slt, %sub3A_2138, %sign3A_2155 : vector<16xi32>
      %sign3A_2157 = arith.extui %sign3A_2156 : vector<16xi1> to vector<16xi32>
      %sign3A_2158 = arith.subi %sign3A_2153, %sign3A_2157 : vector<16xi32>
      %sign3A_2159 = arith.constant 0 : i32
      %sign3A_2160 = arith.cmpi sgt, %jit3A_2147, %sign3A_2159 : i32
      %sign3A_2161 = arith.extui %sign3A_2160 : i1 to i32
      %sign3A_2162 = arith.constant 0 : i32
      %sign3A_2163 = arith.cmpi slt, %jit3A_2147, %sign3A_2162 : i32
      %sign3A_2164 = arith.extui %sign3A_2163 : i1 to i32
      %sign3A_2165 = arith.subi %sign3A_2161, %sign3A_2164 : i32
      %ne3A_2166 = vector.broadcast %sign3A_2165 : i32 to vector<16xi32>
      %ne3A_2167 = arith.cmpi ne, %sign3A_2158, %ne3A_2166 : vector<16xi32>
      %rem3A_2168 = vector.broadcast %jit3A_2147 : i32 to vector<16xi32>
      %rem3A_2169 = arith.remsi %sub3A_2138, %rem3A_2168 : vector<16xi32>
      %ne3A_2170 = arith.constant 0 : i32
      %ne3A_2171 = vector.broadcast %ne3A_2170 : i32 to vector<16xi32>
      %ne3A_2172 = arith.cmpi ne, %rem3A_2169, %ne3A_2171 : vector<16xi32>
      %and3A_2173 = arith.andi %ne3A_2167, %ne3A_2172 : vector<16xi1>
      %sub3A_2174 = arith.constant 1 : i32
      %sub3A_2175 = vector.broadcast %sub3A_2174 : i32 to vector<16xi32>
      %sub3A_2176 = arith.subi %div3A_2149, %sub3A_2175 : vector<16xi32>
      %select_n3A_2177 = arith.select %and3A_2173, %sub3A_2176, %div3A_2149 : vector<16xi1>, vector<16xi32>
      %jit3A_2178 = arith.constant 128 : i32
      %eq3A_2179 = arith.constant 0 : i32
      %eq3A_2180 = arith.cmpi eq, %jit3A_2178, %eq3A_2179 : i32
      %jit3A_2181 = arith.constant 1 : i32
      %select_n3A_2182 = arith.select %eq3A_2180, %jit3A_2181, %jit3A_2178 : i32
      %rem3A_2183 = vector.broadcast %select_n3A_2182 : i32 to vector<16xi32>
      %rem3A_2184 = arith.remsi %sub3A_2138, %rem3A_2183 : vector<16xi32>
      %ne3A_2185 = arith.constant 0 : i32
      %ne3A_2186 = vector.broadcast %ne3A_2185 : i32 to vector<16xi32>
      %ne3A_2187 = arith.cmpi ne, %rem3A_2184, %ne3A_2186 : vector<16xi32>
      %lt3A_2188 = arith.constant 0 : i32
      %lt3A_2189 = vector.broadcast %lt3A_2188 : i32 to vector<16xi32>
      %lt3A_2190 = arith.cmpi slt, %rem3A_2184, %lt3A_2189 : vector<16xi32>
      %lt3A_2191 = arith.constant 0 : i32
      %lt3A_2192 = arith.cmpi slt, %select_n3A_2182, %lt3A_2191 : i32
      %ne3A_2193 = vector.broadcast %lt3A_2192 : i1 to vector<16xi1>
      %ne3A_2194 = vector.broadcast %ne3A_2193 : vector<16xi1> to vector<16xi1>
      %ne3A_2195 = arith.xori %lt3A_2190, %ne3A_2194 : vector<16xi1>
      %and3A_2196 = arith.andi %ne3A_2195, %ne3A_2187 : vector<16xi1>
      %add3A_2197 = vector.broadcast %select_n3A_2182 : i32 to vector<16xi32>
      %add3A_2198 = arith.addi %rem3A_2184, %add3A_2197 : vector<16xi32>
      %select_n3A_2199 = arith.select %and3A_2196, %add3A_2198, %rem3A_2184 : vector<16xi1>, vector<16xi32>
      %add3A_2200 = vector.broadcast %mul3A_207 : i32 to vector<16xi32>
      %add3A_2201 = arith.addi %add3A_2200, %add3A_2146 : vector<16xi32>
      tpu.vector_store_idx %arg12[%select_n3A_2177, %select_n3A_2199], %add3A_2201 masked %and3A_2142 : memref<4x128xi32, #tpu.memory_space<vmem>>[vector<16xi32>, vector<16xi32>], vector<16xi32>, vector<16xi1>
      %mul3A_2202 = arith.constant 128 : i32
      %mul3A_2203 = vector.broadcast %mul3A_2202 : i32 to vector<16xi32>
      %mul3A_2204 = arith.muli %add3A_2146, %mul3A_2203 : vector<16xi32>
      %add3A_2205 = arith.constant 256 : i32
      %add3A_2206 = vector.broadcast %add3A_2205 : i32 to vector<16xi32>
      %add3A_2207 = arith.addi %add3A_2206, %mul3A_2204 : vector<16xi32>
      tpu.vector_store_idx %arg13[%sub3A_2138], %add3A_2207 masked %and3A_2142 : memref<512xi32, #tpu.memory_space<vmem>>[vector<16xi32>], vector<16xi32>, vector<16xi1>
      %all_reduce_population_count3A_2208 = tpu.all_reduce %ge3A_2128 {dim = 0 : i64, kind = #tpu.reduction_kind<sum>} : vector<16xi1> -> vector<16xi32>
      %add3A_2209 = arith.addi %add3A_2125, %all_reduce_population_count3A_2208 : vector<16xi32>
      %get3A_2210 = arith.constant 384 : index
      %get3A_2211 = tpu.vector_load %arg9[%get3A_2210] {strides = array<i32>} : memref<512xf32, #tpu.memory_space<vmem>>, vector<16xf32>,
      %ge3A_2212 = arith.cmpf oge, %get3A_2211, %get3A_203 : vector<16xf32>
      %jit3A_2213 = arith.constant 1 : i32
      %jit3A_2214 = arith.constant 0 : i32
      %broadcast_in_dim3A_2215 = vector.broadcast %jit3A_2213 : i32 to vector<16xi32>
      %broadcast_in_dim3A_2216 = vector.broadcast %jit3A_2214 : i32 to vector<16xi32>
      %select_n3A_2217 = arith.select %ge3A_2212, %broadcast_in_dim3A_2215, %broadcast_in_dim3A_2216 : vector<16xi1>, vector<16xi32>
      %broadcast_in_dim3A_2218 = arith.constant true
      %broadcast_in_dim3A_2219 = vector.broadcast %broadcast_in_dim3A_2218 : i1 to vector<16xi1>
      %masked_cumsum3A_2220 = tpu.scan <sum>, %select_n3A_2217 masked %broadcast_in_dim3A_2219 : vector<16xi32>, vector<16xi1> -> vector<16xi32>
      %add3A_2221 = arith.addi %add3A_2209, %masked_cumsum3A_2220 : vector<16xi32>
      %sub3A_2222 = arith.subi %add3A_2221, %select_n3A_2217 : vector<16xi32>
      %lt3A_2223 = arith.constant 512 : i32
      %lt3A_2224 = vector.broadcast %lt3A_2223 : i32 to vector<16xi32>
      %lt3A_2225 = arith.cmpi slt, %sub3A_2222, %lt3A_2224 : vector<16xi32>
      %and3A_2226 = arith.andi %ge3A_2212, %lt3A_2225 : vector<16xi1>
      %iota3A_2227 = tpu.iota {dimensions = array<i32: 0>} : vector<16xi32>
      %add3A_2228 = arith.constant 384 : i32
      %add3A_2229 = vector.broadcast %add3A_2228 : i32 to vector<16xi32>
      %add3A_2230 = arith.addi %add3A_2229, %iota3A_2227 : vector<16xi32>
      %jit3A_2231 = arith.constant 128 : i32
      %div3A_2232 = vector.broadcast %jit3A_2231 : i32 to vector<16xi32>
      %div3A_2233 = arith.divsi %sub3A_2222, %div3A_2232 : vector<16xi32>
      %sign3A_2234 = arith.constant 0 : i32
      %sign3A_2235 = vector.broadcast %sign3A_2234 : i32 to vector<16xi32>
      %sign3A_2236 = arith.cmpi sgt, %sub3A_2222, %sign3A_2235 : vector<16xi32>
      %sign3A_2237 = arith.extui %sign3A_2236 : vector<16xi1> to vector<16xi32>
      %sign3A_2238 = arith.constant 0 : i32
      %sign3A_2239 = vector.broadcast %sign3A_2238 : i32 to vector<16xi32>
      %sign3A_2240 = arith.cmpi slt, %sub3A_2222, %sign3A_2239 : vector<16xi32>
      %sign3A_2241 = arith.extui %sign3A_2240 : vector<16xi1> to vector<16xi32>
      %sign3A_2242 = arith.subi %sign3A_2237, %sign3A_2241 : vector<16xi32>
      %sign3A_2243 = arith.constant 0 : i32
      %sign3A_2244 = arith.cmpi sgt, %jit3A_2231, %sign3A_2243 : i32
      %sign3A_2245 = arith.extui %sign3A_2244 : i1 to i32
      %sign3A_2246 = arith.constant 0 : i32
      %sign3A_2247 = arith.cmpi slt, %jit3A_2231, %sign3A_2246 : i32
      %sign3A_2248 = arith.extui %sign3A_2247 : i1 to i32
      %sign3A_2249 = arith.subi %sign3A_2245, %sign3A_2248 : i32
      %ne3A_2250 = vector.broadcast %sign3A_2249 : i32 to vector<16xi32>
      %ne3A_2251 = arith.cmpi ne, %sign3A_2242, %ne3A_2250 : vector<16xi32>
      %rem3A_2252 = vector.broadcast %jit3A_2231 : i32 to vector<16xi32>
      %rem3A_2253 = arith.remsi %sub3A_2222, %rem3A_2252 : vector<16xi32>
      %ne3A_2254 = arith.constant 0 : i32
      %ne3A_2255 = vector.broadcast %ne3A_2254 : i32 to vector<16xi32>
      %ne3A_2256 = arith.cmpi ne, %rem3A_2253, %ne3A_2255 : vector<16xi32>
      %and3A_2257 = arith.andi %ne3A_2251, %ne3A_2256 : vector<16xi1>
      %sub3A_2258 = arith.constant 1 : i32
      %sub3A_2259 = vector.broadcast %sub3A_2258 : i32 to vector<16xi32>
      %sub3A_2260 = arith.subi %div3A_2233, %sub3A_2259 : vector<16xi32>
      %select_n3A_2261 = arith.select %and3A_2257, %sub3A_2260, %div3A_2233 : vector<16xi1>, vector<16xi32>
      %jit3A_2262 = arith.constant 128 : i32
      %eq3A_2263 = arith.constant 0 : i32
      %eq3A_2264 = arith.cmpi eq, %jit3A_2262, %eq3A_2263 : i32
      %jit3A_2265 = arith.constant 1 : i32
      %select_n3A_2266 = arith.select %eq3A_2264, %jit3A_2265, %jit3A_2262 : i32
      %rem3A_2267 = vector.broadcast %select_n3A_2266 : i32 to vector<16xi32>
      %rem3A_2268 = arith.remsi %sub3A_2222, %rem3A_2267 : vector<16xi32>
      %ne3A_2269 = arith.constant 0 : i32
      %ne3A_2270 = vector.broadcast %ne3A_2269 : i32 to vector<16xi32>
      %ne3A_2271 = arith.cmpi ne, %rem3A_2268, %ne3A_2270 : vector<16xi32>
      %lt3A_2272 = arith.constant 0 : i32
      %lt3A_2273 = vector.broadcast %lt3A_2272 : i32 to vector<16xi32>
      %lt3A_2274 = arith.cmpi slt, %rem3A_2268, %lt3A_2273 : vector<16xi32>
      %lt3A_2275 = arith.constant 0 : i32
      %lt3A_2276 = arith.cmpi slt, %select_n3A_2266, %lt3A_2275 : i32
      %ne3A_2277 = vector.broadcast %lt3A_2276 : i1 to vector<16xi1>
      %ne3A_2278 = vector.broadcast %ne3A_2277 : vector<16xi1> to vector<16xi1>
      %ne3A_2279 = arith.xori %lt3A_2274, %ne3A_2278 : vector<16xi1>
      %and3A_2280 = arith.andi %ne3A_2279, %ne3A_2271 : vector<16xi1>
      %add3A_2281 = vector.broadcast %select_n3A_2266 : i32 to vector<16xi32>
      %add3A_2282 = arith.addi %rem3A_2268, %add3A_2281 : vector<16xi32>
      %select_n3A_2283 = arith.select %and3A_2280, %add3A_2282, %rem3A_2268 : vector<16xi1>, vector<16xi32>
      %add3A_2284 = vector.broadcast %mul3A_207 : i32 to vector<16xi32>
      %add3A_2285 = arith.addi %add3A_2284, %add3A_2230 : vector<16xi32>
      tpu.vector_store_idx %arg12[%select_n3A_2261, %select_n3A_2283], %add3A_2285 masked %and3A_2226 : memref<4x128xi32, #tpu.memory_space<vmem>>[vector<16xi32>, vector<16xi32>], vector<16xi32>, vector<16xi1>
      %mul3A_2286 = arith.constant 128 : i32
      %mul3A_2287 = vector.broadcast %mul3A_2286 : i32 to vector<16xi32>
      %mul3A_2288 = arith.muli %add3A_2230, %mul3A_2287 : vector<16xi32>
      %add3A_2289 = arith.constant 256 : i32
      %add3A_2290 = vector.broadcast %add3A_2289 : i32 to vector<16xi32>
      %add3A_2291 = arith.addi %add3A_2290, %mul3A_2288 : vector<16xi32>
      tpu.vector_store_idx %arg13[%sub3A_2222], %add3A_2291 masked %and3A_2226 : memref<512xi32, #tpu.memory_space<vmem>>[vector<16xi32>], vector<16xi32>, vector<16xi1>
      %all_reduce_population_count3A_2292 = tpu.all_reduce %ge3A_2212 {dim = 0 : i64, kind = #tpu.reduction_kind<sum>} : vector<16xi1> -> vector<16xi32>
      %add3A_2293 = arith.addi %add3A_2209, %all_reduce_population_count3A_2292 : vector<16xi32>
      %get3A_2294 = arith.constant 400 : index
      %get3A_2295 = tpu.vector_load %arg9[%get3A_2294] {strides = array<i32>} : memref<512xf32, #tpu.memory_space<vmem>>, vector<16xf32>,
      %ge3A_2296 = arith.cmpf oge, %get3A_2295, %get3A_203 : vector<16xf32>
      %jit3A_2297 = arith.constant 1 : i32
      %jit3A_2298 = arith.constant 0 : i32
      %broadcast_in_dim3A_2299 = vector.broadcast %jit3A_2297 : i32 to vector<16xi32>
      %broadcast_in_dim3A_2300 = vector.broadcast %jit3A_2298 : i32 to vector<16xi32>
      %select_n3A_2301 = arith.select %ge3A_2296, %broadcast_in_dim3A_2299, %broadcast_in_dim3A_2300 : vector<16xi1>, vector<16xi32>
      %broadcast_in_dim3A_2302 = arith.constant true
      %broadcast_in_dim3A_2303 = vector.broadcast %broadcast_in_dim3A_2302 : i1 to vector<16xi1>
      %masked_cumsum3A_2304 = tpu.scan <sum>, %select_n3A_2301 masked %broadcast_in_dim3A_2303 : vector<16xi32>, vector<16xi1> -> vector<16xi32>
      %add3A_2305 = arith.addi %add3A_2293, %masked_cumsum3A_2304 : vector<16xi32>
      %sub3A_2306 = arith.subi %add3A_2305, %select_n3A_2301 : vector<16xi32>
      %lt3A_2307 = arith.constant 512 : i32
      %lt3A_2308 = vector.broadcast %lt3A_2307 : i32 to vector<16xi32>
      %lt3A_2309 = arith.cmpi slt, %sub3A_2306, %lt3A_2308 : vector<16xi32>
      %and3A_2310 = arith.andi %ge3A_2296, %lt3A_2309 : vector<16xi1>
      %iota3A_2311 = tpu.iota {dimensions = array<i32: 0>} : vector<16xi32>
      %add3A_2312 = arith.constant 400 : i32
      %add3A_2313 = vector.broadcast %add3A_2312 : i32 to vector<16xi32>
      %add3A_2314 = arith.addi %add3A_2313, %iota3A_2311 : vector<16xi32>
      %jit3A_2315 = arith.constant 128 : i32
      %div3A_2316 = vector.broadcast %jit3A_2315 : i32 to vector<16xi32>
      %div3A_2317 = arith.divsi %sub3A_2306, %div3A_2316 : vector<16xi32>
      %sign3A_2318 = arith.constant 0 : i32
      %sign3A_2319 = vector.broadcast %sign3A_2318 : i32 to vector<16xi32>
      %sign3A_2320 = arith.cmpi sgt, %sub3A_2306, %sign3A_2319 : vector<16xi32>
      %sign3A_2321 = arith.extui %sign3A_2320 : vector<16xi1> to vector<16xi32>
      %sign3A_2322 = arith.constant 0 : i32
      %sign3A_2323 = vector.broadcast %sign3A_2322 : i32 to vector<16xi32>
      %sign3A_2324 = arith.cmpi slt, %sub3A_2306, %sign3A_2323 : vector<16xi32>
      %sign3A_2325 = arith.extui %sign3A_2324 : vector<16xi1> to vector<16xi32>
      %sign3A_2326 = arith.subi %sign3A_2321, %sign3A_2325 : vector<16xi32>
      %sign3A_2327 = arith.constant 0 : i32
      %sign3A_2328 = arith.cmpi sgt, %jit3A_2315, %sign3A_2327 : i32
      %sign3A_2329 = arith.extui %sign3A_2328 : i1 to i32
      %sign3A_2330 = arith.constant 0 : i32
      %sign3A_2331 = arith.cmpi slt, %jit3A_2315, %sign3A_2330 : i32
      %sign3A_2332 = arith.extui %sign3A_2331 : i1 to i32
      %sign3A_2333 = arith.subi %sign3A_2329, %sign3A_2332 : i32
      %ne3A_2334 = vector.broadcast %sign3A_2333 : i32 to vector<16xi32>
      %ne3A_2335 = arith.cmpi ne, %sign3A_2326, %ne3A_2334 : vector<16xi32>
      %rem3A_2336 = vector.broadcast %jit3A_2315 : i32 to vector<16xi32>
      %rem3A_2337 = arith.remsi %sub3A_2306, %rem3A_2336 : vector<16xi32>
      %ne3A_2338 = arith.constant 0 : i32
      %ne3A_2339 = vector.broadcast %ne3A_2338 : i32 to vector<16xi32>
      %ne3A_2340 = arith.cmpi ne, %rem3A_2337, %ne3A_2339 : vector<16xi32>
      %and3A_2341 = arith.andi %ne3A_2335, %ne3A_2340 : vector<16xi1>
      %sub3A_2342 = arith.constant 1 : i32
      %sub3A_2343 = vector.broadcast %sub3A_2342 : i32 to vector<16xi32>
      %sub3A_2344 = arith.subi %div3A_2317, %sub3A_2343 : vector<16xi32>
      %select_n3A_2345 = arith.select %and3A_2341, %sub3A_2344, %div3A_2317 : vector<16xi1>, vector<16xi32>
      %jit3A_2346 = arith.constant 128 : i32
      %eq3A_2347 = arith.constant 0 : i32
      %eq3A_2348 = arith.cmpi eq, %jit3A_2346, %eq3A_2347 : i32
      %jit3A_2349 = arith.constant 1 : i32
      %select_n3A_2350 = arith.select %eq3A_2348, %jit3A_2349, %jit3A_2346 : i32
      %rem3A_2351 = vector.broadcast %select_n3A_2350 : i32 to vector<16xi32>
      %rem3A_2352 = arith.remsi %sub3A_2306, %rem3A_2351 : vector<16xi32>
      %ne3A_2353 = arith.constant 0 : i32
      %ne3A_2354 = vector.broadcast %ne3A_2353 : i32 to vector<16xi32>
      %ne3A_2355 = arith.cmpi ne, %rem3A_2352, %ne3A_2354 : vector<16xi32>
      %lt3A_2356 = arith.constant 0 : i32
      %lt3A_2357 = vector.broadcast %lt3A_2356 : i32 to vector<16xi32>
      %lt3A_2358 = arith.cmpi slt, %rem3A_2352, %lt3A_2357 : vector<16xi32>
      %lt3A_2359 = arith.constant 0 : i32
      %lt3A_2360 = arith.cmpi slt, %select_n3A_2350, %lt3A_2359 : i32
      %ne3A_2361 = vector.broadcast %lt3A_2360 : i1 to vector<16xi1>
      %ne3A_2362 = vector.broadcast %ne3A_2361 : vector<16xi1> to vector<16xi1>
      %ne3A_2363 = arith.xori %lt3A_2358, %ne3A_2362 : vector<16xi1>
      %and3A_2364 = arith.andi %ne3A_2363, %ne3A_2355 : vector<16xi1>
      %add3A_2365 = vector.broadcast %select_n3A_2350 : i32 to vector<16xi32>
      %add3A_2366 = arith.addi %rem3A_2352, %add3A_2365 : vector<16xi32>
      %select_n3A_2367 = arith.select %and3A_2364, %add3A_2366, %rem3A_2352 : vector<16xi1>, vector<16xi32>
      %add3A_2368 = vector.broadcast %mul3A_207 : i32 to vector<16xi32>
      %add3A_2369 = arith.addi %add3A_2368, %add3A_2314 : vector<16xi32>
      tpu.vector_store_idx %arg12[%select_n3A_2345, %select_n3A_2367], %add3A_2369 masked %and3A_2310 : memref<4x128xi32, #tpu.memory_space<vmem>>[vector<16xi32>, vector<16xi32>], vector<16xi32>, vector<16xi1>
      %mul3A_2370 = arith.constant 128 : i32
      %mul3A_2371 = vector.broadcast %mul3A_2370 : i32 to vector<16xi32>
      %mul3A_2372 = arith.muli %add3A_2314, %mul3A_2371 : vector<16xi32>
      %add3A_2373 = arith.constant 256 : i32
      %add3A_2374 = vector.broadcast %add3A_2373 : i32 to vector<16xi32>
      %add3A_2375 = arith.addi %add3A_2374, %mul3A_2372 : vector<16xi32>
      tpu.vector_store_idx %arg13[%sub3A_2306], %add3A_2375 masked %and3A_2310 : memref<512xi32, #tpu.memory_space<vmem>>[vector<16xi32>], vector<16xi32>, vector<16xi1>
      %all_reduce_population_count3A_2376 = tpu.all_reduce %ge3A_2296 {dim = 0 : i64, kind = #tpu.reduction_kind<sum>} : vector<16xi1> -> vector<16xi32>
      %add3A_2377 = arith.addi %add3A_2293, %all_reduce_population_count3A_2376 : vector<16xi32>
      %get3A_2378 = arith.constant 416 : index
      %get3A_2379 = tpu.vector_load %arg9[%get3A_2378] {strides = array<i32>} : memref<512xf32, #tpu.memory_space<vmem>>, vector<16xf32>,
      %ge3A_2380 = arith.cmpf oge, %get3A_2379, %get3A_203 : vector<16xf32>
      %jit3A_2381 = arith.constant 1 : i32
      %jit3A_2382 = arith.constant 0 : i32
      %broadcast_in_dim3A_2383 = vector.broadcast %jit3A_2381 : i32 to vector<16xi32>
      %broadcast_in_dim3A_2384 = vector.broadcast %jit3A_2382 : i32 to vector<16xi32>
      %select_n3A_2385 = arith.select %ge3A_2380, %broadcast_in_dim3A_2383, %broadcast_in_dim3A_2384 : vector<16xi1>, vector<16xi32>
      %broadcast_in_dim3A_2386 = arith.constant true
      %broadcast_in_dim3A_2387 = vector.broadcast %broadcast_in_dim3A_2386 : i1 to vector<16xi1>
      %masked_cumsum3A_2388 = tpu.scan <sum>, %select_n3A_2385 masked %broadcast_in_dim3A_2387 : vector<16xi32>, vector<16xi1> -> vector<16xi32>
      %add3A_2389 = arith.addi %add3A_2377, %masked_cumsum3A_2388 : vector<16xi32>
      %sub3A_2390 = arith.subi %add3A_2389, %select_n3A_2385 : vector<16xi32>
      %lt3A_2391 = arith.constant 512 : i32
      %lt3A_2392 = vector.broadcast %lt3A_2391 : i32 to vector<16xi32>
      %lt3A_2393 = arith.cmpi slt, %sub3A_2390, %lt3A_2392 : vector<16xi32>
      %and3A_2394 = arith.andi %ge3A_2380, %lt3A_2393 : vector<16xi1>
      %iota3A_2395 = tpu.iota {dimensions = array<i32: 0>} : vector<16xi32>
      %add3A_2396 = arith.constant 416 : i32
      %add3A_2397 = vector.broadcast %add3A_2396 : i32 to vector<16xi32>
      %add3A_2398 = arith.addi %add3A_2397, %iota3A_2395 : vector<16xi32>
      %jit3A_2399 = arith.constant 128 : i32
      %div3A_2400 = vector.broadcast %jit3A_2399 : i32 to vector<16xi32>
      %div3A_2401 = arith.divsi %sub3A_2390, %div3A_2400 : vector<16xi32>
      %sign3A_2402 = arith.constant 0 : i32
      %sign3A_2403 = vector.broadcast %sign3A_2402 : i32 to vector<16xi32>
      %sign3A_2404 = arith.cmpi sgt, %sub3A_2390, %sign3A_2403 : vector<16xi32>
      %sign3A_2405 = arith.extui %sign3A_2404 : vector<16xi1> to vector<16xi32>
      %sign3A_2406 = arith.constant 0 : i32
      %sign3A_2407 = vector.broadcast %sign3A_2406 : i32 to vector<16xi32>
      %sign3A_2408 = arith.cmpi slt, %sub3A_2390, %sign3A_2407 : vector<16xi32>
      %sign3A_2409 = arith.extui %sign3A_2408 : vector<16xi1> to vector<16xi32>
      %sign3A_2410 = arith.subi %sign3A_2405, %sign3A_2409 : vector<16xi32>
      %sign3A_2411 = arith.constant 0 : i32
      %sign3A_2412 = arith.cmpi sgt, %jit3A_2399, %sign3A_2411 : i32
      %sign3A_2413 = arith.extui %sign3A_2412 : i1 to i32
      %sign3A_2414 = arith.constant 0 : i32
      %sign3A_2415 = arith.cmpi slt, %jit3A_2399, %sign3A_2414 : i32
      %sign3A_2416 = arith.extui %sign3A_2415 : i1 to i32
      %sign3A_2417 = arith.subi %sign3A_2413, %sign3A_2416 : i32
      %ne3A_2418 = vector.broadcast %sign3A_2417 : i32 to vector<16xi32>
      %ne3A_2419 = arith.cmpi ne, %sign3A_2410, %ne3A_2418 : vector<16xi32>
      %rem3A_2420 = vector.broadcast %jit3A_2399 : i32 to vector<16xi32>
      %rem3A_2421 = arith.remsi %sub3A_2390, %rem3A_2420 : vector<16xi32>
      %ne3A_2422 = arith.constant 0 : i32
      %ne3A_2423 = vector.broadcast %ne3A_2422 : i32 to vector<16xi32>
      %ne3A_2424 = arith.cmpi ne, %rem3A_2421, %ne3A_2423 : vector<16xi32>
      %and3A_2425 = arith.andi %ne3A_2419, %ne3A_2424 : vector<16xi1>
      %sub3A_2426 = arith.constant 1 : i32
      %sub3A_2427 = vector.broadcast %sub3A_2426 : i32 to vector<16xi32>
      %sub3A_2428 = arith.subi %div3A_2401, %sub3A_2427 : vector<16xi32>
      %select_n3A_2429 = arith.select %and3A_2425, %sub3A_2428, %div3A_2401 : vector<16xi1>, vector<16xi32>
      %jit3A_2430 = arith.constant 128 : i32
      %eq3A_2431 = arith.constant 0 : i32
      %eq3A_2432 = arith.cmpi eq, %jit3A_2430, %eq3A_2431 : i32
      %jit3A_2433 = arith.constant 1 : i32
      %select_n3A_2434 = arith.select %eq3A_2432, %jit3A_2433, %jit3A_2430 : i32
      %rem3A_2435 = vector.broadcast %select_n3A_2434 : i32 to vector<16xi32>
      %rem3A_2436 = arith.remsi %sub3A_2390, %rem3A_2435 : vector<16xi32>
      %ne3A_2437 = arith.constant 0 : i32
      %ne3A_2438 = vector.broadcast %ne3A_2437 : i32 to vector<16xi32>
      %ne3A_2439 = arith.cmpi ne, %rem3A_2436, %ne3A_2438 : vector<16xi32>
      %lt3A_2440 = arith.constant 0 : i32
      %lt3A_2441 = vector.broadcast %lt3A_2440 : i32 to vector<16xi32>
      %lt3A_2442 = arith.cmpi slt, %rem3A_2436, %lt3A_2441 : vector<16xi32>
      %lt3A_2443 = arith.constant 0 : i32
      %lt3A_2444 = arith.cmpi slt, %select_n3A_2434, %lt3A_2443 : i32
      %ne3A_2445 = vector.broadcast %lt3A_2444 : i1 to vector<16xi1>
      %ne3A_2446 = vector.broadcast %ne3A_2445 : vector<16xi1> to vector<16xi1>
      %ne3A_2447 = arith.xori %lt3A_2442, %ne3A_2446 : vector<16xi1>
      %and3A_2448 = arith.andi %ne3A_2447, %ne3A_2439 : vector<16xi1>
      %add3A_2449 = vector.broadcast %select_n3A_2434 : i32 to vector<16xi32>
      %add3A_2450 = arith.addi %rem3A_2436, %add3A_2449 : vector<16xi32>
      %select_n3A_2451 = arith.select %and3A_2448, %add3A_2450, %rem3A_2436 : vector<16xi1>, vector<16xi32>
      %add3A_2452 = vector.broadcast %mul3A_207 : i32 to vector<16xi32>
      %add3A_2453 = arith.addi %add3A_2452, %add3A_2398 : vector<16xi32>
      tpu.vector_store_idx %arg12[%select_n3A_2429, %select_n3A_2451], %add3A_2453 masked %and3A_2394 : memref<4x128xi32, #tpu.memory_space<vmem>>[vector<16xi32>, vector<16xi32>], vector<16xi32>, vector<16xi1>
      %mul3A_2454 = arith.constant 128 : i32
      %mul3A_2455 = vector.broadcast %mul3A_2454 : i32 to vector<16xi32>
      %mul3A_2456 = arith.muli %add3A_2398, %mul3A_2455 : vector<16xi32>
      %add3A_2457 = arith.constant 256 : i32
      %add3A_2458 = vector.broadcast %add3A_2457 : i32 to vector<16xi32>
      %add3A_2459 = arith.addi %add3A_2458, %mul3A_2456 : vector<16xi32>
      tpu.vector_store_idx %arg13[%sub3A_2390], %add3A_2459 masked %and3A_2394 : memref<512xi32, #tpu.memory_space<vmem>>[vector<16xi32>], vector<16xi32>, vector<16xi1>
      %all_reduce_population_count3A_2460 = tpu.all_reduce %ge3A_2380 {dim = 0 : i64, kind = #tpu.reduction_kind<sum>} : vector<16xi1> -> vector<16xi32>
      %add3A_2461 = arith.addi %add3A_2377, %all_reduce_population_count3A_2460 : vector<16xi32>
      %get3A_2462 = arith.constant 432 : index
      %get3A_2463 = tpu.vector_load %arg9[%get3A_2462] {strides = array<i32>} : memref<512xf32, #tpu.memory_space<vmem>>, vector<16xf32>,
      %ge3A_2464 = arith.cmpf oge, %get3A_2463, %get3A_203 : vector<16xf32>
      %jit3A_2465 = arith.constant 1 : i32
      %jit3A_2466 = arith.constant 0 : i32
      %broadcast_in_dim3A_2467 = vector.broadcast %jit3A_2465 : i32 to vector<16xi32>
      %broadcast_in_dim3A_2468 = vector.broadcast %jit3A_2466 : i32 to vector<16xi32>
      %select_n3A_2469 = arith.select %ge3A_2464, %broadcast_in_dim3A_2467, %broadcast_in_dim3A_2468 : vector<16xi1>, vector<16xi32>
      %broadcast_in_dim3A_2470 = arith.constant true
      %broadcast_in_dim3A_2471 = vector.broadcast %broadcast_in_dim3A_2470 : i1 to vector<16xi1>
      %masked_cumsum3A_2472 = tpu.scan <sum>, %select_n3A_2469 masked %broadcast_in_dim3A_2471 : vector<16xi32>, vector<16xi1> -> vector<16xi32>
      %add3A_2473 = arith.addi %add3A_2461, %masked_cumsum3A_2472 : vector<16xi32>
      %sub3A_2474 = arith.subi %add3A_2473, %select_n3A_2469 : vector<16xi32>
      %lt3A_2475 = arith.constant 512 : i32
      %lt3A_2476 = vector.broadcast %lt3A_2475 : i32 to vector<16xi32>
      %lt3A_2477 = arith.cmpi slt, %sub3A_2474, %lt3A_2476 : vector<16xi32>
      %and3A_2478 = arith.andi %ge3A_2464, %lt3A_2477 : vector<16xi1>
      %iota3A_2479 = tpu.iota {dimensions = array<i32: 0>} : vector<16xi32>
      %add3A_2480 = arith.constant 432 : i32
      %add3A_2481 = vector.broadcast %add3A_2480 : i32 to vector<16xi32>
      %add3A_2482 = arith.addi %add3A_2481, %iota3A_2479 : vector<16xi32>
      %jit3A_2483 = arith.constant 128 : i32
      %div3A_2484 = vector.broadcast %jit3A_2483 : i32 to vector<16xi32>
      %div3A_2485 = arith.divsi %sub3A_2474, %div3A_2484 : vector<16xi32>
      %sign3A_2486 = arith.constant 0 : i32
      %sign3A_2487 = vector.broadcast %sign3A_2486 : i32 to vector<16xi32>
      %sign3A_2488 = arith.cmpi sgt, %sub3A_2474, %sign3A_2487 : vector<16xi32>
      %sign3A_2489 = arith.extui %sign3A_2488 : vector<16xi1> to vector<16xi32>
      %sign3A_2490 = arith.constant 0 : i32
      %sign3A_2491 = vector.broadcast %sign3A_2490 : i32 to vector<16xi32>
      %sign3A_2492 = arith.cmpi slt, %sub3A_2474, %sign3A_2491 : vector<16xi32>
      %sign3A_2493 = arith.extui %sign3A_2492 : vector<16xi1> to vector<16xi32>
      %sign3A_2494 = arith.subi %sign3A_2489, %sign3A_2493 : vector<16xi32>
      %sign3A_2495 = arith.constant 0 : i32
      %sign3A_2496 = arith.cmpi sgt, %jit3A_2483, %sign3A_2495 : i32
      %sign3A_2497 = arith.extui %sign3A_2496 : i1 to i32
      %sign3A_2498 = arith.constant 0 : i32
      %sign3A_2499 = arith.cmpi slt, %jit3A_2483, %sign3A_2498 : i32
      %sign3A_2500 = arith.extui %sign3A_2499 : i1 to i32
      %sign3A_2501 = arith.subi %sign3A_2497, %sign3A_2500 : i32
      %ne3A_2502 = vector.broadcast %sign3A_2501 : i32 to vector<16xi32>
      %ne3A_2503 = arith.cmpi ne, %sign3A_2494, %ne3A_2502 : vector<16xi32>
      %rem3A_2504 = vector.broadcast %jit3A_2483 : i32 to vector<16xi32>
      %rem3A_2505 = arith.remsi %sub3A_2474, %rem3A_2504 : vector<16xi32>
      %ne3A_2506 = arith.constant 0 : i32
      %ne3A_2507 = vector.broadcast %ne3A_2506 : i32 to vector<16xi32>
      %ne3A_2508 = arith.cmpi ne, %rem3A_2505, %ne3A_2507 : vector<16xi32>
      %and3A_2509 = arith.andi %ne3A_2503, %ne3A_2508 : vector<16xi1>
      %sub3A_2510 = arith.constant 1 : i32
      %sub3A_2511 = vector.broadcast %sub3A_2510 : i32 to vector<16xi32>
      %sub3A_2512 = arith.subi %div3A_2485, %sub3A_2511 : vector<16xi32>
      %select_n3A_2513 = arith.select %and3A_2509, %sub3A_2512, %div3A_2485 : vector<16xi1>, vector<16xi32>
      %jit3A_2514 = arith.constant 128 : i32
      %eq3A_2515 = arith.constant 0 : i32
      %eq3A_2516 = arith.cmpi eq, %jit3A_2514, %eq3A_2515 : i32
      %jit3A_2517 = arith.constant 1 : i32
      %select_n3A_2518 = arith.select %eq3A_2516, %jit3A_2517, %jit3A_2514 : i32
      %rem3A_2519 = vector.broadcast %select_n3A_2518 : i32 to vector<16xi32>
      %rem3A_2520 = arith.remsi %sub3A_2474, %rem3A_2519 : vector<16xi32>
      %ne3A_2521 = arith.constant 0 : i32
      %ne3A_2522 = vector.broadcast %ne3A_2521 : i32 to vector<16xi32>
      %ne3A_2523 = arith.cmpi ne, %rem3A_2520, %ne3A_2522 : vector<16xi32>
      %lt3A_2524 = arith.constant 0 : i32
      %lt3A_2525 = vector.broadcast %lt3A_2524 : i32 to vector<16xi32>
      %lt3A_2526 = arith.cmpi slt, %rem3A_2520, %lt3A_2525 : vector<16xi32>
      %lt3A_2527 = arith.constant 0 : i32
      %lt3A_2528 = arith.cmpi slt, %select_n3A_2518, %lt3A_2527 : i32
      %ne3A_2529 = vector.broadcast %lt3A_2528 : i1 to vector<16xi1>
      %ne3A_2530 = vector.broadcast %ne3A_2529 : vector<16xi1> to vector<16xi1>
      %ne3A_2531 = arith.xori %lt3A_2526, %ne3A_2530 : vector<16xi1>
      %and3A_2532 = arith.andi %ne3A_2531, %ne3A_2523 : vector<16xi1>
      %add3A_2533 = vector.broadcast %select_n3A_2518 : i32 to vector<16xi32>
      %add3A_2534 = arith.addi %rem3A_2520, %add3A_2533 : vector<16xi32>
      %select_n3A_2535 = arith.select %and3A_2532, %add3A_2534, %rem3A_2520 : vector<16xi1>, vector<16xi32>
      %add3A_2536 = vector.broadcast %mul3A_207 : i32 to vector<16xi32>
      %add3A_2537 = arith.addi %add3A_2536, %add3A_2482 : vector<16xi32>
      tpu.vector_store_idx %arg12[%select_n3A_2513, %select_n3A_2535], %add3A_2537 masked %and3A_2478 : memref<4x128xi32, #tpu.memory_space<vmem>>[vector<16xi32>, vector<16xi32>], vector<16xi32>, vector<16xi1>
      %mul3A_2538 = arith.constant 128 : i32
      %mul3A_2539 = vector.broadcast %mul3A_2538 : i32 to vector<16xi32>
      %mul3A_2540 = arith.muli %add3A_2482, %mul3A_2539 : vector<16xi32>
      %add3A_2541 = arith.constant 256 : i32
      %add3A_2542 = vector.broadcast %add3A_2541 : i32 to vector<16xi32>
      %add3A_2543 = arith.addi %add3A_2542, %mul3A_2540 : vector<16xi32>
      tpu.vector_store_idx %arg13[%sub3A_2474], %add3A_2543 masked %and3A_2478 : memref<512xi32, #tpu.memory_space<vmem>>[vector<16xi32>], vector<16xi32>, vector<16xi1>
      %all_reduce_population_count3A_2544 = tpu.all_reduce %ge3A_2464 {dim = 0 : i64, kind = #tpu.reduction_kind<sum>} : vector<16xi1> -> vector<16xi32>
      %add3A_2545 = arith.addi %add3A_2461, %all_reduce_population_count3A_2544 : vector<16xi32>
      %get3A_2546 = arith.constant 448 : index
      %get3A_2547 = tpu.vector_load %arg9[%get3A_2546] {strides = array<i32>} : memref<512xf32, #tpu.memory_space<vmem>>, vector<16xf32>,
      %ge3A_2548 = arith.cmpf oge, %get3A_2547, %get3A_203 : vector<16xf32>
      %jit3A_2549 = arith.constant 1 : i32
      %jit3A_2550 = arith.constant 0 : i32
      %broadcast_in_dim3A_2551 = vector.broadcast %jit3A_2549 : i32 to vector<16xi32>
      %broadcast_in_dim3A_2552 = vector.broadcast %jit3A_2550 : i32 to vector<16xi32>
      %select_n3A_2553 = arith.select %ge3A_2548, %broadcast_in_dim3A_2551, %broadcast_in_dim3A_2552 : vector<16xi1>, vector<16xi32>
      %broadcast_in_dim3A_2554 = arith.constant true
      %broadcast_in_dim3A_2555 = vector.broadcast %broadcast_in_dim3A_2554 : i1 to vector<16xi1>
      %masked_cumsum3A_2556 = tpu.scan <sum>, %select_n3A_2553 masked %broadcast_in_dim3A_2555 : vector<16xi32>, vector<16xi1> -> vector<16xi32>
      %add3A_2557 = arith.addi %add3A_2545, %masked_cumsum3A_2556 : vector<16xi32>
      %sub3A_2558 = arith.subi %add3A_2557, %select_n3A_2553 : vector<16xi32>
      %lt3A_2559 = arith.constant 512 : i32
      %lt3A_2560 = vector.broadcast %lt3A_2559 : i32 to vector<16xi32>
      %lt3A_2561 = arith.cmpi slt, %sub3A_2558, %lt3A_2560 : vector<16xi32>
      %and3A_2562 = arith.andi %ge3A_2548, %lt3A_2561 : vector<16xi1>
      %iota3A_2563 = tpu.iota {dimensions = array<i32: 0>} : vector<16xi32>
      %add3A_2564 = arith.constant 448 : i32
      %add3A_2565 = vector.broadcast %add3A_2564 : i32 to vector<16xi32>
      %add3A_2566 = arith.addi %add3A_2565, %iota3A_2563 : vector<16xi32>
      %jit3A_2567 = arith.constant 128 : i32
      %div3A_2568 = vector.broadcast %jit3A_2567 : i32 to vector<16xi32>
      %div3A_2569 = arith.divsi %sub3A_2558, %div3A_2568 : vector<16xi32>
      %sign3A_2570 = arith.constant 0 : i32
      %sign3A_2571 = vector.broadcast %sign3A_2570 : i32 to vector<16xi32>
      %sign3A_2572 = arith.cmpi sgt, %sub3A_2558, %sign3A_2571 : vector<16xi32>
      %sign3A_2573 = arith.extui %sign3A_2572 : vector<16xi1> to vector<16xi32>
      %sign3A_2574 = arith.constant 0 : i32
      %sign3A_2575 = vector.broadcast %sign3A_2574 : i32 to vector<16xi32>
      %sign3A_2576 = arith.cmpi slt, %sub3A_2558, %sign3A_2575 : vector<16xi32>
      %sign3A_2577 = arith.extui %sign3A_2576 : vector<16xi1> to vector<16xi32>
      %sign3A_2578 = arith.subi %sign3A_2573, %sign3A_2577 : vector<16xi32>
      %sign3A_2579 = arith.constant 0 : i32
      %sign3A_2580 = arith.cmpi sgt, %jit3A_2567, %sign3A_2579 : i32
      %sign3A_2581 = arith.extui %sign3A_2580 : i1 to i32
      %sign3A_2582 = arith.constant 0 : i32
      %sign3A_2583 = arith.cmpi slt, %jit3A_2567, %sign3A_2582 : i32
      %sign3A_2584 = arith.extui %sign3A_2583 : i1 to i32
      %sign3A_2585 = arith.subi %sign3A_2581, %sign3A_2584 : i32
      %ne3A_2586 = vector.broadcast %sign3A_2585 : i32 to vector<16xi32>
      %ne3A_2587 = arith.cmpi ne, %sign3A_2578, %ne3A_2586 : vector<16xi32>
      %rem3A_2588 = vector.broadcast %jit3A_2567 : i32 to vector<16xi32>
      %rem3A_2589 = arith.remsi %sub3A_2558, %rem3A_2588 : vector<16xi32>
      %ne3A_2590 = arith.constant 0 : i32
      %ne3A_2591 = vector.broadcast %ne3A_2590 : i32 to vector<16xi32>
      %ne3A_2592 = arith.cmpi ne, %rem3A_2589, %ne3A_2591 : vector<16xi32>
      %and3A_2593 = arith.andi %ne3A_2587, %ne3A_2592 : vector<16xi1>
      %sub3A_2594 = arith.constant 1 : i32
      %sub3A_2595 = vector.broadcast %sub3A_2594 : i32 to vector<16xi32>
      %sub3A_2596 = arith.subi %div3A_2569, %sub3A_2595 : vector<16xi32>
      %select_n3A_2597 = arith.select %and3A_2593, %sub3A_2596, %div3A_2569 : vector<16xi1>, vector<16xi32>
      %jit3A_2598 = arith.constant 128 : i32
      %eq3A_2599 = arith.constant 0 : i32
      %eq3A_2600 = arith.cmpi eq, %jit3A_2598, %eq3A_2599 : i32
      %jit3A_2601 = arith.constant 1 : i32
      %select_n3A_2602 = arith.select %eq3A_2600, %jit3A_2601, %jit3A_2598 : i32
      %rem3A_2603 = vector.broadcast %select_n3A_2602 : i32 to vector<16xi32>
      %rem3A_2604 = arith.remsi %sub3A_2558, %rem3A_2603 : vector<16xi32>
      %ne3A_2605 = arith.constant 0 : i32
      %ne3A_2606 = vector.broadcast %ne3A_2605 : i32 to vector<16xi32>
      %ne3A_2607 = arith.cmpi ne, %rem3A_2604, %ne3A_2606 : vector<16xi32>
      %lt3A_2608 = arith.constant 0 : i32
      %lt3A_2609 = vector.broadcast %lt3A_2608 : i32 to vector<16xi32>
      %lt3A_2610 = arith.cmpi slt, %rem3A_2604, %lt3A_2609 : vector<16xi32>
      %lt3A_2611 = arith.constant 0 : i32
      %lt3A_2612 = arith.cmpi slt, %select_n3A_2602, %lt3A_2611 : i32
      %ne3A_2613 = vector.broadcast %lt3A_2612 : i1 to vector<16xi1>
      %ne3A_2614 = vector.broadcast %ne3A_2613 : vector<16xi1> to vector<16xi1>
      %ne3A_2615 = arith.xori %lt3A_2610, %ne3A_2614 : vector<16xi1>
      %and3A_2616 = arith.andi %ne3A_2615, %ne3A_2607 : vector<16xi1>
      %add3A_2617 = vector.broadcast %select_n3A_2602 : i32 to vector<16xi32>
      %add3A_2618 = arith.addi %rem3A_2604, %add3A_2617 : vector<16xi32>
      %select_n3A_2619 = arith.select %and3A_2616, %add3A_2618, %rem3A_2604 : vector<16xi1>, vector<16xi32>
      %add3A_2620 = vector.broadcast %mul3A_207 : i32 to vector<16xi32>
      %add3A_2621 = arith.addi %add3A_2620, %add3A_2566 : vector<16xi32>
      tpu.vector_store_idx %arg12[%select_n3A_2597, %select_n3A_2619], %add3A_2621 masked %and3A_2562 : memref<4x128xi32, #tpu.memory_space<vmem>>[vector<16xi32>, vector<16xi32>], vector<16xi32>, vector<16xi1>
      %mul3A_2622 = arith.constant 128 : i32
      %mul3A_2623 = vector.broadcast %mul3A_2622 : i32 to vector<16xi32>
      %mul3A_2624 = arith.muli %add3A_2566, %mul3A_2623 : vector<16xi32>
      %add3A_2625 = arith.constant 256 : i32
      %add3A_2626 = vector.broadcast %add3A_2625 : i32 to vector<16xi32>
      %add3A_2627 = arith.addi %add3A_2626, %mul3A_2624 : vector<16xi32>
      tpu.vector_store_idx %arg13[%sub3A_2558], %add3A_2627 masked %and3A_2562 : memref<512xi32, #tpu.memory_space<vmem>>[vector<16xi32>], vector<16xi32>, vector<16xi1>
      %all_reduce_population_count3A_2628 = tpu.all_reduce %ge3A_2548 {dim = 0 : i64, kind = #tpu.reduction_kind<sum>} : vector<16xi1> -> vector<16xi32>
      %add3A_2629 = arith.addi %add3A_2545, %all_reduce_population_count3A_2628 : vector<16xi32>
      %get3A_2630 = arith.constant 464 : index
      %get3A_2631 = tpu.vector_load %arg9[%get3A_2630] {strides = array<i32>} : memref<512xf32, #tpu.memory_space<vmem>>, vector<16xf32>,
      %ge3A_2632 = arith.cmpf oge, %get3A_2631, %get3A_203 : vector<16xf32>
      %jit3A_2633 = arith.constant 1 : i32
      %jit3A_2634 = arith.constant 0 : i32
      %broadcast_in_dim3A_2635 = vector.broadcast %jit3A_2633 : i32 to vector<16xi32>
      %broadcast_in_dim3A_2636 = vector.broadcast %jit3A_2634 : i32 to vector<16xi32>
      %select_n3A_2637 = arith.select %ge3A_2632, %broadcast_in_dim3A_2635, %broadcast_in_dim3A_2636 : vector<16xi1>, vector<16xi32>
      %broadcast_in_dim3A_2638 = arith.constant true
      %broadcast_in_dim3A_2639 = vector.broadcast %broadcast_in_dim3A_2638 : i1 to vector<16xi1>
      %masked_cumsum3A_2640 = tpu.scan <sum>, %select_n3A_2637 masked %broadcast_in_dim3A_2639 : vector<16xi32>, vector<16xi1> -> vector<16xi32>
      %add3A_2641 = arith.addi %add3A_2629, %masked_cumsum3A_2640 : vector<16xi32>
      %sub3A_2642 = arith.subi %add3A_2641, %select_n3A_2637 : vector<16xi32>
      %lt3A_2643 = arith.constant 512 : i32
      %lt3A_2644 = vector.broadcast %lt3A_2643 : i32 to vector<16xi32>
      %lt3A_2645 = arith.cmpi slt, %sub3A_2642, %lt3A_2644 : vector<16xi32>
      %and3A_2646 = arith.andi %ge3A_2632, %lt3A_2645 : vector<16xi1>
      %iota3A_2647 = tpu.iota {dimensions = array<i32: 0>} : vector<16xi32>
      %add3A_2648 = arith.constant 464 : i32
      %add3A_2649 = vector.broadcast %add3A_2648 : i32 to vector<16xi32>
      %add3A_2650 = arith.addi %add3A_2649, %iota3A_2647 : vector<16xi32>
      %jit3A_2651 = arith.constant 128 : i32
      %div3A_2652 = vector.broadcast %jit3A_2651 : i32 to vector<16xi32>
      %div3A_2653 = arith.divsi %sub3A_2642, %div3A_2652 : vector<16xi32>
      %sign3A_2654 = arith.constant 0 : i32
      %sign3A_2655 = vector.broadcast %sign3A_2654 : i32 to vector<16xi32>
      %sign3A_2656 = arith.cmpi sgt, %sub3A_2642, %sign3A_2655 : vector<16xi32>
      %sign3A_2657 = arith.extui %sign3A_2656 : vector<16xi1> to vector<16xi32>
      %sign3A_2658 = arith.constant 0 : i32
      %sign3A_2659 = vector.broadcast %sign3A_2658 : i32 to vector<16xi32>
      %sign3A_2660 = arith.cmpi slt, %sub3A_2642, %sign3A_2659 : vector<16xi32>
      %sign3A_2661 = arith.extui %sign3A_2660 : vector<16xi1> to vector<16xi32>
      %sign3A_2662 = arith.subi %sign3A_2657, %sign3A_2661 : vector<16xi32>
      %sign3A_2663 = arith.constant 0 : i32
      %sign3A_2664 = arith.cmpi sgt, %jit3A_2651, %sign3A_2663 : i32
      %sign3A_2665 = arith.extui %sign3A_2664 : i1 to i32
      %sign3A_2666 = arith.constant 0 : i32
      %sign3A_2667 = arith.cmpi slt, %jit3A_2651, %sign3A_2666 : i32
      %sign3A_2668 = arith.extui %sign3A_2667 : i1 to i32
      %sign3A_2669 = arith.subi %sign3A_2665, %sign3A_2668 : i32
      %ne3A_2670 = vector.broadcast %sign3A_2669 : i32 to vector<16xi32>
      %ne3A_2671 = arith.cmpi ne, %sign3A_2662, %ne3A_2670 : vector<16xi32>
      %rem3A_2672 = vector.broadcast %jit3A_2651 : i32 to vector<16xi32>
      %rem3A_2673 = arith.remsi %sub3A_2642, %rem3A_2672 : vector<16xi32>
      %ne3A_2674 = arith.constant 0 : i32
      %ne3A_2675 = vector.broadcast %ne3A_2674 : i32 to vector<16xi32>
      %ne3A_2676 = arith.cmpi ne, %rem3A_2673, %ne3A_2675 : vector<16xi32>
      %and3A_2677 = arith.andi %ne3A_2671, %ne3A_2676 : vector<16xi1>
      %sub3A_2678 = arith.constant 1 : i32
      %sub3A_2679 = vector.broadcast %sub3A_2678 : i32 to vector<16xi32>
      %sub3A_2680 = arith.subi %div3A_2653, %sub3A_2679 : vector<16xi32>
      %select_n3A_2681 = arith.select %and3A_2677, %sub3A_2680, %div3A_2653 : vector<16xi1>, vector<16xi32>
      %jit3A_2682 = arith.constant 128 : i32
      %eq3A_2683 = arith.constant 0 : i32
      %eq3A_2684 = arith.cmpi eq, %jit3A_2682, %eq3A_2683 : i32
      %jit3A_2685 = arith.constant 1 : i32
      %select_n3A_2686 = arith.select %eq3A_2684, %jit3A_2685, %jit3A_2682 : i32
      %rem3A_2687 = vector.broadcast %select_n3A_2686 : i32 to vector<16xi32>
      %rem3A_2688 = arith.remsi %sub3A_2642, %rem3A_2687 : vector<16xi32>
      %ne3A_2689 = arith.constant 0 : i32
      %ne3A_2690 = vector.broadcast %ne3A_2689 : i32 to vector<16xi32>
      %ne3A_2691 = arith.cmpi ne, %rem3A_2688, %ne3A_2690 : vector<16xi32>
      %lt3A_2692 = arith.constant 0 : i32
      %lt3A_2693 = vector.broadcast %lt3A_2692 : i32 to vector<16xi32>
      %lt3A_2694 = arith.cmpi slt, %rem3A_2688, %lt3A_2693 : vector<16xi32>
      %lt3A_2695 = arith.constant 0 : i32
      %lt3A_2696 = arith.cmpi slt, %select_n3A_2686, %lt3A_2695 : i32
      %ne3A_2697 = vector.broadcast %lt3A_2696 : i1 to vector<16xi1>
      %ne3A_2698 = vector.broadcast %ne3A_2697 : vector<16xi1> to vector<16xi1>
      %ne3A_2699 = arith.xori %lt3A_2694, %ne3A_2698 : vector<16xi1>
      %and3A_2700 = arith.andi %ne3A_2699, %ne3A_2691 : vector<16xi1>
      %add3A_2701 = vector.broadcast %select_n3A_2686 : i32 to vector<16xi32>
      %add3A_2702 = arith.addi %rem3A_2688, %add3A_2701 : vector<16xi32>
      %select_n3A_2703 = arith.select %and3A_2700, %add3A_2702, %rem3A_2688 : vector<16xi1>, vector<16xi32>
      %add3A_2704 = vector.broadcast %mul3A_207 : i32 to vector<16xi32>
      %add3A_2705 = arith.addi %add3A_2704, %add3A_2650 : vector<16xi32>
      tpu.vector_store_idx %arg12[%select_n3A_2681, %select_n3A_2703], %add3A_2705 masked %and3A_2646 : memref<4x128xi32, #tpu.memory_space<vmem>>[vector<16xi32>, vector<16xi32>], vector<16xi32>, vector<16xi1>
      %mul3A_2706 = arith.constant 128 : i32
      %mul3A_2707 = vector.broadcast %mul3A_2706 : i32 to vector<16xi32>
      %mul3A_2708 = arith.muli %add3A_2650, %mul3A_2707 : vector<16xi32>
      %add3A_2709 = arith.constant 256 : i32
      %add3A_2710 = vector.broadcast %add3A_2709 : i32 to vector<16xi32>
      %add3A_2711 = arith.addi %add3A_2710, %mul3A_2708 : vector<16xi32>
      tpu.vector_store_idx %arg13[%sub3A_2642], %add3A_2711 masked %and3A_2646 : memref<512xi32, #tpu.memory_space<vmem>>[vector<16xi32>], vector<16xi32>, vector<16xi1>
      %all_reduce_population_count3A_2712 = tpu.all_reduce %ge3A_2632 {dim = 0 : i64, kind = #tpu.reduction_kind<sum>} : vector<16xi1> -> vector<16xi32>
      %add3A_2713 = arith.addi %add3A_2629, %all_reduce_population_count3A_2712 : vector<16xi32>
      %get3A_2714 = arith.constant 480 : index
      %get3A_2715 = tpu.vector_load %arg9[%get3A_2714] {strides = array<i32>} : memref<512xf32, #tpu.memory_space<vmem>>, vector<16xf32>,
      %ge3A_2716 = arith.cmpf oge, %get3A_2715, %get3A_203 : vector<16xf32>
      %jit3A_2717 = arith.constant 1 : i32
      %jit3A_2718 = arith.constant 0 : i32
      %broadcast_in_dim3A_2719 = vector.broadcast %jit3A_2717 : i32 to vector<16xi32>
      %broadcast_in_dim3A_2720 = vector.broadcast %jit3A_2718 : i32 to vector<16xi32>
      %select_n3A_2721 = arith.select %ge3A_2716, %broadcast_in_dim3A_2719, %broadcast_in_dim3A_2720 : vector<16xi1>, vector<16xi32>
      %broadcast_in_dim3A_2722 = arith.constant true
      %broadcast_in_dim3A_2723 = vector.broadcast %broadcast_in_dim3A_2722 : i1 to vector<16xi1>
      %masked_cumsum3A_2724 = tpu.scan <sum>, %select_n3A_2721 masked %broadcast_in_dim3A_2723 : vector<16xi32>, vector<16xi1> -> vector<16xi32>
      %add3A_2725 = arith.addi %add3A_2713, %masked_cumsum3A_2724 : vector<16xi32>
      %sub3A_2726 = arith.subi %add3A_2725, %select_n3A_2721 : vector<16xi32>
      %lt3A_2727 = arith.constant 512 : i32
      %lt3A_2728 = vector.broadcast %lt3A_2727 : i32 to vector<16xi32>
      %lt3A_2729 = arith.cmpi slt, %sub3A_2726, %lt3A_2728 : vector<16xi32>
      %and3A_2730 = arith.andi %ge3A_2716, %lt3A_2729 : vector<16xi1>
      %iota3A_2731 = tpu.iota {dimensions = array<i32: 0>} : vector<16xi32>
      %add3A_2732 = arith.constant 480 : i32
      %add3A_2733 = vector.broadcast %add3A_2732 : i32 to vector<16xi32>
      %add3A_2734 = arith.addi %add3A_2733, %iota3A_2731 : vector<16xi32>
      %jit3A_2735 = arith.constant 128 : i32
      %div3A_2736 = vector.broadcast %jit3A_2735 : i32 to vector<16xi32>
      %div3A_2737 = arith.divsi %sub3A_2726, %div3A_2736 : vector<16xi32>
      %sign3A_2738 = arith.constant 0 : i32
      %sign3A_2739 = vector.broadcast %sign3A_2738 : i32 to vector<16xi32>
      %sign3A_2740 = arith.cmpi sgt, %sub3A_2726, %sign3A_2739 : vector<16xi32>
      %sign3A_2741 = arith.extui %sign3A_2740 : vector<16xi1> to vector<16xi32>
      %sign3A_2742 = arith.constant 0 : i32
      %sign3A_2743 = vector.broadcast %sign3A_2742 : i32 to vector<16xi32>
      %sign3A_2744 = arith.cmpi slt, %sub3A_2726, %sign3A_2743 : vector<16xi32>
      %sign3A_2745 = arith.extui %sign3A_2744 : vector<16xi1> to vector<16xi32>
      %sign3A_2746 = arith.subi %sign3A_2741, %sign3A_2745 : vector<16xi32>
      %sign3A_2747 = arith.constant 0 : i32
      %sign3A_2748 = arith.cmpi sgt, %jit3A_2735, %sign3A_2747 : i32
      %sign3A_2749 = arith.extui %sign3A_2748 : i1 to i32
      %sign3A_2750 = arith.constant 0 : i32
      %sign3A_2751 = arith.cmpi slt, %jit3A_2735, %sign3A_2750 : i32
      %sign3A_2752 = arith.extui %sign3A_2751 : i1 to i32
      %sign3A_2753 = arith.subi %sign3A_2749, %sign3A_2752 : i32
      %ne3A_2754 = vector.broadcast %sign3A_2753 : i32 to vector<16xi32>
      %ne3A_2755 = arith.cmpi ne, %sign3A_2746, %ne3A_2754 : vector<16xi32>
      %rem3A_2756 = vector.broadcast %jit3A_2735 : i32 to vector<16xi32>
      %rem3A_2757 = arith.remsi %sub3A_2726, %rem3A_2756 : vector<16xi32>
      %ne3A_2758 = arith.constant 0 : i32
      %ne3A_2759 = vector.broadcast %ne3A_2758 : i32 to vector<16xi32>
      %ne3A_2760 = arith.cmpi ne, %rem3A_2757, %ne3A_2759 : vector<16xi32>
      %and3A_2761 = arith.andi %ne3A_2755, %ne3A_2760 : vector<16xi1>
      %sub3A_2762 = arith.constant 1 : i32
      %sub3A_2763 = vector.broadcast %sub3A_2762 : i32 to vector<16xi32>
      %sub3A_2764 = arith.subi %div3A_2737, %sub3A_2763 : vector<16xi32>
      %select_n3A_2765 = arith.select %and3A_2761, %sub3A_2764, %div3A_2737 : vector<16xi1>, vector<16xi32>
      %jit3A_2766 = arith.constant 128 : i32
      %eq3A_2767 = arith.constant 0 : i32
      %eq3A_2768 = arith.cmpi eq, %jit3A_2766, %eq3A_2767 : i32
      %jit3A_2769 = arith.constant 1 : i32
      %select_n3A_2770 = arith.select %eq3A_2768, %jit3A_2769, %jit3A_2766 : i32
      %rem3A_2771 = vector.broadcast %select_n3A_2770 : i32 to vector<16xi32>
      %rem3A_2772 = arith.remsi %sub3A_2726, %rem3A_2771 : vector<16xi32>
      %ne3A_2773 = arith.constant 0 : i32
      %ne3A_2774 = vector.broadcast %ne3A_2773 : i32 to vector<16xi32>
      %ne3A_2775 = arith.cmpi ne, %rem3A_2772, %ne3A_2774 : vector<16xi32>
      %lt3A_2776 = arith.constant 0 : i32
      %lt3A_2777 = vector.broadcast %lt3A_2776 : i32 to vector<16xi32>
      %lt3A_2778 = arith.cmpi slt, %rem3A_2772, %lt3A_2777 : vector<16xi32>
      %lt3A_2779 = arith.constant 0 : i32
      %lt3A_2780 = arith.cmpi slt, %select_n3A_2770, %lt3A_2779 : i32
      %ne3A_2781 = vector.broadcast %lt3A_2780 : i1 to vector<16xi1>
      %ne3A_2782 = vector.broadcast %ne3A_2781 : vector<16xi1> to vector<16xi1>
      %ne3A_2783 = arith.xori %lt3A_2778, %ne3A_2782 : vector<16xi1>
      %and3A_2784 = arith.andi %ne3A_2783, %ne3A_2775 : vector<16xi1>
      %add3A_2785 = vector.broadcast %select_n3A_2770 : i32 to vector<16xi32>
      %add3A_2786 = arith.addi %rem3A_2772, %add3A_2785 : vector<16xi32>
      %select_n3A_2787 = arith.select %and3A_2784, %add3A_2786, %rem3A_2772 : vector<16xi1>, vector<16xi32>
      %add3A_2788 = vector.broadcast %mul3A_207 : i32 to vector<16xi32>
      %add3A_2789 = arith.addi %add3A_2788, %add3A_2734 : vector<16xi32>
      tpu.vector_store_idx %arg12[%select_n3A_2765, %select_n3A_2787], %add3A_2789 masked %and3A_2730 : memref<4x128xi32, #tpu.memory_space<vmem>>[vector<16xi32>, vector<16xi32>], vector<16xi32>, vector<16xi1>
      %mul3A_2790 = arith.constant 128 : i32
      %mul3A_2791 = vector.broadcast %mul3A_2790 : i32 to vector<16xi32>
      %mul3A_2792 = arith.muli %add3A_2734, %mul3A_2791 : vector<16xi32>
      %add3A_2793 = arith.constant 256 : i32
      %add3A_2794 = vector.broadcast %add3A_2793 : i32 to vector<16xi32>
      %add3A_2795 = arith.addi %add3A_2794, %mul3A_2792 : vector<16xi32>
      tpu.vector_store_idx %arg13[%sub3A_2726], %add3A_2795 masked %and3A_2730 : memref<512xi32, #tpu.memory_space<vmem>>[vector<16xi32>], vector<16xi32>, vector<16xi1>
      %all_reduce_population_count3A_2796 = tpu.all_reduce %ge3A_2716 {dim = 0 : i64, kind = #tpu.reduction_kind<sum>} : vector<16xi1> -> vector<16xi32>
      %add3A_2797 = arith.addi %add3A_2713, %all_reduce_population_count3A_2796 : vector<16xi32>
      %get3A_2798 = arith.constant 496 : index
      %get3A_2799 = tpu.vector_load %arg9[%get3A_2798] {strides = array<i32>} : memref<512xf32, #tpu.memory_space<vmem>>, vector<16xf32>,
      %ge3A_2800 = arith.cmpf oge, %get3A_2799, %get3A_203 : vector<16xf32>
      %jit3A_2801 = arith.constant 1 : i32
      %jit3A_2802 = arith.constant 0 : i32
      %broadcast_in_dim3A_2803 = vector.broadcast %jit3A_2801 : i32 to vector<16xi32>
      %broadcast_in_dim3A_2804 = vector.broadcast %jit3A_2802 : i32 to vector<16xi32>
      %select_n3A_2805 = arith.select %ge3A_2800, %broadcast_in_dim3A_2803, %broadcast_in_dim3A_2804 : vector<16xi1>, vector<16xi32>
      %broadcast_in_dim3A_2806 = arith.constant true
      %broadcast_in_dim3A_2807 = vector.broadcast %broadcast_in_dim3A_2806 : i1 to vector<16xi1>
      %masked_cumsum3A_2808 = tpu.scan <sum>, %select_n3A_2805 masked %broadcast_in_dim3A_2807 : vector<16xi32>, vector<16xi1> -> vector<16xi32>
      %add3A_2809 = arith.addi %add3A_2797, %masked_cumsum3A_2808 : vector<16xi32>
      %sub3A_2810 = arith.subi %add3A_2809, %select_n3A_2805 : vector<16xi32>
      %lt3A_2811 = arith.constant 512 : i32
      %lt3A_2812 = vector.broadcast %lt3A_2811 : i32 to vector<16xi32>
      %lt3A_2813 = arith.cmpi slt, %sub3A_2810, %lt3A_2812 : vector<16xi32>
      %and3A_2814 = arith.andi %ge3A_2800, %lt3A_2813 : vector<16xi1>
      %iota3A_2815 = tpu.iota {dimensions = array<i32: 0>} : vector<16xi32>
      %add3A_2816 = arith.constant 496 : i32
      %add3A_2817 = vector.broadcast %add3A_2816 : i32 to vector<16xi32>
      %add3A_2818 = arith.addi %add3A_2817, %iota3A_2815 : vector<16xi32>
      %jit3A_2819 = arith.constant 128 : i32
      %div3A_2820 = vector.broadcast %jit3A_2819 : i32 to vector<16xi32>
      %div3A_2821 = arith.divsi %sub3A_2810, %div3A_2820 : vector<16xi32>
      %sign3A_2822 = arith.constant 0 : i32
      %sign3A_2823 = vector.broadcast %sign3A_2822 : i32 to vector<16xi32>
      %sign3A_2824 = arith.cmpi sgt, %sub3A_2810, %sign3A_2823 : vector<16xi32>
      %sign3A_2825 = arith.extui %sign3A_2824 : vector<16xi1> to vector<16xi32>
      %sign3A_2826 = arith.constant 0 : i32
      %sign3A_2827 = vector.broadcast %sign3A_2826 : i32 to vector<16xi32>
      %sign3A_2828 = arith.cmpi slt, %sub3A_2810, %sign3A_2827 : vector<16xi32>
      %sign3A_2829 = arith.extui %sign3A_2828 : vector<16xi1> to vector<16xi32>
      %sign3A_2830 = arith.subi %sign3A_2825, %sign3A_2829 : vector<16xi32>
      %sign3A_2831 = arith.constant 0 : i32
      %sign3A_2832 = arith.cmpi sgt, %jit3A_2819, %sign3A_2831 : i32
      %sign3A_2833 = arith.extui %sign3A_2832 : i1 to i32
      %sign3A_2834 = arith.constant 0 : i32
      %sign3A_2835 = arith.cmpi slt, %jit3A_2819, %sign3A_2834 : i32
      %sign3A_2836 = arith.extui %sign3A_2835 : i1 to i32
      %sign3A_2837 = arith.subi %sign3A_2833, %sign3A_2836 : i32
      %ne3A_2838 = vector.broadcast %sign3A_2837 : i32 to vector<16xi32>
      %ne3A_2839 = arith.cmpi ne, %sign3A_2830, %ne3A_2838 : vector<16xi32>
      %rem3A_2840 = vector.broadcast %jit3A_2819 : i32 to vector<16xi32>
      %rem3A_2841 = arith.remsi %sub3A_2810, %rem3A_2840 : vector<16xi32>
      %ne3A_2842 = arith.constant 0 : i32
      %ne3A_2843 = vector.broadcast %ne3A_2842 : i32 to vector<16xi32>
      %ne3A_2844 = arith.cmpi ne, %rem3A_2841, %ne3A_2843 : vector<16xi32>
      %and3A_2845 = arith.andi %ne3A_2839, %ne3A_2844 : vector<16xi1>
      %sub3A_2846 = arith.constant 1 : i32
      %sub3A_2847 = vector.broadcast %sub3A_2846 : i32 to vector<16xi32>
      %sub3A_2848 = arith.subi %div3A_2821, %sub3A_2847 : vector<16xi32>
      %select_n3A_2849 = arith.select %and3A_2845, %sub3A_2848, %div3A_2821 : vector<16xi1>, vector<16xi32>
      %jit3A_2850 = arith.constant 128 : i32
      %eq3A_2851 = arith.constant 0 : i32
      %eq3A_2852 = arith.cmpi eq, %jit3A_2850, %eq3A_2851 : i32
      %jit3A_2853 = arith.constant 1 : i32
      %select_n3A_2854 = arith.select %eq3A_2852, %jit3A_2853, %jit3A_2850 : i32
      %rem3A_2855 = vector.broadcast %select_n3A_2854 : i32 to vector<16xi32>
      %rem3A_2856 = arith.remsi %sub3A_2810, %rem3A_2855 : vector<16xi32>
      %ne3A_2857 = arith.constant 0 : i32
      %ne3A_2858 = vector.broadcast %ne3A_2857 : i32 to vector<16xi32>
      %ne3A_2859 = arith.cmpi ne, %rem3A_2856, %ne3A_2858 : vector<16xi32>
      %lt3A_2860 = arith.constant 0 : i32
      %lt3A_2861 = vector.broadcast %lt3A_2860 : i32 to vector<16xi32>
      %lt3A_2862 = arith.cmpi slt, %rem3A_2856, %lt3A_2861 : vector<16xi32>
      %lt3A_2863 = arith.constant 0 : i32
      %lt3A_2864 = arith.cmpi slt, %select_n3A_2854, %lt3A_2863 : i32
      %ne3A_2865 = vector.broadcast %lt3A_2864 : i1 to vector<16xi1>
      %ne3A_2866 = vector.broadcast %ne3A_2865 : vector<16xi1> to vector<16xi1>
      %ne3A_2867 = arith.xori %lt3A_2862, %ne3A_2866 : vector<16xi1>
      %and3A_2868 = arith.andi %ne3A_2867, %ne3A_2859 : vector<16xi1>
      %add3A_2869 = vector.broadcast %select_n3A_2854 : i32 to vector<16xi32>
      %add3A_2870 = arith.addi %rem3A_2856, %add3A_2869 : vector<16xi32>
      %select_n3A_2871 = arith.select %and3A_2868, %add3A_2870, %rem3A_2856 : vector<16xi1>, vector<16xi32>
      %add3A_2872 = vector.broadcast %mul3A_207 : i32 to vector<16xi32>
      %add3A_2873 = arith.addi %add3A_2872, %add3A_2818 : vector<16xi32>
      tpu.vector_store_idx %arg12[%select_n3A_2849, %select_n3A_2871], %add3A_2873 masked %and3A_2814 : memref<4x128xi32, #tpu.memory_space<vmem>>[vector<16xi32>, vector<16xi32>], vector<16xi32>, vector<16xi1>
      %mul3A_2874 = arith.constant 128 : i32
      %mul3A_2875 = vector.broadcast %mul3A_2874 : i32 to vector<16xi32>
      %mul3A_2876 = arith.muli %add3A_2818, %mul3A_2875 : vector<16xi32>
      %add3A_2877 = arith.constant 256 : i32
      %add3A_2878 = vector.broadcast %add3A_2877 : i32 to vector<16xi32>
      %add3A_2879 = arith.addi %add3A_2878, %mul3A_2876 : vector<16xi32>
      tpu.vector_store_idx %arg13[%sub3A_2810], %add3A_2879 masked %and3A_2814 : memref<512xi32, #tpu.memory_space<vmem>>[vector<16xi32>], vector<16xi32>, vector<16xi1>
      %all_reduce_population_count3A_2880 = tpu.all_reduce %ge3A_2800 {dim = 0 : i64, kind = #tpu.reduction_kind<sum>} : vector<16xi1> -> vector<16xi32>
      %add3A_2881 = arith.addi %add3A_2797, %all_reduce_population_count3A_2880 : vector<16xi32>
      %reduce_max3A = arith.constant true
      %reduce_max3A_2882 = vector.broadcast %reduce_max3A : i1 to vector<16xi1>
      %reduce_max3A_2883 = arith.constant -2147483648 : i32
      %reduce_max3A_2884 = vector.broadcast %reduce_max3A_2883 : i32 to vector<16xi32>
      %reduce_max3A_2885 = arith.xori %add3A_2881, %reduce_max3A_2884 : vector<16xi32>
      %reduce_max3A_2886 = tpu.scan <max>, %reduce_max3A_2885 masked %reduce_max3A_2882 : vector<16xi32>, vector<16xi1> -> vector<16xi32>
      %reduce_max3A_2887 = arith.xori %reduce_max3A_2886, %reduce_max3A_2884 : vector<16xi32>
      %reduce_max3A_2888 = vector.extract %reduce_max3A_2887[15] : i32 from vector<16xi32>
      %min3A = arith.constant 512 : i32
      %min3A_2889 = arith.minsi %reduce_max3A_2888, %min3A : i32
      %add3A_2890 = arith.constant 127 : i32
      %add3A_2891 = arith.addi %min3A_2889, %add3A_2890 : i32
      %jit3A_2892 = arith.constant 128 : i32
      %div3A_2893 = arith.divsi %add3A_2891, %jit3A_2892 : i32
      %sign3A_2894 = arith.constant 0 : i32
      %sign3A_2895 = arith.cmpi sgt, %add3A_2891, %sign3A_2894 : i32
      %sign3A_2896 = arith.extui %sign3A_2895 : i1 to i32
      %sign3A_2897 = arith.constant 0 : i32
      %sign3A_2898 = arith.cmpi slt, %add3A_2891, %sign3A_2897 : i32
      %sign3A_2899 = arith.extui %sign3A_2898 : i1 to i32
      %sign3A_2900 = arith.subi %sign3A_2896, %sign3A_2899 : i32
      %sign3A_2901 = arith.constant 0 : i32
      %sign3A_2902 = arith.cmpi sgt, %jit3A_2892, %sign3A_2901 : i32
      %sign3A_2903 = arith.extui %sign3A_2902 : i1 to i32
      %sign3A_2904 = arith.constant 0 : i32
      %sign3A_2905 = arith.cmpi slt, %jit3A_2892, %sign3A_2904 : i32
      %sign3A_2906 = arith.extui %sign3A_2905 : i1 to i32
      %sign3A_2907 = arith.subi %sign3A_2903, %sign3A_2906 : i32
      %ne3A_2908 = arith.cmpi ne, %sign3A_2900, %sign3A_2907 : i32
      %rem3A_2909 = arith.remsi %add3A_2891, %jit3A_2892 : i32
      %ne3A_2910 = arith.constant 0 : i32
      %ne3A_2911 = arith.cmpi ne, %rem3A_2909, %ne3A_2910 : i32
      %and3A_2912 = arith.andi %ne3A_2908, %ne3A_2911 : i1
      %sub3A_2913 = arith.constant 1 : i32
      %sub3A_2914 = arith.subi %div3A_2893, %sub3A_2913 : i32
      %select_n3A_2915 = arith.select %and3A_2912, %sub3A_2914, %div3A_2893 : i32
      %sub3A_2916 = arith.constant 0 : i32
      %sub3A_2917 = arith.subi %select_n3A_2915, %sub3A_2916 : i32
      %sub3A_2918 = arith.constant 1 : i32
      %sub3A_2919 = arith.constant 1 : i32
      %sub3A_2920 = arith.subi %sub3A_2918, %sub3A_2919 : i32
      %add3A_2921 = arith.addi %sub3A_2917, %sub3A_2920 : i32
      %div3A_2922 = arith.constant 1 : i32
      %div3A_2923 = arith.divsi %add3A_2921, %div3A_2922 : i32
      %while3A = arith.constant 1 : i32
      %while3A_2924 = arith.constant 0 : i32
      %while3A_2925 = arith.constant 0 : i32
      %while3A_2926 = arith.subi %div3A_2923, %while3A_2925 : i32
      %while3A_2927 = arith.addi %while3A_2925, %while3A_2926 : i32
      %while3A_2928 = arith.constant 1 : i32
      %while3A_2929 = arith.divsi %while3A_2926, %while3A_2928 : i32
      %while3A_2930 = arith.muli %while3A_2929, %while3A_2928 : i32
      %while3A_2931 = arith.addi %while3A_2925, %while3A_2930 : i32
      %while3A_2932 = arith.constant 1 : i32
      scf.for %while3A_3581 = %while3A_2925 to %while3A_2931 step %while3A_2932  : i32 {
        %mul3A_3582 = arith.muli %while3A_3581, %while3A : i32
        %add3A_3583 = arith.addi %while3A_2924, %mul3A_3582 : i32
        %mul3A_3584 = arith.constant 128 : i32
        %mul3A_3585 = arith.muli %add3A_3583, %mul3A_3584 : i32
        "tpu.region"() ({
          %run_scoped3A = tpu.sem_alloc : memref<!tpu.dma_semaphore, #tpu.memory_space<semaphore_mem>>
          %dma_start3A = arith.constant 0 : i32
          %dma_start3A_3586 = tpu.memref_slice %arg14[%mul3A_3585, %dma_start3A] : memref<512x128xf32, #tpu.memory_space<vmem>> -> memref<128x128xf32, #tpu.memory_space<vmem>>
          %dma_start3A_3587 = arith.constant 0 : i32
          %dma_start3A_3588 = tpu.memref_slice %arg12[%add3A_3583, %dma_start3A_3587] : memref<4x128xi32, #tpu.memory_space<vmem>> -> memref<1x128xi32, #tpu.memory_space<vmem>>
          %dma_start3A_3589 = tpu.memref_squeeze %dma_start3A_3588 : memref<1x128xi32, #tpu.memory_space<vmem>> -> memref<128xi32, #tpu.memory_space<vmem>>
          %dma_start3A_3590 = arith.constant 0 : i32
          %dma_start3A_3591 = arith.constant 0 : i32
          %dma_start3A_3592 = tpu.memref_slice %arg2[%dma_start3A_3590, %dma_start3A_3591] : memref<524288x128xf32, #tpu.memory_space<hbm>> -> memref<524288x128xf32, #tpu.memory_space<hbm>>
          tpu.enqueue_indirect_dma source(%dma_start3A_3592 : memref<524288x128xf32, #tpu.memory_space<hbm>>) target(%dma_start3A_3586 : memref<128x128xf32, #tpu.memory_space<vmem>>) offsets(%dma_start3A_3589 : memref<128xi32, #tpu.memory_space<vmem>>) semaphore(%run_scoped3A : memref<!tpu.dma_semaphore, #tpu.memory_space<semaphore_mem>>)
          %dma_wait3A = arith.constant 0 : i32
          %dma_wait3A_3593 = tpu.memref_slice %arg14[%mul3A_3585, %dma_wait3A] : memref<512x128xf32, #tpu.memory_space<vmem>> -> memref<128x128xf32, #tpu.memory_space<vmem>>
          %dma_wait3A_3594 = arith.constant 0 : i32
          %dma_wait3A_3595 = tpu.memref_slice %arg12[%add3A_3583, %dma_wait3A_3594] : memref<4x128xi32, #tpu.memory_space<vmem>> -> memref<1x128xi32, #tpu.memory_space<vmem>>
          %dma_wait3A_3596 = tpu.memref_squeeze %dma_wait3A_3595 : memref<1x128xi32, #tpu.memory_space<vmem>> -> memref<128xi32, #tpu.memory_space<vmem>>
          %dma_wait3A_3597 = arith.constant 0 : i32
          %dma_wait3A_3598 = arith.constant 0 : i32
          %dma_wait3A_3599 = tpu.memref_slice %arg2[%dma_wait3A_3597, %dma_wait3A_3598] : memref<524288x128xf32, #tpu.memory_space<hbm>> -> memref<524288x128xf32, #tpu.memory_space<hbm>>
          tpu.wait_indirect_dma semaphore(%run_scoped3A : memref<!tpu.dma_semaphore, #tpu.memory_space<semaphore_mem>>) src(%dma_wait3A_3599 : memref<524288x128xf32, #tpu.memory_space<hbm>>) dst(%dma_wait3A_3593 : memref<128x128xf32, #tpu.memory_space<vmem>>)
          tpu.yield
        }) : () -> ()
      }
      %while3A_2933 = arith.constant 1 : i32
      scf.for %while3A_3581 = %while3A_2931 to %while3A_2927 step %while3A_2933  : i32 {
        %mul3A_3582 = arith.muli %while3A_3581, %while3A : i32
        %add3A_3583 = arith.addi %while3A_2924, %mul3A_3582 : i32
        %mul3A_3584 = arith.constant 128 : i32
        %mul3A_3585 = arith.muli %add3A_3583, %mul3A_3584 : i32
        "tpu.region"() ({
          %run_scoped3A = tpu.sem_alloc : memref<!tpu.dma_semaphore, #tpu.memory_space<semaphore_mem>>
          %dma_start3A = arith.constant 0 : i32
          %dma_start3A_3586 = tpu.memref_slice %arg14[%mul3A_3585, %dma_start3A] : memref<512x128xf32, #tpu.memory_space<vmem>> -> memref<128x128xf32, #tpu.memory_space<vmem>>
          %dma_start3A_3587 = arith.constant 0 : i32
          %dma_start3A_3588 = tpu.memref_slice %arg12[%add3A_3583, %dma_start3A_3587] : memref<4x128xi32, #tpu.memory_space<vmem>> -> memref<1x128xi32, #tpu.memory_space<vmem>>
          %dma_start3A_3589 = tpu.memref_squeeze %dma_start3A_3588 : memref<1x128xi32, #tpu.memory_space<vmem>> -> memref<128xi32, #tpu.memory_space<vmem>>
          %dma_start3A_3590 = arith.constant 0 : i32
          %dma_start3A_3591 = arith.constant 0 : i32
          %dma_start3A_3592 = tpu.memref_slice %arg2[%dma_start3A_3590, %dma_start3A_3591] : memref<524288x128xf32, #tpu.memory_space<hbm>> -> memref<524288x128xf32, #tpu.memory_space<hbm>>
          tpu.enqueue_indirect_dma source(%dma_start3A_3592 : memref<524288x128xf32, #tpu.memory_space<hbm>>) target(%dma_start3A_3586 : memref<128x128xf32, #tpu.memory_space<vmem>>) offsets(%dma_start3A_3589 : memref<128xi32, #tpu.memory_space<vmem>>) semaphore(%run_scoped3A : memref<!tpu.dma_semaphore, #tpu.memory_space<semaphore_mem>>)
          %dma_wait3A = arith.constant 0 : i32
          %dma_wait3A_3593 = tpu.memref_slice %arg14[%mul3A_3585, %dma_wait3A] : memref<512x128xf32, #tpu.memory_space<vmem>> -> memref<128x128xf32, #tpu.memory_space<vmem>>
          %dma_wait3A_3594 = arith.constant 0 : i32
          %dma_wait3A_3595 = tpu.memref_slice %arg12[%add3A_3583, %dma_wait3A_3594] : memref<4x128xi32, #tpu.memory_space<vmem>> -> memref<1x128xi32, #tpu.memory_space<vmem>>
          %dma_wait3A_3596 = tpu.memref_squeeze %dma_wait3A_3595 : memref<1x128xi32, #tpu.memory_space<vmem>> -> memref<128xi32, #tpu.memory_space<vmem>>
          %dma_wait3A_3597 = arith.constant 0 : i32
          %dma_wait3A_3598 = arith.constant 0 : i32
          %dma_wait3A_3599 = tpu.memref_slice %arg2[%dma_wait3A_3597, %dma_wait3A_3598] : memref<524288x128xf32, #tpu.memory_space<hbm>> -> memref<524288x128xf32, #tpu.memory_space<hbm>>
          tpu.wait_indirect_dma semaphore(%run_scoped3A : memref<!tpu.dma_semaphore, #tpu.memory_space<semaphore_mem>>) src(%dma_wait3A_3599 : memref<524288x128xf32, #tpu.memory_space<hbm>>) dst(%dma_wait3A_3593 : memref<128x128xf32, #tpu.memory_space<vmem>>)
          tpu.yield
        }) : () -> ()
      }
      %broadcast_in_dim3A_2934 = arith.constant 0xFF800000 : f32
      %broadcast_in_dim3A_2935 = vector.broadcast %broadcast_in_dim3A_2934 : f32 to vector<16xf32>
      %swap3A_2936 = arith.constant 0 : index
      %swap3A_2937 = tpu.vector_load %arg16[%swap3A_2936] {strides = array<i32>} : memref<1024xf32, #tpu.memory_space<vmem>>, vector<16xf32>,
      tpu.vector_store %arg16[%swap3A_2936], %broadcast_in_dim3A_2935 {strides = array<i32>} : memref<1024xf32, #tpu.memory_space<vmem>>, vector<16xf32>,
      %broadcast_in_dim3A_2938 = arith.constant 0xFF800000 : f32
      %broadcast_in_dim3A_2939 = vector.broadcast %broadcast_in_dim3A_2938 : f32 to vector<16xf32>
      %swap3A_2940 = arith.constant 16 : index
      %swap3A_2941 = tpu.vector_load %arg16[%swap3A_2940] {strides = array<i32>} : memref<1024xf32, #tpu.memory_space<vmem>>, vector<16xf32>,
      tpu.vector_store %arg16[%swap3A_2940], %broadcast_in_dim3A_2939 {strides = array<i32>} : memref<1024xf32, #tpu.memory_space<vmem>>, vector<16xf32>,
      %broadcast_in_dim3A_2942 = arith.constant 0xFF800000 : f32
      %broadcast_in_dim3A_2943 = vector.broadcast %broadcast_in_dim3A_2942 : f32 to vector<16xf32>
      %swap3A_2944 = arith.constant 32 : index
      %swap3A_2945 = tpu.vector_load %arg16[%swap3A_2944] {strides = array<i32>} : memref<1024xf32, #tpu.memory_space<vmem>>, vector<16xf32>,
      tpu.vector_store %arg16[%swap3A_2944], %broadcast_in_dim3A_2943 {strides = array<i32>} : memref<1024xf32, #tpu.memory_space<vmem>>, vector<16xf32>,
      %broadcast_in_dim3A_2946 = arith.constant 0xFF800000 : f32
      %broadcast_in_dim3A_2947 = vector.broadcast %broadcast_in_dim3A_2946 : f32 to vector<16xf32>
      %swap3A_2948 = arith.constant 48 : index
      %swap3A_2949 = tpu.vector_load %arg16[%swap3A_2948] {strides = array<i32>} : memref<1024xf32, #tpu.memory_space<vmem>>, vector<16xf32>,
      tpu.vector_store %arg16[%swap3A_2948], %broadcast_in_dim3A_2947 {strides = array<i32>} : memref<1024xf32, #tpu.memory_space<vmem>>, vector<16xf32>,
      %broadcast_in_dim3A_2950 = arith.constant 0xFF800000 : f32
      %broadcast_in_dim3A_2951 = vector.broadcast %broadcast_in_dim3A_2950 : f32 to vector<16xf32>
      %swap3A_2952 = arith.constant 64 : index
      %swap3A_2953 = tpu.vector_load %arg16[%swap3A_2952] {strides = array<i32>} : memref<1024xf32, #tpu.memory_space<vmem>>, vector<16xf32>,
      tpu.vector_store %arg16[%swap3A_2952], %broadcast_in_dim3A_2951 {strides = array<i32>} : memref<1024xf32, #tpu.memory_space<vmem>>, vector<16xf32>,
      %broadcast_in_dim3A_2954 = arith.constant 0xFF800000 : f32
      %broadcast_in_dim3A_2955 = vector.broadcast %broadcast_in_dim3A_2954 : f32 to vector<16xf32>
      %swap3A_2956 = arith.constant 80 : index
      %swap3A_2957 = tpu.vector_load %arg16[%swap3A_2956] {strides = array<i32>} : memref<1024xf32, #tpu.memory_space<vmem>>, vector<16xf32>,
      tpu.vector_store %arg16[%swap3A_2956], %broadcast_in_dim3A_2955 {strides = array<i32>} : memref<1024xf32, #tpu.memory_space<vmem>>, vector<16xf32>,
      %broadcast_in_dim3A_2958 = arith.constant 0xFF800000 : f32
      %broadcast_in_dim3A_2959 = vector.broadcast %broadcast_in_dim3A_2958 : f32 to vector<16xf32>
      %swap3A_2960 = arith.constant 96 : index
      %swap3A_2961 = tpu.vector_load %arg16[%swap3A_2960] {strides = array<i32>} : memref<1024xf32, #tpu.memory_space<vmem>>, vector<16xf32>,
      tpu.vector_store %arg16[%swap3A_2960], %broadcast_in_dim3A_2959 {strides = array<i32>} : memref<1024xf32, #tpu.memory_space<vmem>>, vector<16xf32>,
      %broadcast_in_dim3A_2962 = arith.constant 0xFF800000 : f32
      %broadcast_in_dim3A_2963 = vector.broadcast %broadcast_in_dim3A_2962 : f32 to vector<16xf32>
      %swap3A_2964 = arith.constant 112 : index
      %swap3A_2965 = tpu.vector_load %arg16[%swap3A_2964] {strides = array<i32>} : memref<1024xf32, #tpu.memory_space<vmem>>, vector<16xf32>,
      tpu.vector_store %arg16[%swap3A_2964], %broadcast_in_dim3A_2963 {strides = array<i32>} : memref<1024xf32, #tpu.memory_space<vmem>>, vector<16xf32>,
      %broadcast_in_dim3A_2966 = arith.constant 0xFF800000 : f32
      %broadcast_in_dim3A_2967 = vector.broadcast %broadcast_in_dim3A_2966 : f32 to vector<16xf32>
      %swap3A_2968 = arith.constant 128 : index
      %swap3A_2969 = tpu.vector_load %arg16[%swap3A_2968] {strides = array<i32>} : memref<1024xf32, #tpu.memory_space<vmem>>, vector<16xf32>,
      tpu.vector_store %arg16[%swap3A_2968], %broadcast_in_dim3A_2967 {strides = array<i32>} : memref<1024xf32, #tpu.memory_space<vmem>>, vector<16xf32>,
      %broadcast_in_dim3A_2970 = arith.constant 0xFF800000 : f32
      %broadcast_in_dim3A_2971 = vector.broadcast %broadcast_in_dim3A_2970 : f32 to vector<16xf32>
      %swap3A_2972 = arith.constant 144 : index
      %swap3A_2973 = tpu.vector_load %arg16[%swap3A_2972] {strides = array<i32>} : memref<1024xf32, #tpu.memory_space<vmem>>, vector<16xf32>,
      tpu.vector_store %arg16[%swap3A_2972], %broadcast_in_dim3A_2971 {strides = array<i32>} : memref<1024xf32, #tpu.memory_space<vmem>>, vector<16xf32>,
      %broadcast_in_dim3A_2974 = arith.constant 0xFF800000 : f32
      %broadcast_in_dim3A_2975 = vector.broadcast %broadcast_in_dim3A_2974 : f32 to vector<16xf32>
      %swap3A_2976 = arith.constant 160 : index
      %swap3A_2977 = tpu.vector_load %arg16[%swap3A_2976] {strides = array<i32>} : memref<1024xf32, #tpu.memory_space<vmem>>, vector<16xf32>,
      tpu.vector_store %arg16[%swap3A_2976], %broadcast_in_dim3A_2975 {strides = array<i32>} : memref<1024xf32, #tpu.memory_space<vmem>>, vector<16xf32>,
      %broadcast_in_dim3A_2978 = arith.constant 0xFF800000 : f32
      %broadcast_in_dim3A_2979 = vector.broadcast %broadcast_in_dim3A_2978 : f32 to vector<16xf32>
      %swap3A_2980 = arith.constant 176 : index
      %swap3A_2981 = tpu.vector_load %arg16[%swap3A_2980] {strides = array<i32>} : memref<1024xf32, #tpu.memory_space<vmem>>, vector<16xf32>,
      tpu.vector_store %arg16[%swap3A_2980], %broadcast_in_dim3A_2979 {strides = array<i32>} : memref<1024xf32, #tpu.memory_space<vmem>>, vector<16xf32>,
      %broadcast_in_dim3A_2982 = arith.constant 0xFF800000 : f32
      %broadcast_in_dim3A_2983 = vector.broadcast %broadcast_in_dim3A_2982 : f32 to vector<16xf32>
      %swap3A_2984 = arith.constant 192 : index
      %swap3A_2985 = tpu.vector_load %arg16[%swap3A_2984] {strides = array<i32>} : memref<1024xf32, #tpu.memory_space<vmem>>, vector<16xf32>,
      tpu.vector_store %arg16[%swap3A_2984], %broadcast_in_dim3A_2983 {strides = array<i32>} : memref<1024xf32, #tpu.memory_space<vmem>>, vector<16xf32>,
      %broadcast_in_dim3A_2986 = arith.constant 0xFF800000 : f32
      %broadcast_in_dim3A_2987 = vector.broadcast %broadcast_in_dim3A_2986 : f32 to vector<16xf32>
      %swap3A_2988 = arith.constant 208 : index
      %swap3A_2989 = tpu.vector_load %arg16[%swap3A_2988] {strides = array<i32>} : memref<1024xf32, #tpu.memory_space<vmem>>, vector<16xf32>,
      tpu.vector_store %arg16[%swap3A_2988], %broadcast_in_dim3A_2987 {strides = array<i32>} : memref<1024xf32, #tpu.memory_space<vmem>>, vector<16xf32>,
      %broadcast_in_dim3A_2990 = arith.constant 0xFF800000 : f32
      %broadcast_in_dim3A_2991 = vector.broadcast %broadcast_in_dim3A_2990 : f32 to vector<16xf32>
      %swap3A_2992 = arith.constant 224 : index
      %swap3A_2993 = tpu.vector_load %arg16[%swap3A_2992] {strides = array<i32>} : memref<1024xf32, #tpu.memory_space<vmem>>, vector<16xf32>,
      tpu.vector_store %arg16[%swap3A_2992], %broadcast_in_dim3A_2991 {strides = array<i32>} : memref<1024xf32, #tpu.memory_space<vmem>>, vector<16xf32>,
      %broadcast_in_dim3A_2994 = arith.constant 0xFF800000 : f32
      %broadcast_in_dim3A_2995 = vector.broadcast %broadcast_in_dim3A_2994 : f32 to vector<16xf32>
      %swap3A_2996 = arith.constant 240 : index
      %swap3A_2997 = tpu.vector_load %arg16[%swap3A_2996] {strides = array<i32>} : memref<1024xf32, #tpu.memory_space<vmem>>, vector<16xf32>,
      tpu.vector_store %arg16[%swap3A_2996], %broadcast_in_dim3A_2995 {strides = array<i32>} : memref<1024xf32, #tpu.memory_space<vmem>>, vector<16xf32>,
      %broadcast_in_dim3A_2998 = arith.constant 0xFF800000 : f32
      %broadcast_in_dim3A_2999 = vector.broadcast %broadcast_in_dim3A_2998 : f32 to vector<16xf32>
      %swap3A_3000 = arith.constant 256 : index
      %swap3A_3001 = tpu.vector_load %arg16[%swap3A_3000] {strides = array<i32>} : memref<1024xf32, #tpu.memory_space<vmem>>, vector<16xf32>,
      tpu.vector_store %arg16[%swap3A_3000], %broadcast_in_dim3A_2999 {strides = array<i32>} : memref<1024xf32, #tpu.memory_space<vmem>>, vector<16xf32>,
      %broadcast_in_dim3A_3002 = arith.constant 0xFF800000 : f32
      %broadcast_in_dim3A_3003 = vector.broadcast %broadcast_in_dim3A_3002 : f32 to vector<16xf32>
      %swap3A_3004 = arith.constant 272 : index
      %swap3A_3005 = tpu.vector_load %arg16[%swap3A_3004] {strides = array<i32>} : memref<1024xf32, #tpu.memory_space<vmem>>, vector<16xf32>,
      tpu.vector_store %arg16[%swap3A_3004], %broadcast_in_dim3A_3003 {strides = array<i32>} : memref<1024xf32, #tpu.memory_space<vmem>>, vector<16xf32>,
      %broadcast_in_dim3A_3006 = arith.constant 0xFF800000 : f32
      %broadcast_in_dim3A_3007 = vector.broadcast %broadcast_in_dim3A_3006 : f32 to vector<16xf32>
      %swap3A_3008 = arith.constant 288 : index
      %swap3A_3009 = tpu.vector_load %arg16[%swap3A_3008] {strides = array<i32>} : memref<1024xf32, #tpu.memory_space<vmem>>, vector<16xf32>,
      tpu.vector_store %arg16[%swap3A_3008], %broadcast_in_dim3A_3007 {strides = array<i32>} : memref<1024xf32, #tpu.memory_space<vmem>>, vector<16xf32>,
      %broadcast_in_dim3A_3010 = arith.constant 0xFF800000 : f32
      %broadcast_in_dim3A_3011 = vector.broadcast %broadcast_in_dim3A_3010 : f32 to vector<16xf32>
      %swap3A_3012 = arith.constant 304 : index
      %swap3A_3013 = tpu.vector_load %arg16[%swap3A_3012] {strides = array<i32>} : memref<1024xf32, #tpu.memory_space<vmem>>, vector<16xf32>,
      tpu.vector_store %arg16[%swap3A_3012], %broadcast_in_dim3A_3011 {strides = array<i32>} : memref<1024xf32, #tpu.memory_space<vmem>>, vector<16xf32>,
      %broadcast_in_dim3A_3014 = arith.constant 0xFF800000 : f32
      %broadcast_in_dim3A_3015 = vector.broadcast %broadcast_in_dim3A_3014 : f32 to vector<16xf32>
      %swap3A_3016 = arith.constant 320 : index
      %swap3A_3017 = tpu.vector_load %arg16[%swap3A_3016] {strides = array<i32>} : memref<1024xf32, #tpu.memory_space<vmem>>, vector<16xf32>,
      tpu.vector_store %arg16[%swap3A_3016], %broadcast_in_dim3A_3015 {strides = array<i32>} : memref<1024xf32, #tpu.memory_space<vmem>>, vector<16xf32>,
      %broadcast_in_dim3A_3018 = arith.constant 0xFF800000 : f32
      %broadcast_in_dim3A_3019 = vector.broadcast %broadcast_in_dim3A_3018 : f32 to vector<16xf32>
      %swap3A_3020 = arith.constant 336 : index
      %swap3A_3021 = tpu.vector_load %arg16[%swap3A_3020] {strides = array<i32>} : memref<1024xf32, #tpu.memory_space<vmem>>, vector<16xf32>,
      tpu.vector_store %arg16[%swap3A_3020], %broadcast_in_dim3A_3019 {strides = array<i32>} : memref<1024xf32, #tpu.memory_space<vmem>>, vector<16xf32>,
      %broadcast_in_dim3A_3022 = arith.constant 0xFF800000 : f32
      %broadcast_in_dim3A_3023 = vector.broadcast %broadcast_in_dim3A_3022 : f32 to vector<16xf32>
      %swap3A_3024 = arith.constant 352 : index
      %swap3A_3025 = tpu.vector_load %arg16[%swap3A_3024] {strides = array<i32>} : memref<1024xf32, #tpu.memory_space<vmem>>, vector<16xf32>,
      tpu.vector_store %arg16[%swap3A_3024], %broadcast_in_dim3A_3023 {strides = array<i32>} : memref<1024xf32, #tpu.memory_space<vmem>>, vector<16xf32>,
      %broadcast_in_dim3A_3026 = arith.constant 0xFF800000 : f32
      %broadcast_in_dim3A_3027 = vector.broadcast %broadcast_in_dim3A_3026 : f32 to vector<16xf32>
      %swap3A_3028 = arith.constant 368 : index
      %swap3A_3029 = tpu.vector_load %arg16[%swap3A_3028] {strides = array<i32>} : memref<1024xf32, #tpu.memory_space<vmem>>, vector<16xf32>,
      tpu.vector_store %arg16[%swap3A_3028], %broadcast_in_dim3A_3027 {strides = array<i32>} : memref<1024xf32, #tpu.memory_space<vmem>>, vector<16xf32>,
      %broadcast_in_dim3A_3030 = arith.constant 0xFF800000 : f32
      %broadcast_in_dim3A_3031 = vector.broadcast %broadcast_in_dim3A_3030 : f32 to vector<16xf32>
      %swap3A_3032 = arith.constant 384 : index
      %swap3A_3033 = tpu.vector_load %arg16[%swap3A_3032] {strides = array<i32>} : memref<1024xf32, #tpu.memory_space<vmem>>, vector<16xf32>,
      tpu.vector_store %arg16[%swap3A_3032], %broadcast_in_dim3A_3031 {strides = array<i32>} : memref<1024xf32, #tpu.memory_space<vmem>>, vector<16xf32>,
      %broadcast_in_dim3A_3034 = arith.constant 0xFF800000 : f32
      %broadcast_in_dim3A_3035 = vector.broadcast %broadcast_in_dim3A_3034 : f32 to vector<16xf32>
      %swap3A_3036 = arith.constant 400 : index
      %swap3A_3037 = tpu.vector_load %arg16[%swap3A_3036] {strides = array<i32>} : memref<1024xf32, #tpu.memory_space<vmem>>, vector<16xf32>,
      tpu.vector_store %arg16[%swap3A_3036], %broadcast_in_dim3A_3035 {strides = array<i32>} : memref<1024xf32, #tpu.memory_space<vmem>>, vector<16xf32>,
      %broadcast_in_dim3A_3038 = arith.constant 0xFF800000 : f32
      %broadcast_in_dim3A_3039 = vector.broadcast %broadcast_in_dim3A_3038 : f32 to vector<16xf32>
      %swap3A_3040 = arith.constant 416 : index
      %swap3A_3041 = tpu.vector_load %arg16[%swap3A_3040] {strides = array<i32>} : memref<1024xf32, #tpu.memory_space<vmem>>, vector<16xf32>,
      tpu.vector_store %arg16[%swap3A_3040], %broadcast_in_dim3A_3039 {strides = array<i32>} : memref<1024xf32, #tpu.memory_space<vmem>>, vector<16xf32>,
      %broadcast_in_dim3A_3042 = arith.constant 0xFF800000 : f32
      %broadcast_in_dim3A_3043 = vector.broadcast %broadcast_in_dim3A_3042 : f32 to vector<16xf32>
      %swap3A_3044 = arith.constant 432 : index
      %swap3A_3045 = tpu.vector_load %arg16[%swap3A_3044] {strides = array<i32>} : memref<1024xf32, #tpu.memory_space<vmem>>, vector<16xf32>,
      tpu.vector_store %arg16[%swap3A_3044], %broadcast_in_dim3A_3043 {strides = array<i32>} : memref<1024xf32, #tpu.memory_space<vmem>>, vector<16xf32>,
      %broadcast_in_dim3A_3046 = arith.constant 0xFF800000 : f32
      %broadcast_in_dim3A_3047 = vector.broadcast %broadcast_in_dim3A_3046 : f32 to vector<16xf32>
      %swap3A_3048 = arith.constant 448 : index
      %swap3A_3049 = tpu.vector_load %arg16[%swap3A_3048] {strides = array<i32>} : memref<1024xf32, #tpu.memory_space<vmem>>, vector<16xf32>,
      tpu.vector_store %arg16[%swap3A_3048], %broadcast_in_dim3A_3047 {strides = array<i32>} : memref<1024xf32, #tpu.memory_space<vmem>>, vector<16xf32>,
      %broadcast_in_dim3A_3050 = arith.constant 0xFF800000 : f32
      %broadcast_in_dim3A_3051 = vector.broadcast %broadcast_in_dim3A_3050 : f32 to vector<16xf32>
      %swap3A_3052 = arith.constant 464 : index
      %swap3A_3053 = tpu.vector_load %arg16[%swap3A_3052] {strides = array<i32>} : memref<1024xf32, #tpu.memory_space<vmem>>, vector<16xf32>,
      tpu.vector_store %arg16[%swap3A_3052], %broadcast_in_dim3A_3051 {strides = array<i32>} : memref<1024xf32, #tpu.memory_space<vmem>>, vector<16xf32>,
      %broadcast_in_dim3A_3054 = arith.constant 0xFF800000 : f32
      %broadcast_in_dim3A_3055 = vector.broadcast %broadcast_in_dim3A_3054 : f32 to vector<16xf32>
      %swap3A_3056 = arith.constant 480 : index
      %swap3A_3057 = tpu.vector_load %arg16[%swap3A_3056] {strides = array<i32>} : memref<1024xf32, #tpu.memory_space<vmem>>, vector<16xf32>,
      tpu.vector_store %arg16[%swap3A_3056], %broadcast_in_dim3A_3055 {strides = array<i32>} : memref<1024xf32, #tpu.memory_space<vmem>>, vector<16xf32>,
      %broadcast_in_dim3A_3058 = arith.constant 0xFF800000 : f32
      %broadcast_in_dim3A_3059 = vector.broadcast %broadcast_in_dim3A_3058 : f32 to vector<16xf32>
      %swap3A_3060 = arith.constant 496 : index
      %swap3A_3061 = tpu.vector_load %arg16[%swap3A_3060] {strides = array<i32>} : memref<1024xf32, #tpu.memory_space<vmem>>, vector<16xf32>,
      tpu.vector_store %arg16[%swap3A_3060], %broadcast_in_dim3A_3059 {strides = array<i32>} : memref<1024xf32, #tpu.memory_space<vmem>>, vector<16xf32>,
      %broadcast_in_dim3A_3062 = arith.constant 0xFF800000 : f32
      %broadcast_in_dim3A_3063 = vector.broadcast %broadcast_in_dim3A_3062 : f32 to vector<16xf32>
      %swap3A_3064 = arith.constant 512 : index
      %swap3A_3065 = tpu.vector_load %arg16[%swap3A_3064] {strides = array<i32>} : memref<1024xf32, #tpu.memory_space<vmem>>, vector<16xf32>,
      tpu.vector_store %arg16[%swap3A_3064], %broadcast_in_dim3A_3063 {strides = array<i32>} : memref<1024xf32, #tpu.memory_space<vmem>>, vector<16xf32>,
      %broadcast_in_dim3A_3066 = arith.constant 0xFF800000 : f32
      %broadcast_in_dim3A_3067 = vector.broadcast %broadcast_in_dim3A_3066 : f32 to vector<16xf32>
      %swap3A_3068 = arith.constant 528 : index
      %swap3A_3069 = tpu.vector_load %arg16[%swap3A_3068] {strides = array<i32>} : memref<1024xf32, #tpu.memory_space<vmem>>, vector<16xf32>,
      tpu.vector_store %arg16[%swap3A_3068], %broadcast_in_dim3A_3067 {strides = array<i32>} : memref<1024xf32, #tpu.memory_space<vmem>>, vector<16xf32>,
      %broadcast_in_dim3A_3070 = arith.constant 0xFF800000 : f32
      %broadcast_in_dim3A_3071 = vector.broadcast %broadcast_in_dim3A_3070 : f32 to vector<16xf32>
      %swap3A_3072 = arith.constant 544 : index
      %swap3A_3073 = tpu.vector_load %arg16[%swap3A_3072] {strides = array<i32>} : memref<1024xf32, #tpu.memory_space<vmem>>, vector<16xf32>,
      tpu.vector_store %arg16[%swap3A_3072], %broadcast_in_dim3A_3071 {strides = array<i32>} : memref<1024xf32, #tpu.memory_space<vmem>>, vector<16xf32>,
      %broadcast_in_dim3A_3074 = arith.constant 0xFF800000 : f32
      %broadcast_in_dim3A_3075 = vector.broadcast %broadcast_in_dim3A_3074 : f32 to vector<16xf32>
      %swap3A_3076 = arith.constant 560 : index
      %swap3A_3077 = tpu.vector_load %arg16[%swap3A_3076] {strides = array<i32>} : memref<1024xf32, #tpu.memory_space<vmem>>, vector<16xf32>,
      tpu.vector_store %arg16[%swap3A_3076], %broadcast_in_dim3A_3075 {strides = array<i32>} : memref<1024xf32, #tpu.memory_space<vmem>>, vector<16xf32>,
      %broadcast_in_dim3A_3078 = arith.constant 0xFF800000 : f32
      %broadcast_in_dim3A_3079 = vector.broadcast %broadcast_in_dim3A_3078 : f32 to vector<16xf32>
      %swap3A_3080 = arith.constant 576 : index
      %swap3A_3081 = tpu.vector_load %arg16[%swap3A_3080] {strides = array<i32>} : memref<1024xf32, #tpu.memory_space<vmem>>, vector<16xf32>,
      tpu.vector_store %arg16[%swap3A_3080], %broadcast_in_dim3A_3079 {strides = array<i32>} : memref<1024xf32, #tpu.memory_space<vmem>>, vector<16xf32>,
      %broadcast_in_dim3A_3082 = arith.constant 0xFF800000 : f32
      %broadcast_in_dim3A_3083 = vector.broadcast %broadcast_in_dim3A_3082 : f32 to vector<16xf32>
      %swap3A_3084 = arith.constant 592 : index
      %swap3A_3085 = tpu.vector_load %arg16[%swap3A_3084] {strides = array<i32>} : memref<1024xf32, #tpu.memory_space<vmem>>, vector<16xf32>,
      tpu.vector_store %arg16[%swap3A_3084], %broadcast_in_dim3A_3083 {strides = array<i32>} : memref<1024xf32, #tpu.memory_space<vmem>>, vector<16xf32>,
      %broadcast_in_dim3A_3086 = arith.constant 0xFF800000 : f32
      %broadcast_in_dim3A_3087 = vector.broadcast %broadcast_in_dim3A_3086 : f32 to vector<16xf32>
      %swap3A_3088 = arith.constant 608 : index
      %swap3A_3089 = tpu.vector_load %arg16[%swap3A_3088] {strides = array<i32>} : memref<1024xf32, #tpu.memory_space<vmem>>, vector<16xf32>,
      tpu.vector_store %arg16[%swap3A_3088], %broadcast_in_dim3A_3087 {strides = array<i32>} : memref<1024xf32, #tpu.memory_space<vmem>>, vector<16xf32>,
      %broadcast_in_dim3A_3090 = arith.constant 0xFF800000 : f32
      %broadcast_in_dim3A_3091 = vector.broadcast %broadcast_in_dim3A_3090 : f32 to vector<16xf32>
      %swap3A_3092 = arith.constant 624 : index
      %swap3A_3093 = tpu.vector_load %arg16[%swap3A_3092] {strides = array<i32>} : memref<1024xf32, #tpu.memory_space<vmem>>, vector<16xf32>,
      tpu.vector_store %arg16[%swap3A_3092], %broadcast_in_dim3A_3091 {strides = array<i32>} : memref<1024xf32, #tpu.memory_space<vmem>>, vector<16xf32>,
      %broadcast_in_dim3A_3094 = arith.constant 0xFF800000 : f32
      %broadcast_in_dim3A_3095 = vector.broadcast %broadcast_in_dim3A_3094 : f32 to vector<16xf32>
      %swap3A_3096 = arith.constant 640 : index
      %swap3A_3097 = tpu.vector_load %arg16[%swap3A_3096] {strides = array<i32>} : memref<1024xf32, #tpu.memory_space<vmem>>, vector<16xf32>,
      tpu.vector_store %arg16[%swap3A_3096], %broadcast_in_dim3A_3095 {strides = array<i32>} : memref<1024xf32, #tpu.memory_space<vmem>>, vector<16xf32>,
      %broadcast_in_dim3A_3098 = arith.constant 0xFF800000 : f32
      %broadcast_in_dim3A_3099 = vector.broadcast %broadcast_in_dim3A_3098 : f32 to vector<16xf32>
      %swap3A_3100 = arith.constant 656 : index
      %swap3A_3101 = tpu.vector_load %arg16[%swap3A_3100] {strides = array<i32>} : memref<1024xf32, #tpu.memory_space<vmem>>, vector<16xf32>,
      tpu.vector_store %arg16[%swap3A_3100], %broadcast_in_dim3A_3099 {strides = array<i32>} : memref<1024xf32, #tpu.memory_space<vmem>>, vector<16xf32>,
      %broadcast_in_dim3A_3102 = arith.constant 0xFF800000 : f32
      %broadcast_in_dim3A_3103 = vector.broadcast %broadcast_in_dim3A_3102 : f32 to vector<16xf32>
      %swap3A_3104 = arith.constant 672 : index
      %swap3A_3105 = tpu.vector_load %arg16[%swap3A_3104] {strides = array<i32>} : memref<1024xf32, #tpu.memory_space<vmem>>, vector<16xf32>,
      tpu.vector_store %arg16[%swap3A_3104], %broadcast_in_dim3A_3103 {strides = array<i32>} : memref<1024xf32, #tpu.memory_space<vmem>>, vector<16xf32>,
      %broadcast_in_dim3A_3106 = arith.constant 0xFF800000 : f32
      %broadcast_in_dim3A_3107 = vector.broadcast %broadcast_in_dim3A_3106 : f32 to vector<16xf32>
      %swap3A_3108 = arith.constant 688 : index
      %swap3A_3109 = tpu.vector_load %arg16[%swap3A_3108] {strides = array<i32>} : memref<1024xf32, #tpu.memory_space<vmem>>, vector<16xf32>,
      tpu.vector_store %arg16[%swap3A_3108], %broadcast_in_dim3A_3107 {strides = array<i32>} : memref<1024xf32, #tpu.memory_space<vmem>>, vector<16xf32>,
      %broadcast_in_dim3A_3110 = arith.constant 0xFF800000 : f32
      %broadcast_in_dim3A_3111 = vector.broadcast %broadcast_in_dim3A_3110 : f32 to vector<16xf32>
      %swap3A_3112 = arith.constant 704 : index
      %swap3A_3113 = tpu.vector_load %arg16[%swap3A_3112] {strides = array<i32>} : memref<1024xf32, #tpu.memory_space<vmem>>, vector<16xf32>,
      tpu.vector_store %arg16[%swap3A_3112], %broadcast_in_dim3A_3111 {strides = array<i32>} : memref<1024xf32, #tpu.memory_space<vmem>>, vector<16xf32>,
      %broadcast_in_dim3A_3114 = arith.constant 0xFF800000 : f32
      %broadcast_in_dim3A_3115 = vector.broadcast %broadcast_in_dim3A_3114 : f32 to vector<16xf32>
      %swap3A_3116 = arith.constant 720 : index
      %swap3A_3117 = tpu.vector_load %arg16[%swap3A_3116] {strides = array<i32>} : memref<1024xf32, #tpu.memory_space<vmem>>, vector<16xf32>,
      tpu.vector_store %arg16[%swap3A_3116], %broadcast_in_dim3A_3115 {strides = array<i32>} : memref<1024xf32, #tpu.memory_space<vmem>>, vector<16xf32>,
      %broadcast_in_dim3A_3118 = arith.constant 0xFF800000 : f32
      %broadcast_in_dim3A_3119 = vector.broadcast %broadcast_in_dim3A_3118 : f32 to vector<16xf32>
      %swap3A_3120 = arith.constant 736 : index
      %swap3A_3121 = tpu.vector_load %arg16[%swap3A_3120] {strides = array<i32>} : memref<1024xf32, #tpu.memory_space<vmem>>, vector<16xf32>,
      tpu.vector_store %arg16[%swap3A_3120], %broadcast_in_dim3A_3119 {strides = array<i32>} : memref<1024xf32, #tpu.memory_space<vmem>>, vector<16xf32>,
      %broadcast_in_dim3A_3122 = arith.constant 0xFF800000 : f32
      %broadcast_in_dim3A_3123 = vector.broadcast %broadcast_in_dim3A_3122 : f32 to vector<16xf32>
      %swap3A_3124 = arith.constant 752 : index
      %swap3A_3125 = tpu.vector_load %arg16[%swap3A_3124] {strides = array<i32>} : memref<1024xf32, #tpu.memory_space<vmem>>, vector<16xf32>,
      tpu.vector_store %arg16[%swap3A_3124], %broadcast_in_dim3A_3123 {strides = array<i32>} : memref<1024xf32, #tpu.memory_space<vmem>>, vector<16xf32>,
      %broadcast_in_dim3A_3126 = arith.constant 0xFF800000 : f32
      %broadcast_in_dim3A_3127 = vector.broadcast %broadcast_in_dim3A_3126 : f32 to vector<16xf32>
      %swap3A_3128 = arith.constant 768 : index
      %swap3A_3129 = tpu.vector_load %arg16[%swap3A_3128] {strides = array<i32>} : memref<1024xf32, #tpu.memory_space<vmem>>, vector<16xf32>,
      tpu.vector_store %arg16[%swap3A_3128], %broadcast_in_dim3A_3127 {strides = array<i32>} : memref<1024xf32, #tpu.memory_space<vmem>>, vector<16xf32>,
      %broadcast_in_dim3A_3130 = arith.constant 0xFF800000 : f32
      %broadcast_in_dim3A_3131 = vector.broadcast %broadcast_in_dim3A_3130 : f32 to vector<16xf32>
      %swap3A_3132 = arith.constant 784 : index
      %swap3A_3133 = tpu.vector_load %arg16[%swap3A_3132] {strides = array<i32>} : memref<1024xf32, #tpu.memory_space<vmem>>, vector<16xf32>,
      tpu.vector_store %arg16[%swap3A_3132], %broadcast_in_dim3A_3131 {strides = array<i32>} : memref<1024xf32, #tpu.memory_space<vmem>>, vector<16xf32>,
      %broadcast_in_dim3A_3134 = arith.constant 0xFF800000 : f32
      %broadcast_in_dim3A_3135 = vector.broadcast %broadcast_in_dim3A_3134 : f32 to vector<16xf32>
      %swap3A_3136 = arith.constant 800 : index
      %swap3A_3137 = tpu.vector_load %arg16[%swap3A_3136] {strides = array<i32>} : memref<1024xf32, #tpu.memory_space<vmem>>, vector<16xf32>,
      tpu.vector_store %arg16[%swap3A_3136], %broadcast_in_dim3A_3135 {strides = array<i32>} : memref<1024xf32, #tpu.memory_space<vmem>>, vector<16xf32>,
      %broadcast_in_dim3A_3138 = arith.constant 0xFF800000 : f32
      %broadcast_in_dim3A_3139 = vector.broadcast %broadcast_in_dim3A_3138 : f32 to vector<16xf32>
      %swap3A_3140 = arith.constant 816 : index
      %swap3A_3141 = tpu.vector_load %arg16[%swap3A_3140] {strides = array<i32>} : memref<1024xf32, #tpu.memory_space<vmem>>, vector<16xf32>,
      tpu.vector_store %arg16[%swap3A_3140], %broadcast_in_dim3A_3139 {strides = array<i32>} : memref<1024xf32, #tpu.memory_space<vmem>>, vector<16xf32>,
      %broadcast_in_dim3A_3142 = arith.constant 0xFF800000 : f32
      %broadcast_in_dim3A_3143 = vector.broadcast %broadcast_in_dim3A_3142 : f32 to vector<16xf32>
      %swap3A_3144 = arith.constant 832 : index
      %swap3A_3145 = tpu.vector_load %arg16[%swap3A_3144] {strides = array<i32>} : memref<1024xf32, #tpu.memory_space<vmem>>, vector<16xf32>,
      tpu.vector_store %arg16[%swap3A_3144], %broadcast_in_dim3A_3143 {strides = array<i32>} : memref<1024xf32, #tpu.memory_space<vmem>>, vector<16xf32>,
      %broadcast_in_dim3A_3146 = arith.constant 0xFF800000 : f32
      %broadcast_in_dim3A_3147 = vector.broadcast %broadcast_in_dim3A_3146 : f32 to vector<16xf32>
      %swap3A_3148 = arith.constant 848 : index
      %swap3A_3149 = tpu.vector_load %arg16[%swap3A_3148] {strides = array<i32>} : memref<1024xf32, #tpu.memory_space<vmem>>, vector<16xf32>,
      tpu.vector_store %arg16[%swap3A_3148], %broadcast_in_dim3A_3147 {strides = array<i32>} : memref<1024xf32, #tpu.memory_space<vmem>>, vector<16xf32>,
      %broadcast_in_dim3A_3150 = arith.constant 0xFF800000 : f32
      %broadcast_in_dim3A_3151 = vector.broadcast %broadcast_in_dim3A_3150 : f32 to vector<16xf32>
      %swap3A_3152 = arith.constant 864 : index
      %swap3A_3153 = tpu.vector_load %arg16[%swap3A_3152] {strides = array<i32>} : memref<1024xf32, #tpu.memory_space<vmem>>, vector<16xf32>,
      tpu.vector_store %arg16[%swap3A_3152], %broadcast_in_dim3A_3151 {strides = array<i32>} : memref<1024xf32, #tpu.memory_space<vmem>>, vector<16xf32>,
      %broadcast_in_dim3A_3154 = arith.constant 0xFF800000 : f32
      %broadcast_in_dim3A_3155 = vector.broadcast %broadcast_in_dim3A_3154 : f32 to vector<16xf32>
      %swap3A_3156 = arith.constant 880 : index
      %swap3A_3157 = tpu.vector_load %arg16[%swap3A_3156] {strides = array<i32>} : memref<1024xf32, #tpu.memory_space<vmem>>, vector<16xf32>,
      tpu.vector_store %arg16[%swap3A_3156], %broadcast_in_dim3A_3155 {strides = array<i32>} : memref<1024xf32, #tpu.memory_space<vmem>>, vector<16xf32>,
      %broadcast_in_dim3A_3158 = arith.constant 0xFF800000 : f32
      %broadcast_in_dim3A_3159 = vector.broadcast %broadcast_in_dim3A_3158 : f32 to vector<16xf32>
      %swap3A_3160 = arith.constant 896 : index
      %swap3A_3161 = tpu.vector_load %arg16[%swap3A_3160] {strides = array<i32>} : memref<1024xf32, #tpu.memory_space<vmem>>, vector<16xf32>,
      tpu.vector_store %arg16[%swap3A_3160], %broadcast_in_dim3A_3159 {strides = array<i32>} : memref<1024xf32, #tpu.memory_space<vmem>>, vector<16xf32>,
      %broadcast_in_dim3A_3162 = arith.constant 0xFF800000 : f32
      %broadcast_in_dim3A_3163 = vector.broadcast %broadcast_in_dim3A_3162 : f32 to vector<16xf32>
      %swap3A_3164 = arith.constant 912 : index
      %swap3A_3165 = tpu.vector_load %arg16[%swap3A_3164] {strides = array<i32>} : memref<1024xf32, #tpu.memory_space<vmem>>, vector<16xf32>,
      tpu.vector_store %arg16[%swap3A_3164], %broadcast_in_dim3A_3163 {strides = array<i32>} : memref<1024xf32, #tpu.memory_space<vmem>>, vector<16xf32>,
      %broadcast_in_dim3A_3166 = arith.constant 0xFF800000 : f32
      %broadcast_in_dim3A_3167 = vector.broadcast %broadcast_in_dim3A_3166 : f32 to vector<16xf32>
      %swap3A_3168 = arith.constant 928 : index
      %swap3A_3169 = tpu.vector_load %arg16[%swap3A_3168] {strides = array<i32>} : memref<1024xf32, #tpu.memory_space<vmem>>, vector<16xf32>,
      tpu.vector_store %arg16[%swap3A_3168], %broadcast_in_dim3A_3167 {strides = array<i32>} : memref<1024xf32, #tpu.memory_space<vmem>>, vector<16xf32>,
      %broadcast_in_dim3A_3170 = arith.constant 0xFF800000 : f32
      %broadcast_in_dim3A_3171 = vector.broadcast %broadcast_in_dim3A_3170 : f32 to vector<16xf32>
      %swap3A_3172 = arith.constant 944 : index
      %swap3A_3173 = tpu.vector_load %arg16[%swap3A_3172] {strides = array<i32>} : memref<1024xf32, #tpu.memory_space<vmem>>, vector<16xf32>,
      tpu.vector_store %arg16[%swap3A_3172], %broadcast_in_dim3A_3171 {strides = array<i32>} : memref<1024xf32, #tpu.memory_space<vmem>>, vector<16xf32>,
      %broadcast_in_dim3A_3174 = arith.constant 0xFF800000 : f32
      %broadcast_in_dim3A_3175 = vector.broadcast %broadcast_in_dim3A_3174 : f32 to vector<16xf32>
      %swap3A_3176 = arith.constant 960 : index
      %swap3A_3177 = tpu.vector_load %arg16[%swap3A_3176] {strides = array<i32>} : memref<1024xf32, #tpu.memory_space<vmem>>, vector<16xf32>,
      tpu.vector_store %arg16[%swap3A_3176], %broadcast_in_dim3A_3175 {strides = array<i32>} : memref<1024xf32, #tpu.memory_space<vmem>>, vector<16xf32>,
      %broadcast_in_dim3A_3178 = arith.constant 0xFF800000 : f32
      %broadcast_in_dim3A_3179 = vector.broadcast %broadcast_in_dim3A_3178 : f32 to vector<16xf32>
      %swap3A_3180 = arith.constant 976 : index
      %swap3A_3181 = tpu.vector_load %arg16[%swap3A_3180] {strides = array<i32>} : memref<1024xf32, #tpu.memory_space<vmem>>, vector<16xf32>,
      tpu.vector_store %arg16[%swap3A_3180], %broadcast_in_dim3A_3179 {strides = array<i32>} : memref<1024xf32, #tpu.memory_space<vmem>>, vector<16xf32>,
      %broadcast_in_dim3A_3182 = arith.constant 0xFF800000 : f32
      %broadcast_in_dim3A_3183 = vector.broadcast %broadcast_in_dim3A_3182 : f32 to vector<16xf32>
      %swap3A_3184 = arith.constant 992 : index
      %swap3A_3185 = tpu.vector_load %arg16[%swap3A_3184] {strides = array<i32>} : memref<1024xf32, #tpu.memory_space<vmem>>, vector<16xf32>,
      tpu.vector_store %arg16[%swap3A_3184], %broadcast_in_dim3A_3183 {strides = array<i32>} : memref<1024xf32, #tpu.memory_space<vmem>>, vector<16xf32>,
      %broadcast_in_dim3A_3186 = arith.constant 0xFF800000 : f32
      %broadcast_in_dim3A_3187 = vector.broadcast %broadcast_in_dim3A_3186 : f32 to vector<16xf32>
      %swap3A_3188 = arith.constant 1008 : index
      %swap3A_3189 = tpu.vector_load %arg16[%swap3A_3188] {strides = array<i32>} : memref<1024xf32, #tpu.memory_space<vmem>>, vector<16xf32>,
      tpu.vector_store %arg16[%swap3A_3188], %broadcast_in_dim3A_3187 {strides = array<i32>} : memref<1024xf32, #tpu.memory_space<vmem>>, vector<16xf32>,
      %broadcast_in_dim3A_3190 = arith.constant 0 : i32
      %broadcast_in_dim3A_3191 = vector.broadcast %broadcast_in_dim3A_3190 : i32 to vector<16xi32>
      %get3A_3192 = arith.constant 0 : index
      %get3A_3193 = tpu.vector_load %arg10[%get3A_3192] {strides = array<i32>} : memref<256xf32, #tpu.memory_space<vmem>>, vector<16xf32>,
      %ge3A_3194 = arith.cmpf oge, %get3A_3193, %get3A_203 : vector<16xf32>
      %jit3A_3195 = arith.constant 1 : i32
      %jit3A_3196 = arith.constant 0 : i32
      %broadcast_in_dim3A_3197 = vector.broadcast %jit3A_3195 : i32 to vector<16xi32>
      %broadcast_in_dim3A_3198 = vector.broadcast %jit3A_3196 : i32 to vector<16xi32>
      %select_n3A_3199 = arith.select %ge3A_3194, %broadcast_in_dim3A_3197, %broadcast_in_dim3A_3198 : vector<16xi1>, vector<16xi32>
      %broadcast_in_dim3A_3200 = arith.constant true
      %broadcast_in_dim3A_3201 = vector.broadcast %broadcast_in_dim3A_3200 : i1 to vector<16xi1>
      %masked_cumsum3A_3202 = tpu.scan <sum>, %select_n3A_3199 masked %broadcast_in_dim3A_3201 : vector<16xi32>, vector<16xi1> -> vector<16xi32>
      %add3A_3203 = arith.addi %broadcast_in_dim3A_3191, %masked_cumsum3A_3202 : vector<16xi32>
      %sub3A_3204 = arith.subi %add3A_3203, %select_n3A_3199 : vector<16xi32>
      %lt3A_3205 = arith.constant 1024 : i32
      %lt3A_3206 = vector.broadcast %lt3A_3205 : i32 to vector<16xi32>
      %lt3A_3207 = arith.cmpi slt, %sub3A_3204, %lt3A_3206 : vector<16xi32>
      %and3A_3208 = arith.andi %ge3A_3194, %lt3A_3207 : vector<16xi1>
      tpu.vector_store_idx %arg16[%sub3A_3204], %get3A_3193 masked %and3A_3208 : memref<1024xf32, #tpu.memory_space<vmem>>[vector<16xi32>], vector<16xf32>, vector<16xi1>
      %iota3A_3209 = tpu.iota {dimensions = array<i32: 0>} : vector<16xi32>
      %add3A_3210 = arith.constant 0 : i32
      %add3A_3211 = vector.broadcast %add3A_3210 : i32 to vector<16xi32>
      %add3A_3212 = arith.addi %add3A_3211, %iota3A_3209 : vector<16xi32>
      tpu.vector_store_idx %arg15[%sub3A_3204], %add3A_3212 masked %and3A_3208 : memref<1024xi32, #tpu.memory_space<vmem>>[vector<16xi32>], vector<16xi32>, vector<16xi1>
      %all_reduce_population_count3A_3213 = tpu.all_reduce %ge3A_3194 {dim = 0 : i64, kind = #tpu.reduction_kind<sum>} : vector<16xi1> -> vector<16xi32>
      %add3A_3214 = arith.addi %broadcast_in_dim3A_3191, %all_reduce_population_count3A_3213 : vector<16xi32>
      %get3A_3215 = arith.constant 16 : index
      %get3A_3216 = tpu.vector_load %arg10[%get3A_3215] {strides = array<i32>} : memref<256xf32, #tpu.memory_space<vmem>>, vector<16xf32>,
      %ge3A_3217 = arith.cmpf oge, %get3A_3216, %get3A_203 : vector<16xf32>
      %jit3A_3218 = arith.constant 1 : i32
      %jit3A_3219 = arith.constant 0 : i32
      %broadcast_in_dim3A_3220 = vector.broadcast %jit3A_3218 : i32 to vector<16xi32>
      %broadcast_in_dim3A_3221 = vector.broadcast %jit3A_3219 : i32 to vector<16xi32>
      %select_n3A_3222 = arith.select %ge3A_3217, %broadcast_in_dim3A_3220, %broadcast_in_dim3A_3221 : vector<16xi1>, vector<16xi32>
      %broadcast_in_dim3A_3223 = arith.constant true
      %broadcast_in_dim3A_3224 = vector.broadcast %broadcast_in_dim3A_3223 : i1 to vector<16xi1>
      %masked_cumsum3A_3225 = tpu.scan <sum>, %select_n3A_3222 masked %broadcast_in_dim3A_3224 : vector<16xi32>, vector<16xi1> -> vector<16xi32>
      %add3A_3226 = arith.addi %add3A_3214, %masked_cumsum3A_3225 : vector<16xi32>
      %sub3A_3227 = arith.subi %add3A_3226, %select_n3A_3222 : vector<16xi32>
      %lt3A_3228 = arith.constant 1024 : i32
      %lt3A_3229 = vector.broadcast %lt3A_3228 : i32 to vector<16xi32>
      %lt3A_3230 = arith.cmpi slt, %sub3A_3227, %lt3A_3229 : vector<16xi32>
      %and3A_3231 = arith.andi %ge3A_3217, %lt3A_3230 : vector<16xi1>
      tpu.vector_store_idx %arg16[%sub3A_3227], %get3A_3216 masked %and3A_3231 : memref<1024xf32, #tpu.memory_space<vmem>>[vector<16xi32>], vector<16xf32>, vector<16xi1>
      %iota3A_3232 = tpu.iota {dimensions = array<i32: 0>} : vector<16xi32>
      %add3A_3233 = arith.constant 16 : i32
      %add3A_3234 = vector.broadcast %add3A_3233 : i32 to vector<16xi32>
      %add3A_3235 = arith.addi %add3A_3234, %iota3A_3232 : vector<16xi32>
      tpu.vector_store_idx %arg15[%sub3A_3227], %add3A_3235 masked %and3A_3231 : memref<1024xi32, #tpu.memory_space<vmem>>[vector<16xi32>], vector<16xi32>, vector<16xi1>
      %all_reduce_population_count3A_3236 = tpu.all_reduce %ge3A_3217 {dim = 0 : i64, kind = #tpu.reduction_kind<sum>} : vector<16xi1> -> vector<16xi32>
      %add3A_3237 = arith.addi %add3A_3214, %all_reduce_population_count3A_3236 : vector<16xi32>
      %get3A_3238 = arith.constant 32 : index
      %get3A_3239 = tpu.vector_load %arg10[%get3A_3238] {strides = array<i32>} : memref<256xf32, #tpu.memory_space<vmem>>, vector<16xf32>,
      %ge3A_3240 = arith.cmpf oge, %get3A_3239, %get3A_203 : vector<16xf32>
      %jit3A_3241 = arith.constant 1 : i32
      %jit3A_3242 = arith.constant 0 : i32
      %broadcast_in_dim3A_3243 = vector.broadcast %jit3A_3241 : i32 to vector<16xi32>
      %broadcast_in_dim3A_3244 = vector.broadcast %jit3A_3242 : i32 to vector<16xi32>
      %select_n3A_3245 = arith.select %ge3A_3240, %broadcast_in_dim3A_3243, %broadcast_in_dim3A_3244 : vector<16xi1>, vector<16xi32>
      %broadcast_in_dim3A_3246 = arith.constant true
      %broadcast_in_dim3A_3247 = vector.broadcast %broadcast_in_dim3A_3246 : i1 to vector<16xi1>
      %masked_cumsum3A_3248 = tpu.scan <sum>, %select_n3A_3245 masked %broadcast_in_dim3A_3247 : vector<16xi32>, vector<16xi1> -> vector<16xi32>
      %add3A_3249 = arith.addi %add3A_3237, %masked_cumsum3A_3248 : vector<16xi32>
      %sub3A_3250 = arith.subi %add3A_3249, %select_n3A_3245 : vector<16xi32>
      %lt3A_3251 = arith.constant 1024 : i32
      %lt3A_3252 = vector.broadcast %lt3A_3251 : i32 to vector<16xi32>
      %lt3A_3253 = arith.cmpi slt, %sub3A_3250, %lt3A_3252 : vector<16xi32>
      %and3A_3254 = arith.andi %ge3A_3240, %lt3A_3253 : vector<16xi1>
      tpu.vector_store_idx %arg16[%sub3A_3250], %get3A_3239 masked %and3A_3254 : memref<1024xf32, #tpu.memory_space<vmem>>[vector<16xi32>], vector<16xf32>, vector<16xi1>
      %iota3A_3255 = tpu.iota {dimensions = array<i32: 0>} : vector<16xi32>
      %add3A_3256 = arith.constant 32 : i32
      %add3A_3257 = vector.broadcast %add3A_3256 : i32 to vector<16xi32>
      %add3A_3258 = arith.addi %add3A_3257, %iota3A_3255 : vector<16xi32>
      tpu.vector_store_idx %arg15[%sub3A_3250], %add3A_3258 masked %and3A_3254 : memref<1024xi32, #tpu.memory_space<vmem>>[vector<16xi32>], vector<16xi32>, vector<16xi1>
      %all_reduce_population_count3A_3259 = tpu.all_reduce %ge3A_3240 {dim = 0 : i64, kind = #tpu.reduction_kind<sum>} : vector<16xi1> -> vector<16xi32>
      %add3A_3260 = arith.addi %add3A_3237, %all_reduce_population_count3A_3259 : vector<16xi32>
      %get3A_3261 = arith.constant 48 : index
      %get3A_3262 = tpu.vector_load %arg10[%get3A_3261] {strides = array<i32>} : memref<256xf32, #tpu.memory_space<vmem>>, vector<16xf32>,
      %ge3A_3263 = arith.cmpf oge, %get3A_3262, %get3A_203 : vector<16xf32>
      %jit3A_3264 = arith.constant 1 : i32
      %jit3A_3265 = arith.constant 0 : i32
      %broadcast_in_dim3A_3266 = vector.broadcast %jit3A_3264 : i32 to vector<16xi32>
      %broadcast_in_dim3A_3267 = vector.broadcast %jit3A_3265 : i32 to vector<16xi32>
      %select_n3A_3268 = arith.select %ge3A_3263, %broadcast_in_dim3A_3266, %broadcast_in_dim3A_3267 : vector<16xi1>, vector<16xi32>
      %broadcast_in_dim3A_3269 = arith.constant true
      %broadcast_in_dim3A_3270 = vector.broadcast %broadcast_in_dim3A_3269 : i1 to vector<16xi1>
      %masked_cumsum3A_3271 = tpu.scan <sum>, %select_n3A_3268 masked %broadcast_in_dim3A_3270 : vector<16xi32>, vector<16xi1> -> vector<16xi32>
      %add3A_3272 = arith.addi %add3A_3260, %masked_cumsum3A_3271 : vector<16xi32>
      %sub3A_3273 = arith.subi %add3A_3272, %select_n3A_3268 : vector<16xi32>
      %lt3A_3274 = arith.constant 1024 : i32
      %lt3A_3275 = vector.broadcast %lt3A_3274 : i32 to vector<16xi32>
      %lt3A_3276 = arith.cmpi slt, %sub3A_3273, %lt3A_3275 : vector<16xi32>
      %and3A_3277 = arith.andi %ge3A_3263, %lt3A_3276 : vector<16xi1>
      tpu.vector_store_idx %arg16[%sub3A_3273], %get3A_3262 masked %and3A_3277 : memref<1024xf32, #tpu.memory_space<vmem>>[vector<16xi32>], vector<16xf32>, vector<16xi1>
      %iota3A_3278 = tpu.iota {dimensions = array<i32: 0>} : vector<16xi32>
      %add3A_3279 = arith.constant 48 : i32
      %add3A_3280 = vector.broadcast %add3A_3279 : i32 to vector<16xi32>
      %add3A_3281 = arith.addi %add3A_3280, %iota3A_3278 : vector<16xi32>
      tpu.vector_store_idx %arg15[%sub3A_3273], %add3A_3281 masked %and3A_3277 : memref<1024xi32, #tpu.memory_space<vmem>>[vector<16xi32>], vector<16xi32>, vector<16xi1>
      %all_reduce_population_count3A_3282 = tpu.all_reduce %ge3A_3263 {dim = 0 : i64, kind = #tpu.reduction_kind<sum>} : vector<16xi1> -> vector<16xi32>
      %add3A_3283 = arith.addi %add3A_3260, %all_reduce_population_count3A_3282 : vector<16xi32>
      %get3A_3284 = arith.constant 64 : index
      %get3A_3285 = tpu.vector_load %arg10[%get3A_3284] {strides = array<i32>} : memref<256xf32, #tpu.memory_space<vmem>>, vector<16xf32>,
      %ge3A_3286 = arith.cmpf oge, %get3A_3285, %get3A_203 : vector<16xf32>
      %jit3A_3287 = arith.constant 1 : i32
      %jit3A_3288 = arith.constant 0 : i32
      %broadcast_in_dim3A_3289 = vector.broadcast %jit3A_3287 : i32 to vector<16xi32>
      %broadcast_in_dim3A_3290 = vector.broadcast %jit3A_3288 : i32 to vector<16xi32>
      %select_n3A_3291 = arith.select %ge3A_3286, %broadcast_in_dim3A_3289, %broadcast_in_dim3A_3290 : vector<16xi1>, vector<16xi32>
      %broadcast_in_dim3A_3292 = arith.constant true
      %broadcast_in_dim3A_3293 = vector.broadcast %broadcast_in_dim3A_3292 : i1 to vector<16xi1>
      %masked_cumsum3A_3294 = tpu.scan <sum>, %select_n3A_3291 masked %broadcast_in_dim3A_3293 : vector<16xi32>, vector<16xi1> -> vector<16xi32>
      %add3A_3295 = arith.addi %add3A_3283, %masked_cumsum3A_3294 : vector<16xi32>
      %sub3A_3296 = arith.subi %add3A_3295, %select_n3A_3291 : vector<16xi32>
      %lt3A_3297 = arith.constant 1024 : i32
      %lt3A_3298 = vector.broadcast %lt3A_3297 : i32 to vector<16xi32>
      %lt3A_3299 = arith.cmpi slt, %sub3A_3296, %lt3A_3298 : vector<16xi32>
      %and3A_3300 = arith.andi %ge3A_3286, %lt3A_3299 : vector<16xi1>
      tpu.vector_store_idx %arg16[%sub3A_3296], %get3A_3285 masked %and3A_3300 : memref<1024xf32, #tpu.memory_space<vmem>>[vector<16xi32>], vector<16xf32>, vector<16xi1>
      %iota3A_3301 = tpu.iota {dimensions = array<i32: 0>} : vector<16xi32>
      %add3A_3302 = arith.constant 64 : i32
      %add3A_3303 = vector.broadcast %add3A_3302 : i32 to vector<16xi32>
      %add3A_3304 = arith.addi %add3A_3303, %iota3A_3301 : vector<16xi32>
      tpu.vector_store_idx %arg15[%sub3A_3296], %add3A_3304 masked %and3A_3300 : memref<1024xi32, #tpu.memory_space<vmem>>[vector<16xi32>], vector<16xi32>, vector<16xi1>
      %all_reduce_population_count3A_3305 = tpu.all_reduce %ge3A_3286 {dim = 0 : i64, kind = #tpu.reduction_kind<sum>} : vector<16xi1> -> vector<16xi32>
      %add3A_3306 = arith.addi %add3A_3283, %all_reduce_population_count3A_3305 : vector<16xi32>
      %get3A_3307 = arith.constant 80 : index
      %get3A_3308 = tpu.vector_load %arg10[%get3A_3307] {strides = array<i32>} : memref<256xf32, #tpu.memory_space<vmem>>, vector<16xf32>,
      %ge3A_3309 = arith.cmpf oge, %get3A_3308, %get3A_203 : vector<16xf32>
      %jit3A_3310 = arith.constant 1 : i32
      %jit3A_3311 = arith.constant 0 : i32
      %broadcast_in_dim3A_3312 = vector.broadcast %jit3A_3310 : i32 to vector<16xi32>
      %broadcast_in_dim3A_3313 = vector.broadcast %jit3A_3311 : i32 to vector<16xi32>
      %select_n3A_3314 = arith.select %ge3A_3309, %broadcast_in_dim3A_3312, %broadcast_in_dim3A_3313 : vector<16xi1>, vector<16xi32>
      %broadcast_in_dim3A_3315 = arith.constant true
      %broadcast_in_dim3A_3316 = vector.broadcast %broadcast_in_dim3A_3315 : i1 to vector<16xi1>
      %masked_cumsum3A_3317 = tpu.scan <sum>, %select_n3A_3314 masked %broadcast_in_dim3A_3316 : vector<16xi32>, vector<16xi1> -> vector<16xi32>
      %add3A_3318 = arith.addi %add3A_3306, %masked_cumsum3A_3317 : vector<16xi32>
      %sub3A_3319 = arith.subi %add3A_3318, %select_n3A_3314 : vector<16xi32>
      %lt3A_3320 = arith.constant 1024 : i32
      %lt3A_3321 = vector.broadcast %lt3A_3320 : i32 to vector<16xi32>
      %lt3A_3322 = arith.cmpi slt, %sub3A_3319, %lt3A_3321 : vector<16xi32>
      %and3A_3323 = arith.andi %ge3A_3309, %lt3A_3322 : vector<16xi1>
      tpu.vector_store_idx %arg16[%sub3A_3319], %get3A_3308 masked %and3A_3323 : memref<1024xf32, #tpu.memory_space<vmem>>[vector<16xi32>], vector<16xf32>, vector<16xi1>
      %iota3A_3324 = tpu.iota {dimensions = array<i32: 0>} : vector<16xi32>
      %add3A_3325 = arith.constant 80 : i32
      %add3A_3326 = vector.broadcast %add3A_3325 : i32 to vector<16xi32>
      %add3A_3327 = arith.addi %add3A_3326, %iota3A_3324 : vector<16xi32>
      tpu.vector_store_idx %arg15[%sub3A_3319], %add3A_3327 masked %and3A_3323 : memref<1024xi32, #tpu.memory_space<vmem>>[vector<16xi32>], vector<16xi32>, vector<16xi1>
      %all_reduce_population_count3A_3328 = tpu.all_reduce %ge3A_3309 {dim = 0 : i64, kind = #tpu.reduction_kind<sum>} : vector<16xi1> -> vector<16xi32>
      %add3A_3329 = arith.addi %add3A_3306, %all_reduce_population_count3A_3328 : vector<16xi32>
      %get3A_3330 = arith.constant 96 : index
      %get3A_3331 = tpu.vector_load %arg10[%get3A_3330] {strides = array<i32>} : memref<256xf32, #tpu.memory_space<vmem>>, vector<16xf32>,
      %ge3A_3332 = arith.cmpf oge, %get3A_3331, %get3A_203 : vector<16xf32>
      %jit3A_3333 = arith.constant 1 : i32
      %jit3A_3334 = arith.constant 0 : i32
      %broadcast_in_dim3A_3335 = vector.broadcast %jit3A_3333 : i32 to vector<16xi32>
      %broadcast_in_dim3A_3336 = vector.broadcast %jit3A_3334 : i32 to vector<16xi32>
      %select_n3A_3337 = arith.select %ge3A_3332, %broadcast_in_dim3A_3335, %broadcast_in_dim3A_3336 : vector<16xi1>, vector<16xi32>
      %broadcast_in_dim3A_3338 = arith.constant true
      %broadcast_in_dim3A_3339 = vector.broadcast %broadcast_in_dim3A_3338 : i1 to vector<16xi1>
      %masked_cumsum3A_3340 = tpu.scan <sum>, %select_n3A_3337 masked %broadcast_in_dim3A_3339 : vector<16xi32>, vector<16xi1> -> vector<16xi32>
      %add3A_3341 = arith.addi %add3A_3329, %masked_cumsum3A_3340 : vector<16xi32>
      %sub3A_3342 = arith.subi %add3A_3341, %select_n3A_3337 : vector<16xi32>
      %lt3A_3343 = arith.constant 1024 : i32
      %lt3A_3344 = vector.broadcast %lt3A_3343 : i32 to vector<16xi32>
      %lt3A_3345 = arith.cmpi slt, %sub3A_3342, %lt3A_3344 : vector<16xi32>
      %and3A_3346 = arith.andi %ge3A_3332, %lt3A_3345 : vector<16xi1>
      tpu.vector_store_idx %arg16[%sub3A_3342], %get3A_3331 masked %and3A_3346 : memref<1024xf32, #tpu.memory_space<vmem>>[vector<16xi32>], vector<16xf32>, vector<16xi1>
      %iota3A_3347 = tpu.iota {dimensions = array<i32: 0>} : vector<16xi32>
      %add3A_3348 = arith.constant 96 : i32
      %add3A_3349 = vector.broadcast %add3A_3348 : i32 to vector<16xi32>
      %add3A_3350 = arith.addi %add3A_3349, %iota3A_3347 : vector<16xi32>
      tpu.vector_store_idx %arg15[%sub3A_3342], %add3A_3350 masked %and3A_3346 : memref<1024xi32, #tpu.memory_space<vmem>>[vector<16xi32>], vector<16xi32>, vector<16xi1>
      %all_reduce_population_count3A_3351 = tpu.all_reduce %ge3A_3332 {dim = 0 : i64, kind = #tpu.reduction_kind<sum>} : vector<16xi1> -> vector<16xi32>
      %add3A_3352 = arith.addi %add3A_3329, %all_reduce_population_count3A_3351 : vector<16xi32>
      %get3A_3353 = arith.constant 112 : index
      %get3A_3354 = tpu.vector_load %arg10[%get3A_3353] {strides = array<i32>} : memref<256xf32, #tpu.memory_space<vmem>>, vector<16xf32>,
      %ge3A_3355 = arith.cmpf oge, %get3A_3354, %get3A_203 : vector<16xf32>
      %jit3A_3356 = arith.constant 1 : i32
      %jit3A_3357 = arith.constant 0 : i32
      %broadcast_in_dim3A_3358 = vector.broadcast %jit3A_3356 : i32 to vector<16xi32>
      %broadcast_in_dim3A_3359 = vector.broadcast %jit3A_3357 : i32 to vector<16xi32>
      %select_n3A_3360 = arith.select %ge3A_3355, %broadcast_in_dim3A_3358, %broadcast_in_dim3A_3359 : vector<16xi1>, vector<16xi32>
      %broadcast_in_dim3A_3361 = arith.constant true
      %broadcast_in_dim3A_3362 = vector.broadcast %broadcast_in_dim3A_3361 : i1 to vector<16xi1>
      %masked_cumsum3A_3363 = tpu.scan <sum>, %select_n3A_3360 masked %broadcast_in_dim3A_3362 : vector<16xi32>, vector<16xi1> -> vector<16xi32>
      %add3A_3364 = arith.addi %add3A_3352, %masked_cumsum3A_3363 : vector<16xi32>
      %sub3A_3365 = arith.subi %add3A_3364, %select_n3A_3360 : vector<16xi32>
      %lt3A_3366 = arith.constant 1024 : i32
      %lt3A_3367 = vector.broadcast %lt3A_3366 : i32 to vector<16xi32>
      %lt3A_3368 = arith.cmpi slt, %sub3A_3365, %lt3A_3367 : vector<16xi32>
      %and3A_3369 = arith.andi %ge3A_3355, %lt3A_3368 : vector<16xi1>
      tpu.vector_store_idx %arg16[%sub3A_3365], %get3A_3354 masked %and3A_3369 : memref<1024xf32, #tpu.memory_space<vmem>>[vector<16xi32>], vector<16xf32>, vector<16xi1>
      %iota3A_3370 = tpu.iota {dimensions = array<i32: 0>} : vector<16xi32>
      %add3A_3371 = arith.constant 112 : i32
      %add3A_3372 = vector.broadcast %add3A_3371 : i32 to vector<16xi32>
      %add3A_3373 = arith.addi %add3A_3372, %iota3A_3370 : vector<16xi32>
      tpu.vector_store_idx %arg15[%sub3A_3365], %add3A_3373 masked %and3A_3369 : memref<1024xi32, #tpu.memory_space<vmem>>[vector<16xi32>], vector<16xi32>, vector<16xi1>
      %all_reduce_population_count3A_3374 = tpu.all_reduce %ge3A_3355 {dim = 0 : i64, kind = #tpu.reduction_kind<sum>} : vector<16xi1> -> vector<16xi32>
      %add3A_3375 = arith.addi %add3A_3352, %all_reduce_population_count3A_3374 : vector<16xi32>
      %get3A_3376 = arith.constant 128 : index
      %get3A_3377 = tpu.vector_load %arg10[%get3A_3376] {strides = array<i32>} : memref<256xf32, #tpu.memory_space<vmem>>, vector<16xf32>,
      %ge3A_3378 = arith.cmpf oge, %get3A_3377, %get3A_203 : vector<16xf32>
      %jit3A_3379 = arith.constant 1 : i32
      %jit3A_3380 = arith.constant 0 : i32
      %broadcast_in_dim3A_3381 = vector.broadcast %jit3A_3379 : i32 to vector<16xi32>
      %broadcast_in_dim3A_3382 = vector.broadcast %jit3A_3380 : i32 to vector<16xi32>
      %select_n3A_3383 = arith.select %ge3A_3378, %broadcast_in_dim3A_3381, %broadcast_in_dim3A_3382 : vector<16xi1>, vector<16xi32>
      %broadcast_in_dim3A_3384 = arith.constant true
      %broadcast_in_dim3A_3385 = vector.broadcast %broadcast_in_dim3A_3384 : i1 to vector<16xi1>
      %masked_cumsum3A_3386 = tpu.scan <sum>, %select_n3A_3383 masked %broadcast_in_dim3A_3385 : vector<16xi32>, vector<16xi1> -> vector<16xi32>
      %add3A_3387 = arith.addi %add3A_3375, %masked_cumsum3A_3386 : vector<16xi32>
      %sub3A_3388 = arith.subi %add3A_3387, %select_n3A_3383 : vector<16xi32>
      %lt3A_3389 = arith.constant 1024 : i32
      %lt3A_3390 = vector.broadcast %lt3A_3389 : i32 to vector<16xi32>
      %lt3A_3391 = arith.cmpi slt, %sub3A_3388, %lt3A_3390 : vector<16xi32>
      %and3A_3392 = arith.andi %ge3A_3378, %lt3A_3391 : vector<16xi1>
      tpu.vector_store_idx %arg16[%sub3A_3388], %get3A_3377 masked %and3A_3392 : memref<1024xf32, #tpu.memory_space<vmem>>[vector<16xi32>], vector<16xf32>, vector<16xi1>
      %iota3A_3393 = tpu.iota {dimensions = array<i32: 0>} : vector<16xi32>
      %add3A_3394 = arith.constant 128 : i32
      %add3A_3395 = vector.broadcast %add3A_3394 : i32 to vector<16xi32>
      %add3A_3396 = arith.addi %add3A_3395, %iota3A_3393 : vector<16xi32>
      tpu.vector_store_idx %arg15[%sub3A_3388], %add3A_3396 masked %and3A_3392 : memref<1024xi32, #tpu.memory_space<vmem>>[vector<16xi32>], vector<16xi32>, vector<16xi1>
      %all_reduce_population_count3A_3397 = tpu.all_reduce %ge3A_3378 {dim = 0 : i64, kind = #tpu.reduction_kind<sum>} : vector<16xi1> -> vector<16xi32>
      %add3A_3398 = arith.addi %add3A_3375, %all_reduce_population_count3A_3397 : vector<16xi32>
      %get3A_3399 = arith.constant 144 : index
      %get3A_3400 = tpu.vector_load %arg10[%get3A_3399] {strides = array<i32>} : memref<256xf32, #tpu.memory_space<vmem>>, vector<16xf32>,
      %ge3A_3401 = arith.cmpf oge, %get3A_3400, %get3A_203 : vector<16xf32>
      %jit3A_3402 = arith.constant 1 : i32
      %jit3A_3403 = arith.constant 0 : i32
      %broadcast_in_dim3A_3404 = vector.broadcast %jit3A_3402 : i32 to vector<16xi32>
      %broadcast_in_dim3A_3405 = vector.broadcast %jit3A_3403 : i32 to vector<16xi32>
      %select_n3A_3406 = arith.select %ge3A_3401, %broadcast_in_dim3A_3404, %broadcast_in_dim3A_3405 : vector<16xi1>, vector<16xi32>
      %broadcast_in_dim3A_3407 = arith.constant true
      %broadcast_in_dim3A_3408 = vector.broadcast %broadcast_in_dim3A_3407 : i1 to vector<16xi1>
      %masked_cumsum3A_3409 = tpu.scan <sum>, %select_n3A_3406 masked %broadcast_in_dim3A_3408 : vector<16xi32>, vector<16xi1> -> vector<16xi32>
      %add3A_3410 = arith.addi %add3A_3398, %masked_cumsum3A_3409 : vector<16xi32>
      %sub3A_3411 = arith.subi %add3A_3410, %select_n3A_3406 : vector<16xi32>
      %lt3A_3412 = arith.constant 1024 : i32
      %lt3A_3413 = vector.broadcast %lt3A_3412 : i32 to vector<16xi32>
      %lt3A_3414 = arith.cmpi slt, %sub3A_3411, %lt3A_3413 : vector<16xi32>
      %and3A_3415 = arith.andi %ge3A_3401, %lt3A_3414 : vector<16xi1>
      tpu.vector_store_idx %arg16[%sub3A_3411], %get3A_3400 masked %and3A_3415 : memref<1024xf32, #tpu.memory_space<vmem>>[vector<16xi32>], vector<16xf32>, vector<16xi1>
      %iota3A_3416 = tpu.iota {dimensions = array<i32: 0>} : vector<16xi32>
      %add3A_3417 = arith.constant 144 : i32
      %add3A_3418 = vector.broadcast %add3A_3417 : i32 to vector<16xi32>
      %add3A_3419 = arith.addi %add3A_3418, %iota3A_3416 : vector<16xi32>
      tpu.vector_store_idx %arg15[%sub3A_3411], %add3A_3419 masked %and3A_3415 : memref<1024xi32, #tpu.memory_space<vmem>>[vector<16xi32>], vector<16xi32>, vector<16xi1>
      %all_reduce_population_count3A_3420 = tpu.all_reduce %ge3A_3401 {dim = 0 : i64, kind = #tpu.reduction_kind<sum>} : vector<16xi1> -> vector<16xi32>
      %add3A_3421 = arith.addi %add3A_3398, %all_reduce_population_count3A_3420 : vector<16xi32>
      %get3A_3422 = arith.constant 160 : index
      %get3A_3423 = tpu.vector_load %arg10[%get3A_3422] {strides = array<i32>} : memref<256xf32, #tpu.memory_space<vmem>>, vector<16xf32>,
      %ge3A_3424 = arith.cmpf oge, %get3A_3423, %get3A_203 : vector<16xf32>
      %jit3A_3425 = arith.constant 1 : i32
      %jit3A_3426 = arith.constant 0 : i32
      %broadcast_in_dim3A_3427 = vector.broadcast %jit3A_3425 : i32 to vector<16xi32>
      %broadcast_in_dim3A_3428 = vector.broadcast %jit3A_3426 : i32 to vector<16xi32>
      %select_n3A_3429 = arith.select %ge3A_3424, %broadcast_in_dim3A_3427, %broadcast_in_dim3A_3428 : vector<16xi1>, vector<16xi32>
      %broadcast_in_dim3A_3430 = arith.constant true
      %broadcast_in_dim3A_3431 = vector.broadcast %broadcast_in_dim3A_3430 : i1 to vector<16xi1>
      %masked_cumsum3A_3432 = tpu.scan <sum>, %select_n3A_3429 masked %broadcast_in_dim3A_3431 : vector<16xi32>, vector<16xi1> -> vector<16xi32>
      %add3A_3433 = arith.addi %add3A_3421, %masked_cumsum3A_3432 : vector<16xi32>
      %sub3A_3434 = arith.subi %add3A_3433, %select_n3A_3429 : vector<16xi32>
      %lt3A_3435 = arith.constant 1024 : i32
      %lt3A_3436 = vector.broadcast %lt3A_3435 : i32 to vector<16xi32>
      %lt3A_3437 = arith.cmpi slt, %sub3A_3434, %lt3A_3436 : vector<16xi32>
      %and3A_3438 = arith.andi %ge3A_3424, %lt3A_3437 : vector<16xi1>
      tpu.vector_store_idx %arg16[%sub3A_3434], %get3A_3423 masked %and3A_3438 : memref<1024xf32, #tpu.memory_space<vmem>>[vector<16xi32>], vector<16xf32>, vector<16xi1>
      %iota3A_3439 = tpu.iota {dimensions = array<i32: 0>} : vector<16xi32>
      %add3A_3440 = arith.constant 160 : i32
      %add3A_3441 = vector.broadcast %add3A_3440 : i32 to vector<16xi32>
      %add3A_3442 = arith.addi %add3A_3441, %iota3A_3439 : vector<16xi32>
      tpu.vector_store_idx %arg15[%sub3A_3434], %add3A_3442 masked %and3A_3438 : memref<1024xi32, #tpu.memory_space<vmem>>[vector<16xi32>], vector<16xi32>, vector<16xi1>
      %all_reduce_population_count3A_3443 = tpu.all_reduce %ge3A_3424 {dim = 0 : i64, kind = #tpu.reduction_kind<sum>} : vector<16xi1> -> vector<16xi32>
      %add3A_3444 = arith.addi %add3A_3421, %all_reduce_population_count3A_3443 : vector<16xi32>
      %get3A_3445 = arith.constant 176 : index
      %get3A_3446 = tpu.vector_load %arg10[%get3A_3445] {strides = array<i32>} : memref<256xf32, #tpu.memory_space<vmem>>, vector<16xf32>,
      %ge3A_3447 = arith.cmpf oge, %get3A_3446, %get3A_203 : vector<16xf32>
      %jit3A_3448 = arith.constant 1 : i32
      %jit3A_3449 = arith.constant 0 : i32
      %broadcast_in_dim3A_3450 = vector.broadcast %jit3A_3448 : i32 to vector<16xi32>
      %broadcast_in_dim3A_3451 = vector.broadcast %jit3A_3449 : i32 to vector<16xi32>
      %select_n3A_3452 = arith.select %ge3A_3447, %broadcast_in_dim3A_3450, %broadcast_in_dim3A_3451 : vector<16xi1>, vector<16xi32>
      %broadcast_in_dim3A_3453 = arith.constant true
      %broadcast_in_dim3A_3454 = vector.broadcast %broadcast_in_dim3A_3453 : i1 to vector<16xi1>
      %masked_cumsum3A_3455 = tpu.scan <sum>, %select_n3A_3452 masked %broadcast_in_dim3A_3454 : vector<16xi32>, vector<16xi1> -> vector<16xi32>
      %add3A_3456 = arith.addi %add3A_3444, %masked_cumsum3A_3455 : vector<16xi32>
      %sub3A_3457 = arith.subi %add3A_3456, %select_n3A_3452 : vector<16xi32>
      %lt3A_3458 = arith.constant 1024 : i32
      %lt3A_3459 = vector.broadcast %lt3A_3458 : i32 to vector<16xi32>
      %lt3A_3460 = arith.cmpi slt, %sub3A_3457, %lt3A_3459 : vector<16xi32>
      %and3A_3461 = arith.andi %ge3A_3447, %lt3A_3460 : vector<16xi1>
      tpu.vector_store_idx %arg16[%sub3A_3457], %get3A_3446 masked %and3A_3461 : memref<1024xf32, #tpu.memory_space<vmem>>[vector<16xi32>], vector<16xf32>, vector<16xi1>
      %iota3A_3462 = tpu.iota {dimensions = array<i32: 0>} : vector<16xi32>
      %add3A_3463 = arith.constant 176 : i32
      %add3A_3464 = vector.broadcast %add3A_3463 : i32 to vector<16xi32>
      %add3A_3465 = arith.addi %add3A_3464, %iota3A_3462 : vector<16xi32>
      tpu.vector_store_idx %arg15[%sub3A_3457], %add3A_3465 masked %and3A_3461 : memref<1024xi32, #tpu.memory_space<vmem>>[vector<16xi32>], vector<16xi32>, vector<16xi1>
      %all_reduce_population_count3A_3466 = tpu.all_reduce %ge3A_3447 {dim = 0 : i64, kind = #tpu.reduction_kind<sum>} : vector<16xi1> -> vector<16xi32>
      %add3A_3467 = arith.addi %add3A_3444, %all_reduce_population_count3A_3466 : vector<16xi32>
      %get3A_3468 = arith.constant 192 : index
      %get3A_3469 = tpu.vector_load %arg10[%get3A_3468] {strides = array<i32>} : memref<256xf32, #tpu.memory_space<vmem>>, vector<16xf32>,
      %ge3A_3470 = arith.cmpf oge, %get3A_3469, %get3A_203 : vector<16xf32>
      %jit3A_3471 = arith.constant 1 : i32
      %jit3A_3472 = arith.constant 0 : i32
      %broadcast_in_dim3A_3473 = vector.broadcast %jit3A_3471 : i32 to vector<16xi32>
      %broadcast_in_dim3A_3474 = vector.broadcast %jit3A_3472 : i32 to vector<16xi32>
      %select_n3A_3475 = arith.select %ge3A_3470, %broadcast_in_dim3A_3473, %broadcast_in_dim3A_3474 : vector<16xi1>, vector<16xi32>
      %broadcast_in_dim3A_3476 = arith.constant true
      %broadcast_in_dim3A_3477 = vector.broadcast %broadcast_in_dim3A_3476 : i1 to vector<16xi1>
      %masked_cumsum3A_3478 = tpu.scan <sum>, %select_n3A_3475 masked %broadcast_in_dim3A_3477 : vector<16xi32>, vector<16xi1> -> vector<16xi32>
      %add3A_3479 = arith.addi %add3A_3467, %masked_cumsum3A_3478 : vector<16xi32>
      %sub3A_3480 = arith.subi %add3A_3479, %select_n3A_3475 : vector<16xi32>
      %lt3A_3481 = arith.constant 1024 : i32
      %lt3A_3482 = vector.broadcast %lt3A_3481 : i32 to vector<16xi32>
      %lt3A_3483 = arith.cmpi slt, %sub3A_3480, %lt3A_3482 : vector<16xi32>
      %and3A_3484 = arith.andi %ge3A_3470, %lt3A_3483 : vector<16xi1>
      tpu.vector_store_idx %arg16[%sub3A_3480], %get3A_3469 masked %and3A_3484 : memref<1024xf32, #tpu.memory_space<vmem>>[vector<16xi32>], vector<16xf32>, vector<16xi1>
      %iota3A_3485 = tpu.iota {dimensions = array<i32: 0>} : vector<16xi32>
      %add3A_3486 = arith.constant 192 : i32
      %add3A_3487 = vector.broadcast %add3A_3486 : i32 to vector<16xi32>
      %add3A_3488 = arith.addi %add3A_3487, %iota3A_3485 : vector<16xi32>
      tpu.vector_store_idx %arg15[%sub3A_3480], %add3A_3488 masked %and3A_3484 : memref<1024xi32, #tpu.memory_space<vmem>>[vector<16xi32>], vector<16xi32>, vector<16xi1>
      %all_reduce_population_count3A_3489 = tpu.all_reduce %ge3A_3470 {dim = 0 : i64, kind = #tpu.reduction_kind<sum>} : vector<16xi1> -> vector<16xi32>
      %add3A_3490 = arith.addi %add3A_3467, %all_reduce_population_count3A_3489 : vector<16xi32>
      %get3A_3491 = arith.constant 208 : index
      %get3A_3492 = tpu.vector_load %arg10[%get3A_3491] {strides = array<i32>} : memref<256xf32, #tpu.memory_space<vmem>>, vector<16xf32>,
      %ge3A_3493 = arith.cmpf oge, %get3A_3492, %get3A_203 : vector<16xf32>
      %jit3A_3494 = arith.constant 1 : i32
      %jit3A_3495 = arith.constant 0 : i32
      %broadcast_in_dim3A_3496 = vector.broadcast %jit3A_3494 : i32 to vector<16xi32>
      %broadcast_in_dim3A_3497 = vector.broadcast %jit3A_3495 : i32 to vector<16xi32>
      %select_n3A_3498 = arith.select %ge3A_3493, %broadcast_in_dim3A_3496, %broadcast_in_dim3A_3497 : vector<16xi1>, vector<16xi32>
      %broadcast_in_dim3A_3499 = arith.constant true
      %broadcast_in_dim3A_3500 = vector.broadcast %broadcast_in_dim3A_3499 : i1 to vector<16xi1>
      %masked_cumsum3A_3501 = tpu.scan <sum>, %select_n3A_3498 masked %broadcast_in_dim3A_3500 : vector<16xi32>, vector<16xi1> -> vector<16xi32>
      %add3A_3502 = arith.addi %add3A_3490, %masked_cumsum3A_3501 : vector<16xi32>
      %sub3A_3503 = arith.subi %add3A_3502, %select_n3A_3498 : vector<16xi32>
      %lt3A_3504 = arith.constant 1024 : i32
      %lt3A_3505 = vector.broadcast %lt3A_3504 : i32 to vector<16xi32>
      %lt3A_3506 = arith.cmpi slt, %sub3A_3503, %lt3A_3505 : vector<16xi32>
      %and3A_3507 = arith.andi %ge3A_3493, %lt3A_3506 : vector<16xi1>
      tpu.vector_store_idx %arg16[%sub3A_3503], %get3A_3492 masked %and3A_3507 : memref<1024xf32, #tpu.memory_space<vmem>>[vector<16xi32>], vector<16xf32>, vector<16xi1>
      %iota3A_3508 = tpu.iota {dimensions = array<i32: 0>} : vector<16xi32>
      %add3A_3509 = arith.constant 208 : i32
      %add3A_3510 = vector.broadcast %add3A_3509 : i32 to vector<16xi32>
      %add3A_3511 = arith.addi %add3A_3510, %iota3A_3508 : vector<16xi32>
      tpu.vector_store_idx %arg15[%sub3A_3503], %add3A_3511 masked %and3A_3507 : memref<1024xi32, #tpu.memory_space<vmem>>[vector<16xi32>], vector<16xi32>, vector<16xi1>
      %all_reduce_population_count3A_3512 = tpu.all_reduce %ge3A_3493 {dim = 0 : i64, kind = #tpu.reduction_kind<sum>} : vector<16xi1> -> vector<16xi32>
      %add3A_3513 = arith.addi %add3A_3490, %all_reduce_population_count3A_3512 : vector<16xi32>
      %get3A_3514 = arith.constant 224 : index
      %get3A_3515 = tpu.vector_load %arg10[%get3A_3514] {strides = array<i32>} : memref<256xf32, #tpu.memory_space<vmem>>, vector<16xf32>,
      %ge3A_3516 = arith.cmpf oge, %get3A_3515, %get3A_203 : vector<16xf32>
      %jit3A_3517 = arith.constant 1 : i32
      %jit3A_3518 = arith.constant 0 : i32
      %broadcast_in_dim3A_3519 = vector.broadcast %jit3A_3517 : i32 to vector<16xi32>
      %broadcast_in_dim3A_3520 = vector.broadcast %jit3A_3518 : i32 to vector<16xi32>
      %select_n3A_3521 = arith.select %ge3A_3516, %broadcast_in_dim3A_3519, %broadcast_in_dim3A_3520 : vector<16xi1>, vector<16xi32>
      %broadcast_in_dim3A_3522 = arith.constant true
      %broadcast_in_dim3A_3523 = vector.broadcast %broadcast_in_dim3A_3522 : i1 to vector<16xi1>
      %masked_cumsum3A_3524 = tpu.scan <sum>, %select_n3A_3521 masked %broadcast_in_dim3A_3523 : vector<16xi32>, vector<16xi1> -> vector<16xi32>
      %add3A_3525 = arith.addi %add3A_3513, %masked_cumsum3A_3524 : vector<16xi32>
      %sub3A_3526 = arith.subi %add3A_3525, %select_n3A_3521 : vector<16xi32>
      %lt3A_3527 = arith.constant 1024 : i32
      %lt3A_3528 = vector.broadcast %lt3A_3527 : i32 to vector<16xi32>
      %lt3A_3529 = arith.cmpi slt, %sub3A_3526, %lt3A_3528 : vector<16xi32>
      %and3A_3530 = arith.andi %ge3A_3516, %lt3A_3529 : vector<16xi1>
      tpu.vector_store_idx %arg16[%sub3A_3526], %get3A_3515 masked %and3A_3530 : memref<1024xf32, #tpu.memory_space<vmem>>[vector<16xi32>], vector<16xf32>, vector<16xi1>
      %iota3A_3531 = tpu.iota {dimensions = array<i32: 0>} : vector<16xi32>
      %add3A_3532 = arith.constant 224 : i32
      %add3A_3533 = vector.broadcast %add3A_3532 : i32 to vector<16xi32>
      %add3A_3534 = arith.addi %add3A_3533, %iota3A_3531 : vector<16xi32>
      tpu.vector_store_idx %arg15[%sub3A_3526], %add3A_3534 masked %and3A_3530 : memref<1024xi32, #tpu.memory_space<vmem>>[vector<16xi32>], vector<16xi32>, vector<16xi1>
      %all_reduce_population_count3A_3535 = tpu.all_reduce %ge3A_3516 {dim = 0 : i64, kind = #tpu.reduction_kind<sum>} : vector<16xi1> -> vector<16xi32>
      %add3A_3536 = arith.addi %add3A_3513, %all_reduce_population_count3A_3535 : vector<16xi32>
      %get3A_3537 = arith.constant 240 : index
      %get3A_3538 = tpu.vector_load %arg10[%get3A_3537] {strides = array<i32>} : memref<256xf32, #tpu.memory_space<vmem>>, vector<16xf32>,
      %ge3A_3539 = arith.cmpf oge, %get3A_3538, %get3A_203 : vector<16xf32>
      %jit3A_3540 = arith.constant 1 : i32
      %jit3A_3541 = arith.constant 0 : i32
      %broadcast_in_dim3A_3542 = vector.broadcast %jit3A_3540 : i32 to vector<16xi32>
      %broadcast_in_dim3A_3543 = vector.broadcast %jit3A_3541 : i32 to vector<16xi32>
      %select_n3A_3544 = arith.select %ge3A_3539, %broadcast_in_dim3A_3542, %broadcast_in_dim3A_3543 : vector<16xi1>, vector<16xi32>
      %broadcast_in_dim3A_3545 = arith.constant true
      %broadcast_in_dim3A_3546 = vector.broadcast %broadcast_in_dim3A_3545 : i1 to vector<16xi1>
      %masked_cumsum3A_3547 = tpu.scan <sum>, %select_n3A_3544 masked %broadcast_in_dim3A_3546 : vector<16xi32>, vector<16xi1> -> vector<16xi32>
      %add3A_3548 = arith.addi %add3A_3536, %masked_cumsum3A_3547 : vector<16xi32>
      %sub3A_3549 = arith.subi %add3A_3548, %select_n3A_3544 : vector<16xi32>
      %lt3A_3550 = arith.constant 1024 : i32
      %lt3A_3551 = vector.broadcast %lt3A_3550 : i32 to vector<16xi32>
      %lt3A_3552 = arith.cmpi slt, %sub3A_3549, %lt3A_3551 : vector<16xi32>
      %and3A_3553 = arith.andi %ge3A_3539, %lt3A_3552 : vector<16xi1>
      tpu.vector_store_idx %arg16[%sub3A_3549], %get3A_3538 masked %and3A_3553 : memref<1024xf32, #tpu.memory_space<vmem>>[vector<16xi32>], vector<16xf32>, vector<16xi1>
      %iota3A_3554 = tpu.iota {dimensions = array<i32: 0>} : vector<16xi32>
      %add3A_3555 = arith.constant 240 : i32
      %add3A_3556 = vector.broadcast %add3A_3555 : i32 to vector<16xi32>
      %add3A_3557 = arith.addi %add3A_3556, %iota3A_3554 : vector<16xi32>
      tpu.vector_store_idx %arg15[%sub3A_3549], %add3A_3557 masked %and3A_3553 : memref<1024xi32, #tpu.memory_space<vmem>>[vector<16xi32>], vector<16xi32>, vector<16xi1>
      %all_reduce_population_count3A_3558 = tpu.all_reduce %ge3A_3539 {dim = 0 : i64, kind = #tpu.reduction_kind<sum>} : vector<16xi1> -> vector<16xi32>
      %add3A_3559 = arith.addi %add3A_3536, %all_reduce_population_count3A_3558 : vector<16xi32>
      %while3A_3560 = arith.constant 0 : i32
      %while3A_3561 = arith.subi %min3A_2889, %while3A_3560 : i32
      %while3A_3562 = arith.addi %while3A_3560, %while3A_3561 : i32
      %while3A_3563 = arith.constant 1 : i32
      %while3A_3564 = arith.divsi %while3A_3561, %while3A_3563 : i32
      %while3A_3565 = arith.muli %while3A_3564, %while3A_3563 : i32
      %while3A_3566 = arith.addi %while3A_3560, %while3A_3565 : i32
      %while3A_3567 = arith.constant 1 : i32
      %while3A_3568 = scf.for %while3A_3581 = %while3A_3560 to %while3A_3566 step %while3A_3567 iter_args(%while3A_3582 = %add3A_3559) -> (vector<16xi32>)  : i32 {
        %broadcast_in_dim3A_3583 = vector.broadcast %while3A_3581 : i32 to vector<16xi32>
        %gather3A = tpu.vector_load_idx %arg13[%broadcast_in_dim3A_3583] : memref<512xi32, #tpu.memory_space<vmem>>[vector<16xi32>], vector<16xi32>,
        %get3A_3584 = arith.constant 0 : i32
        %get3A_3585 = tpu.memref_slice %arg14[%while3A_3581, %get3A_3584] : memref<512x128xf32, #tpu.memory_space<vmem>> -> memref<1x128xf32, #tpu.memory_space<vmem>>
        %get3A_3586 = tpu.memref_squeeze %get3A_3585 : memref<1x128xf32, #tpu.memory_space<vmem>> -> memref<128xf32, #tpu.memory_space<vmem>>
        %get3A_3587 = arith.constant 0 : index
        %get3A_3588 = tpu.vector_load %get3A_3586[%get3A_3587] {strides = array<i32>} : memref<128xf32, #tpu.memory_space<vmem>>, vector<16xf32>,
        %ge3A_3589 = arith.cmpf oge, %get3A_3588, %get3A_203 : vector<16xf32>
        %jit3A_3590 = arith.constant 1 : i32
        %jit3A_3591 = arith.constant 0 : i32
        %broadcast_in_dim3A_3592 = vector.broadcast %jit3A_3590 : i32 to vector<16xi32>
        %broadcast_in_dim3A_3593 = vector.broadcast %jit3A_3591 : i32 to vector<16xi32>
        %select_n3A_3594 = arith.select %ge3A_3589, %broadcast_in_dim3A_3592, %broadcast_in_dim3A_3593 : vector<16xi1>, vector<16xi32>
        %broadcast_in_dim3A_3595 = arith.constant true
        %broadcast_in_dim3A_3596 = vector.broadcast %broadcast_in_dim3A_3595 : i1 to vector<16xi1>
        %masked_cumsum3A_3597 = tpu.scan <sum>, %select_n3A_3594 masked %broadcast_in_dim3A_3596 : vector<16xi32>, vector<16xi1> -> vector<16xi32>
        %add3A_3598 = arith.addi %while3A_3582, %masked_cumsum3A_3597 : vector<16xi32>
        %sub3A_3599 = arith.subi %add3A_3598, %select_n3A_3594 : vector<16xi32>
        %lt3A_3600 = arith.constant 1024 : i32
        %lt3A_3601 = vector.broadcast %lt3A_3600 : i32 to vector<16xi32>
        %lt3A_3602 = arith.cmpi slt, %sub3A_3599, %lt3A_3601 : vector<16xi32>
        %and3A_3603 = arith.andi %ge3A_3589, %lt3A_3602 : vector<16xi1>
        tpu.vector_store_idx %arg16[%sub3A_3599], %get3A_3588 masked %and3A_3603 : memref<1024xf32, #tpu.memory_space<vmem>>[vector<16xi32>], vector<16xf32>, vector<16xi1>
        %add3A_3604 = arith.constant 0 : i32
        %add3A_3605 = vector.broadcast %add3A_3604 : i32 to vector<16xi32>
        %add3A_3606 = arith.addi %gather3A, %add3A_3605 : vector<16xi32>
        %iota3A_3607 = tpu.iota {dimensions = array<i32: 0>} : vector<16xi32>
        %add3A_3608 = arith.addi %add3A_3606, %iota3A_3607 : vector<16xi32>
        tpu.vector_store_idx %arg15[%sub3A_3599], %add3A_3608 masked %and3A_3603 : memref<1024xi32, #tpu.memory_space<vmem>>[vector<16xi32>], vector<16xi32>, vector<16xi1>
        %all_reduce_population_count3A_3609 = tpu.all_reduce %ge3A_3589 {dim = 0 : i64, kind = #tpu.reduction_kind<sum>} : vector<16xi1> -> vector<16xi32>
        %add3A_3610 = arith.addi %while3A_3582, %all_reduce_population_count3A_3609 : vector<16xi32>
        %get3A_3611 = arith.constant 0 : i32
        %get3A_3612 = tpu.memref_slice %arg14[%while3A_3581, %get3A_3611] : memref<512x128xf32, #tpu.memory_space<vmem>> -> memref<1x128xf32, #tpu.memory_space<vmem>>
        %get3A_3613 = tpu.memref_squeeze %get3A_3612 : memref<1x128xf32, #tpu.memory_space<vmem>> -> memref<128xf32, #tpu.memory_space<vmem>>
        %get3A_3614 = arith.constant 16 : index
        %get3A_3615 = tpu.vector_load %get3A_3613[%get3A_3614] {strides = array<i32>} : memref<128xf32, #tpu.memory_space<vmem>>, vector<16xf32>,
        %ge3A_3616 = arith.cmpf oge, %get3A_3615, %get3A_203 : vector<16xf32>
        %jit3A_3617 = arith.constant 1 : i32
        %jit3A_3618 = arith.constant 0 : i32
        %broadcast_in_dim3A_3619 = vector.broadcast %jit3A_3617 : i32 to vector<16xi32>
        %broadcast_in_dim3A_3620 = vector.broadcast %jit3A_3618 : i32 to vector<16xi32>
        %select_n3A_3621 = arith.select %ge3A_3616, %broadcast_in_dim3A_3619, %broadcast_in_dim3A_3620 : vector<16xi1>, vector<16xi32>
        %broadcast_in_dim3A_3622 = arith.constant true
        %broadcast_in_dim3A_3623 = vector.broadcast %broadcast_in_dim3A_3622 : i1 to vector<16xi1>
        %masked_cumsum3A_3624 = tpu.scan <sum>, %select_n3A_3621 masked %broadcast_in_dim3A_3623 : vector<16xi32>, vector<16xi1> -> vector<16xi32>
        %add3A_3625 = arith.addi %add3A_3610, %masked_cumsum3A_3624 : vector<16xi32>
        %sub3A_3626 = arith.subi %add3A_3625, %select_n3A_3621 : vector<16xi32>
        %lt3A_3627 = arith.constant 1024 : i32
        %lt3A_3628 = vector.broadcast %lt3A_3627 : i32 to vector<16xi32>
        %lt3A_3629 = arith.cmpi slt, %sub3A_3626, %lt3A_3628 : vector<16xi32>
        %and3A_3630 = arith.andi %ge3A_3616, %lt3A_3629 : vector<16xi1>
        tpu.vector_store_idx %arg16[%sub3A_3626], %get3A_3615 masked %and3A_3630 : memref<1024xf32, #tpu.memory_space<vmem>>[vector<16xi32>], vector<16xf32>, vector<16xi1>
        %add3A_3631 = arith.constant 16 : i32
        %add3A_3632 = vector.broadcast %add3A_3631 : i32 to vector<16xi32>
        %add3A_3633 = arith.addi %gather3A, %add3A_3632 : vector<16xi32>
        %iota3A_3634 = tpu.iota {dimensions = array<i32: 0>} : vector<16xi32>
        %add3A_3635 = arith.addi %add3A_3633, %iota3A_3634 : vector<16xi32>
        tpu.vector_store_idx %arg15[%sub3A_3626], %add3A_3635 masked %and3A_3630 : memref<1024xi32, #tpu.memory_space<vmem>>[vector<16xi32>], vector<16xi32>, vector<16xi1>
        %all_reduce_population_count3A_3636 = tpu.all_reduce %ge3A_3616 {dim = 0 : i64, kind = #tpu.reduction_kind<sum>} : vector<16xi1> -> vector<16xi32>
        %add3A_3637 = arith.addi %add3A_3610, %all_reduce_population_count3A_3636 : vector<16xi32>
        %get3A_3638 = arith.constant 0 : i32
        %get3A_3639 = tpu.memref_slice %arg14[%while3A_3581, %get3A_3638] : memref<512x128xf32, #tpu.memory_space<vmem>> -> memref<1x128xf32, #tpu.memory_space<vmem>>
        %get3A_3640 = tpu.memref_squeeze %get3A_3639 : memref<1x128xf32, #tpu.memory_space<vmem>> -> memref<128xf32, #tpu.memory_space<vmem>>
        %get3A_3641 = arith.constant 32 : index
        %get3A_3642 = tpu.vector_load %get3A_3640[%get3A_3641] {strides = array<i32>} : memref<128xf32, #tpu.memory_space<vmem>>, vector<16xf32>,
        %ge3A_3643 = arith.cmpf oge, %get3A_3642, %get3A_203 : vector<16xf32>
        %jit3A_3644 = arith.constant 1 : i32
        %jit3A_3645 = arith.constant 0 : i32
        %broadcast_in_dim3A_3646 = vector.broadcast %jit3A_3644 : i32 to vector<16xi32>
        %broadcast_in_dim3A_3647 = vector.broadcast %jit3A_3645 : i32 to vector<16xi32>
        %select_n3A_3648 = arith.select %ge3A_3643, %broadcast_in_dim3A_3646, %broadcast_in_dim3A_3647 : vector<16xi1>, vector<16xi32>
        %broadcast_in_dim3A_3649 = arith.constant true
        %broadcast_in_dim3A_3650 = vector.broadcast %broadcast_in_dim3A_3649 : i1 to vector<16xi1>
        %masked_cumsum3A_3651 = tpu.scan <sum>, %select_n3A_3648 masked %broadcast_in_dim3A_3650 : vector<16xi32>, vector<16xi1> -> vector<16xi32>
        %add3A_3652 = arith.addi %add3A_3637, %masked_cumsum3A_3651 : vector<16xi32>
        %sub3A_3653 = arith.subi %add3A_3652, %select_n3A_3648 : vector<16xi32>
        %lt3A_3654 = arith.constant 1024 : i32
        %lt3A_3655 = vector.broadcast %lt3A_3654 : i32 to vector<16xi32>
        %lt3A_3656 = arith.cmpi slt, %sub3A_3653, %lt3A_3655 : vector<16xi32>
        %and3A_3657 = arith.andi %ge3A_3643, %lt3A_3656 : vector<16xi1>
        tpu.vector_store_idx %arg16[%sub3A_3653], %get3A_3642 masked %and3A_3657 : memref<1024xf32, #tpu.memory_space<vmem>>[vector<16xi32>], vector<16xf32>, vector<16xi1>
        %add3A_3658 = arith.constant 32 : i32
        %add3A_3659 = vector.broadcast %add3A_3658 : i32 to vector<16xi32>
        %add3A_3660 = arith.addi %gather3A, %add3A_3659 : vector<16xi32>
        %iota3A_3661 = tpu.iota {dimensions = array<i32: 0>} : vector<16xi32>
        %add3A_3662 = arith.addi %add3A_3660, %iota3A_3661 : vector<16xi32>
        tpu.vector_store_idx %arg15[%sub3A_3653], %add3A_3662 masked %and3A_3657 : memref<1024xi32, #tpu.memory_space<vmem>>[vector<16xi32>], vector<16xi32>, vector<16xi1>
        %all_reduce_population_count3A_3663 = tpu.all_reduce %ge3A_3643 {dim = 0 : i64, kind = #tpu.reduction_kind<sum>} : vector<16xi1> -> vector<16xi32>
        %add3A_3664 = arith.addi %add3A_3637, %all_reduce_population_count3A_3663 : vector<16xi32>
        %get3A_3665 = arith.constant 0 : i32
        %get3A_3666 = tpu.memref_slice %arg14[%while3A_3581, %get3A_3665] : memref<512x128xf32, #tpu.memory_space<vmem>> -> memref<1x128xf32, #tpu.memory_space<vmem>>
        %get3A_3667 = tpu.memref_squeeze %get3A_3666 : memref<1x128xf32, #tpu.memory_space<vmem>> -> memref<128xf32, #tpu.memory_space<vmem>>
        %get3A_3668 = arith.constant 48 : index
        %get3A_3669 = tpu.vector_load %get3A_3667[%get3A_3668] {strides = array<i32>} : memref<128xf32, #tpu.memory_space<vmem>>, vector<16xf32>,
        %ge3A_3670 = arith.cmpf oge, %get3A_3669, %get3A_203 : vector<16xf32>
        %jit3A_3671 = arith.constant 1 : i32
        %jit3A_3672 = arith.constant 0 : i32
        %broadcast_in_dim3A_3673 = vector.broadcast %jit3A_3671 : i32 to vector<16xi32>
        %broadcast_in_dim3A_3674 = vector.broadcast %jit3A_3672 : i32 to vector<16xi32>
        %select_n3A_3675 = arith.select %ge3A_3670, %broadcast_in_dim3A_3673, %broadcast_in_dim3A_3674 : vector<16xi1>, vector<16xi32>
        %broadcast_in_dim3A_3676 = arith.constant true
        %broadcast_in_dim3A_3677 = vector.broadcast %broadcast_in_dim3A_3676 : i1 to vector<16xi1>
        %masked_cumsum3A_3678 = tpu.scan <sum>, %select_n3A_3675 masked %broadcast_in_dim3A_3677 : vector<16xi32>, vector<16xi1> -> vector<16xi32>
        %add3A_3679 = arith.addi %add3A_3664, %masked_cumsum3A_3678 : vector<16xi32>
        %sub3A_3680 = arith.subi %add3A_3679, %select_n3A_3675 : vector<16xi32>
        %lt3A_3681 = arith.constant 1024 : i32
        %lt3A_3682 = vector.broadcast %lt3A_3681 : i32 to vector<16xi32>
        %lt3A_3683 = arith.cmpi slt, %sub3A_3680, %lt3A_3682 : vector<16xi32>
        %and3A_3684 = arith.andi %ge3A_3670, %lt3A_3683 : vector<16xi1>
        tpu.vector_store_idx %arg16[%sub3A_3680], %get3A_3669 masked %and3A_3684 : memref<1024xf32, #tpu.memory_space<vmem>>[vector<16xi32>], vector<16xf32>, vector<16xi1>
        %add3A_3685 = arith.constant 48 : i32
        %add3A_3686 = vector.broadcast %add3A_3685 : i32 to vector<16xi32>
        %add3A_3687 = arith.addi %gather3A, %add3A_3686 : vector<16xi32>
        %iota3A_3688 = tpu.iota {dimensions = array<i32: 0>} : vector<16xi32>
        %add3A_3689 = arith.addi %add3A_3687, %iota3A_3688 : vector<16xi32>
        tpu.vector_store_idx %arg15[%sub3A_3680], %add3A_3689 masked %and3A_3684 : memref<1024xi32, #tpu.memory_space<vmem>>[vector<16xi32>], vector<16xi32>, vector<16xi1>
        %all_reduce_population_count3A_3690 = tpu.all_reduce %ge3A_3670 {dim = 0 : i64, kind = #tpu.reduction_kind<sum>} : vector<16xi1> -> vector<16xi32>
        %add3A_3691 = arith.addi %add3A_3664, %all_reduce_population_count3A_3690 : vector<16xi32>
        %get3A_3692 = arith.constant 0 : i32
        %get3A_3693 = tpu.memref_slice %arg14[%while3A_3581, %get3A_3692] : memref<512x128xf32, #tpu.memory_space<vmem>> -> memref<1x128xf32, #tpu.memory_space<vmem>>
        %get3A_3694 = tpu.memref_squeeze %get3A_3693 : memref<1x128xf32, #tpu.memory_space<vmem>> -> memref<128xf32, #tpu.memory_space<vmem>>
        %get3A_3695 = arith.constant 64 : index
        %get3A_3696 = tpu.vector_load %get3A_3694[%get3A_3695] {strides = array<i32>} : memref<128xf32, #tpu.memory_space<vmem>>, vector<16xf32>,
        %ge3A_3697 = arith.cmpf oge, %get3A_3696, %get3A_203 : vector<16xf32>
        %jit3A_3698 = arith.constant 1 : i32
        %jit3A_3699 = arith.constant 0 : i32
        %broadcast_in_dim3A_3700 = vector.broadcast %jit3A_3698 : i32 to vector<16xi32>
        %broadcast_in_dim3A_3701 = vector.broadcast %jit3A_3699 : i32 to vector<16xi32>
        %select_n3A_3702 = arith.select %ge3A_3697, %broadcast_in_dim3A_3700, %broadcast_in_dim3A_3701 : vector<16xi1>, vector<16xi32>
        %broadcast_in_dim3A_3703 = arith.constant true
        %broadcast_in_dim3A_3704 = vector.broadcast %broadcast_in_dim3A_3703 : i1 to vector<16xi1>
        %masked_cumsum3A_3705 = tpu.scan <sum>, %select_n3A_3702 masked %broadcast_in_dim3A_3704 : vector<16xi32>, vector<16xi1> -> vector<16xi32>
        %add3A_3706 = arith.addi %add3A_3691, %masked_cumsum3A_3705 : vector<16xi32>
        %sub3A_3707 = arith.subi %add3A_3706, %select_n3A_3702 : vector<16xi32>
        %lt3A_3708 = arith.constant 1024 : i32
        %lt3A_3709 = vector.broadcast %lt3A_3708 : i32 to vector<16xi32>
        %lt3A_3710 = arith.cmpi slt, %sub3A_3707, %lt3A_3709 : vector<16xi32>
        %and3A_3711 = arith.andi %ge3A_3697, %lt3A_3710 : vector<16xi1>
        tpu.vector_store_idx %arg16[%sub3A_3707], %get3A_3696 masked %and3A_3711 : memref<1024xf32, #tpu.memory_space<vmem>>[vector<16xi32>], vector<16xf32>, vector<16xi1>
        %add3A_3712 = arith.constant 64 : i32
        %add3A_3713 = vector.broadcast %add3A_3712 : i32 to vector<16xi32>
        %add3A_3714 = arith.addi %gather3A, %add3A_3713 : vector<16xi32>
        %iota3A_3715 = tpu.iota {dimensions = array<i32: 0>} : vector<16xi32>
        %add3A_3716 = arith.addi %add3A_3714, %iota3A_3715 : vector<16xi32>
        tpu.vector_store_idx %arg15[%sub3A_3707], %add3A_3716 masked %and3A_3711 : memref<1024xi32, #tpu.memory_space<vmem>>[vector<16xi32>], vector<16xi32>, vector<16xi1>
        %all_reduce_population_count3A_3717 = tpu.all_reduce %ge3A_3697 {dim = 0 : i64, kind = #tpu.reduction_kind<sum>} : vector<16xi1> -> vector<16xi32>
        %add3A_3718 = arith.addi %add3A_3691, %all_reduce_population_count3A_3717 : vector<16xi32>
        %get3A_3719 = arith.constant 0 : i32
        %get3A_3720 = tpu.memref_slice %arg14[%while3A_3581, %get3A_3719] : memref<512x128xf32, #tpu.memory_space<vmem>> -> memref<1x128xf32, #tpu.memory_space<vmem>>
        %get3A_3721 = tpu.memref_squeeze %get3A_3720 : memref<1x128xf32, #tpu.memory_space<vmem>> -> memref<128xf32, #tpu.memory_space<vmem>>
        %get3A_3722 = arith.constant 80 : index
        %get3A_3723 = tpu.vector_load %get3A_3721[%get3A_3722] {strides = array<i32>} : memref<128xf32, #tpu.memory_space<vmem>>, vector<16xf32>,
        %ge3A_3724 = arith.cmpf oge, %get3A_3723, %get3A_203 : vector<16xf32>
        %jit3A_3725 = arith.constant 1 : i32
        %jit3A_3726 = arith.constant 0 : i32
        %broadcast_in_dim3A_3727 = vector.broadcast %jit3A_3725 : i32 to vector<16xi32>
        %broadcast_in_dim3A_3728 = vector.broadcast %jit3A_3726 : i32 to vector<16xi32>
        %select_n3A_3729 = arith.select %ge3A_3724, %broadcast_in_dim3A_3727, %broadcast_in_dim3A_3728 : vector<16xi1>, vector<16xi32>
        %broadcast_in_dim3A_3730 = arith.constant true
        %broadcast_in_dim3A_3731 = vector.broadcast %broadcast_in_dim3A_3730 : i1 to vector<16xi1>
        %masked_cumsum3A_3732 = tpu.scan <sum>, %select_n3A_3729 masked %broadcast_in_dim3A_3731 : vector<16xi32>, vector<16xi1> -> vector<16xi32>
        %add3A_3733 = arith.addi %add3A_3718, %masked_cumsum3A_3732 : vector<16xi32>
        %sub3A_3734 = arith.subi %add3A_3733, %select_n3A_3729 : vector<16xi32>
        %lt3A_3735 = arith.constant 1024 : i32
        %lt3A_3736 = vector.broadcast %lt3A_3735 : i32 to vector<16xi32>
        %lt3A_3737 = arith.cmpi slt, %sub3A_3734, %lt3A_3736 : vector<16xi32>
        %and3A_3738 = arith.andi %ge3A_3724, %lt3A_3737 : vector<16xi1>
        tpu.vector_store_idx %arg16[%sub3A_3734], %get3A_3723 masked %and3A_3738 : memref<1024xf32, #tpu.memory_space<vmem>>[vector<16xi32>], vector<16xf32>, vector<16xi1>
        %add3A_3739 = arith.constant 80 : i32
        %add3A_3740 = vector.broadcast %add3A_3739 : i32 to vector<16xi32>
        %add3A_3741 = arith.addi %gather3A, %add3A_3740 : vector<16xi32>
        %iota3A_3742 = tpu.iota {dimensions = array<i32: 0>} : vector<16xi32>
        %add3A_3743 = arith.addi %add3A_3741, %iota3A_3742 : vector<16xi32>
        tpu.vector_store_idx %arg15[%sub3A_3734], %add3A_3743 masked %and3A_3738 : memref<1024xi32, #tpu.memory_space<vmem>>[vector<16xi32>], vector<16xi32>, vector<16xi1>
        %all_reduce_population_count3A_3744 = tpu.all_reduce %ge3A_3724 {dim = 0 : i64, kind = #tpu.reduction_kind<sum>} : vector<16xi1> -> vector<16xi32>
        %add3A_3745 = arith.addi %add3A_3718, %all_reduce_population_count3A_3744 : vector<16xi32>
        %get3A_3746 = arith.constant 0 : i32
        %get3A_3747 = tpu.memref_slice %arg14[%while3A_3581, %get3A_3746] : memref<512x128xf32, #tpu.memory_space<vmem>> -> memref<1x128xf32, #tpu.memory_space<vmem>>
        %get3A_3748 = tpu.memref_squeeze %get3A_3747 : memref<1x128xf32, #tpu.memory_space<vmem>> -> memref<128xf32, #tpu.memory_space<vmem>>
        %get3A_3749 = arith.constant 96 : index
        %get3A_3750 = tpu.vector_load %get3A_3748[%get3A_3749] {strides = array<i32>} : memref<128xf32, #tpu.memory_space<vmem>>, vector<16xf32>,
        %ge3A_3751 = arith.cmpf oge, %get3A_3750, %get3A_203 : vector<16xf32>
        %jit3A_3752 = arith.constant 1 : i32
        %jit3A_3753 = arith.constant 0 : i32
        %broadcast_in_dim3A_3754 = vector.broadcast %jit3A_3752 : i32 to vector<16xi32>
        %broadcast_in_dim3A_3755 = vector.broadcast %jit3A_3753 : i32 to vector<16xi32>
        %select_n3A_3756 = arith.select %ge3A_3751, %broadcast_in_dim3A_3754, %broadcast_in_dim3A_3755 : vector<16xi1>, vector<16xi32>
        %broadcast_in_dim3A_3757 = arith.constant true
        %broadcast_in_dim3A_3758 = vector.broadcast %broadcast_in_dim3A_3757 : i1 to vector<16xi1>
        %masked_cumsum3A_3759 = tpu.scan <sum>, %select_n3A_3756 masked %broadcast_in_dim3A_3758 : vector<16xi32>, vector<16xi1> -> vector<16xi32>
        %add3A_3760 = arith.addi %add3A_3745, %masked_cumsum3A_3759 : vector<16xi32>
        %sub3A_3761 = arith.subi %add3A_3760, %select_n3A_3756 : vector<16xi32>
        %lt3A_3762 = arith.constant 1024 : i32
        %lt3A_3763 = vector.broadcast %lt3A_3762 : i32 to vector<16xi32>
        %lt3A_3764 = arith.cmpi slt, %sub3A_3761, %lt3A_3763 : vector<16xi32>
        %and3A_3765 = arith.andi %ge3A_3751, %lt3A_3764 : vector<16xi1>
        tpu.vector_store_idx %arg16[%sub3A_3761], %get3A_3750 masked %and3A_3765 : memref<1024xf32, #tpu.memory_space<vmem>>[vector<16xi32>], vector<16xf32>, vector<16xi1>
        %add3A_3766 = arith.constant 96 : i32
        %add3A_3767 = vector.broadcast %add3A_3766 : i32 to vector<16xi32>
        %add3A_3768 = arith.addi %gather3A, %add3A_3767 : vector<16xi32>
        %iota3A_3769 = tpu.iota {dimensions = array<i32: 0>} : vector<16xi32>
        %add3A_3770 = arith.addi %add3A_3768, %iota3A_3769 : vector<16xi32>
        tpu.vector_store_idx %arg15[%sub3A_3761], %add3A_3770 masked %and3A_3765 : memref<1024xi32, #tpu.memory_space<vmem>>[vector<16xi32>], vector<16xi32>, vector<16xi1>
        %all_reduce_population_count3A_3771 = tpu.all_reduce %ge3A_3751 {dim = 0 : i64, kind = #tpu.reduction_kind<sum>} : vector<16xi1> -> vector<16xi32>
        %add3A_3772 = arith.addi %add3A_3745, %all_reduce_population_count3A_3771 : vector<16xi32>
        %get3A_3773 = arith.constant 0 : i32
        %get3A_3774 = tpu.memref_slice %arg14[%while3A_3581, %get3A_3773] : memref<512x128xf32, #tpu.memory_space<vmem>> -> memref<1x128xf32, #tpu.memory_space<vmem>>
        %get3A_3775 = tpu.memref_squeeze %get3A_3774 : memref<1x128xf32, #tpu.memory_space<vmem>> -> memref<128xf32, #tpu.memory_space<vmem>>
        %get3A_3776 = arith.constant 112 : index
        %get3A_3777 = tpu.vector_load %get3A_3775[%get3A_3776] {strides = array<i32>} : memref<128xf32, #tpu.memory_space<vmem>>, vector<16xf32>,
        %ge3A_3778 = arith.cmpf oge, %get3A_3777, %get3A_203 : vector<16xf32>
        %jit3A_3779 = arith.constant 1 : i32
        %jit3A_3780 = arith.constant 0 : i32
        %broadcast_in_dim3A_3781 = vector.broadcast %jit3A_3779 : i32 to vector<16xi32>
        %broadcast_in_dim3A_3782 = vector.broadcast %jit3A_3780 : i32 to vector<16xi32>
        %select_n3A_3783 = arith.select %ge3A_3778, %broadcast_in_dim3A_3781, %broadcast_in_dim3A_3782 : vector<16xi1>, vector<16xi32>
        %broadcast_in_dim3A_3784 = arith.constant true
        %broadcast_in_dim3A_3785 = vector.broadcast %broadcast_in_dim3A_3784 : i1 to vector<16xi1>
        %masked_cumsum3A_3786 = tpu.scan <sum>, %select_n3A_3783 masked %broadcast_in_dim3A_3785 : vector<16xi32>, vector<16xi1> -> vector<16xi32>
        %add3A_3787 = arith.addi %add3A_3772, %masked_cumsum3A_3786 : vector<16xi32>
        %sub3A_3788 = arith.subi %add3A_3787, %select_n3A_3783 : vector<16xi32>
        %lt3A_3789 = arith.constant 1024 : i32
        %lt3A_3790 = vector.broadcast %lt3A_3789 : i32 to vector<16xi32>
        %lt3A_3791 = arith.cmpi slt, %sub3A_3788, %lt3A_3790 : vector<16xi32>
        %and3A_3792 = arith.andi %ge3A_3778, %lt3A_3791 : vector<16xi1>
        tpu.vector_store_idx %arg16[%sub3A_3788], %get3A_3777 masked %and3A_3792 : memref<1024xf32, #tpu.memory_space<vmem>>[vector<16xi32>], vector<16xf32>, vector<16xi1>
        %add3A_3793 = arith.constant 112 : i32
        %add3A_3794 = vector.broadcast %add3A_3793 : i32 to vector<16xi32>
        %add3A_3795 = arith.addi %gather3A, %add3A_3794 : vector<16xi32>
        %iota3A_3796 = tpu.iota {dimensions = array<i32: 0>} : vector<16xi32>
        %add3A_3797 = arith.addi %add3A_3795, %iota3A_3796 : vector<16xi32>
        tpu.vector_store_idx %arg15[%sub3A_3788], %add3A_3797 masked %and3A_3792 : memref<1024xi32, #tpu.memory_space<vmem>>[vector<16xi32>], vector<16xi32>, vector<16xi1>
        %all_reduce_population_count3A_3798 = tpu.all_reduce %ge3A_3778 {dim = 0 : i64, kind = #tpu.reduction_kind<sum>} : vector<16xi1> -> vector<16xi32>
        %add3A_3799 = arith.addi %add3A_3772, %all_reduce_population_count3A_3798 : vector<16xi32>
        scf.yield %add3A_3799 : vector<16xi32>
      }
      %while3A_3569 = arith.constant 1 : i32
      %while3A_3570 = scf.for %while3A_3581 = %while3A_3566 to %while3A_3562 step %while3A_3569 iter_args(%while3A_3582 = %while3A_3568) -> (vector<16xi32>)  : i32 {
        %broadcast_in_dim3A_3583 = vector.broadcast %while3A_3581 : i32 to vector<16xi32>
        %gather3A = tpu.vector_load_idx %arg13[%broadcast_in_dim3A_3583] : memref<512xi32, #tpu.memory_space<vmem>>[vector<16xi32>], vector<16xi32>,
        %get3A_3584 = arith.constant 0 : i32
        %get3A_3585 = tpu.memref_slice %arg14[%while3A_3581, %get3A_3584] : memref<512x128xf32, #tpu.memory_space<vmem>> -> memref<1x128xf32, #tpu.memory_space<vmem>>
        %get3A_3586 = tpu.memref_squeeze %get3A_3585 : memref<1x128xf32, #tpu.memory_space<vmem>> -> memref<128xf32, #tpu.memory_space<vmem>>
        %get3A_3587 = arith.constant 0 : index
        %get3A_3588 = tpu.vector_load %get3A_3586[%get3A_3587] {strides = array<i32>} : memref<128xf32, #tpu.memory_space<vmem>>, vector<16xf32>,
        %ge3A_3589 = arith.cmpf oge, %get3A_3588, %get3A_203 : vector<16xf32>
        %jit3A_3590 = arith.constant 1 : i32
        %jit3A_3591 = arith.constant 0 : i32
        %broadcast_in_dim3A_3592 = vector.broadcast %jit3A_3590 : i32 to vector<16xi32>
        %broadcast_in_dim3A_3593 = vector.broadcast %jit3A_3591 : i32 to vector<16xi32>
        %select_n3A_3594 = arith.select %ge3A_3589, %broadcast_in_dim3A_3592, %broadcast_in_dim3A_3593 : vector<16xi1>, vector<16xi32>
        %broadcast_in_dim3A_3595 = arith.constant true
        %broadcast_in_dim3A_3596 = vector.broadcast %broadcast_in_dim3A_3595 : i1 to vector<16xi1>
        %masked_cumsum3A_3597 = tpu.scan <sum>, %select_n3A_3594 masked %broadcast_in_dim3A_3596 : vector<16xi32>, vector<16xi1> -> vector<16xi32>
        %add3A_3598 = arith.addi %while3A_3582, %masked_cumsum3A_3597 : vector<16xi32>
        %sub3A_3599 = arith.subi %add3A_3598, %select_n3A_3594 : vector<16xi32>
        %lt3A_3600 = arith.constant 1024 : i32
        %lt3A_3601 = vector.broadcast %lt3A_3600 : i32 to vector<16xi32>
        %lt3A_3602 = arith.cmpi slt, %sub3A_3599, %lt3A_3601 : vector<16xi32>
        %and3A_3603 = arith.andi %ge3A_3589, %lt3A_3602 : vector<16xi1>
        tpu.vector_store_idx %arg16[%sub3A_3599], %get3A_3588 masked %and3A_3603 : memref<1024xf32, #tpu.memory_space<vmem>>[vector<16xi32>], vector<16xf32>, vector<16xi1>
        %add3A_3604 = arith.constant 0 : i32
        %add3A_3605 = vector.broadcast %add3A_3604 : i32 to vector<16xi32>
        %add3A_3606 = arith.addi %gather3A, %add3A_3605 : vector<16xi32>
        %iota3A_3607 = tpu.iota {dimensions = array<i32: 0>} : vector<16xi32>
        %add3A_3608 = arith.addi %add3A_3606, %iota3A_3607 : vector<16xi32>
        tpu.vector_store_idx %arg15[%sub3A_3599], %add3A_3608 masked %and3A_3603 : memref<1024xi32, #tpu.memory_space<vmem>>[vector<16xi32>], vector<16xi32>, vector<16xi1>
        %all_reduce_population_count3A_3609 = tpu.all_reduce %ge3A_3589 {dim = 0 : i64, kind = #tpu.reduction_kind<sum>} : vector<16xi1> -> vector<16xi32>
        %add3A_3610 = arith.addi %while3A_3582, %all_reduce_population_count3A_3609 : vector<16xi32>
        %get3A_3611 = arith.constant 0 : i32
        %get3A_3612 = tpu.memref_slice %arg14[%while3A_3581, %get3A_3611] : memref<512x128xf32, #tpu.memory_space<vmem>> -> memref<1x128xf32, #tpu.memory_space<vmem>>
        %get3A_3613 = tpu.memref_squeeze %get3A_3612 : memref<1x128xf32, #tpu.memory_space<vmem>> -> memref<128xf32, #tpu.memory_space<vmem>>
        %get3A_3614 = arith.constant 16 : index
        %get3A_3615 = tpu.vector_load %get3A_3613[%get3A_3614] {strides = array<i32>} : memref<128xf32, #tpu.memory_space<vmem>>, vector<16xf32>,
        %ge3A_3616 = arith.cmpf oge, %get3A_3615, %get3A_203 : vector<16xf32>
        %jit3A_3617 = arith.constant 1 : i32
        %jit3A_3618 = arith.constant 0 : i32
        %broadcast_in_dim3A_3619 = vector.broadcast %jit3A_3617 : i32 to vector<16xi32>
        %broadcast_in_dim3A_3620 = vector.broadcast %jit3A_3618 : i32 to vector<16xi32>
        %select_n3A_3621 = arith.select %ge3A_3616, %broadcast_in_dim3A_3619, %broadcast_in_dim3A_3620 : vector<16xi1>, vector<16xi32>
        %broadcast_in_dim3A_3622 = arith.constant true
        %broadcast_in_dim3A_3623 = vector.broadcast %broadcast_in_dim3A_3622 : i1 to vector<16xi1>
        %masked_cumsum3A_3624 = tpu.scan <sum>, %select_n3A_3621 masked %broadcast_in_dim3A_3623 : vector<16xi32>, vector<16xi1> -> vector<16xi32>
        %add3A_3625 = arith.addi %add3A_3610, %masked_cumsum3A_3624 : vector<16xi32>
        %sub3A_3626 = arith.subi %add3A_3625, %select_n3A_3621 : vector<16xi32>
        %lt3A_3627 = arith.constant 1024 : i32
        %lt3A_3628 = vector.broadcast %lt3A_3627 : i32 to vector<16xi32>
        %lt3A_3629 = arith.cmpi slt, %sub3A_3626, %lt3A_3628 : vector<16xi32>
        %and3A_3630 = arith.andi %ge3A_3616, %lt3A_3629 : vector<16xi1>
        tpu.vector_store_idx %arg16[%sub3A_3626], %get3A_3615 masked %and3A_3630 : memref<1024xf32, #tpu.memory_space<vmem>>[vector<16xi32>], vector<16xf32>, vector<16xi1>
        %add3A_3631 = arith.constant 16 : i32
        %add3A_3632 = vector.broadcast %add3A_3631 : i32 to vector<16xi32>
        %add3A_3633 = arith.addi %gather3A, %add3A_3632 : vector<16xi32>
        %iota3A_3634 = tpu.iota {dimensions = array<i32: 0>} : vector<16xi32>
        %add3A_3635 = arith.addi %add3A_3633, %iota3A_3634 : vector<16xi32>
        tpu.vector_store_idx %arg15[%sub3A_3626], %add3A_3635 masked %and3A_3630 : memref<1024xi32, #tpu.memory_space<vmem>>[vector<16xi32>], vector<16xi32>, vector<16xi1>
        %all_reduce_population_count3A_3636 = tpu.all_reduce %ge3A_3616 {dim = 0 : i64, kind = #tpu.reduction_kind<sum>} : vector<16xi1> -> vector<16xi32>
        %add3A_3637 = arith.addi %add3A_3610, %all_reduce_population_count3A_3636 : vector<16xi32>
        %get3A_3638 = arith.constant 0 : i32
        %get3A_3639 = tpu.memref_slice %arg14[%while3A_3581, %get3A_3638] : memref<512x128xf32, #tpu.memory_space<vmem>> -> memref<1x128xf32, #tpu.memory_space<vmem>>
        %get3A_3640 = tpu.memref_squeeze %get3A_3639 : memref<1x128xf32, #tpu.memory_space<vmem>> -> memref<128xf32, #tpu.memory_space<vmem>>
        %get3A_3641 = arith.constant 32 : index
        %get3A_3642 = tpu.vector_load %get3A_3640[%get3A_3641] {strides = array<i32>} : memref<128xf32, #tpu.memory_space<vmem>>, vector<16xf32>,
        %ge3A_3643 = arith.cmpf oge, %get3A_3642, %get3A_203 : vector<16xf32>
        %jit3A_3644 = arith.constant 1 : i32
        %jit3A_3645 = arith.constant 0 : i32
        %broadcast_in_dim3A_3646 = vector.broadcast %jit3A_3644 : i32 to vector<16xi32>
        %broadcast_in_dim3A_3647 = vector.broadcast %jit3A_3645 : i32 to vector<16xi32>
        %select_n3A_3648 = arith.select %ge3A_3643, %broadcast_in_dim3A_3646, %broadcast_in_dim3A_3647 : vector<16xi1>, vector<16xi32>
        %broadcast_in_dim3A_3649 = arith.constant true
        %broadcast_in_dim3A_3650 = vector.broadcast %broadcast_in_dim3A_3649 : i1 to vector<16xi1>
        %masked_cumsum3A_3651 = tpu.scan <sum>, %select_n3A_3648 masked %broadcast_in_dim3A_3650 : vector<16xi32>, vector<16xi1> -> vector<16xi32>
        %add3A_3652 = arith.addi %add3A_3637, %masked_cumsum3A_3651 : vector<16xi32>
        %sub3A_3653 = arith.subi %add3A_3652, %select_n3A_3648 : vector<16xi32>
        %lt3A_3654 = arith.constant 1024 : i32
        %lt3A_3655 = vector.broadcast %lt3A_3654 : i32 to vector<16xi32>
        %lt3A_3656 = arith.cmpi slt, %sub3A_3653, %lt3A_3655 : vector<16xi32>
        %and3A_3657 = arith.andi %ge3A_3643, %lt3A_3656 : vector<16xi1>
        tpu.vector_store_idx %arg16[%sub3A_3653], %get3A_3642 masked %and3A_3657 : memref<1024xf32, #tpu.memory_space<vmem>>[vector<16xi32>], vector<16xf32>, vector<16xi1>
        %add3A_3658 = arith.constant 32 : i32
        %add3A_3659 = vector.broadcast %add3A_3658 : i32 to vector<16xi32>
        %add3A_3660 = arith.addi %gather3A, %add3A_3659 : vector<16xi32>
        %iota3A_3661 = tpu.iota {dimensions = array<i32: 0>} : vector<16xi32>
        %add3A_3662 = arith.addi %add3A_3660, %iota3A_3661 : vector<16xi32>
        tpu.vector_store_idx %arg15[%sub3A_3653], %add3A_3662 masked %and3A_3657 : memref<1024xi32, #tpu.memory_space<vmem>>[vector<16xi32>], vector<16xi32>, vector<16xi1>
        %all_reduce_population_count3A_3663 = tpu.all_reduce %ge3A_3643 {dim = 0 : i64, kind = #tpu.reduction_kind<sum>} : vector<16xi1> -> vector<16xi32>
        %add3A_3664 = arith.addi %add3A_3637, %all_reduce_population_count3A_3663 : vector<16xi32>
        %get3A_3665 = arith.constant 0 : i32
        %get3A_3666 = tpu.memref_slice %arg14[%while3A_3581, %get3A_3665] : memref<512x128xf32, #tpu.memory_space<vmem>> -> memref<1x128xf32, #tpu.memory_space<vmem>>
        %get3A_3667 = tpu.memref_squeeze %get3A_3666 : memref<1x128xf32, #tpu.memory_space<vmem>> -> memref<128xf32, #tpu.memory_space<vmem>>
        %get3A_3668 = arith.constant 48 : index
        %get3A_3669 = tpu.vector_load %get3A_3667[%get3A_3668] {strides = array<i32>} : memref<128xf32, #tpu.memory_space<vmem>>, vector<16xf32>,
        %ge3A_3670 = arith.cmpf oge, %get3A_3669, %get3A_203 : vector<16xf32>
        %jit3A_3671 = arith.constant 1 : i32
        %jit3A_3672 = arith.constant 0 : i32
        %broadcast_in_dim3A_3673 = vector.broadcast %jit3A_3671 : i32 to vector<16xi32>
        %broadcast_in_dim3A_3674 = vector.broadcast %jit3A_3672 : i32 to vector<16xi32>
        %select_n3A_3675 = arith.select %ge3A_3670, %broadcast_in_dim3A_3673, %broadcast_in_dim3A_3674 : vector<16xi1>, vector<16xi32>
        %broadcast_in_dim3A_3676 = arith.constant true
        %broadcast_in_dim3A_3677 = vector.broadcast %broadcast_in_dim3A_3676 : i1 to vector<16xi1>
        %masked_cumsum3A_3678 = tpu.scan <sum>, %select_n3A_3675 masked %broadcast_in_dim3A_3677 : vector<16xi32>, vector<16xi1> -> vector<16xi32>
        %add3A_3679 = arith.addi %add3A_3664, %masked_cumsum3A_3678 : vector<16xi32>
        %sub3A_3680 = arith.subi %add3A_3679, %select_n3A_3675 : vector<16xi32>
        %lt3A_3681 = arith.constant 1024 : i32
        %lt3A_3682 = vector.broadcast %lt3A_3681 : i32 to vector<16xi32>
        %lt3A_3683 = arith.cmpi slt, %sub3A_3680, %lt3A_3682 : vector<16xi32>
        %and3A_3684 = arith.andi %ge3A_3670, %lt3A_3683 : vector<16xi1>
        tpu.vector_store_idx %arg16[%sub3A_3680], %get3A_3669 masked %and3A_3684 : memref<1024xf32, #tpu.memory_space<vmem>>[vector<16xi32>], vector<16xf32>, vector<16xi1>
        %add3A_3685 = arith.constant 48 : i32
        %add3A_3686 = vector.broadcast %add3A_3685 : i32 to vector<16xi32>
        %add3A_3687 = arith.addi %gather3A, %add3A_3686 : vector<16xi32>
        %iota3A_3688 = tpu.iota {dimensions = array<i32: 0>} : vector<16xi32>
        %add3A_3689 = arith.addi %add3A_3687, %iota3A_3688 : vector<16xi32>
        tpu.vector_store_idx %arg15[%sub3A_3680], %add3A_3689 masked %and3A_3684 : memref<1024xi32, #tpu.memory_space<vmem>>[vector<16xi32>], vector<16xi32>, vector<16xi1>
        %all_reduce_population_count3A_3690 = tpu.all_reduce %ge3A_3670 {dim = 0 : i64, kind = #tpu.reduction_kind<sum>} : vector<16xi1> -> vector<16xi32>
        %add3A_3691 = arith.addi %add3A_3664, %all_reduce_population_count3A_3690 : vector<16xi32>
        %get3A_3692 = arith.constant 0 : i32
        %get3A_3693 = tpu.memref_slice %arg14[%while3A_3581, %get3A_3692] : memref<512x128xf32, #tpu.memory_space<vmem>> -> memref<1x128xf32, #tpu.memory_space<vmem>>
        %get3A_3694 = tpu.memref_squeeze %get3A_3693 : memref<1x128xf32, #tpu.memory_space<vmem>> -> memref<128xf32, #tpu.memory_space<vmem>>
        %get3A_3695 = arith.constant 64 : index
        %get3A_3696 = tpu.vector_load %get3A_3694[%get3A_3695] {strides = array<i32>} : memref<128xf32, #tpu.memory_space<vmem>>, vector<16xf32>,
        %ge3A_3697 = arith.cmpf oge, %get3A_3696, %get3A_203 : vector<16xf32>
        %jit3A_3698 = arith.constant 1 : i32
        %jit3A_3699 = arith.constant 0 : i32
        %broadcast_in_dim3A_3700 = vector.broadcast %jit3A_3698 : i32 to vector<16xi32>
        %broadcast_in_dim3A_3701 = vector.broadcast %jit3A_3699 : i32 to vector<16xi32>
        %select_n3A_3702 = arith.select %ge3A_3697, %broadcast_in_dim3A_3700, %broadcast_in_dim3A_3701 : vector<16xi1>, vector<16xi32>
        %broadcast_in_dim3A_3703 = arith.constant true
        %broadcast_in_dim3A_3704 = vector.broadcast %broadcast_in_dim3A_3703 : i1 to vector<16xi1>
        %masked_cumsum3A_3705 = tpu.scan <sum>, %select_n3A_3702 masked %broadcast_in_dim3A_3704 : vector<16xi32>, vector<16xi1> -> vector<16xi32>
        %add3A_3706 = arith.addi %add3A_3691, %masked_cumsum3A_3705 : vector<16xi32>
        %sub3A_3707 = arith.subi %add3A_3706, %select_n3A_3702 : vector<16xi32>
        %lt3A_3708 = arith.constant 1024 : i32
        %lt3A_3709 = vector.broadcast %lt3A_3708 : i32 to vector<16xi32>
        %lt3A_3710 = arith.cmpi slt, %sub3A_3707, %lt3A_3709 : vector<16xi32>
        %and3A_3711 = arith.andi %ge3A_3697, %lt3A_3710 : vector<16xi1>
        tpu.vector_store_idx %arg16[%sub3A_3707], %get3A_3696 masked %and3A_3711 : memref<1024xf32, #tpu.memory_space<vmem>>[vector<16xi32>], vector<16xf32>, vector<16xi1>
        %add3A_3712 = arith.constant 64 : i32
        %add3A_3713 = vector.broadcast %add3A_3712 : i32 to vector<16xi32>
        %add3A_3714 = arith.addi %gather3A, %add3A_3713 : vector<16xi32>
        %iota3A_3715 = tpu.iota {dimensions = array<i32: 0>} : vector<16xi32>
        %add3A_3716 = arith.addi %add3A_3714, %iota3A_3715 : vector<16xi32>
        tpu.vector_store_idx %arg15[%sub3A_3707], %add3A_3716 masked %and3A_3711 : memref<1024xi32, #tpu.memory_space<vmem>>[vector<16xi32>], vector<16xi32>, vector<16xi1>
        %all_reduce_population_count3A_3717 = tpu.all_reduce %ge3A_3697 {dim = 0 : i64, kind = #tpu.reduction_kind<sum>} : vector<16xi1> -> vector<16xi32>
        %add3A_3718 = arith.addi %add3A_3691, %all_reduce_population_count3A_3717 : vector<16xi32>
        %get3A_3719 = arith.constant 0 : i32
        %get3A_3720 = tpu.memref_slice %arg14[%while3A_3581, %get3A_3719] : memref<512x128xf32, #tpu.memory_space<vmem>> -> memref<1x128xf32, #tpu.memory_space<vmem>>
        %get3A_3721 = tpu.memref_squeeze %get3A_3720 : memref<1x128xf32, #tpu.memory_space<vmem>> -> memref<128xf32, #tpu.memory_space<vmem>>
        %get3A_3722 = arith.constant 80 : index
        %get3A_3723 = tpu.vector_load %get3A_3721[%get3A_3722] {strides = array<i32>} : memref<128xf32, #tpu.memory_space<vmem>>, vector<16xf32>,
        %ge3A_3724 = arith.cmpf oge, %get3A_3723, %get3A_203 : vector<16xf32>
        %jit3A_3725 = arith.constant 1 : i32
        %jit3A_3726 = arith.constant 0 : i32
        %broadcast_in_dim3A_3727 = vector.broadcast %jit3A_3725 : i32 to vector<16xi32>
        %broadcast_in_dim3A_3728 = vector.broadcast %jit3A_3726 : i32 to vector<16xi32>
        %select_n3A_3729 = arith.select %ge3A_3724, %broadcast_in_dim3A_3727, %broadcast_in_dim3A_3728 : vector<16xi1>, vector<16xi32>
        %broadcast_in_dim3A_3730 = arith.constant true
        %broadcast_in_dim3A_3731 = vector.broadcast %broadcast_in_dim3A_3730 : i1 to vector<16xi1>
        %masked_cumsum3A_3732 = tpu.scan <sum>, %select_n3A_3729 masked %broadcast_in_dim3A_3731 : vector<16xi32>, vector<16xi1> -> vector<16xi32>
        %add3A_3733 = arith.addi %add3A_3718, %masked_cumsum3A_3732 : vector<16xi32>
        %sub3A_3734 = arith.subi %add3A_3733, %select_n3A_3729 : vector<16xi32>
        %lt3A_3735 = arith.constant 1024 : i32
        %lt3A_3736 = vector.broadcast %lt3A_3735 : i32 to vector<16xi32>
        %lt3A_3737 = arith.cmpi slt, %sub3A_3734, %lt3A_3736 : vector<16xi32>
        %and3A_3738 = arith.andi %ge3A_3724, %lt3A_3737 : vector<16xi1>
        tpu.vector_store_idx %arg16[%sub3A_3734], %get3A_3723 masked %and3A_3738 : memref<1024xf32, #tpu.memory_space<vmem>>[vector<16xi32>], vector<16xf32>, vector<16xi1>
        %add3A_3739 = arith.constant 80 : i32
        %add3A_3740 = vector.broadcast %add3A_3739 : i32 to vector<16xi32>
        %add3A_3741 = arith.addi %gather3A, %add3A_3740 : vector<16xi32>
        %iota3A_3742 = tpu.iota {dimensions = array<i32: 0>} : vector<16xi32>
        %add3A_3743 = arith.addi %add3A_3741, %iota3A_3742 : vector<16xi32>
        tpu.vector_store_idx %arg15[%sub3A_3734], %add3A_3743 masked %and3A_3738 : memref<1024xi32, #tpu.memory_space<vmem>>[vector<16xi32>], vector<16xi32>, vector<16xi1>
        %all_reduce_population_count3A_3744 = tpu.all_reduce %ge3A_3724 {dim = 0 : i64, kind = #tpu.reduction_kind<sum>} : vector<16xi1> -> vector<16xi32>
        %add3A_3745 = arith.addi %add3A_3718, %all_reduce_population_count3A_3744 : vector<16xi32>
        %get3A_3746 = arith.constant 0 : i32
        %get3A_3747 = tpu.memref_slice %arg14[%while3A_3581, %get3A_3746] : memref<512x128xf32, #tpu.memory_space<vmem>> -> memref<1x128xf32, #tpu.memory_space<vmem>>
        %get3A_3748 = tpu.memref_squeeze %get3A_3747 : memref<1x128xf32, #tpu.memory_space<vmem>> -> memref<128xf32, #tpu.memory_space<vmem>>
        %get3A_3749 = arith.constant 96 : index
        %get3A_3750 = tpu.vector_load %get3A_3748[%get3A_3749] {strides = array<i32>} : memref<128xf32, #tpu.memory_space<vmem>>, vector<16xf32>,
        %ge3A_3751 = arith.cmpf oge, %get3A_3750, %get3A_203 : vector<16xf32>
        %jit3A_3752 = arith.constant 1 : i32
        %jit3A_3753 = arith.constant 0 : i32
        %broadcast_in_dim3A_3754 = vector.broadcast %jit3A_3752 : i32 to vector<16xi32>
        %broadcast_in_dim3A_3755 = vector.broadcast %jit3A_3753 : i32 to vector<16xi32>
        %select_n3A_3756 = arith.select %ge3A_3751, %broadcast_in_dim3A_3754, %broadcast_in_dim3A_3755 : vector<16xi1>, vector<16xi32>
        %broadcast_in_dim3A_3757 = arith.constant true
        %broadcast_in_dim3A_3758 = vector.broadcast %broadcast_in_dim3A_3757 : i1 to vector<16xi1>
        %masked_cumsum3A_3759 = tpu.scan <sum>, %select_n3A_3756 masked %broadcast_in_dim3A_3758 : vector<16xi32>, vector<16xi1> -> vector<16xi32>
        %add3A_3760 = arith.addi %add3A_3745, %masked_cumsum3A_3759 : vector<16xi32>
        %sub3A_3761 = arith.subi %add3A_3760, %select_n3A_3756 : vector<16xi32>
        %lt3A_3762 = arith.constant 1024 : i32
        %lt3A_3763 = vector.broadcast %lt3A_3762 : i32 to vector<16xi32>
        %lt3A_3764 = arith.cmpi slt, %sub3A_3761, %lt3A_3763 : vector<16xi32>
        %and3A_3765 = arith.andi %ge3A_3751, %lt3A_3764 : vector<16xi1>
        tpu.vector_store_idx %arg16[%sub3A_3761], %get3A_3750 masked %and3A_3765 : memref<1024xf32, #tpu.memory_space<vmem>>[vector<16xi32>], vector<16xf32>, vector<16xi1>
        %add3A_3766 = arith.constant 96 : i32
        %add3A_3767 = vector.broadcast %add3A_3766 : i32 to vector<16xi32>
        %add3A_3768 = arith.addi %gather3A, %add3A_3767 : vector<16xi32>
        %iota3A_3769 = tpu.iota {dimensions = array<i32: 0>} : vector<16xi32>
        %add3A_3770 = arith.addi %add3A_3768, %iota3A_3769 : vector<16xi32>
        tpu.vector_store_idx %arg15[%sub3A_3761], %add3A_3770 masked %and3A_3765 : memref<1024xi32, #tpu.memory_space<vmem>>[vector<16xi32>], vector<16xi32>, vector<16xi1>
        %all_reduce_population_count3A_3771 = tpu.all_reduce %ge3A_3751 {dim = 0 : i64, kind = #tpu.reduction_kind<sum>} : vector<16xi1> -> vector<16xi32>
        %add3A_3772 = arith.addi %add3A_3745, %all_reduce_population_count3A_3771 : vector<16xi32>
        %get3A_3773 = arith.constant 0 : i32
        %get3A_3774 = tpu.memref_slice %arg14[%while3A_3581, %get3A_3773] : memref<512x128xf32, #tpu.memory_space<vmem>> -> memref<1x128xf32, #tpu.memory_space<vmem>>
        %get3A_3775 = tpu.memref_squeeze %get3A_3774 : memref<1x128xf32, #tpu.memory_space<vmem>> -> memref<128xf32, #tpu.memory_space<vmem>>
        %get3A_3776 = arith.constant 112 : index
        %get3A_3777 = tpu.vector_load %get3A_3775[%get3A_3776] {strides = array<i32>} : memref<128xf32, #tpu.memory_space<vmem>>, vector<16xf32>,
        %ge3A_3778 = arith.cmpf oge, %get3A_3777, %get3A_203 : vector<16xf32>
        %jit3A_3779 = arith.constant 1 : i32
        %jit3A_3780 = arith.constant 0 : i32
        %broadcast_in_dim3A_3781 = vector.broadcast %jit3A_3779 : i32 to vector<16xi32>
        %broadcast_in_dim3A_3782 = vector.broadcast %jit3A_3780 : i32 to vector<16xi32>
        %select_n3A_3783 = arith.select %ge3A_3778, %broadcast_in_dim3A_3781, %broadcast_in_dim3A_3782 : vector<16xi1>, vector<16xi32>
        %broadcast_in_dim3A_3784 = arith.constant true
        %broadcast_in_dim3A_3785 = vector.broadcast %broadcast_in_dim3A_3784 : i1 to vector<16xi1>
        %masked_cumsum3A_3786 = tpu.scan <sum>, %select_n3A_3783 masked %broadcast_in_dim3A_3785 : vector<16xi32>, vector<16xi1> -> vector<16xi32>
        %add3A_3787 = arith.addi %add3A_3772, %masked_cumsum3A_3786 : vector<16xi32>
        %sub3A_3788 = arith.subi %add3A_3787, %select_n3A_3783 : vector<16xi32>
        %lt3A_3789 = arith.constant 1024 : i32
        %lt3A_3790 = vector.broadcast %lt3A_3789 : i32 to vector<16xi32>
        %lt3A_3791 = arith.cmpi slt, %sub3A_3788, %lt3A_3790 : vector<16xi32>
        %and3A_3792 = arith.andi %ge3A_3778, %lt3A_3791 : vector<16xi1>
        tpu.vector_store_idx %arg16[%sub3A_3788], %get3A_3777 masked %and3A_3792 : memref<1024xf32, #tpu.memory_space<vmem>>[vector<16xi32>], vector<16xf32>, vector<16xi1>
        %add3A_3793 = arith.constant 112 : i32
        %add3A_3794 = vector.broadcast %add3A_3793 : i32 to vector<16xi32>
        %add3A_3795 = arith.addi %gather3A, %add3A_3794 : vector<16xi32>
        %iota3A_3796 = tpu.iota {dimensions = array<i32: 0>} : vector<16xi32>
        %add3A_3797 = arith.addi %add3A_3795, %iota3A_3796 : vector<16xi32>
        tpu.vector_store_idx %arg15[%sub3A_3788], %add3A_3797 masked %and3A_3792 : memref<1024xi32, #tpu.memory_space<vmem>>[vector<16xi32>], vector<16xi32>, vector<16xi1>
        %all_reduce_population_count3A_3798 = tpu.all_reduce %ge3A_3778 {dim = 0 : i64, kind = #tpu.reduction_kind<sum>} : vector<16xi1> -> vector<16xi32>
        %add3A_3799 = arith.addi %add3A_3772, %all_reduce_population_count3A_3798 : vector<16xi32>
        scf.yield %add3A_3799 : vector<16xi32>
      }
      %gt3A = arith.constant 512 : i32
      %gt3A_3571 = vector.broadcast %gt3A : i32 to vector<16xi32>
      %gt3A_3572 = arith.cmpi sgt, %add3A_2881, %gt3A_3571 : vector<16xi32>
      %jit3A_3573 = arith.constant 1048576 : i32
      %jit3A_3574 = arith.constant 0 : i32
      %broadcast_in_dim3A_3575 = vector.broadcast %jit3A_3573 : i32 to vector<16xi32>
      %broadcast_in_dim3A_3576 = vector.broadcast %jit3A_3574 : i32 to vector<16xi32>
      %select_n3A_3577 = arith.select %gt3A_3572, %broadcast_in_dim3A_3575, %broadcast_in_dim3A_3576 : vector<16xi1>, vector<16xi32>
      %add3A_3578 = arith.addi %while3A_3570, %select_n3A_3577 : vector<16xi32>
      %swap3A_3579 = arith.constant 0 : index
      %swap3A_3580 = tpu.vector_load %arg17[%swap3A_3579] {strides = array<i32>} : memref<16xi32, #tpu.memory_space<vmem>>, vector<16xi32>,
      tpu.vector_store %arg17[%swap3A_3579], %add3A_3578 {strides = array<i32>} : memref<16xi32, #tpu.memory_space<vmem>>, vector<16xi32>,
      "tpu.region"() ({
        %run_scoped3A = tpu.sem_alloc : memref<!tpu.dma_semaphore, #tpu.memory_space<semaphore_mem>>
        %dma_start3A = arith.constant 0 : i32
        %dma_start3A_3581 = tpu.memref_slice %arg8[%add3A_202, %dma_start3A] : memref<1024x16xi32, #tpu.memory_space<hbm>> -> memref<1x16xi32, #tpu.memory_space<hbm>>
        %dma_start3A_3582 = tpu.memref_squeeze %dma_start3A_3581 : memref<1x16xi32, #tpu.memory_space<hbm>> -> memref<16xi32, #tpu.memory_space<hbm>>
        %dma_start3A_3583 = arith.constant 0 : i32
        %dma_start3A_3584 = tpu.memref_slice %arg8[%add3A_202, %dma_start3A_3583] : memref<1024x16xi32, #tpu.memory_space<hbm>> -> memref<1x16xi32, #tpu.memory_space<hbm>>
        %dma_start3A_3585 = tpu.memref_squeeze %dma_start3A_3584 : memref<1x16xi32, #tpu.memory_space<hbm>> -> memref<16xi32, #tpu.memory_space<hbm>>
        tpu.enqueue_dma source(%arg17 : memref<16xi32, #tpu.memory_space<vmem>>) target(%dma_start3A_3585 : memref<16xi32, #tpu.memory_space<hbm>>) target_semaphore(%run_scoped3A : memref<!tpu.dma_semaphore, #tpu.memory_space<semaphore_mem>>)
        %dma_wait3A = arith.constant 0 : i32
        %dma_wait3A_3586 = tpu.memref_slice %arg8[%add3A_202, %dma_wait3A] : memref<1024x16xi32, #tpu.memory_space<hbm>> -> memref<1x16xi32, #tpu.memory_space<hbm>>
        %dma_wait3A_3587 = tpu.memref_squeeze %dma_wait3A_3586 : memref<1x16xi32, #tpu.memory_space<hbm>> -> memref<16xi32, #tpu.memory_space<hbm>>
        %dma_wait3A_3588 = arith.constant 0 : i32
        %dma_wait3A_3589 = tpu.memref_slice %arg8[%add3A_202, %dma_wait3A_3588] : memref<1024x16xi32, #tpu.memory_space<hbm>> -> memref<1x16xi32, #tpu.memory_space<hbm>>
        %dma_wait3A_3590 = tpu.memref_squeeze %dma_wait3A_3589 : memref<1x16xi32, #tpu.memory_space<hbm>> -> memref<16xi32, #tpu.memory_space<hbm>>
        tpu.wait_dma2 semaphore(%run_scoped3A : memref<!tpu.dma_semaphore, #tpu.memory_space<semaphore_mem>>) src(%arg17 : memref<16xi32, #tpu.memory_space<vmem>>) dst(%dma_wait3A_3590 : memref<16xi32, #tpu.memory_space<hbm>>)
        tpu.yield
      }) : () -> ()
      "tpu.region"() ({
        %run_scoped3A = tpu.sem_alloc : memref<!tpu.dma_semaphore, #tpu.memory_space<semaphore_mem>>
        %dma_start3A = arith.constant 0 : i32
        %dma_start3A_3581 = tpu.memref_slice %arg7[%add3A_202, %dma_start3A] : memref<1024x1024xf32, #tpu.memory_space<hbm>> -> memref<1x1024xf32, #tpu.memory_space<hbm>>
        %dma_start3A_3582 = tpu.memref_squeeze %dma_start3A_3581 : memref<1x1024xf32, #tpu.memory_space<hbm>> -> memref<1024xf32, #tpu.memory_space<hbm>>
        %dma_start3A_3583 = arith.constant 0 : i32
        %dma_start3A_3584 = tpu.memref_slice %arg7[%add3A_202, %dma_start3A_3583] : memref<1024x1024xf32, #tpu.memory_space<hbm>> -> memref<1x1024xf32, #tpu.memory_space<hbm>>
        %dma_start3A_3585 = tpu.memref_squeeze %dma_start3A_3584 : memref<1x1024xf32, #tpu.memory_space<hbm>> -> memref<1024xf32, #tpu.memory_space<hbm>>
        tpu.enqueue_dma source(%arg16 : memref<1024xf32, #tpu.memory_space<vmem>>) target(%dma_start3A_3585 : memref<1024xf32, #tpu.memory_space<hbm>>) target_semaphore(%run_scoped3A : memref<!tpu.dma_semaphore, #tpu.memory_space<semaphore_mem>>)
        %dma_wait3A = arith.constant 0 : i32
        %dma_wait3A_3586 = tpu.memref_slice %arg7[%add3A_202, %dma_wait3A] : memref<1024x1024xf32, #tpu.memory_space<hbm>> -> memref<1x1024xf32, #tpu.memory_space<hbm>>
        %dma_wait3A_3587 = tpu.memref_squeeze %dma_wait3A_3586 : memref<1x1024xf32, #tpu.memory_space<hbm>> -> memref<1024xf32, #tpu.memory_space<hbm>>
        %dma_wait3A_3588 = arith.constant 0 : i32
        %dma_wait3A_3589 = tpu.memref_slice %arg7[%add3A_202, %dma_wait3A_3588] : memref<1024x1024xf32, #tpu.memory_space<hbm>> -> memref<1x1024xf32, #tpu.memory_space<hbm>>
        %dma_wait3A_3590 = tpu.memref_squeeze %dma_wait3A_3589 : memref<1x1024xf32, #tpu.memory_space<hbm>> -> memref<1024xf32, #tpu.memory_space<hbm>>
        tpu.wait_dma2 semaphore(%run_scoped3A : memref<!tpu.dma_semaphore, #tpu.memory_space<semaphore_mem>>) src(%arg16 : memref<1024xf32, #tpu.memory_space<vmem>>) dst(%dma_wait3A_3590 : memref<1024xf32, #tpu.memory_space<hbm>>)
        tpu.yield
      }) : () -> ()
      "tpu.region"() ({
        %run_scoped3A = tpu.sem_alloc : memref<!tpu.dma_semaphore, #tpu.memory_space<semaphore_mem>>
        %dma_start3A = arith.constant 0 : i32
        %dma_start3A_3581 = tpu.memref_slice %arg6[%add3A_202, %dma_start3A] : memref<1024x1024xi32, #tpu.memory_space<hbm>> -> memref<1x1024xi32, #tpu.memory_space<hbm>>
        %dma_start3A_3582 = tpu.memref_squeeze %dma_start3A_3581 : memref<1x1024xi32, #tpu.memory_space<hbm>> -> memref<1024xi32, #tpu.memory_space<hbm>>
        %dma_start3A_3583 = arith.constant 0 : i32
        %dma_start3A_3584 = tpu.memref_slice %arg6[%add3A_202, %dma_start3A_3583] : memref<1024x1024xi32, #tpu.memory_space<hbm>> -> memref<1x1024xi32, #tpu.memory_space<hbm>>
        %dma_start3A_3585 = tpu.memref_squeeze %dma_start3A_3584 : memref<1x1024xi32, #tpu.memory_space<hbm>> -> memref<1024xi32, #tpu.memory_space<hbm>>
        tpu.enqueue_dma source(%arg15 : memref<1024xi32, #tpu.memory_space<vmem>>) target(%dma_start3A_3585 : memref<1024xi32, #tpu.memory_space<hbm>>) target_semaphore(%run_scoped3A : memref<!tpu.dma_semaphore, #tpu.memory_space<semaphore_mem>>)
        %dma_wait3A = arith.constant 0 : i32
        %dma_wait3A_3586 = tpu.memref_slice %arg6[%add3A_202, %dma_wait3A] : memref<1024x1024xi32, #tpu.memory_space<hbm>> -> memref<1x1024xi32, #tpu.memory_space<hbm>>
        %dma_wait3A_3587 = tpu.memref_squeeze %dma_wait3A_3586 : memref<1x1024xi32, #tpu.memory_space<hbm>> -> memref<1024xi32, #tpu.memory_space<hbm>>
        %dma_wait3A_3588 = arith.constant 0 : i32
        %dma_wait3A_3589 = tpu.memref_slice %arg6[%add3A_202, %dma_wait3A_3588] : memref<1024x1024xi32, #tpu.memory_space<hbm>> -> memref<1x1024xi32, #tpu.memory_space<hbm>>
        %dma_wait3A_3590 = tpu.memref_squeeze %dma_wait3A_3589 : memref<1x1024xi32, #tpu.memory_space<hbm>> -> memref<1024xi32, #tpu.memory_space<hbm>>
        tpu.wait_dma2 semaphore(%run_scoped3A : memref<!tpu.dma_semaphore, #tpu.memory_space<semaphore_mem>>) src(%arg15 : memref<1024xi32, #tpu.memory_space<vmem>>) dst(%dma_wait3A_3590 : memref<1024xi32, #tpu.memory_space<hbm>>)
        tpu.yield
      }) : () -> ()
    }
    %scan3A_194 = arith.constant 32 : i32
    return
  }
}

module attributes {stable_mosaic.version = 14 : i64} {
  func.func @_sem_score_kernel(%arg0: i32, %arg1: memref<1024x256xf32, #tpu.memory_space<vmem>>, %arg2: memref<512x256xf32, #tpu.memory_space<vmem>>, %arg3: memref<512x1xf32, #tpu.memory_space<vmem>>, %arg4: memref<1024x512xf32, #tpu.memory_space<vmem>>, %arg5: memref<1x1024x4xf32, #tpu.memory_space<vmem>>) attributes {dimension_semantics = [#tpu.dimension_semantics<arbitrary>], iteration_bounds = array<i64: 128>, scalar_prefetch = 0 : i64, scratch_operands = 0 : i64, tpu.core_type = #tpu.core_type<tc>, window_params = [{pipeline_mode = #tpu.pipeline_mode<synchronous>, transform_indices = @transform_0, window_bounds = array<i64: 1024, 256>}, {transform_indices = @transform_1, window_bounds = array<i64: 512, 256>}, {transform_indices = @transform_2, window_bounds = array<i64: 512, 1>}, {transform_indices = @transform_3, window_bounds = array<i64: 1024, 512>}, {transform_indices = @transform_4, window_bounds = array<i64: 1, 1024, 4>}]} {
    %get3A = arith.constant 0 : index
    %get3A_0 = arith.constant 0 : index
    %get3A_1 = vector.load %arg2[%get3A, %get3A_0] : memref<512x256xf32, #tpu.memory_space<vmem>>, vector<512x256xf32>
    %get3A_2 = arith.constant 0 : index
    %get3A_3 = arith.constant 0 : index
    %get3A_4 = vector.load %arg3[%get3A_2, %get3A_3] : memref<512x1xf32, #tpu.memory_space<vmem>>, vector<512x1xf32>
    %max3A = arith.constant 9.99999997E-7 : f32
    %max3A_5 = vector.broadcast %max3A : f32 to vector<512x1xf32>
    %max3A_6 = arith.maximumf %get3A_4, %max3A_5 : vector<512x1xf32>
    %div3A = vector.broadcast %max3A_6 : vector<512x1xf32> to vector<512x256xf32>
    %div3A_7 = arith.divf %get3A_1, %div3A : vector<512x256xf32>
    %get3A_8 = arith.constant 0 : index
    %get3A_9 = arith.constant 0 : index
    %get3A_10 = vector.load %arg1[%get3A_8, %get3A_9] : memref<1024x256xf32, #tpu.memory_space<vmem>>, vector<1024x256xf32>
    %dot_general3A = arith.constant dense<0.000000e+00> : vector<1024x512xf32>
    %dot_general3A_11 = tpu.matmul %get3A_10, %div3A_7, %dot_general3A {dimension_numbers = #tpu.dot_dimension_numbers<[1], [1], [0], [0], [0, 0, 1, 0], [], []>, transpose_lhs_hint = false} : vector<1024x256xf32>, vector<512x256xf32>, vector<1024x512xf32> -> vector<1024x512xf32>
    %swap3A = arith.constant 0 : index
    %swap3A_12 = arith.constant 0 : index
    %swap3A_13 = vector.load %arg4[%swap3A, %swap3A_12] : memref<1024x512xf32, #tpu.memory_space<vmem>>, vector<1024x512xf32>
    tpu.vector_store %arg4[%swap3A, %swap3A_12], %dot_general3A_11 {strides = array<i32>} : memref<1024x512xf32, #tpu.memory_space<vmem>>, vector<1024x512xf32>,
    %slice3A = vector.extract_strided_slice %dot_general3A_11 {offsets = [0, 0], sizes = [1024, 128], strides = [1, 1]} : vector<1024x512xf32> to vector<1024x128xf32>
    %reduce_max3A = arith.constant dense<0xFF800000> : vector<1024xf32>
    %reduce_max3A_14 = vector.multi_reduction <maximumf>, %slice3A, %reduce_max3A [1] : vector<1024x128xf32> to vector<1024xf32>
    %broadcast_in_dim3A = vector.shape_cast %reduce_max3A_14 : vector<1024xf32> to vector<1024x1xf32>
    %swap3A_15 = arith.constant 0 : index
    %swap3A_16 = arith.constant 0 : index
    %swap3A_17 = arith.constant 0 : index
    %swap3A_18 = vector.load %arg5[%swap3A_15, %swap3A_16, %swap3A_17] : memref<1x1024x4xf32, #tpu.memory_space<vmem>>, vector<1x1024x1xf32>
    %swap3A_19 = vector.shape_cast %swap3A_18 : vector<1x1024x1xf32> to vector<1024x1xf32>
    %swap3A_20 = vector.shape_cast %broadcast_in_dim3A : vector<1024x1xf32> to vector<1x1024x1xf32>
    tpu.vector_store %arg5[%swap3A_15, %swap3A_16, %swap3A_17], %swap3A_20 {strides = array<i32>} : memref<1x1024x4xf32, #tpu.memory_space<vmem>>, vector<1x1024x1xf32>,
    %slice3A_21 = vector.extract_strided_slice %dot_general3A_11 {offsets = [0, 128], sizes = [1024, 128], strides = [1, 1]} : vector<1024x512xf32> to vector<1024x128xf32>
    %reduce_max3A_22 = arith.constant dense<0xFF800000> : vector<1024xf32>
    %reduce_max3A_23 = vector.multi_reduction <maximumf>, %slice3A_21, %reduce_max3A_22 [1] : vector<1024x128xf32> to vector<1024xf32>
    %broadcast_in_dim3A_24 = vector.shape_cast %reduce_max3A_23 : vector<1024xf32> to vector<1024x1xf32>
    %swap3A_25 = arith.constant 0 : index
    %swap3A_26 = arith.constant 0 : index
    %swap3A_27 = arith.constant 1 : index
    %swap3A_28 = vector.load %arg5[%swap3A_25, %swap3A_26, %swap3A_27] : memref<1x1024x4xf32, #tpu.memory_space<vmem>>, vector<1x1024x1xf32>
    %swap3A_29 = vector.shape_cast %swap3A_28 : vector<1x1024x1xf32> to vector<1024x1xf32>
    %swap3A_30 = vector.shape_cast %broadcast_in_dim3A_24 : vector<1024x1xf32> to vector<1x1024x1xf32>
    tpu.vector_store %arg5[%swap3A_25, %swap3A_26, %swap3A_27], %swap3A_30 {strides = array<i32>} : memref<1x1024x4xf32, #tpu.memory_space<vmem>>, vector<1x1024x1xf32>,
    %slice3A_31 = vector.extract_strided_slice %dot_general3A_11 {offsets = [0, 256], sizes = [1024, 128], strides = [1, 1]} : vector<1024x512xf32> to vector<1024x128xf32>
    %reduce_max3A_32 = arith.constant dense<0xFF800000> : vector<1024xf32>
    %reduce_max3A_33 = vector.multi_reduction <maximumf>, %slice3A_31, %reduce_max3A_32 [1] : vector<1024x128xf32> to vector<1024xf32>
    %broadcast_in_dim3A_34 = vector.shape_cast %reduce_max3A_33 : vector<1024xf32> to vector<1024x1xf32>
    %swap3A_35 = arith.constant 0 : index
    %swap3A_36 = arith.constant 0 : index
    %swap3A_37 = arith.constant 2 : index
    %swap3A_38 = vector.load %arg5[%swap3A_35, %swap3A_36, %swap3A_37] : memref<1x1024x4xf32, #tpu.memory_space<vmem>>, vector<1x1024x1xf32>
    %swap3A_39 = vector.shape_cast %swap3A_38 : vector<1x1024x1xf32> to vector<1024x1xf32>
    %swap3A_40 = vector.shape_cast %broadcast_in_dim3A_34 : vector<1024x1xf32> to vector<1x1024x1xf32>
    tpu.vector_store %arg5[%swap3A_35, %swap3A_36, %swap3A_37], %swap3A_40 {strides = array<i32>} : memref<1x1024x4xf32, #tpu.memory_space<vmem>>, vector<1x1024x1xf32>,
    %slice3A_41 = vector.extract_strided_slice %dot_general3A_11 {offsets = [0, 384], sizes = [1024, 128], strides = [1, 1]} : vector<1024x512xf32> to vector<1024x128xf32>
    %reduce_max3A_42 = arith.constant dense<0xFF800000> : vector<1024xf32>
    %reduce_max3A_43 = vector.multi_reduction <maximumf>, %slice3A_41, %reduce_max3A_42 [1] : vector<1024x128xf32> to vector<1024xf32>
    %broadcast_in_dim3A_44 = vector.shape_cast %reduce_max3A_43 : vector<1024xf32> to vector<1024x1xf32>
    %swap3A_45 = arith.constant 0 : index
    %swap3A_46 = arith.constant 0 : index
    %swap3A_47 = arith.constant 3 : index
    %swap3A_48 = vector.load %arg5[%swap3A_45, %swap3A_46, %swap3A_47] : memref<1x1024x4xf32, #tpu.memory_space<vmem>>, vector<1x1024x1xf32>
    %swap3A_49 = vector.shape_cast %swap3A_48 : vector<1x1024x1xf32> to vector<1024x1xf32>
    %swap3A_50 = vector.shape_cast %broadcast_in_dim3A_44 : vector<1024x1xf32> to vector<1x1024x1xf32>
    tpu.vector_store %arg5[%swap3A_45, %swap3A_46, %swap3A_47], %swap3A_50 {strides = array<i32>} : memref<1x1024x4xf32, #tpu.memory_space<vmem>>, vector<1x1024x1xf32>,
    return
  }
  func.func @transform_0(%arg0: i32) -> (i32, i32) {
    %c0_i32 = arith.constant 0 : i32
    %c0_i32_0 = arith.constant 0 : i32
    %c0_i32_1 = arith.constant 0 : i32
    return %c0_i32, %c0_i32_0 : i32, i32
  }
  func.func @transform_1(%arg0: i32) -> (i32, i32) {
    %c0_i32 = arith.constant 0 : i32
    %c0_i32_0 = arith.constant 0 : i32
    return %arg0, %c0_i32 : i32, i32
  }
  func.func @transform_2(%arg0: i32) -> (i32, i32) {
    %c0_i32 = arith.constant 0 : i32
    %c0_i32_0 = arith.constant 0 : i32
    return %arg0, %c0_i32 : i32, i32
  }
  func.func @transform_3(%arg0: i32) -> (i32, i32) {
    %c0_i32 = arith.constant 0 : i32
    %c0_i32_0 = arith.constant 0 : i32
    return %c0_i32, %arg0 : i32, i32
  }
  func.func @transform_4(%arg0: i32) -> (i32, i32, i32) {
    %c0_i32 = arith.constant 0 : i32
    %c0_i32_0 = arith.constant 0 : i32
    %c0_i32_1 = arith.constant 0 : i32
    return %arg0, %c0_i32, %c0_i32_0 : i32, i32, i32
  }
}

</mosaic_0001>

<sc_bundles>
// kernel: gather_offload_async_start.1
scs
__scs_entry_jumppad:
0x0: {  	(pc) =	sbr.rel $0x88, $3  }
0x1: {  	(tag) =	ssettag $0x0;
	lr =	simm.s32 $0x1  }
0x2: {  	[smem:$0x3F9A] =	sst lr;
	_ =	strace $0xD0000000  }
0x3: {  	_ = 	snop  }
0x4: {  	_ = 	snop  }
0x5: {  	_ = 	snop  }
0x6: {  	_ = 	snop  }
0x7: {  	_ = 	snop  }
__scs_overlays_trampoline_lowered:
0x8: {  	[smem:$0x3FA9] =	sst s0  }
0x9: {  	[smem:$0x3FAA] =	sst s1  }
0xa: {  	[smem:$0x3FAB] =	sst s2  }
0xb: {  	[smem:$0x3FAC] =	sst s3  }
0xc: {  	[smem:$0x3FAD] =	sst s4  }
0xd: {  	[smem:$0x3FAE] =	sst s5  }
0xe: {  	[smem:$0x3FAF] =	sst s6  }
0xf: {  	[smem:$0x3FB0] =	sst s7  }
0x10: {  	[smem:$0x3FB1] =	sst s8  }
0x11: {  	[smem:$0x3FB2] =	sst s9;
	s0 =	simm.s32 @!p0 $0x0  }
0x12: {  	s1 =	sld [smem:$0x3F98];
	s0 =	simm.s32 @p0 $0x1  }
0x13: {  	[smem:$0x3FB3] =	sst s0;
	s0 =	simm.s32 @!p1 $0x0  }
0x14: {  	s2 =	sld [smem:$0x3F97];
	s0 =	simm.s32 @p1 $0x1  }
0x15: {  	[smem:$0x3FB4] =	sst s0;
	s0 =	simm.s32 @!p2 $0x0  }
0x16: {  	s3 =	sld [smem:$0x3FDB];
	s0 =	simm.s32 @p2 $0x1  }
0x17: {  	s4 =	simm.s32 $0x1BF5;
	[smem:$0x3FB6] =	sst s0  }
0x18: {  	s0 =	sld [smem:$0x3F99];
	_ =	swait.ge [sflag:s4], $0x0  }
0x19: {  	s7 =	sld [smem:$0x3F9A]  }
0x1a: {  	s8 =	sadd.s32 $0xFFFFE003, lr  }
0x1b: {  	s9 =	sadd.s32 $0xFFFFFEF7, lr;
	s5 =	simm.s32 $0xFFFFFFFF;
	p2 =	slt.u32 s8, $0xFFFFF086  }
0x1c: {  	p1 =	slt.u32 s9, $0xF7A;
	s5 =	simm.s32 @!p2 $0x0  }
0x1d: {  	s5 =	simm.s32 @p1 $0x1;
	p0 =	seq.s32 s7, s2  }
0x1e: {  	s7 =	smul.u32 @!p0 $0xF7A, s2;
	p2 =	seq.s32 @!p0 s5, $0x0  }
0x1f: {  	s9 =	smul.u32 $0xF7A, s1;
	s8 =	simm.s32 @!p0 $0x1BF5;
	p2 =	por !p2, p0  }
0x20: {  	[sflag:s8] =	ssyncset.s32 @!p0 $0xFFFFF086;
	s6 =	sadd.s32 @!p0 s3, s7;
	s7 =	simm.s32 @!p0 $0x108  }
0x21: {  	s3 =	sadd.s32 s3, s9;
	s6 =	sadd.s32 @!p0 $0x88, s6;
	s7 =	simm.s32 @p2 $0x1082  }
0x22: {  	[simem:s7], [sflag:s8] =	dma.local @!p0 [hbm:s6], $0xF7A  }
0x23: {  	s9 =	sor.u32 $0xD0000000, s2;
	s6 =	simm.s32 $0x108;
	_ =	swait.ge @!p0 [sflag:s8], $0x0  }
0x24: {  	s3 =	sadd.s32 $0x88, s3;
	s6 =	simm.s32 @!p1 $0x1082;
	[sflag:s4] =	ssyncset.s32 $0xFFFFF086  }
0x25: {  	[simem:s6], [sflag:s4] =	dma.local [hbm:s3], $0xF7A  }
0x26: {  	[smem:$0x3F9A] =	sst s1;
	(tag) =	ssettag s2;
	_ =	strace s9  }
0x27: {  	s1 =	sld [smem:$0x3FAA]  }
0x28: {  	s2 =	sld [smem:$0x3FAB]  }
0x29: {  	s4 =	sld [smem:$0x3FAD]  }
0x2a: {  	p0 =	seq.s32 s5, $0x0;
	s5 =	sld [smem:$0x3FAE]  }
0x2b: {  	s6 =	sld [smem:$0x3FAF]  }
0x2c: {  	s7 =	sld [smem:$0x3FB0]  }
0x2d: {  	s3 =	simm.s32 $0x108;
	s8 =	sld [smem:$0x3FB1]  }
0x2e: {  	s3 =	simm.s32 @!p0 $0x1082;
	s9 =	sld [smem:$0x3FB2]  }
0x2f: {  	lr =	sadd.s32 s0, s3;
	s0 =	sld [smem:$0x3FA9]  }
0x30: {  	s3 =	sld [smem:$0x3FAC]  }
0x31: {  	[smem:$0x3FB5] =	sst s10  }
0x32: {  	s10 =	sld [smem:$0x3FB3];
	_ =	sdelay $0x3  }
0x33: {  	p0 =	seq.s32 s10, $0x1;
	s10 =	sld [smem:$0x3FB5];
	_ =	sdelay $0x3  }
0x34: {  	[smem:$0x3FB5] =	sst s10  }
0x35: {  	s10 =	sld [smem:$0x3FB4];
	_ =	sdelay $0x3  }
0x36: {  	p1 =	seq.s32 s10, $0x1;
	s10 =	sld [smem:$0x3FB5];
	_ =	sdelay $0x3  }
0x37: {  	[smem:$0x3FB5] =	sst s10  }
0x38: {  	s10 =	sld [smem:$0x3FB6]  }
0x39: {  	_ = 	snop;
	(pc) =	sbr.ind lr, $3  }
0x3a: {  	_ = 	snop  }
0x3b: {  	_ = 	snop  }
0x3c: {  	p2 =	seq.s32 s10, $0x1;
	s10 =	sld [smem:$0x3FB5]  }
0x3d: {  	_ =	shalt  }
0x3e: {  	_ =	shalt  }
0x3f: {  	_ =	shalt  }
0x40: {  	_ =	shalt  }
0x41: {  	_ =	shalt  }
0x42: {  	_ =	shalt  }
0x43: {  	_ =	shalt  }
0x44: {  	_ =	shalt  }
0x45: {  	_ =	shalt  }
0x46: {  	_ =	shalt  }
0x47: {  	_ =	shalt  }
0x48: {  	_ =	shalt  }
0x49: {  	_ =	shalt  }
0x4a: {  	_ =	shalt  }
0x4b: {  	_ =	shalt  }
0x4c: {  	_ =	shalt  }
0x4d: {  	_ =	shalt  }
0x4e: {  	_ =	shalt  }
0x4f: {  	_ =	shalt  }
0x50: {  	_ =	shalt  }
0x51: {  	_ =	shalt  }
0x52: {  	_ =	shalt  }
0x53: {  	_ =	shalt  }
0x54: {  	_ =	shalt  }
0x55: {  	_ =	shalt  }
0x56: {  	_ =	shalt  }
0x57: {  	_ =	shalt  }
0x58: {  	_ =	shalt  }
0x59: {  	_ =	shalt  }
0x5a: {  	_ =	shalt  }
0x5b: {  	_ =	shalt  }
0x5c: {  	_ =	shalt  }
0x5d: {  	_ =	shalt  }
0x5e: {  	_ =	shalt  }
0x5f: {  	_ =	shalt  }
0x60: {  	_ =	shalt  }
0x61: {  	_ =	shalt  }
0x62: {  	_ =	shalt  }
0x63: {  	_ =	shalt  }
0x64: {  	_ =	shalt  }
0x65: {  	_ =	shalt  }
0x66: {  	_ =	shalt  }
0x67: {  	_ =	shalt  }
0x68: {  	_ =	shalt  }
0x69: {  	_ =	shalt  }
0x6a: {  	_ =	shalt  }
0x6b: {  	_ =	shalt  }
0x6c: {  	_ =	shalt  }
0x6d: {  	_ =	shalt  }
0x6e: {  	_ =	shalt  }
0x6f: {  	_ =	shalt  }
0x70: {  	_ =	shalt  }
0x71: {  	_ =	shalt  }
0x72: {  	_ =	shalt  }
0x73: {  	_ =	shalt  }
0x74: {  	_ =	shalt  }
0x75: {  	_ =	shalt  }
0x76: {  	_ =	shalt  }
0x77: {  	_ =	shalt  }
0x78: {  	_ =	shalt  }
0x79: {  	_ =	shalt  }
0x7a: {  	_ =	shalt  }
0x7b: {  	_ =	shalt  }
0x7c: {  	_ =	shalt  }
0x7d: {  	_ =	shalt  }
0x7e: {  	_ =	shalt  }
0x7f: {  	_ =	shalt  }
0x80: {  	_ =	shalt  }
0x81: {  	_ =	shalt  }
0x82: {  	_ =	shalt  }
0x83: {  	_ =	shalt  }
0x84: {  	_ =	shalt  }
0x85: {  	_ =	shalt  }
0x86: {  	_ =	shalt  }
0x87: {  	_ =	shalt  }
.Lfunc_end0:
.L_simem_size_0:
called_computation.1_lowered:
.L_overlay_start_0:
0x88: {  	s2 =	sld [smem:$0x3FD9]  }
0x89: {  	s3 =	sld [smem:$0x3FFE];
	_ =	sdelay $0x1  }
0x8a: {  	s1 =	srdreg.scid  }
0x8b: {  	s0 =	sand.u32 $0x1, s1  }
0x8c: {  	s17 =	sshll.u32 s0, $0xA;
	s2 =	sadd.s32 s3, s2  }
0x8d: {  	s2 =	sadd.s32 s2, s17  }
0x8e: {  	[smem:$0x3FC1] =	sst s2  }
0x8f: {  	_ = 	snop  }
0x90: {  	s2 =	sld [smem:$0x3FC4];
	(tm) =	ssettm $0x1  }
0x91: {  	s18 =	sld [smem:$0x3FFB];
	_ =	sdelay $0x3  }
0x92: {  	_ =	strace s18  }
0x93: {  	s3 =	sld [smem:$0x3FFC];
	_ =	sdelay $0x3  }
0x94: {  	_ =	strace s3  }
0x95: {  	s3 =	sld [smem:$0x3FFD];
	_ =	sdelay $0x3  }
0x96: {  	_ =	strace s3  }
0x97: {  	_ =	strace $0x8FFFFFFF  }
0x98: {  	s19 =	sld [smem:$0x3FDB];
	_ =	sdelay $0x1  }
0x99: {  	s4 =	simm.s32 $_scs_section_size  }
0x9a: {  	s5 =	simm.s32 $_size__tile_overlayer_lowered;
	s6 =	simm.s32 $_tile_overlayer_lowered  }
0x9b: {  	s22 =	simm.s32 $0x1BFF;
	s21 =	sshll.u32 s6, $0x1;
	s3 =	sadd.s32 s4, s19  }
0x9c: {  	s7 =	simm.s32 $0x0;
	s20 =	sshll.u32 s5, $0x1;
	s5 =	sadd.s32 s21, s3  }
0x9d: {  	[timem:s7], [sflag:s22] =	dma.local [hbm:s5], s20  }
0x9e: {  	_ =	swait.ge [sflag:s22], s20  }
0x9f: {  	s4 =	ssub.s32 $0x0, s20;
	[sflag:s22] =	ssyncset.done $0x0  }
0xa0: {  	[sflag:s22] =	ssyncadd.s32 s4;
	_ =	sdelay $0x1  }
0xa1: {  	s23 =	simm.s32 $0x1B8B  }
0xa2: {  	_ =	swait.ge [sflag:s23], $0x1  }
0xa3: {  	[sflag:s23] =	ssyncset.done $0x0  }
0xa4: {  	s25 =	simm.s32 $0x1B8E;
	s24 =	sld [smem:$0x3FFE];
	[sflag:s23] =	ssyncadd.s32 $0xFFFFFFFF  }
0xa5: {  	s26 =	simm.s32 $execute0_lowered;
	[smem:$0x3FD2] =	sst s25  }
0xa6: {  	s5 =	sshll.u32 s26, $0x1;
	_ =	strace $0x8000004C;
	[dreg:$0x1] =	wrdreg $0xFFFFFFFF  }
0xa7: {  	s28 =	simm.s32 $_size_execute0_lowered;
	s3 =	sadd.s32 s3, s5;
	[dreg:$0x0] =	wrdreg $0x0  }
0xa8: {  	s5 =	sshll.u32 s28, $0x1;
	[dreg:$0x2] =	wrdreg s3  }
0xa9: {  	[dreg:$0x3] =	wrdreg s5  }
0xaa: {  	[dreg:$0x4] =	wrdreg $0xC0  }
0xab: {  	_ =	task [dreg:s7], $0x5FFFF  }
0xac: {  	[dreg:$0x1] =	wrdreg $0xFFFFFFFF  }
0xad: {  	[dreg:$0x0] =	wrdreg $0x60  }
0xae: {  	[dreg:$0x2] =	wrdreg s2  }
0xaf: {  	[dreg:$0x3] =	wrdreg s24  }
0xb0: {  	[dreg:$0x4] =	wrdreg $0x9  }
0xb1: {  	_ =	task.clear_ibuf [dreg:s7], $0x5FFFF;
	_ =	strace $0x9000004C  }
0xb2: {  	s29 =	simm.s32 $0x9;
	_ =	strace $0x8000004E  }
0xb3: {  	_ =	swait.ge [sflag:s29], $0x1  }
0xb4: {  	[sflag:s29] =	ssyncadd.s32 $0xFFFFFFFF  }
0xb5: {  	_ =	strace $0x9000004E  }
0xb6: {  	_ =	sfence  }
0xb7: {  	s30 =	sld [smem:$0x0];
	_ =	sdelay $0x2  }
0xb8: {  	s31 =	sshll.u32 s1, $0xD;
	s1 =	sshrl.u32 s1, $0x2  }
0xb9: {  	s3 =	sand.u32 $0x4000, s31;
	s1 =	sadd.s32 s1, s30  }
0xba: {  	s0 =	sor.u32 s3, s0;
	s1 =	sshll.u32 s1, $0x11  }
0xbb: {  	s0 =	sor.u32 s1, s0  }
0xbc: {  	s0 =	sadd.s32 $0x8F2B, s0  }
0xbd: {  	[sflag:s0] =	ssyncadd.remote.s32 $0x1  }
0xbe: {  	_ =	sfence.sel $0xFFFF  }
0xbf: {  	[dreg:$0x0] =	wrdreg $0xFFFFFFFF;
	(pc) =	sbr.abs _section_cstart, $3  }
0xc0: {  	[dreg:$0x1] =	wrdreg $0xFFFFFFFF  }
0xc1: {  	_ =	task.clear_ibuf [dreg:s7], $0x2FFFF;
	_ =	strace $0x9FFFFFFF  }
0xc2: {  	(tm) =	ssettm $0x7FFFFFFF  }
0xc3: {  	_ =	shalt  }
tec
execute0_lowered:
.L_overlay_start_1:
0x0: {  	(tag) =	ssettag $0x1  }
0x1: {  	s2 =	rddreg [dreg:$0x0]  }
0x2: {  	s7 =	rddreg [dreg:$0x1]  }
0x3: {  	s0 =	rddreg [dreg:$0x2]  }
0x4: {  	s1 =	srdreg.scid;
	_ =	strace $0x8000004D;
	s4 =	simm.s32 $0x1  }
0x5: {  	s9 =	simm.s32 $0x3;
	s11 =	simm.s32 $0x0;
	s5 =	sshll.u32 s1, $0x4  }
.Ltmp0:
0x6: {  	s1 =	stileid.u32;
	s5 =	sand.u32 $0x10, s5;
	(pc) =	sbr.rel .LBB2_1-.Ltmp0, $4  }
0x7: {  	p0 =	por $0x0, $0x0;
	s3 =	sadd.s32 $0x4000, s7;
	s6 =	sor.u32 s1, s5  }
0x8: {  	[sflag:s4] =	ssyncpa.u1 $0x0;
	s5 =	simm.s32 $0x2;
	s6 =	sshll.u32 s6, $0xB  }
0x9: {  	s7 =	sadd.s32 $0x6000, s7;
	[sflag:s5] =	ssyncpa.u1 $0x0;
	s8 =	sadd.s32 $0x800, s6  }
0xa: {  	vm0 =	vmmov $0xff;
	vm1 =	vcmask $0x3F20;
	[sflag:s9] =	ssyncpa.u1 $0x0;
	s10 =	smov.u32 s6;
	s9 =	simm.s32 $0x0  }
.LBB2_8:
0xb: {  	[hbm:s15] =	stream.linear.scatter [tilespmem:s12], [sflag:$0x3], $0x800, $0x38;
	[tilespmem:$0x10100] =	vst v63  }
.LBB2_9:
0xc: {  	p1 =	slt.u32 s9, $0x2;
	s11 =	sadd.s32 $0x80, s10  }
0xd: {  	s13 =	smov.u32 s6;
	s9 =	sadd.s32 $0x1, s9;
	p2 =	slt.s32 s11, s8  }
0xe: {  	s13 =	smov.u32 @p2 s11;
	p2 =	sne.s32 s9, $0x12  }
.Ltmp1:
0xf: {  	_ = 	snop;
	(pc) =	sbr.rel @!p2 .LBB2_10-.Ltmp1, $4  }
0x10: {  	s12 =	simm.s32 @!p1 $0x3  }
0x11: {  	_ =	swait.ge @!p1 [sflag:s12], $0x8000  }
0x12: {  	p0 =	por !p0, !p0;
	[sflag:s12] =	ssyncset.done @!p1 $0x0  }
0x13: {  	s11 =	smov.u32 s10;
	s10 =	smov.u32 s13;
	[sflag:s12] =	ssyncadd.s32 @!p1 $0xFFFF8000  }
.LBB2_1:
0x14: {  	p1 =	sgt.u32 s9, $0xF  }
0x15: {  	s12 =	sxor.u32 @!p1 $0xFFFFFFFF, s9  }
0x16: {  	s13 =	sshrl.u32 @!p1 s10, $0x3;
	s12 =	sshll.u32 @!p1 s12, $0x7  }
0x17: {  	s14 =	sand.u32 @!p1 $0x7, s10;
	s13 =	sadd.s32 @!p1 s3, s13;
	s12 =	sand.u32 @!p1 $0x80, s12  }
0x18: {  	[tilespmem:s12], [sflag:$0x2] =	stream.linear.gather @!p1 [hbm4b:s13+s14], $0x80, $0x38;
	[tilespmem:$0x10100] =	vst v63  }
0x19: {  	p1 =	seq.s32 s9, $0x0  }
0x1a: {  	p2 =	seq.s32 @!p1 s9, $0x11  }
0x1b: {  	p1 =	por p1, p2  }
.Ltmp2:
0x1c: {  	_ = 	snop;
	(pc) =	sbr.rel @p1 .LBB2_9-.Ltmp2, $1  }
0x1d: {  	_ =	sdelay $0x3  }
0x1e: {  	s12 =	simm.s32 $0x1;
	_ =	swait.ge [sflag:s5], $0x80;
	s13 =	sand.u32 $0x1, s9  }
0x1f: {  	s15 =	simm.s32 $0x0;
	s12 =	simm.s32 @!p0 $0x0;
	[sflag:s5] =	ssyncset.done $0x0  }
0x20: {  	s14 =	sshll.u32 s13, $0xF;
	s13 =	sshll.u32 s13, $0x7;
	s12 =	sshll.u32 s12, $0xF  }
0x21: {  	[sflag:s5] =	ssyncadd.s32 $0xFFFFFF80;
	s14 =	sor.u32 $0x100, s14;
	s12 =	sor.u32 $0x100, s12  }
.LBB2_3:
0x22: {  	s16 =	sshll.u32 s15, $0x4  }
0x23: {  	s16 =	sand.u32 $0x3FFFFFF0, s16  }
0x24: {  	s16 =	sadd.s32 s16, s13  }
0x25: {  	v0 =	vld.msk [tilespmem:s16+$0x0 ss:$0x1], $0xffff;
	_ =	sdelay $0x4  }
0x26: {  	vm2 =	vgt.s32 v0, $0x0  }
0x27: {  	v0 =	vnsel vm2, $0x0, v0  }
0x28: {  	v0 =	vmin.u32 v0, $0xFFFF  }
0x29: {  	s31 =	sshll.u32 s15, $0xC;
	v1 =	vshll.u32 v0, $0x5;
	v0 =	vshll.u32 v0, $0x4  }
0x2a: {  	s16 =	sand.u32 $0x3FFFF000, s31;
	v1 =	vand.u32 $0x1FFF00, v1;
	v0 =	vand.u32 $0x70, v0  }
0x2b: {  	p1 =	por $0x1, $0x1;
	s17 =	simm.s32 $0x0;
	s16 =	sadd.s32 s16, s14;
	v0 =	vor.u32 v0, v1  }
.LBB2_4:
0x2c: {  	_ =	sdelay $0x1  }
0x2d: {  	s17 =	sshra.s32 s17, $0x2;
	p2 =	por p1, p1  }
.Ltmp3:
0x2e: {  	s17 =	sadd.s32 s17, s16;
	(pc) =	sbr.rel @p2 .LBB2_4-.Ltmp3, $4  }
0x2f: {  	[tilespmem:s17], [sflag:$0x1] =	stream.indirect_vreg.gather [hbm:s2], $0x80, v0, vm0, $0x38;
	[tilespmem:$0x10100] =	vst v63  }
0x30: {  	s17 =	sadd.s32 $0x800, s17  }
0x31: {  	[tilespmem:s17], [sflag:$0x1] =	stream.indirect_vreg.gather [hbm:s2], $0x80, v0, vm1, $0x38;
	[tilespmem:$0x10100] =	vst v63  }
0x32: {  	p1 =	por $0x0, $0x0;
	v0 =	vadd.s32 $0x80, v0;
	s17 =	simm.s32 $0x1000  }
0x33: {  	s15 =	sadd.s32 $0x1, s15  }
0x34: {  	p1 =	sne.s32 s15, $0x8  }
.Ltmp4:
0x35: {  	_ = 	snop;
	(pc) =	sbr.rel @p1 .LBB2_3-.Ltmp4, $1  }
0x36: {  	_ =	sdelay $0x3  }
0x37: {  	s13 =	sshll.u32 s11, $0x5  }
0x38: {  	s31 =	sshll.u32 s11, $0x4;
	s13 =	sand.u32 $0xFFFFFF00, s13  }
0x39: {  	_ =	swait.ge [sflag:s4], $0x8000;
	s11 =	sand.u32 $0x70, s31;
	s13 =	sadd.s32 s13, s7  }
0x3a: {  	s14 =	sadd.s32 $0x800, s12;
	[sflag:s4] =	ssyncset.done $0x0;
	s11 =	sadd.s32 s11, s13  }
0x3b: {  	[sflag:s4] =	ssyncadd.s32 $0xFFFF8000;
	s13 =	simm.s32 $0x100;
	s15 =	sadd.s32 $0x0, s11  }
.LBB2_7:
0x3c: {  	[hbm:s15] =	stream.linear.scatter [tilespmem:s12], [sflag:$0x3], $0x800, $0x38;
	[tilespmem:$0x10100] =	vst v63  }
0x3d: {  	s15 =	smov.u32 s13;
	s12 =	smov.u32 s14;
	p1 =	sne.s32 s13, $0xF00  }
.Ltmp5:
0x3e: {  	s13 =	sadd.s32 $0x100, s13;
	(pc) =	sbr.rel @p1 .LBB2_7-.Ltmp5, $2  }
0x3f: {  	_ =	sdelay $0x2  }
0x40: {  	s14 =	sadd.s32 $0x800, s14;
	s15 =	sadd.s32 s15, s11  }
.Ltmp6:
0x41: {  	_ = 	snop;
	(pc) =	sbr.rel .LBB2_8-.Ltmp6, $1  }
0x42: {  	_ =	sdelay $0x3  }
.LBB2_10:
0x43: {  	_ =	sfence.sel $0x180000  }
0x44: {  	s2 =	simm.s32 $0x2;
	[bflag:$0x0] =	sbarrier.arrive $0xFFFF  }
0x45: {  	s30 =	simm.s32 $0x3;
	[sflag:s2] =	ssyncpa.u1 $0x1  }
0x46: {  	s31 =	simm.s32 $0x1;
	[sflag:s30] =	ssyncpa.u1 $0x1  }
0x47: {  	[sflag:s31] =	ssyncpa.u1 $0x1  }
0x48: {  	p0 =	sne.s32 s1, $0x0;
	_ =	strace $0x9000004D  }
0x49: {  	s0 =	sadd.s32 @!p0 $0x100000, s0;
	[bflag:$0x2] =	sbarrier.arrive $0xFFFF  }
0x4a: {  	[sflag:s0] =	ssyncadd.tile.s32 @!p0 $0x1;
	_ =	shalt  }
.Lfunc_end2:
_tile_overlayer_lowered:
.L_overlay_start_2:
0x4b: {  	(tag) =	ssettag $0x2  }
0x4c: {  	s0 =	rddreg [dreg:$0x0];
	s2 =	stileid.u32  }
0x4d: {  	s1 =	rddreg [dreg:$0x1];
	p0 =	sne.s32 s2, $0x0  }
0x4e: {  	s3 =	rddreg [dreg:$0x2];
	[bflag:$0x3] =	sbarrier.arrive $0xFFFF;
	s2 =	simm.s32 @!p0 $0x1C01  }
0x4f: {  	[timem:s3], [sflag:s2] =	dma.local @!p0 [hbm:s0], s1  }
0x50: {  	s0 =	simm.s32 @!p0 $0x1  }
0x51: {  	_ =	swait.ge @!p0 [sflag:s0], s1  }
0x52: {  	s1 =	ssub.s32 @!p0 $0x0, s1;
	[sflag:s0] =	ssyncset.done @!p0 $0x0  }
0x53: {  	[sflag:s0] =	ssyncadd.s32 @!p0 s1  }
0x54: {  	[bflag:$0x3] =	sbarrier.arrive $0xFFFF  }
0x55: {  	_ =	shalt  }

// kernel: gather_offload_async_start.2
scs
__scs_entry_jumppad:
0x0: {  	(pc) =	sbr.rel $0x88, $3  }
0x1: {  	(tag) =	ssettag $0x0;
	lr =	simm.s32 $0x1  }
0x2: {  	[smem:$0x3F9A] =	sst lr;
	_ =	strace $0xD0000000  }
0x3: {  	_ = 	snop  }
0x4: {  	_ = 	snop  }
0x5: {  	_ = 	snop  }
0x6: {  	_ = 	snop  }
0x7: {  	_ = 	snop  }
__scs_overlays_trampoline_lowered:
0x8: {  	[smem:$0x3FA9] =	sst s0  }
0x9: {  	[smem:$0x3FAA] =	sst s1  }
0xa: {  	[smem:$0x3FAB] =	sst s2  }
0xb: {  	[smem:$0x3FAC] =	sst s3  }
0xc: {  	[smem:$0x3FAD] =	sst s4  }
0xd: {  	[smem:$0x3FAE] =	sst s5  }
0xe: {  	[smem:$0x3FAF] =	sst s6  }
0xf: {  	[smem:$0x3FB0] =	sst s7  }
0x10: {  	[smem:$0x3FB1] =	sst s8  }
0x11: {  	[smem:$0x3FB2] =	sst s9;
	s0 =	simm.s32 @!p0 $0x0  }
0x12: {  	s1 =	sld [smem:$0x3F98];
	s0 =	simm.s32 @p0 $0x1  }
0x13: {  	[smem:$0x3FB3] =	sst s0;
	s0 =	simm.s32 @!p1 $0x0  }
0x14: {  	s2 =	sld [smem:$0x3F97];
	s0 =	simm.s32 @p1 $0x1  }
0x15: {  	[smem:$0x3FB4] =	sst s0;
	s0 =	simm.s32 @!p2 $0x0  }
0x16: {  	s3 =	sld [smem:$0x3FDB];
	s0 =	simm.s32 @p2 $0x1  }
0x17: {  	s4 =	simm.s32 $0x1BF5;
	[smem:$0x3FB6] =	sst s0  }
0x18: {  	s0 =	sld [smem:$0x3F99];
	_ =	swait.ge [sflag:s4], $0x0  }
0x19: {  	s7 =	sld [smem:$0x3F9A]  }
0x1a: {  	s8 =	sadd.s32 $0xFFFFE003, lr  }
0x1b: {  	s9 =	sadd.s32 $0xFFFFFEF7, lr;
	s5 =	simm.s32 $0xFFFFFFFF;
	p2 =	slt.u32 s8, $0xFFFFF086  }
0x1c: {  	p1 =	slt.u32 s9, $0xF7A;
	s5 =	simm.s32 @!p2 $0x0  }
0x1d: {  	s5 =	simm.s32 @p1 $0x1;
	p0 =	seq.s32 s7, s2  }
0x1e: {  	s7 =	smul.u32 @!p0 $0xF7A, s2;
	p2 =	seq.s32 @!p0 s5, $0x0  }
0x1f: {  	s9 =	smul.u32 $0xF7A, s1;
	s8 =	simm.s32 @!p0 $0x1BF5;
	p2 =	por !p2, p0  }
0x20: {  	[sflag:s8] =	ssyncset.s32 @!p0 $0xFFFFF086;
	s6 =	sadd.s32 @!p0 s3, s7;
	s7 =	simm.s32 @!p0 $0x108  }
0x21: {  	s3 =	sadd.s32 s3, s9;
	s6 =	sadd.s32 @!p0 $0x88, s6;
	s7 =	simm.s32 @p2 $0x1082  }
0x22: {  	[simem:s7], [sflag:s8] =	dma.local @!p0 [hbm:s6], $0xF7A  }
0x23: {  	s9 =	sor.u32 $0xD0000000, s2;
	s6 =	simm.s32 $0x108;
	_ =	swait.ge @!p0 [sflag:s8], $0x0  }
0x24: {  	s3 =	sadd.s32 $0x88, s3;
	s6 =	simm.s32 @!p1 $0x1082;
	[sflag:s4] =	ssyncset.s32 $0xFFFFF086  }
0x25: {  	[simem:s6], [sflag:s4] =	dma.local [hbm:s3], $0xF7A  }
0x26: {  	[smem:$0x3F9A] =	sst s1;
	(tag) =	ssettag s2;
	_ =	strace s9  }
0x27: {  	s1 =	sld [smem:$0x3FAA]  }
0x28: {  	s2 =	sld [smem:$0x3FAB]  }
0x29: {  	s4 =	sld [smem:$0x3FAD]  }
0x2a: {  	p0 =	seq.s32 s5, $0x0;
	s5 =	sld [smem:$0x3FAE]  }
0x2b: {  	s6 =	sld [smem:$0x3FAF]  }
0x2c: {  	s7 =	sld [smem:$0x3FB0]  }
0x2d: {  	s3 =	simm.s32 $0x108;
	s8 =	sld [smem:$0x3FB1]  }
0x2e: {  	s3 =	simm.s32 @!p0 $0x1082;
	s9 =	sld [smem:$0x3FB2]  }
0x2f: {  	lr =	sadd.s32 s0, s3;
	s0 =	sld [smem:$0x3FA9]  }
0x30: {  	s3 =	sld [smem:$0x3FAC]  }
0x31: {  	[smem:$0x3FB5] =	sst s10  }
0x32: {  	s10 =	sld [smem:$0x3FB3];
	_ =	sdelay $0x3  }
0x33: {  	p0 =	seq.s32 s10, $0x1;
	s10 =	sld [smem:$0x3FB5];
	_ =	sdelay $0x3  }
0x34: {  	[smem:$0x3FB5] =	sst s10  }
0x35: {  	s10 =	sld [smem:$0x3FB4];
	_ =	sdelay $0x3  }
0x36: {  	p1 =	seq.s32 s10, $0x1;
	s10 =	sld [smem:$0x3FB5];
	_ =	sdelay $0x3  }
0x37: {  	[smem:$0x3FB5] =	sst s10  }
0x38: {  	s10 =	sld [smem:$0x3FB6]  }
0x39: {  	_ = 	snop;
	(pc) =	sbr.ind lr, $3  }
0x3a: {  	_ = 	snop  }
0x3b: {  	_ = 	snop  }
0x3c: {  	p2 =	seq.s32 s10, $0x1;
	s10 =	sld [smem:$0x3FB5]  }
0x3d: {  	_ =	shalt  }
0x3e: {  	_ =	shalt  }
0x3f: {  	_ =	shalt  }
0x40: {  	_ =	shalt  }
0x41: {  	_ =	shalt  }
0x42: {  	_ =	shalt  }
0x43: {  	_ =	shalt  }
0x44: {  	_ =	shalt  }
0x45: {  	_ =	shalt  }
0x46: {  	_ =	shalt  }
0x47: {  	_ =	shalt  }
0x48: {  	_ =	shalt  }
0x49: {  	_ =	shalt  }
0x4a: {  	_ =	shalt  }
0x4b: {  	_ =	shalt  }
0x4c: {  	_ =	shalt  }
0x4d: {  	_ =	shalt  }
0x4e: {  	_ =	shalt  }
0x4f: {  	_ =	shalt  }
0x50: {  	_ =	shalt  }
0x51: {  	_ =	shalt  }
0x52: {  	_ =	shalt  }
0x53: {  	_ =	shalt  }
0x54: {  	_ =	shalt  }
0x55: {  	_ =	shalt  }
0x56: {  	_ =	shalt  }
0x57: {  	_ =	shalt  }
0x58: {  	_ =	shalt  }
0x59: {  	_ =	shalt  }
0x5a: {  	_ =	shalt  }
0x5b: {  	_ =	shalt  }
0x5c: {  	_ =	shalt  }
0x5d: {  	_ =	shalt  }
0x5e: {  	_ =	shalt  }
0x5f: {  	_ =	shalt  }
0x60: {  	_ =	shalt  }
0x61: {  	_ =	shalt  }
0x62: {  	_ =	shalt  }
0x63: {  	_ =	shalt  }
0x64: {  	_ =	shalt  }
0x65: {  	_ =	shalt  }
0x66: {  	_ =	shalt  }
0x67: {  	_ =	shalt  }
0x68: {  	_ =	shalt  }
0x69: {  	_ =	shalt  }
0x6a: {  	_ =	shalt  }
0x6b: {  	_ =	shalt  }
0x6c: {  	_ =	shalt  }
0x6d: {  	_ =	shalt  }
0x6e: {  	_ =	shalt  }
0x6f: {  	_ =	shalt  }
0x70: {  	_ =	shalt  }
0x71: {  	_ =	shalt  }
0x72: {  	_ =	shalt  }
0x73: {  	_ =	shalt  }
0x74: {  	_ =	shalt  }
0x75: {  	_ =	shalt  }
0x76: {  	_ =	shalt  }
0x77: {  	_ =	shalt  }
0x78: {  	_ =	shalt  }
0x79: {  	_ =	shalt  }
0x7a: {  	_ =	shalt  }
0x7b: {  	_ =	shalt  }
0x7c: {  	_ =	shalt  }
0x7d: {  	_ =	shalt  }
0x7e: {  	_ =	shalt  }
0x7f: {  	_ =	shalt  }
0x80: {  	_ =	shalt  }
0x81: {  	_ =	shalt  }
0x82: {  	_ =	shalt  }
0x83: {  	_ =	shalt  }
0x84: {  	_ =	shalt  }
0x85: {  	_ =	shalt  }
0x86: {  	_ =	shalt  }
0x87: {  	_ =	shalt  }
.Lfunc_end0:
.L_simem_size_0:
called_computation.2_lowered:
.L_overlay_start_0:
0x88: {  	s2 =	sld [smem:$0x3FD9]  }
0x89: {  	s3 =	sld [smem:$0x3FFE];
	_ =	sdelay $0x1  }
0x8a: {  	s1 =	srdreg.scid  }
0x8b: {  	s0 =	sand.u32 $0x1, s1  }
0x8c: {  	s17 =	sshll.u32 s0, $0xA;
	s2 =	sadd.s32 s3, s2  }
0x8d: {  	s2 =	sadd.s32 s2, s17  }
0x8e: {  	[smem:$0x3FC1] =	sst s2  }
0x8f: {  	_ = 	snop  }
0x90: {  	s18 =	sld [smem:$0x3FC6];
	(tm) =	ssettm $0x1  }
0x91: {  	s19 =	sld [smem:$0x3FFB];
	_ =	sdelay $0x3  }
0x92: {  	_ =	strace s19  }
0x93: {  	s2 =	sld [smem:$0x3FFC];
	_ =	sdelay $0x3  }
0x94: {  	_ =	strace s2  }
0x95: {  	s2 =	sld [smem:$0x3FFD];
	_ =	sdelay $0x3  }
0x96: {  	_ =	strace s2  }
0x97: {  	_ =	strace $0x8FFFFFFF  }
0x98: {  	s20 =	sld [smem:$0x3FDB];
	_ =	sdelay $0x1  }
0x99: {  	s4 =	simm.s32 $_scs_section_size  }
0x9a: {  	s5 =	simm.s32 $_size__tile_overlayer_lowered;
	s6 =	simm.s32 $_tile_overlayer_lowered  }
0x9b: {  	s7 =	simm.s32 $0x1BFF;
	s21 =	sshll.u32 s6, $0x1;
	s4 =	sadd.s32 s4, s20  }
0x9c: {  	s22 =	simm.s32 $0x0;
	s5 =	sshll.u32 s5, $0x1;
	s6 =	sadd.s32 s21, s4  }
0x9d: {  	[timem:s22], [sflag:s7] =	dma.local [hbm:s6], s5  }
0x9e: {  	_ =	swait.ge [sflag:s7], s5  }
0x9f: {  	s5 =	ssub.s32 $0x0, s5;
	[sflag:s7] =	ssyncset.done $0x0  }
0xa0: {  	[sflag:s7] =	ssyncadd.s32 s5;
	_ =	sdelay $0x1  }
0xa1: {  	s23 =	simm.s32 $0x1B8B  }
0xa2: {  	_ =	swait.ge [sflag:s23], $0x1  }
0xa3: {  	[sflag:s23] =	ssyncset.done $0x0  }
0xa4: {  	[sflag:s23] =	ssyncadd.s32 $0xFFFFFFFF  }
0xa5: {  	s5 =	sld [smem:$0x0]  }
0xa6: {  	s6 =	sand.u32 $0xFFFFFFFE, s1  }
0xa7: {  	p0 =	sne.s32 s1, s6  }
0xa8: {  	s6 =	sshll.u32 @p0 s6, $0xE  }
0xa9: {  	s6 =	sadd.s32 @p0 $0x11B8D, s6;
	s7 =	sshll.u32 @p0 s5, $0x11  }
0xaa: {  	s6 =	sor.u32 @p0 s7, s6  }
0xab: {  	[sflag:s6] =	ssyncadd.remote.s32 @p0 $0x1;
	_ =	sdelay $0x1  }
0xac: {  	s6 =	simm.s32 @p0 $0x1B8D  }
0xad: {  	_ =	swait.eq @p0 [sflag:s6], $0x1  }
0xae: {  	[sflag:s6] =	ssyncadd.s32 @p0 $0xFFFFFFFF  }
0xaf: {  	s7 =	sshll.u32 @!p0 s1, $0xE  }
0xb0: {  	s7 =	sor.u32 @!p0 $0x4000, s7;
	s6 =	simm.s32 @!p0 $0x1B8D  }
0xb1: {  	s5 =	sshll.u32 @!p0 s5, $0x11;
	s7 =	sadd.s32 @!p0 $0x11B8D, s7;
	_ =	swait.eq @!p0 [sflag:s6], $0x1  }
0xb2: {  	s5 =	sor.u32 @!p0 s5, s7;
	[sflag:s6] =	ssyncadd.s32 @!p0 $0xFFFFFFFF  }
0xb3: {  	s25 =	simm.s32 $0x1B8E;
	s24 =	sld [smem:$0x3FFE];
	[sflag:s5] =	ssyncadd.remote.s32 @!p0 $0x1  }
0xb4: {  	s26 =	simm.s32 $execute0_lowered;
	[smem:$0x3FD2] =	sst s25  }
0xb5: {  	s6 =	sshll.u32 s26, $0x1;
	_ =	strace $0x8000004F;
	[dreg:$0x1] =	wrdreg $0xFFFFFFFF  }
0xb6: {  	s28 =	simm.s32 $_size_execute0_lowered;
	s4 =	sadd.s32 s4, s6;
	[dreg:$0x0] =	wrdreg $0x0  }
0xb7: {  	s6 =	sshll.u32 s28, $0x1;
	[dreg:$0x2] =	wrdreg s4  }
0xb8: {  	[dreg:$0x3] =	wrdreg s6  }
0xb9: {  	[dreg:$0x4] =	wrdreg $0xC0  }
0xba: {  	_ =	task [dreg:s22], $0x5FFFF  }
0xbb: {  	[dreg:$0x1] =	wrdreg $0xFFFFFFFF  }
0xbc: {  	[dreg:$0x0] =	wrdreg $0x60  }
0xbd: {  	[dreg:$0x2] =	wrdreg s18  }
0xbe: {  	[dreg:$0x3] =	wrdreg s24  }
0xbf: {  	[dreg:$0x4] =	wrdreg $0xA  }
0xc0: {  	_ =	task.clear_ibuf [dreg:s22], $0x5FFFF;
	_ =	strace $0x9000004F  }
0xc1: {  	s29 =	simm.s32 $0xA;
	_ =	strace $0x80000051  }
0xc2: {  	_ =	swait.ge [sflag:s29], $0x1  }
0xc3: {  	[sflag:s29] =	ssyncadd.s32 $0xFFFFFFFF  }
0xc4: {  	_ =	strace $0x90000051  }
0xc5: {  	_ =	sfence  }
0xc6: {  	s30 =	sld [smem:$0x0];
	_ =	sdelay $0x2  }
0xc7: {  	s31 =	sshll.u32 s1, $0xD;
	s1 =	sshrl.u32 s1, $0x2  }
0xc8: {  	s4 =	sand.u32 $0x4000, s31;
	s1 =	sadd.s32 s1, s30  }
0xc9: {  	s0 =	sor.u32 s4, s0;
	s1 =	sshll.u32 s1, $0x11  }
0xca: {  	s0 =	sor.u32 s1, s0  }
0xcb: {  	s0 =	sadd.s32 $0x8F2B, s0  }
0xcc: {  	[sflag:s0] =	ssyncadd.remote.s32 $0x1  }
0xcd: {  	_ =	sfence.sel $0xFFFF  }
0xce: {  	[dreg:$0x0] =	wrdreg $0xFFFFFFFF;
	(pc) =	sbr.abs _section_cstart, $3  }
0xcf: {  	[dreg:$0x1] =	wrdreg $0xFFFFFFFF  }
0xd0: {  	_ =	task.clear_ibuf [dreg:s22], $0x2FFFF;
	_ =	strace $0x9FFFFFFF  }
0xd1: {  	(tm) =	ssettm $0x7FFFFFFF  }
tec
execute0_lowered:
.L_overlay_start_1:
0x0: {  	(tag) =	ssettag $0x1  }
0x1: {  	s2 =	rddreg [dreg:$0x0]  }
0x2: {  	s7 =	rddreg [dreg:$0x1]  }
0x3: {  	s0 =	rddreg [dreg:$0x2]  }
0x4: {  	s1 =	srdreg.scid;
	_ =	strace $0x80000050;
	s4 =	simm.s32 $0x1  }
0x5: {  	s9 =	simm.s32 $0x3;
	s11 =	simm.s32 $0x0;
	s5 =	sshll.u32 s1, $0x4  }
.Ltmp0:
0x6: {  	s1 =	stileid.u32;
	s5 =	sand.u32 $0x10, s5;
	(pc) =	sbr.rel .LBB2_1-.Ltmp0, $4  }
0x7: {  	p0 =	por $0x0, $0x0;
	s3 =	sadd.s32 $0x206000, s7;
	s6 =	sor.u32 s1, s5  }
0x8: {  	[sflag:s4] =	ssyncpa.u1 $0x0;
	s5 =	simm.s32 $0x2;
	s6 =	sshll.u32 s6, $0xB  }
0x9: {  	s7 =	sadd.s32 $0x208000, s7;
	[sflag:s5] =	ssyncpa.u1 $0x0;
	s8 =	sadd.s32 $0x800, s6  }
0xa: {  	vm0 =	vmmov $0xff;
	vm1 =	vcmask $0x3F20;
	[sflag:s9] =	ssyncpa.u1 $0x0;
	s10 =	smov.u32 s6;
	s9 =	simm.s32 $0x0  }
.LBB2_8:
0xb: {  	[hbm:s15] =	stream.linear.scatter [tilespmem:s12], [sflag:$0x3], $0x800, $0x38;
	[tilespmem:$0x10100] =	vst v63  }
.LBB2_9:
0xc: {  	p1 =	slt.u32 s9, $0x2;
	s11 =	sadd.s32 $0x80, s10  }
0xd: {  	s13 =	smov.u32 s6;
	s9 =	sadd.s32 $0x1, s9;
	p2 =	slt.s32 s11, s8  }
0xe: {  	s13 =	smov.u32 @p2 s11;
	p2 =	sne.s32 s9, $0x12  }
.Ltmp1:
0xf: {  	_ = 	snop;
	(pc) =	sbr.rel @!p2 .LBB2_10-.Ltmp1, $4  }
0x10: {  	s12 =	simm.s32 @!p1 $0x3  }
0x11: {  	_ =	swait.ge @!p1 [sflag:s12], $0x8000  }
0x12: {  	p0 =	por !p0, !p0;
	[sflag:s12] =	ssyncset.done @!p1 $0x0  }
0x13: {  	s11 =	smov.u32 s10;
	s10 =	smov.u32 s13;
	[sflag:s12] =	ssyncadd.s32 @!p1 $0xFFFF8000  }
.LBB2_1:
0x14: {  	p1 =	sgt.u32 s9, $0xF  }
0x15: {  	s12 =	sxor.u32 @!p1 $0xFFFFFFFF, s9  }
0x16: {  	s13 =	sshrl.u32 @!p1 s10, $0x3;
	s12 =	sshll.u32 @!p1 s12, $0x7  }
0x17: {  	s14 =	sand.u32 @!p1 $0x7, s10;
	s13 =	sadd.s32 @!p1 s3, s13;
	s12 =	sand.u32 @!p1 $0x80, s12  }
0x18: {  	[tilespmem:s12], [sflag:$0x2] =	stream.linear.gather @!p1 [hbm4b:s13+s14], $0x80, $0x38;
	[tilespmem:$0x10100] =	vst v63  }
0x19: {  	p1 =	seq.s32 s9, $0x0  }
0x1a: {  	p2 =	seq.s32 @!p1 s9, $0x11  }
0x1b: {  	p1 =	por p1, p2  }
.Ltmp2:
0x1c: {  	_ = 	snop;
	(pc) =	sbr.rel @p1 .LBB2_9-.Ltmp2, $1  }
0x1d: {  	_ =	sdelay $0x3  }
0x1e: {  	s12 =	simm.s32 $0x1;
	_ =	swait.ge [sflag:s5], $0x80;
	s13 =	sand.u32 $0x1, s9  }
0x1f: {  	s15 =	simm.s32 $0x0;
	s12 =	simm.s32 @!p0 $0x0;
	[sflag:s5] =	ssyncset.done $0x0  }
0x20: {  	s14 =	sshll.u32 s13, $0xF;
	s13 =	sshll.u32 s13, $0x7;
	s12 =	sshll.u32 s12, $0xF  }
0x21: {  	[sflag:s5] =	ssyncadd.s32 $0xFFFFFF80;
	s14 =	sor.u32 $0x100, s14;
	s12 =	sor.u32 $0x100, s12  }
.LBB2_3:
0x22: {  	s16 =	sshll.u32 s15, $0x4  }
0x23: {  	s16 =	sand.u32 $0x3FFFFFF0, s16  }
0x24: {  	s16 =	sadd.s32 s16, s13  }
0x25: {  	v0 =	vld.msk [tilespmem:s16+$0x0 ss:$0x1], $0xffff;
	_ =	sdelay $0x4  }
0x26: {  	v1 =	vshrl.u32 v0, $0xA  }
0x27: {  	vm2 =	veq.s32 v0, $0x80000000;
	v1 =	vand.u32 $0xFF, v1  }
0x28: {  	v0 =	vshll.u32 v0, $0x10;
	v1 =	vsel vm2, $0xFFFFFFFF, v1  }
0x29: {  	v0 =	vand.u32 $0x3FF0000, v0;
	v2 =	vshll.u32 v1, $0x8  }
0x2a: {  	v0 =	vsel vm2, $0xFFFF0000, v0;
	v1 =	vshll.u32 v1, $0x7;
	v2 =	vand.u32 $0xFFFFF800, v2  }
0x2b: {  	s31 =	sshll.u32 s15, $0xC;
	v1 =	vand.u32 $0x380, v1;
	v0 =	vadd.s32 v0, v2  }
0x2c: {  	s16 =	sand.u32 $0x3FFFF000, s31;
	v0 =	vor.u32 v1, v0  }
0x2d: {  	p1 =	por $0x1, $0x1;
	s17 =	simm.s32 $0x0;
	s16 =	sadd.s32 s16, s14;
	v0 =	vshrl.u32 v0, $0x3  }
.LBB2_4:
0x2e: {  	_ =	sdelay $0x1  }
0x2f: {  	s17 =	sshra.s32 s17, $0x2;
	p2 =	por p1, p1  }
.Ltmp3:
0x30: {  	s17 =	sadd.s32 s17, s16;
	(pc) =	sbr.rel @p2 .LBB2_4-.Ltmp3, $4  }
0x31: {  	[tilespmem:s17], [sflag:$0x1] =	stream.indirect_vreg.gather [hbm:s2], $0x80, v0, vm0, $0x38;
	[tilespmem:$0x10100] =	vst v63  }
0x32: {  	s17 =	sadd.s32 $0x800, s17  }
0x33: {  	[tilespmem:s17], [sflag:$0x1] =	stream.indirect_vreg.gather [hbm:s2], $0x80, v0, vm1, $0x38;
	[tilespmem:$0x10100] =	vst v63  }
0x34: {  	p1 =	por $0x0, $0x0;
	v0 =	vadd.s32 $0x80, v0;
	s17 =	simm.s32 $0x1000  }
0x35: {  	s15 =	sadd.s32 $0x1, s15  }
0x36: {  	p1 =	sne.s32 s15, $0x8  }
.Ltmp4:
0x37: {  	_ = 	snop;
	(pc) =	sbr.rel @p1 .LBB2_3-.Ltmp4, $1  }
0x38: {  	_ =	sdelay $0x3  }
0x39: {  	s13 =	sshll.u32 s11, $0x5  }
0x3a: {  	s31 =	sshll.u32 s11, $0x4;
	s13 =	sand.u32 $0xFFFFFF00, s13  }
0x3b: {  	_ =	swait.ge [sflag:s4], $0x8000;
	s11 =	sand.u32 $0x70, s31;
	s13 =	sadd.s32 s13, s7  }
0x3c: {  	s14 =	sadd.s32 $0x800, s12;
	[sflag:s4] =	ssyncset.done $0x0;
	s11 =	sadd.s32 s11, s13  }
0x3d: {  	[sflag:s4] =	ssyncadd.s32 $0xFFFF8000;
	s13 =	simm.s32 $0x100;
	s15 =	sadd.s32 $0x0, s11  }
.LBB2_7:
0x3e: {  	[hbm:s15] =	stream.linear.scatter [tilespmem:s12], [sflag:$0x3], $0x800, $0x38;
	[tilespmem:$0x10100] =	vst v63  }
0x3f: {  	s15 =	smov.u32 s13;
	s12 =	smov.u32 s14;
	p1 =	sne.s32 s13, $0xF00  }
.Ltmp5:
0x40: {  	s13 =	sadd.s32 $0x100, s13;
	(pc) =	sbr.rel @p1 .LBB2_7-.Ltmp5, $2  }
0x41: {  	_ =	sdelay $0x2  }
0x42: {  	s14 =	sadd.s32 $0x800, s14;
	s15 =	sadd.s32 s15, s11  }
.Ltmp6:
0x43: {  	_ = 	snop;
	(pc) =	sbr.rel .LBB2_8-.Ltmp6, $1  }
0x44: {  	_ =	sdelay $0x3  }
.LBB2_10:
0x45: {  	_ =	sfence.sel $0x180000  }
0x46: {  	s2 =	simm.s32 $0x2;
	[bflag:$0x0] =	sbarrier.arrive $0xFFFF  }
0x47: {  	s30 =	simm.s32 $0x3;
	[sflag:s2] =	ssyncpa.u1 $0x1  }
0x48: {  	s31 =	simm.s32 $0x1;
	[sflag:s30] =	ssyncpa.u1 $0x1  }
0x49: {  	[sflag:s31] =	ssyncpa.u1 $0x1  }
0x4a: {  	p0 =	sne.s32 s1, $0x0;
	_ =	strace $0x90000050  }
0x4b: {  	s0 =	sadd.s32 @!p0 $0x100000, s0;
	[bflag:$0x2] =	sbarrier.arrive $0xFFFF  }
0x4c: {  	[sflag:s0] =	ssyncadd.tile.s32 @!p0 $0x1;
	_ =	shalt  }
.Lfunc_end2:
_tile_overlayer_lowered:
.L_overlay_start_2:
0x4d: {  	(tag) =	ssettag $0x2  }
0x4e: {  	s0 =	rddreg [dreg:$0x0];
	s2 =	stileid.u32  }
0x4f: {  	s1 =	rddreg [dreg:$0x1];
	p0 =	sne.s32 s2, $0x0  }
0x50: {  	s3 =	rddreg [dreg:$0x2];
	[bflag:$0x3] =	sbarrier.arrive $0xFFFF;
	s2 =	simm.s32 @!p0 $0x1C01  }
0x51: {  	[timem:s3], [sflag:s2] =	dma.local @!p0 [hbm:s0], s1  }
0x52: {  	s0 =	simm.s32 @!p0 $0x1  }
0x53: {  	_ =	swait.ge @!p0 [sflag:s0], s1  }
0x54: {  	s1 =	ssub.s32 @!p0 $0x0, s1;
	[sflag:s0] =	ssyncset.done @!p0 $0x0  }
0x55: {  	[sflag:s0] =	ssyncadd.s32 @!p0 s1  }
0x56: {  	[bflag:$0x3] =	sbarrier.arrive $0xFFFF  }
0x57: {  	_ =	shalt  }

// kernel: gather_offload_async_start
scs
__scs_entry_jumppad:
0x0: {  	(pc) =	sbr.rel $0x88, $3  }
0x1: {  	(tag) =	ssettag $0x0;
	lr =	simm.s32 $0x1  }
0x2: {  	[smem:$0x3F9A] =	sst lr;
	_ =	strace $0xD0000000  }
0x3: {  	_ = 	snop  }
0x4: {  	_ = 	snop  }
0x5: {  	_ = 	snop  }
0x6: {  	_ = 	snop  }
0x7: {  	_ = 	snop  }
__scs_overlays_trampoline_lowered:
0x8: {  	[smem:$0x3FA9] =	sst s0  }
0x9: {  	[smem:$0x3FAA] =	sst s1  }
0xa: {  	[smem:$0x3FAB] =	sst s2  }
0xb: {  	[smem:$0x3FAC] =	sst s3  }
0xc: {  	[smem:$0x3FAD] =	sst s4  }
0xd: {  	[smem:$0x3FAE] =	sst s5  }
0xe: {  	[smem:$0x3FAF] =	sst s6  }
0xf: {  	[smem:$0x3FB0] =	sst s7  }
0x10: {  	[smem:$0x3FB1] =	sst s8  }
0x11: {  	[smem:$0x3FB2] =	sst s9;
	s0 =	simm.s32 @!p0 $0x0  }
0x12: {  	s1 =	sld [smem:$0x3F98];
	s0 =	simm.s32 @p0 $0x1  }
0x13: {  	[smem:$0x3FB3] =	sst s0;
	s0 =	simm.s32 @!p1 $0x0  }
0x14: {  	s2 =	sld [smem:$0x3F97];
	s0 =	simm.s32 @p1 $0x1  }
0x15: {  	[smem:$0x3FB4] =	sst s0;
	s0 =	simm.s32 @!p2 $0x0  }
0x16: {  	s3 =	sld [smem:$0x3FDB];
	s0 =	simm.s32 @p2 $0x1  }
0x17: {  	s4 =	simm.s32 $0x1BF5;
	[smem:$0x3FB6] =	sst s0  }
0x18: {  	s0 =	sld [smem:$0x3F99];
	_ =	swait.ge [sflag:s4], $0x0  }
0x19: {  	s7 =	sld [smem:$0x3F9A]  }
0x1a: {  	s8 =	sadd.s32 $0xFFFFE003, lr  }
0x1b: {  	s9 =	sadd.s32 $0xFFFFFEF7, lr;
	s5 =	simm.s32 $0xFFFFFFFF;
	p2 =	slt.u32 s8, $0xFFFFF086  }
0x1c: {  	p1 =	slt.u32 s9, $0xF7A;
	s5 =	simm.s32 @!p2 $0x0  }
0x1d: {  	s5 =	simm.s32 @p1 $0x1;
	p0 =	seq.s32 s7, s2  }
0x1e: {  	s7 =	smul.u32 @!p0 $0xF7A, s2;
	p2 =	seq.s32 @!p0 s5, $0x0  }
0x1f: {  	s9 =	smul.u32 $0xF7A, s1;
	s8 =	simm.s32 @!p0 $0x1BF5;
	p2 =	por !p2, p0  }
0x20: {  	[sflag:s8] =	ssyncset.s32 @!p0 $0xFFFFF086;
	s6 =	sadd.s32 @!p0 s3, s7;
	s7 =	simm.s32 @!p0 $0x108  }
0x21: {  	s3 =	sadd.s32 s3, s9;
	s6 =	sadd.s32 @!p0 $0x88, s6;
	s7 =	simm.s32 @p2 $0x1082  }
0x22: {  	[simem:s7], [sflag:s8] =	dma.local @!p0 [hbm:s6], $0xF7A  }
0x23: {  	s9 =	sor.u32 $0xD0000000, s2;
	s6 =	simm.s32 $0x108;
	_ =	swait.ge @!p0 [sflag:s8], $0x0  }
0x24: {  	s3 =	sadd.s32 $0x88, s3;
	s6 =	simm.s32 @!p1 $0x1082;
	[sflag:s4] =	ssyncset.s32 $0xFFFFF086  }
0x25: {  	[simem:s6], [sflag:s4] =	dma.local [hbm:s3], $0xF7A  }
0x26: {  	[smem:$0x3F9A] =	sst s1;
	(tag) =	ssettag s2;
	_ =	strace s9  }
0x27: {  	s1 =	sld [smem:$0x3FAA]  }
0x28: {  	s2 =	sld [smem:$0x3FAB]  }
0x29: {  	s4 =	sld [smem:$0x3FAD]  }
0x2a: {  	p0 =	seq.s32 s5, $0x0;
	s5 =	sld [smem:$0x3FAE]  }
0x2b: {  	s6 =	sld [smem:$0x3FAF]  }
0x2c: {  	s7 =	sld [smem:$0x3FB0]  }
0x2d: {  	s3 =	simm.s32 $0x108;
	s8 =	sld [smem:$0x3FB1]  }
0x2e: {  	s3 =	simm.s32 @!p0 $0x1082;
	s9 =	sld [smem:$0x3FB2]  }
0x2f: {  	lr =	sadd.s32 s0, s3;
	s0 =	sld [smem:$0x3FA9]  }
0x30: {  	s3 =	sld [smem:$0x3FAC]  }
0x31: {  	[smem:$0x3FB5] =	sst s10  }
0x32: {  	s10 =	sld [smem:$0x3FB3];
	_ =	sdelay $0x3  }
0x33: {  	p0 =	seq.s32 s10, $0x1;
	s10 =	sld [smem:$0x3FB5];
	_ =	sdelay $0x3  }
0x34: {  	[smem:$0x3FB5] =	sst s10  }
0x35: {  	s10 =	sld [smem:$0x3FB4];
	_ =	sdelay $0x3  }
0x36: {  	p1 =	seq.s32 s10, $0x1;
	s10 =	sld [smem:$0x3FB5];
	_ =	sdelay $0x3  }
0x37: {  	[smem:$0x3FB5] =	sst s10  }
0x38: {  	s10 =	sld [smem:$0x3FB6]  }
0x39: {  	_ = 	snop;
	(pc) =	sbr.ind lr, $3  }
0x3a: {  	_ = 	snop  }
0x3b: {  	_ = 	snop  }
0x3c: {  	p2 =	seq.s32 s10, $0x1;
	s10 =	sld [smem:$0x3FB5]  }
0x3d: {  	_ =	shalt  }
0x3e: {  	_ =	shalt  }
0x3f: {  	_ =	shalt  }
0x40: {  	_ =	shalt  }
0x41: {  	_ =	shalt  }
0x42: {  	_ =	shalt  }
0x43: {  	_ =	shalt  }
0x44: {  	_ =	shalt  }
0x45: {  	_ =	shalt  }
0x46: {  	_ =	shalt  }
0x47: {  	_ =	shalt  }
0x48: {  	_ =	shalt  }
0x49: {  	_ =	shalt  }
0x4a: {  	_ =	shalt  }
0x4b: {  	_ =	shalt  }
0x4c: {  	_ =	shalt  }
0x4d: {  	_ =	shalt  }
0x4e: {  	_ =	shalt  }
0x4f: {  	_ =	shalt  }
0x50: {  	_ =	shalt  }
0x51: {  	_ =	shalt  }
0x52: {  	_ =	shalt  }
0x53: {  	_ =	shalt  }
0x54: {  	_ =	shalt  }
0x55: {  	_ =	shalt  }
0x56: {  	_ =	shalt  }
0x57: {  	_ =	shalt  }
0x58: {  	_ =	shalt  }
0x59: {  	_ =	shalt  }
0x5a: {  	_ =	shalt  }
0x5b: {  	_ =	shalt  }
0x5c: {  	_ =	shalt  }
0x5d: {  	_ =	shalt  }
0x5e: {  	_ =	shalt  }
0x5f: {  	_ =	shalt  }
0x60: {  	_ =	shalt  }
0x61: {  	_ =	shalt  }
0x62: {  	_ =	shalt  }
0x63: {  	_ =	shalt  }
0x64: {  	_ =	shalt  }
0x65: {  	_ =	shalt  }
0x66: {  	_ =	shalt  }
0x67: {  	_ =	shalt  }
0x68: {  	_ =	shalt  }
0x69: {  	_ =	shalt  }
0x6a: {  	_ =	shalt  }
0x6b: {  	_ =	shalt  }
0x6c: {  	_ =	shalt  }
0x6d: {  	_ =	shalt  }
0x6e: {  	_ =	shalt  }
0x6f: {  	_ =	shalt  }
0x70: {  	_ =	shalt  }
0x71: {  	_ =	shalt  }
0x72: {  	_ =	shalt  }
0x73: {  	_ =	shalt  }
0x74: {  	_ =	shalt  }
0x75: {  	_ =	shalt  }
0x76: {  	_ =	shalt  }
0x77: {  	_ =	shalt  }
0x78: {  	_ =	shalt  }
0x79: {  	_ =	shalt  }
0x7a: {  	_ =	shalt  }
0x7b: {  	_ =	shalt  }
0x7c: {  	_ =	shalt  }
0x7d: {  	_ =	shalt  }
0x7e: {  	_ =	shalt  }
0x7f: {  	_ =	shalt  }
0x80: {  	_ =	shalt  }
0x81: {  	_ =	shalt  }
0x82: {  	_ =	shalt  }
0x83: {  	_ =	shalt  }
0x84: {  	_ =	shalt  }
0x85: {  	_ =	shalt  }
0x86: {  	_ =	shalt  }
0x87: {  	_ =	shalt  }
.Lfunc_end0:
.L_simem_size_0:
called_computation_lowered:
.L_overlay_start_0:
0x88: {  	s2 =	sld [smem:$0x3FD9]  }
0x89: {  	s3 =	sld [smem:$0x3FFE];
	_ =	sdelay $0x1  }
0x8a: {  	s1 =	srdreg.scid  }
0x8b: {  	s0 =	sand.u32 $0x1, s1  }
0x8c: {  	s14 =	sshll.u32 s0, $0xA;
	s2 =	sadd.s32 s3, s2  }
0x8d: {  	s2 =	sadd.s32 s2, s14  }
0x8e: {  	[smem:$0x3FC1] =	sst s2  }
0x8f: {  	_ = 	snop  }
0x90: {  	s2 =	sld [smem:$0x3FD0];
	_ =	sdelay $0x2  }
0x91: {  	s15 =	simm.s32 $0xB;
	s4 =	simm.s32 $0x10  }
0x92: {  	[smem:s4], [sflag:s15] =	dma.local [hbm:s2], $0x1  }
0x93: {  	_ =	swait.eq [sflag:s15], $0x1  }
0x94: {  	[sflag:s15] =	ssyncset.done $0x0  }
0x95: {  	s16 =	sld [smem:$0x12];
	[sflag:s15] =	ssyncadd.s32 $0xFFFFFFFF  }
0x96: {  	s17 =	sld [smem:$0x13];
	(tm) =	ssettm $0x1  }
0x97: {  	s18 =	sld [smem:$0x3FFB];
	_ =	sdelay $0x3  }
0x98: {  	_ =	strace s18  }
0x99: {  	s4 =	sld [smem:$0x3FFC];
	_ =	sdelay $0x3  }
0x9a: {  	_ =	strace s4  }
0x9b: {  	s4 =	sld [smem:$0x3FFD];
	_ =	sdelay $0x3  }
0x9c: {  	_ =	strace s4  }
0x9d: {  	_ =	strace $0x8FFFFFFF  }
0x9e: {  	s19 =	sld [smem:$0x3FDB];
	_ =	sdelay $0x1  }
0x9f: {  	s5 =	simm.s32 $_scs_section_size  }
0xa0: {  	s6 =	simm.s32 $_size__tile_overlayer_lowered;
	s7 =	simm.s32 $_tile_overlayer_lowered  }
0xa1: {  	s22 =	simm.s32 $0x1BFF;
	s21 =	sshll.u32 s7, $0x1;
	s4 =	sadd.s32 s5, s19  }
0xa2: {  	s8 =	simm.s32 $0x0;
	s20 =	sshll.u32 s6, $0x1;
	s6 =	sadd.s32 s21, s4  }
0xa3: {  	[timem:s8], [sflag:s22] =	dma.local [hbm:s6], s20  }
0xa4: {  	_ =	swait.ge [sflag:s22], s20  }
0xa5: {  	s5 =	ssub.s32 $0x0, s20;
	[sflag:s22] =	ssyncset.done $0x0  }
0xa6: {  	[sflag:s22] =	ssyncadd.s32 s5;
	_ =	sdelay $0x1  }
0xa7: {  	s23 =	simm.s32 $0x1B8B  }
0xa8: {  	_ =	swait.ge [sflag:s23], $0x1  }
0xa9: {  	[sflag:s23] =	ssyncset.done $0x0  }
0xaa: {  	s25 =	simm.s32 $0x1B8E;
	s24 =	sld [smem:$0x3FFE];
	[sflag:s23] =	ssyncadd.s32 $0xFFFFFFFF  }
0xab: {  	s26 =	simm.s32 $execute0_lowered;
	[smem:$0x3FD2] =	sst s25  }
0xac: {  	s6 =	sshll.u32 s26, $0x1;
	_ =	strace $0x80000046;
	[dreg:$0x1] =	wrdreg $0xFFFFFFFF  }
0xad: {  	s28 =	simm.s32 $_size_execute0_lowered;
	s4 =	sadd.s32 s4, s6;
	[dreg:$0x0] =	wrdreg $0x0  }
0xae: {  	s6 =	sshll.u32 s28, $0x1;
	[dreg:$0x2] =	wrdreg s4  }
0xaf: {  	[dreg:$0x3] =	wrdreg s6  }
0xb0: {  	[dreg:$0x4] =	wrdreg $0xC0  }
0xb1: {  	_ =	task [dreg:s8], $0x5FFFF  }
0xb2: {  	[dreg:$0x1] =	wrdreg $0xFFFFFFFF  }
0xb3: {  	[dreg:$0x0] =	wrdreg $0x60  }
0xb4: {  	[dreg:$0x2] =	wrdreg s24  }
0xb5: {  	[dreg:$0x3] =	wrdreg s17  }
0xb6: {  	[dreg:$0x4] =	wrdreg s16  }
0xb7: {  	[dreg:$0x5] =	wrdreg $0x9  }
0xb8: {  	_ =	task.clear_ibuf [dreg:s8], $0x6FFFF;
	_ =	strace $0x90000046  }
0xb9: {  	s29 =	simm.s32 $0x9;
	_ =	strace $0x80000048  }
0xba: {  	_ =	swait.ge [sflag:s29], $0x1  }
0xbb: {  	[sflag:s29] =	ssyncadd.s32 $0xFFFFFFFF  }
0xbc: {  	_ =	strace $0x90000048  }
0xbd: {  	_ =	sfence  }
0xbe: {  	s30 =	sld [smem:$0x0];
	_ =	sdelay $0x2  }
0xbf: {  	s31 =	sshll.u32 s1, $0xD;
	s1 =	sshrl.u32 s1, $0x2  }
0xc0: {  	s3 =	sand.u32 $0x4000, s31;
	s1 =	sadd.s32 s1, s30  }
0xc1: {  	s0 =	sor.u32 s3, s0;
	s1 =	sshll.u32 s1, $0x11  }
0xc2: {  	s0 =	sor.u32 s1, s0  }
0xc3: {  	s0 =	sadd.s32 $0x8F2B, s0  }
0xc4: {  	[sflag:s0] =	ssyncadd.remote.s32 $0x1  }
0xc5: {  	_ =	sfence.sel $0xFFFF  }
0xc6: {  	[dreg:$0x0] =	wrdreg $0xFFFFFFFF;
	(pc) =	sbr.abs _section_cstart, $3  }
0xc7: {  	[dreg:$0x1] =	wrdreg $0xFFFFFFFF  }
0xc8: {  	_ =	task.clear_ibuf [dreg:s8], $0x2FFFF;
	_ =	strace $0x9FFFFFFF  }
0xc9: {  	(tm) =	ssettm $0x7FFFFFFF  }
tec
execute0_lowered:
.L_overlay_start_1:
0x0: {  	(tag) =	ssettag $0x1  }
0x1: {  	s5 =	rddreg [dreg:$0x0]  }
0x2: {  	s1 =	srdreg.scid;
	s2 =	rddreg [dreg:$0x1]  }
0x3: {  	s0 =	stileid.u32;
	s3 =	rddreg [dreg:$0x2]  }
0x4: {  	s9 =	simm.s32 $0x1;
	s10 =	simm.s32 $0x3;
	s1 =	sshll.u32 s1, $0xA  }
0x5: {  	s13 =	simm.s32 $0x0;
	s4 =	sshll.u32 s0, $0xB;
	s6 =	sand.u32 $0x400, s1  }
0x6: {  	s12 =	simm.s32 $0x0;
	s5 =	sadd.s32 $0x1C000, s5;
	s4 =	sor.u32 s4, s6  }
0x7: {  	s1 =	rddreg [dreg:$0x3];
	_ =	strace $0x80000047;
	s8 =	ssub.s32 $0x10000, s4  }
.Ltmp0:
0x8: {  	s6 =	simm.s32 $0x1;
	s7 =	sand.u32 $0x7C00, s8;
	(pc) =	sbr.rel .LBB2_1-.Ltmp0, $4  }
0x9: {  	[sflag:s6] =	ssyncpa.u1 $0x0;
	s11 =	smov.u32 s4;
	p0 =	sne.s32 s7, $0x0  }
0xa: {  	s8 =	sshrl.u32 s8, $0xF;
	s7 =	simm.s32 $0x2;
	s9 =	simm.s32 @!p0 $0x0  }
0xb: {  	[sflag:s7] =	ssyncpa.u1 $0x0;
	p0 =	por $0x0, $0x0;
	s8 =	sadd.s32 s9, s8  }
0xc: {  	vm0 =	vmmov $0xffff;
	[sflag:s10] =	ssyncpa.u1 $0x0;
	s10 =	simm.s32 $0x0;
	s9 =	sadd.s32 $0x1, s8  }
.LBB2_4:
0xd: {  	vm1 =	veq.s32 v0, $0x80000000;
	v63 =	vand.u32 $0x3FF, v0;
	v2 =	vand.u32 $0x3FF, v2  }
0xe: {  	v0 =	vsel vm1, $0xFFFFFFFF, v63;
	v2 =	vsel vm1, $0xFFFFFFFF, v2  }
0xf: {  	v3 =	vshll.u32 v0, $0xA;
	v4 =	vshll.u32 v2, $0x3  }
0x10: {  	v0 =	vshll.u32 v0, $0x7;
	v3 =	vand.u32 $0xFFFFE000, v3;
	v4 =	vand.u32 $0xFFFFFC00, v4  }
0x11: {  	v0 =	vand.u32 $0x380, v0;
	v3 =	vadd.s32 v3, v4  }
0x12: {  	v2 =	vand.u32 $0x7F, v2;
	v0 =	vor.u32 v0, v3  }
0x13: {  	v0 =	vor.u32 v2, v0;
	_ =	sdelay $0x1  }
0x14: {  	(ifvalue) =	ssetifvalue $0x7FFFFFFF;
	s14 =	sadd.s32 $0x10, s14  }
0x15: {  	[tilespmem:s14], [sflag:$0x1] =	stream.indirect_vreg.gather [hbm4b:s5+s10], $0x1, v1, vm0, $0x4038;
	[tilespmem:$0x1000] =	vst v63  }
0x16: {  	(ifvalue) =	ssetifvalue $0x7FFFFFFF;
	s14 =	sadd.s32 $0x10, s14  }
0x17: {  	[tilespmem:s14], [sflag:$0x1] =	stream.indirect_vreg.gather [hbm4b:s5+s10], $0x1, v0, vm0, $0x4038;
	[tilespmem:$0x1000] =	vst v63  }
0x18: {  	_ =	swait.ge [sflag:s6], $0x400  }
0x19: {  	s30 =	sshrl.u32 s13, $0x3;
	[sflag:s6] =	ssyncset.done $0x0  }
0x1a: {  	s31 =	sand.u32 $0x7, s13;
	s14 =	sadd.s32 s3, s30;
	[sflag:s6] =	ssyncadd.s32 $0xFFFFFC00  }
0x1b: {  	[hbm4b:s14+s31] =	stream.linear.scatter [tilespmem:s15], [sflag:$0x3], $0x400, $0x38;
	[tilespmem:$0x1000] =	vst v63  }
.LBB2_5:
0x1c: {  	s15 =	sadd.s32 $0x8000, s11  }
0x1d: {  	p2 =	sgt.s32 s15, $0xFFFF  }
0x1e: {  	s15 =	smov.u32 @p2 s4;
	p2 =	sne.s32 s12, s9  }
.Ltmp1:
0x1f: {  	p1 =	slt.u32 s12, $0x2;
	(pc) =	sbr.rel @!p2 .LBB2_6-.Ltmp1, $4  }
0x20: {  	s14 =	simm.s32 @!p1 $0x3  }
0x21: {  	s16 =	sadd.s32 $0x1, s12;
	_ =	swait.ge @!p1 [sflag:s14], $0x400  }
0x22: {  	s13 =	smov.u32 s11;
	p0 =	por !p0, !p0;
	[sflag:s14] =	ssyncset.done @!p1 $0x0  }
0x23: {  	s12 =	smov.u32 s16;
	s11 =	smov.u32 s15;
	[sflag:s14] =	ssyncadd.s32 @!p1 $0xFFFFFC00  }
.LBB2_1:
0x24: {  	p1 =	sge.u32 s12, s8  }
0x25: {  	s14 =	sxor.u32 @!p1 $0xFFFFFFFF, s12  }
0x26: {  	s31 =	sadd.s32 $0xFFFFFFFF, s12;
	s15 =	sshrl.u32 @!p1 s11, $0x3;
	s14 =	sshll.u32 @!p1 s14, $0xA  }
0x27: {  	s16 =	sand.u32 @!p1 $0x7, s11;
	s15 =	sadd.s32 @!p1 s2, s15;
	s14 =	sand.u32 @!p1 $0x400, s14  }
0x28: {  	[tilespmem:s14], [sflag:$0x2] =	stream.linear.gather @!p1 [hbm4b:s15+s16], $0x400, $0x38;
	[tilespmem:$0x1000] =	vst v63  }
0x29: {  	p1 =	sge.u32 s31, s8  }
.Ltmp2:
0x2a: {  	_ = 	snop;
	(pc) =	sbr.rel @p1 .LBB2_5-.Ltmp2, $1  }
0x2b: {  	_ =	sdelay $0x3  }
0x2c: {  	s14 =	simm.s32 $0x1  }
0x2d: {  	_ =	swait.ge [sflag:s7], $0x400;
	s14 =	simm.s32 @!p0 $0x0  }
0x2e: {  	[sflag:s7] =	ssyncset.done $0x0;
	s14 =	sshll.u32 s14, $0xA  }
0x2f: {  	[sflag:s7] =	ssyncadd.s32 $0xFFFFFC00;
	(ifvalue) =	ssetifvalue $0x7FFFFFFF;
	v0 =	vld.msk [tilespmem:s14+$0x0 ss:$0x1], $0xffff;
	_ =	sdelay $0x3  }
0x30: {  	s15 =	sadd.s32 $0x10, s14  }
0x31: {  	v2 =	vld.msk [tilespmem:s15+$0x0 ss:$0x1], $0xffff;
	v1 =	vshrl.u32 v0, $0xA  }
0x32: {  	vm1 =	veq.s32 v0, $0x80000000;
	v0 =	vand.u32 $0x3FF, v0;
	v1 =	vand.u32 $0x3FF, v1  }
0x33: {  	v0 =	vsel vm1, $0xFFFFFFFF, v0;
	v1 =	vsel vm1, $0xFFFFFFFF, v1  }
0x34: {  	v3 =	vshll.u32 v0, $0xA;
	v4 =	vshll.u32 v1, $0x3  }
0x35: {  	v0 =	vshll.u32 v0, $0x7;
	v3 =	vand.u32 $0xFFFFE000, v3;
	v4 =	vand.u32 $0xFFFFFC00, v4  }
0x36: {  	vm1 =	veq.s32 v2, $0x80000000;
	v0 =	vand.u32 $0x380, v0;
	v3 =	vadd.s32 v3, v4  }
0x37: {  	v1 =	vand.u32 $0x7F, v1;
	v0 =	vor.u32 v0, v3;
	v3 =	vshrl.u32 v2, $0xA  }
0x38: {  	s17 =	sadd.s32 $0x10, s15;
	v2 =	vand.u32 $0x3FF, v2;
	v1 =	vor.u32 v1, v0;
	v3 =	vand.u32 $0x3FF, v3  }
0x39: {  	v0 =	vld.msk [tilespmem:s17+$0x0 ss:$0x1], $0xffff;
	v2 =	vsel vm1, $0xFFFFFFFF, v2;
	v3 =	vsel vm1, $0xFFFFFFFF, v3  }
0x3a: {  	v63 =	vshll.u32 v2, $0xA;
	v5 =	vshll.u32 v3, $0x3  }
0x3b: {  	s31 =	sshll.u32 s12, $0xA;
	v2 =	vshll.u32 v2, $0x7;
	v4 =	vand.u32 $0xFFFFE000, v63;
	v5 =	vand.u32 $0xFFFFFC00, v5  }
0x3c: {  	s14 =	sor.u32 $0x800, s14;
	s15 =	sand.u32 $0x400, s31;
	(ifvalue) =	ssetifvalue $0x7FFFFFFF;
	v2 =	vand.u32 $0x380, v2;
	v4 =	vadd.s32 v4, v5  }
0x3d: {  	[tilespmem:s14], [sflag:$0x1] =	stream.indirect_vreg.gather [hbm4b:s5+s10], $0x1, v1, vm0, $0x4038;
	v1 =	vand.u32 $0x7F, v3;
	v3 =	vor.u32 v2, v4;
	[tilespmem:$0x1000] =	vst v63  }
0x3e: {  	s16 =	simm.s32 $0x20;
	s15 =	sor.u32 $0x800, s15;
	s17 =	sadd.s32 $0x10, s17;
	v2 =	vshrl.u32 v0, $0xA;
	v1 =	vor.u32 v1, v3  }
.LBB2_3:
0x3f: {  	s16 =	sadd.s32 $0x10, s16;
	vm1 =	veq.s32 v0, $0x80000000;
	v3 =	vand.u32 $0x3FF, v0;
	v0 =	vld.msk [tilespmem:s17+$0x0 ss:$0x1], $0xffff;
	v2 =	vand.u32 $0x3FF, v2  }
0x40: {  	p1 =	slt.u32 s16, $0x3F0;
	v3 =	vsel vm1, $0xFFFFFFFF, v3;
	v2 =	vsel vm1, $0xFFFFFFFF, v2  }
.Ltmp3:
0x41: {  	v4 =	vshll.u32 v3, $0xA;
	v5 =	vshll.u32 v2, $0x3;
	(pc) =	sbr.rel @p1 .LBB2_3-.Ltmp3, $4  }
0x42: {  	s14 =	sadd.s32 $0x10, s14;
	v3 =	vshll.u32 v3, $0x7;
	v4 =	vand.u32 $0xFFFFE000, v4;
	v5 =	vand.u32 $0xFFFFFC00, v5;
	(ifvalue) =	ssetifvalue $0x7FFFFFFF  }
0x43: {  	v3 =	vand.u32 $0x380, v3;
	v4 =	vadd.s32 v4, v5;
	[tilespmem:s14], [sflag:$0x1] =	stream.indirect_vreg.gather [hbm4b:s5+s10], $0x1, v1, vm0, $0x4038;
	[tilespmem:$0x1000] =	vst v63  }
0x44: {  	v1 =	vand.u32 $0x7F, v2;
	v3 =	vor.u32 v3, v4  }
0x45: {  	s17 =	sadd.s32 $0x10, s17;
	v2 =	vshrl.u32 v0, $0xA;
	v1 =	vor.u32 v1, v3  }
.Ltmp4:
0x46: {  	_ = 	snop;
	(pc) =	sbr.rel .LBB2_4-.Ltmp4, $1  }
0x47: {  	_ =	sdelay $0x3  }
.LBB2_6:
0x48: {  	_ =	sfence.sel $0x180000  }
0x49: {  	s2 =	simm.s32 $0x2;
	[bflag:$0x0] =	sbarrier.arrive $0xFFFF  }
0x4a: {  	s30 =	simm.s32 $0x3;
	[sflag:s2] =	ssyncpa.u1 $0x1  }
0x4b: {  	s31 =	simm.s32 $0x1;
	[sflag:s30] =	ssyncpa.u1 $0x1  }
0x4c: {  	[sflag:s31] =	ssyncpa.u1 $0x1  }
0x4d: {  	p0 =	sne.s32 s0, $0x0;
	_ =	strace $0x90000047  }
0x4e: {  	s0 =	sadd.s32 @!p0 $0x100000, s1;
	[bflag:$0x2] =	sbarrier.arrive $0xFFFF  }
0x4f: {  	[sflag:s0] =	ssyncadd.tile.s32 @!p0 $0x1;
	_ =	shalt  }
.Lfunc_end2:
_tile_overlayer_lowered:
.L_overlay_start_2:
0x50: {  	(tag) =	ssettag $0x2  }
0x51: {  	s0 =	rddreg [dreg:$0x0];
	s2 =	stileid.u32  }
0x52: {  	s1 =	rddreg [dreg:$0x1];
	p0 =	sne.s32 s2, $0x0  }
0x53: {  	s3 =	rddreg [dreg:$0x2];
	[bflag:$0x3] =	sbarrier.arrive $0xFFFF;
	s2 =	simm.s32 @!p0 $0x1C01  }
0x54: {  	[timem:s3], [sflag:s2] =	dma.local @!p0 [hbm:s0], s1  }
0x55: {  	s0 =	simm.s32 @!p0 $0x1  }
0x56: {  	_ =	swait.ge @!p0 [sflag:s0], s1  }
0x57: {  	s1 =	ssub.s32 @!p0 $0x0, s1;
	[sflag:s0] =	ssyncset.done @!p0 $0x0  }
0x58: {  	[sflag:s0] =	ssyncadd.s32 @!p0 s1  }
0x59: {  	[bflag:$0x3] =	sbarrier.arrive $0xFFFF  }
0x5a: {  	_ =	shalt  }

// kernel: kernel.4.cloned.1.call-start
scs
__scs_entry_jumppad:
0x0: {  	(pc) =	sbr.rel $0x88, $3  }
0x1: {  	(tag) =	ssettag $0x0;
	lr =	simm.s32 $0x1  }
0x2: {  	[smem:$0x3F9A] =	sst lr;
	_ =	strace $0xD0000000  }
0x3: {  	_ = 	snop  }
0x4: {  	_ = 	snop  }
0x5: {  	_ = 	snop  }
0x6: {  	_ = 	snop  }
0x7: {  	_ = 	snop  }
__scs_overlays_trampoline_lowered:
0x8: {  	[smem:$0x3FA9] =	sst s0  }
0x9: {  	[smem:$0x3FAA] =	sst s1  }
0xa: {  	[smem:$0x3FAB] =	sst s2  }
0xb: {  	[smem:$0x3FAC] =	sst s3  }
0xc: {  	[smem:$0x3FAD] =	sst s4  }
0xd: {  	[smem:$0x3FAE] =	sst s5  }
0xe: {  	[smem:$0x3FAF] =	sst s6  }
0xf: {  	[smem:$0x3FB0] =	sst s7  }
0x10: {  	[smem:$0x3FB1] =	sst s8  }
0x11: {  	[smem:$0x3FB2] =	sst s9;
	s0 =	simm.s32 @!p0 $0x0  }
0x12: {  	s1 =	sld [smem:$0x3F98];
	s0 =	simm.s32 @p0 $0x1  }
0x13: {  	[smem:$0x3FB3] =	sst s0;
	s0 =	simm.s32 @!p1 $0x0  }
0x14: {  	s2 =	sld [smem:$0x3F97];
	s0 =	simm.s32 @p1 $0x1  }
0x15: {  	[smem:$0x3FB4] =	sst s0;
	s0 =	simm.s32 @!p2 $0x0  }
0x16: {  	s3 =	sld [smem:$0x3FDB];
	s0 =	simm.s32 @p2 $0x1  }
0x17: {  	s4 =	simm.s32 $0x1BF5;
	[smem:$0x3FB6] =	sst s0  }
0x18: {  	s0 =	sld [smem:$0x3F99];
	_ =	swait.ge [sflag:s4], $0x0  }
0x19: {  	s7 =	sld [smem:$0x3F9A]  }
0x1a: {  	s8 =	sadd.s32 $0xFFFFE003, lr  }
0x1b: {  	s9 =	sadd.s32 $0xFFFFFEF7, lr;
	s5 =	simm.s32 $0xFFFFFFFF;
	p2 =	slt.u32 s8, $0xFFFFF086  }
0x1c: {  	p1 =	slt.u32 s9, $0xF7A;
	s5 =	simm.s32 @!p2 $0x0  }
0x1d: {  	s5 =	simm.s32 @p1 $0x1;
	p0 =	seq.s32 s7, s2  }
0x1e: {  	s7 =	smul.u32 @!p0 $0xF7A, s2;
	p2 =	seq.s32 @!p0 s5, $0x0  }
0x1f: {  	s9 =	smul.u32 $0xF7A, s1;
	s8 =	simm.s32 @!p0 $0x1BF5;
	p2 =	por !p2, p0  }
0x20: {  	[sflag:s8] =	ssyncset.s32 @!p0 $0xFFFFF086;
	s6 =	sadd.s32 @!p0 s3, s7;
	s7 =	simm.s32 @!p0 $0x108  }
0x21: {  	s3 =	sadd.s32 s3, s9;
	s6 =	sadd.s32 @!p0 $0x88, s6;
	s7 =	simm.s32 @p2 $0x1082  }
0x22: {  	[simem:s7], [sflag:s8] =	dma.local @!p0 [hbm:s6], $0xF7A  }
0x23: {  	s9 =	sor.u32 $0xD0000000, s2;
	s6 =	simm.s32 $0x108;
	_ =	swait.ge @!p0 [sflag:s8], $0x0  }
0x24: {  	s3 =	sadd.s32 $0x88, s3;
	s6 =	simm.s32 @!p1 $0x1082;
	[sflag:s4] =	ssyncset.s32 $0xFFFFF086  }
0x25: {  	[simem:s6], [sflag:s4] =	dma.local [hbm:s3], $0xF7A  }
0x26: {  	[smem:$0x3F9A] =	sst s1;
	(tag) =	ssettag s2;
	_ =	strace s9  }
0x27: {  	s1 =	sld [smem:$0x3FAA]  }
0x28: {  	s2 =	sld [smem:$0x3FAB]  }
0x29: {  	s4 =	sld [smem:$0x3FAD]  }
0x2a: {  	p0 =	seq.s32 s5, $0x0;
	s5 =	sld [smem:$0x3FAE]  }
0x2b: {  	s6 =	sld [smem:$0x3FAF]  }
0x2c: {  	s7 =	sld [smem:$0x3FB0]  }
0x2d: {  	s3 =	simm.s32 $0x108;
	s8 =	sld [smem:$0x3FB1]  }
0x2e: {  	s3 =	simm.s32 @!p0 $0x1082;
	s9 =	sld [smem:$0x3FB2]  }
0x2f: {  	lr =	sadd.s32 s0, s3;
	s0 =	sld [smem:$0x3FA9]  }
0x30: {  	s3 =	sld [smem:$0x3FAC]  }
0x31: {  	[smem:$0x3FB5] =	sst s10  }
0x32: {  	s10 =	sld [smem:$0x3FB3];
	_ =	sdelay $0x3  }
0x33: {  	p0 =	seq.s32 s10, $0x1;
	s10 =	sld [smem:$0x3FB5];
	_ =	sdelay $0x3  }
0x34: {  	[smem:$0x3FB5] =	sst s10  }
0x35: {  	s10 =	sld [smem:$0x3FB4];
	_ =	sdelay $0x3  }
0x36: {  	p1 =	seq.s32 s10, $0x1;
	s10 =	sld [smem:$0x3FB5];
	_ =	sdelay $0x3  }
0x37: {  	[smem:$0x3FB5] =	sst s10  }
0x38: {  	s10 =	sld [smem:$0x3FB6]  }
0x39: {  	_ = 	snop;
	(pc) =	sbr.ind lr, $3  }
0x3a: {  	_ = 	snop  }
0x3b: {  	_ = 	snop  }
0x3c: {  	p2 =	seq.s32 s10, $0x1;
	s10 =	sld [smem:$0x3FB5]  }
0x3d: {  	_ =	shalt  }
0x3e: {  	_ =	shalt  }
0x3f: {  	_ =	shalt  }
0x40: {  	_ =	shalt  }
0x41: {  	_ =	shalt  }
0x42: {  	_ =	shalt  }
0x43: {  	_ =	shalt  }
0x44: {  	_ =	shalt  }
0x45: {  	_ =	shalt  }
0x46: {  	_ =	shalt  }
0x47: {  	_ =	shalt  }
0x48: {  	_ =	shalt  }
0x49: {  	_ =	shalt  }
0x4a: {  	_ =	shalt  }
0x4b: {  	_ =	shalt  }
0x4c: {  	_ =	shalt  }
0x4d: {  	_ =	shalt  }
0x4e: {  	_ =	shalt  }
0x4f: {  	_ =	shalt  }
0x50: {  	_ =	shalt  }
0x51: {  	_ =	shalt  }
0x52: {  	_ =	shalt  }
0x53: {  	_ =	shalt  }
0x54: {  	_ =	shalt  }
0x55: {  	_ =	shalt  }
0x56: {  	_ =	shalt  }
0x57: {  	_ =	shalt  }
0x58: {  	_ =	shalt  }
0x59: {  	_ =	shalt  }
0x5a: {  	_ =	shalt  }
0x5b: {  	_ =	shalt  }
0x5c: {  	_ =	shalt  }
0x5d: {  	_ =	shalt  }
0x5e: {  	_ =	shalt  }
0x5f: {  	_ =	shalt  }
0x60: {  	_ =	shalt  }
0x61: {  	_ =	shalt  }
0x62: {  	_ =	shalt  }
0x63: {  	_ =	shalt  }
0x64: {  	_ =	shalt  }
0x65: {  	_ =	shalt  }
0x66: {  	_ =	shalt  }
0x67: {  	_ =	shalt  }
0x68: {  	_ =	shalt  }
0x69: {  	_ =	shalt  }
0x6a: {  	_ =	shalt  }
0x6b: {  	_ =	shalt  }
0x6c: {  	_ =	shalt  }
0x6d: {  	_ =	shalt  }
0x6e: {  	_ =	shalt  }
0x6f: {  	_ =	shalt  }
0x70: {  	_ =	shalt  }
0x71: {  	_ =	shalt  }
0x72: {  	_ =	shalt  }
0x73: {  	_ =	shalt  }
0x74: {  	_ =	shalt  }
0x75: {  	_ =	shalt  }
0x76: {  	_ =	shalt  }
0x77: {  	_ =	shalt  }
0x78: {  	_ =	shalt  }
0x79: {  	_ =	shalt  }
0x7a: {  	_ =	shalt  }
0x7b: {  	_ =	shalt  }
0x7c: {  	_ =	shalt  }
0x7d: {  	_ =	shalt  }
0x7e: {  	_ =	shalt  }
0x7f: {  	_ =	shalt  }
0x80: {  	_ =	shalt  }
0x81: {  	_ =	shalt  }
0x82: {  	_ =	shalt  }
0x83: {  	_ =	shalt  }
0x84: {  	_ =	shalt  }
0x85: {  	_ =	shalt  }
0x86: {  	_ =	shalt  }
0x87: {  	_ =	shalt  }
.Lfunc_end0:
.L_simem_size_0:
called_computation.3_lowered:
.L_overlay_start_0:
0x88: {  	s2 =	sld [smem:$0x3FD9]  }
0x89: {  	s3 =	sld [smem:$0x3FFE];
	_ =	sdelay $0x1  }
0x8a: {  	s1 =	srdreg.scid  }
0x8b: {  	s0 =	sand.u32 $0x1, s1  }
0x8c: {  	s14 =	sshll.u32 s0, $0xA;
	s2 =	sadd.s32 s3, s2  }
0x8d: {  	s2 =	sadd.s32 s2, s14  }
0x8e: {  	[smem:$0x3FC1] =	sst s2  }
0x8f: {  	_ = 	snop  }
0x90: {  	s2 =	sld [smem:$0x3FD0];
	_ =	sdelay $0x2  }
0x91: {  	s15 =	simm.s32 $0xB;
	s4 =	simm.s32 $0x10  }
0x92: {  	[smem:s4], [sflag:s15] =	dma.local [hbm:s2], $0x1  }
0x93: {  	_ =	swait.eq [sflag:s15], $0x1  }
0x94: {  	[sflag:s15] =	ssyncset.done $0x0  }
0x95: {  	[sflag:s15] =	ssyncadd.s32 $0xFFFFFFFF  }
0x96: {  	s16 =	sld [smem:$0x10];
	(tm) =	ssettm $0x1  }
0x97: {  	s17 =	sld [smem:$0x3FFB];
	_ =	sdelay $0x3  }
0x98: {  	_ =	strace s17  }
0x99: {  	s3 =	sld [smem:$0x3FFC];
	_ =	sdelay $0x3  }
0x9a: {  	_ =	strace s3  }
0x9b: {  	s3 =	sld [smem:$0x3FFD];
	_ =	sdelay $0x3  }
0x9c: {  	_ =	strace s3  }
0x9d: {  	_ =	strace $0x8FFFFFFF  }
0x9e: {  	s18 =	sld [smem:$0x3FDB];
	_ =	sdelay $0x1  }
0x9f: {  	s19 =	simm.s32 $_scs_section_size  }
0xa0: {  	s5 =	simm.s32 $_size__tile_overlayer_lowered;
	s6 =	simm.s32 $_tile_overlayer_lowered  }
0xa1: {  	s22 =	simm.s32 $0x1BFF;
	s21 =	sshll.u32 s6, $0x1;
	s3 =	sadd.s32 s19, s18  }
0xa2: {  	s7 =	simm.s32 $0x0;
	s20 =	sshll.u32 s5, $0x1;
	s5 =	sadd.s32 s21, s3  }
0xa3: {  	[timem:s7], [sflag:s22] =	dma.local [hbm:s5], s20  }
0xa4: {  	_ =	swait.ge [sflag:s22], s20  }
0xa5: {  	s4 =	ssub.s32 $0x0, s20;
	[sflag:s22] =	ssyncset.done $0x0  }
0xa6: {  	[sflag:s22] =	ssyncadd.s32 s4;
	_ =	sdelay $0x1  }
0xa7: {  	s23 =	simm.s32 $0x1B8B  }
0xa8: {  	_ =	swait.ge [sflag:s23], $0x1  }
0xa9: {  	[sflag:s23] =	ssyncset.done $0x0  }
0xaa: {  	s25 =	simm.s32 $0x1B8E;
	s24 =	sld [smem:$0x3FFE];
	[sflag:s23] =	ssyncadd.s32 $0xFFFFFFFF  }
0xab: {  	s26 =	simm.s32 $execute0_lowered;
	[smem:$0x3FD2] =	sst s25  }
0xac: {  	s5 =	sshll.u32 s26, $0x1;
	_ =	strace $0x80000049;
	[dreg:$0x1] =	wrdreg $0xFFFFFFFF  }
0xad: {  	s28 =	simm.s32 $_size_execute0_lowered;
	s3 =	sadd.s32 s3, s5;
	[dreg:$0x0] =	wrdreg $0x0  }
0xae: {  	s5 =	sshll.u32 s28, $0x1;
	[dreg:$0x2] =	wrdreg s3  }
0xaf: {  	[dreg:$0x3] =	wrdreg s5  }
0xb0: {  	[dreg:$0x4] =	wrdreg $0xC0  }
0xb1: {  	_ =	task [dreg:s7], $0x5FFFF  }
0xb2: {  	[dreg:$0x1] =	wrdreg $0xFFFFFFFF  }
0xb3: {  	[dreg:$0x0] =	wrdreg $0x60  }
0xb4: {  	[dreg:$0x2] =	wrdreg s24  }
0xb5: {  	[dreg:$0x3] =	wrdreg s16  }
0xb6: {  	[dreg:$0x4] =	wrdreg $0x9  }
0xb7: {  	_ =	task.clear_ibuf [dreg:s7], $0x5FFFF;
	_ =	strace $0x90000049  }
0xb8: {  	s29 =	simm.s32 $0x9;
	_ =	strace $0x8000004B  }
0xb9: {  	_ =	swait.ge [sflag:s29], $0x1  }
0xba: {  	[sflag:s29] =	ssyncadd.s32 $0xFFFFFFFF  }
0xbb: {  	_ =	strace $0x9000004B  }
0xbc: {  	_ =	sfence  }
0xbd: {  	s30 =	sld [smem:$0x0];
	_ =	sdelay $0x2  }
0xbe: {  	s31 =	sshll.u32 s1, $0xD;
	s1 =	sshrl.u32 s1, $0x2  }
0xbf: {  	s3 =	sand.u32 $0x4000, s31;
	s1 =	sadd.s32 s1, s30  }
0xc0: {  	s0 =	sor.u32 s3, s0;
	s1 =	sshll.u32 s1, $0x11  }
0xc1: {  	s0 =	sor.u32 s1, s0  }
0xc2: {  	s0 =	sadd.s32 $0x8F2B, s0  }
0xc3: {  	[sflag:s0] =	ssyncadd.remote.s32 $0x1  }
0xc4: {  	_ =	sfence.sel $0xFFFF  }
0xc5: {  	[dreg:$0x0] =	wrdreg $0xFFFFFFFF;
	(pc) =	sbr.abs _section_cstart, $3  }
0xc6: {  	[dreg:$0x1] =	wrdreg $0xFFFFFFFF  }
0xc7: {  	_ =	task.clear_ibuf [dreg:s7], $0x2FFFF;
	_ =	strace $0x9FFFFFFF  }
0xc8: {  	(tm) =	ssettm $0x7FFFFFFF  }
0xc9: {  	_ =	shalt  }
tec
execute0_lowered:
.L_overlay_start_1:
0x0: {  	(tag) =	ssettag $0x1  }
0x1: {  	v0 =	vlaneseq.u32;
	v2 =	vimm.s32 $0x0  }
0x2: {  	v1 =	vmul.u32 $0x80, v0;
	v4 =	vor.u32 $0x10, v0;
	v6 =	vor.u32 $0x20, v0  }
0x3: {  	v8 =	vor.u32 $0x30, v0;
	v10 =	vor.u32 $0x40, v0;
	v12 =	vor.u32 $0x50, v0  }
0x4: {  	v14 =	vor.u32 $0x60, v0;
	v16 =	vor.u32 $0x70, v0;
	v18 =	vor.u32 $0x80, v0  }
0x5: {  	v20 =	vor.u32 $0x90, v0;
	v22 =	vor.u32 $0xA0, v0;
	v24 =	vor.u32 $0xB0, v0  }
0x6: {  	v26 =	vor.u32 $0xC0, v0;
	v28 =	vor.u32 $0xD0, v0;
	v30 =	vor.u32 $0xE0, v0  }
0x7: {  	v32 =	vor.u32 $0xF0, v0;
	v34 =	vor.u32 $0x100, v0;
	v36 =	vor.u32 $0x110, v0  }
0x8: {  	v38 =	vor.u32 $0x120, v0;
	v40 =	vor.u32 $0x130, v0;
	v42 =	vor.u32 $0x140, v0  }
0x9: {  	v44 =	vor.u32 $0x150, v0;
	v46 =	vor.u32 $0x160, v0;
	v48 =	vor.u32 $0x170, v0  }
0xa: {  	v50 =	vor.u32 $0x180, v0;
	v52 =	vor.u32 $0x190, v0;
	v54 =	vor.u32 $0x1A0, v0  }
0xb: {  	v56 =	vor.u32 $0x1B0, v0;
	v58 =	vor.u32 $0x1C0, v0;
	v60 =	vor.u32 $0x1D0, v0  }
0xc: {  	s0 =	rddreg [dreg:$0x0];
	v62 =	vor.u32 $0x1E0, v0;
	v3 =	vadd.s32 $0x100, v1;
	v19 =	vadd.s32 $0x4100, v1  }
0xd: {  	s2 =	rddreg [dreg:$0x1];
	s3 =	simm.s32 $0x0;
	s6 =	srdreg.scid;
	v21 =	vadd.s32 $0x4900, v1;
	v23 =	vadd.s32 $0x5100, v1;
	v25 =	vadd.s32 $0x5900, v1  }
0xe: {  	s8 =	stileid.u32;
	s15 =	simm.s32 $0x400;
	s16 =	simm.s32 $0x200;
	v27 =	vadd.s32 $0x6100, v1;
	v29 =	vadd.s32 $0x6900, v1;
	[tilespmem:$0x1FF80] =	vst v3;
	v3 =	vadd.s32 $0x900, v1  }
0xf: {  	s13 =	simm.s32 $0x1;
	s17 =	simm.s32 $0x580;
	s18 =	simm.s32 $0x10B80;
	v31 =	vadd.s32 $0x7100, v1;
	v33 =	vadd.s32 $0x7900, v1;
	[tilespmem:$0x1FF90] =	vst v3;
	v3 =	vadd.s32 $0x1100, v1  }
0x10: {  	s14 =	simm.s32 $0x80;
	s19 =	simm.s32 $0x10780;
	s20 =	simm.s32 $0x10F80;
	v35 =	vadd.s32 $0x8100, v1;
	v37 =	vadd.s32 $0x8900, v1;
	[tilespmem:$0x1FFA0] =	vst v3;
	v3 =	vadd.s32 $0x1900, v1  }
0x11: {  	s21 =	simm.s32 $0x0;
	[smem:$0x7FF] =	sst s3;
	s4 =	sadd.s32 $0xB08000, s0;
	v39 =	vadd.s32 $0x9100, v1;
	v41 =	vadd.s32 $0x9900, v1;
	[tilespmem:$0x1FFB0] =	vst v3;
	v3 =	vadd.s32 $0x2100, v1  }
.Ltmp0:
0x12: {  	s5 =	sadd.s32 $0x8000, s0;
	s10 =	sand.u32 $0x1, s6;
	v43 =	vadd.s32 $0xA100, v1;
	v45 =	vadd.s32 $0xA900, v1;
	[tilespmem:$0x1FFC0] =	vst v3;
	v3 =	vadd.s32 $0x2900, v1;
	(pc) =	sbr.rel .LBB2_1-.Ltmp0, $4  }
0x13: {  	s6 =	sadd.s32 $0x1C000, s0;
	s7 =	sadd.s32 $0x3C000, s0;
	s11 =	ssub.s32 $0x2, s10;
	v47 =	vadd.s32 $0xB100, v1;
	v49 =	vadd.s32 $0xB900, v1;
	[tilespmem:$0x1FFD0] =	vst v3;
	v3 =	vadd.s32 $0x3100, v1  }
0x14: {  	s31 =	sshll.u32 s8, $0x6;
	s10 =	sshll.u32 s10, $0x5;
	s12 =	sshrl.u32 s11, $0x1;
	v51 =	vadd.s32 $0xC100, v1;
	v53 =	vadd.s32 $0xC900, v1;
	[tilespmem:$0x1FFE0] =	vst v3;
	v3 =	vadd.s32 $0x3900, v1  }
0x15: {  	s9 =	sadd.s32 $0x18000, s0;
	s10 =	sor.u32 s10, s31;
	v55 =	vadd.s32 $0xD100, v1;
	v57 =	vadd.s32 $0xD900, v1;
	v59 =	vadd.s32 $0xE100, v1;
	s11 =	ssub.s32 s11, s12;
	[tilespmem:$0x1FFF0] =	vst v3  }
0x16: {  	v61 =	vadd.s32 $0xE900, v1;
	v63 =	vadd.s32 $0xF100, v1;
	s12 =	simm.s32 $0x300;
	s11 =	smax.u32 s11, $0x1;
	v3 =	vimm.f32 $-Inf;
	_ =	strace $0x8000004A  }
.LBB2_10:
0x17: {  	s21 =	sadd.s32 $0x1, s21  }
0x18: {  	p0 =	sne.s32 s21, s11  }
.Ltmp1:
0x19: {  	_ = 	snop;
	(pc) =	sbr.rel @!p0 .LBB2_11-.Ltmp1, $1  }
0x1a: {  	_ =	sdelay $0x3  }
.LBB2_1:
0x1b: {  	[tilespmem:$0x380] =	vst v2  }
0x1c: {  	[tilespmem:$0x390] =	vst v2  }
0x1d: {  	[tilespmem:$0x3A0] =	vst v2  }
0x1e: {  	[tilespmem:$0x3B0] =	vst v2  }
0x1f: {  	[tilespmem:$0x3C0] =	vst v2  }
0x20: {  	[tilespmem:$0x3D0] =	vst v2  }
0x21: {  	[tilespmem:$0x3E0] =	vst v2  }
0x22: {  	[tilespmem:$0x3F0] =	vst v2  }
0x23: {  	[tilespmem:$0x400] =	vst v2  }
0x24: {  	[tilespmem:$0x410] =	vst v2  }
0x25: {  	[tilespmem:$0x420] =	vst v2  }
0x26: {  	[tilespmem:$0x430] =	vst v2  }
0x27: {  	[tilespmem:$0x440] =	vst v2  }
0x28: {  	[tilespmem:$0x450] =	vst v2  }
0x29: {  	[tilespmem:$0x460] =	vst v2  }
0x2a: {  	[tilespmem:$0x470] =	vst v2  }
0x2b: {  	[tilespmem:$0x480] =	vst v2  }
0x2c: {  	[tilespmem:$0x490] =	vst v2  }
0x2d: {  	[tilespmem:$0x4A0] =	vst v2  }
0x2e: {  	[tilespmem:$0x4B0] =	vst v2  }
0x2f: {  	[tilespmem:$0x4C0] =	vst v2  }
0x30: {  	[tilespmem:$0x4D0] =	vst v2  }
0x31: {  	[tilespmem:$0x4E0] =	vst v2  }
0x32: {  	[tilespmem:$0x4F0] =	vst v2  }
0x33: {  	[tilespmem:$0x500] =	vst v2  }
0x34: {  	[tilespmem:$0x510] =	vst v2  }
0x35: {  	[tilespmem:$0x520] =	vst v2  }
.Ltmp2:
0x36: {  	[tilespmem:$0x530] =	vst v2;
	(pc) =	sbr.rel .LBB2_2-.Ltmp2, $4  }
0x37: {  	[tilespmem:$0x540] =	vst v2  }
0x38: {  	[tilespmem:$0x550] =	vst v2  }
0x39: {  	[tilespmem:$0x560] =	vst v2  }
0x3a: {  	[tilespmem:$0x570] =	vst v2;
	s22 =	simm.s32 $0x0  }
.LBB2_9:
0x3b: {  	vm0 =	vgt.s32 v7, $0x200  }
0x3c: {  	v5 =	vsel vm0, $0x100000, v2  }
0x3d: {  	v5 =	vadd.s32 v5, v9  }
0x3e: {  	s1 =	sadd.s32 s9, s25;
	s30 =	sshll.u32 s23, $0xD;
	[tilespmem:$0x10F80] =	vst v5  }
0x3f: {  	[hbm4b:s1+s3] =	stream.linear.scatter [tilespmem:s20], [sflag:$0x1], $0x80, $0x38;
	[tilespmem:$0x11000] =	vst v63  }
0x40: {  	s1 =	sor.u32 s24, s30;
	_ =	swait.ge [sflag:s13], $0x80  }
0x41: {  	s1 =	sshrl.u32 s1, $0x3;
	[sflag:s13] =	ssyncset.done $0x0  }
0x42: {  	s31 =	sadd.s32 s7, s1;
	[sflag:s13] =	ssyncadd.s32 $0xFFFFFF80  }
0x43: {  	[hbm4b:s31+s14] =	stream.strided.scatter [tilespmem:s18], [sflag:$0x1], $0x400, s15, s14, $0x38;
	[tilespmem:$0x11000] =	vst v63  }
0x44: {  	s22 =	sadd.s32 $0x1, s22;
	_ =	swait.ge [sflag:s13], $0x400  }
0x45: {  	p0 =	sne.s32 s22, $0x20;
	[sflag:s13] =	ssyncset.done $0x0  }
.Ltmp3:
0x46: {  	s1 =	sadd.s32 s6, s1;
	[sflag:s13] =	ssyncadd.s32 $0xFFFFFC00;
	(pc) =	sbr.rel @!p0 .LBB2_10-.Ltmp3, $4  }
0x47: {  	[hbm4b:s1+s14] =	stream.strided.scatter [tilespmem:s19], [sflag:$0x1], $0x400, s15, s14, $0x38;
	[tilespmem:$0x11000] =	vst v63  }
0x48: {  	_ =	swait.ge [sflag:s13], $0x400  }
0x49: {  	[sflag:s13] =	ssyncset.done $0x0  }
0x4a: {  	[sflag:s13] =	ssyncadd.s32 $0xFFFFFC00  }
.LBB2_2:
0x4b: {  	s26 =	sadd.s32 s10, s22  }
0x4c: {  	s24 =	sshll.u32 s22, $0x7;
	s23 =	sshrl.u32 s26, $0x3  }
0x4d: {  	s24 =	sand.u32 $0x380, s24;
	s25 =	sshll.u32 s23, $0xA  }
0x4e: {  	s25 =	sor.u32 s24, s25  }
0x4f: {  	s25 =	sshrl.u32 s25, $0x3  }
0x50: {  	s28 =	sadd.s32 s2, s25  }
0x51: {  	[tilespmem:s12], [sflag:$0x1] =	stream.linear.gather [hbm4b:s28+s3], $0x80, $0x38;
	[tilespmem:$0x11000] =	vst v63  }
0x52: {  	s28 =	sshll.u32 s23, $0xB  }
0x53: {  	_ =	swait.ge [sflag:s13], $0x80;
	s28 =	sor.u32 s24, s28  }
0x54: {  	[sflag:s13] =	ssyncset.done $0x0;
	s28 =	sshrl.u32 s28, $0x3  }
0x55: {  	[sflag:s13] =	ssyncadd.s32 $0xFFFFFF80;
	s28 =	sadd.s32 s0, s28  }
0x56: {  	[tilespmem:s16], [sflag:$0x1] =	stream.strided.gather [hbm4b:s28+s14], $0x100, s15, s14, $0x38;
	[tilespmem:$0x11000] =	vst v63  }
0x57: {  	s28 =	sshll.u32 s23, $0xC  }
0x58: {  	_ =	swait.ge [sflag:s13], $0x100;
	s28 =	sor.u32 s24, s28  }
0x59: {  	[sflag:s13] =	ssyncset.done $0x0;
	s28 =	sshrl.u32 s28, $0x3  }
0x5a: {  	[sflag:s13] =	ssyncadd.s32 $0xFFFFFF00;
	s28 =	sadd.s32 s5, s28  }
0x5b: {  	[tilespmem:s3], [sflag:$0x1] =	stream.strided.gather [hbm4b:s28+s14], $0x200, s15, s14, $0x38;
	[tilespmem:$0x11000] =	vst v63  }
0x5c: {  	_ =	swait.ge [sflag:s13], $0x200  }
0x5d: {  	[sflag:s13] =	ssyncset.done $0x0  }
0x5e: {  	[sflag:s13] =	ssyncadd.s32 $0xFFFFFE00  }
0x5f: {  	v5 =	vld [tilespmem:$0x300]  }
0x60: {  	v7 =	vld [tilespmem:$0x0];
	_ =	sdelay $0x4  }
0x61: {  	vm0 =	vge.f32 v7, v5  }
0x62: {  	v7 =	vsel vm0, $0x1, v2  }
0x63: {  	(xrf0) =	vadd.scan.msk.s32 $0xffff, v7;
	_ =	sdelay $0x5  }
0x64: {  	v9, _, _ =	vpop (xrf0)  }
0x65: {  	v11 =	vsub.s32 v9, v7  }
0x66: {  	v13 =	vshra.s32 v11, $0x1F  }
0x67: {  	v15 =	vshrl.u32 v13, $0x19  }
0x68: {  	vm1 =	vne.s32 v9, v7;
	v15 =	vadd.s32 v15, v11  }
0x69: {  	v9 =	vsel vm1, $0x1, v2;
	v7 =	vshra.s32 v15, $0x7  }
0x6a: {  	v9 =	vor.u32 v9, v13;
	v13 =	vshll.u32 v7, $0x7  }
0x6b: {  	vm15 =	vne.s32 v9, $0x1;
	vm2 =	vne.s32 v11, v13  }
0x6c: {  	vm1 =	vmand vm2, vm15  }
0x6d: {  	v9 =	vsel vm1, $0xFFFFFFFF, v2  }
0x6e: {  	vm4 =	vlt.s32 v11, $0x200;
	v7 =	vadd.s32 v9, v7  }
0x6f: {  	vm1 =	vmand vm0, vm4;
	v9 =	vand.u32 $0x7F, v11;
	v7 =	vshll.u32 v7, $0x7  }
0x70: {  	v7 =	vor.u32 v9, v7;
	_ =	sdelay $0x2  }
0x71: {  	s28 =	sshll.u32 s26, $0x9  }
0x72: {  	s26 =	simm.s32 $0x380;
	v9 =	vor.u32 s28, v0  }
0x73: {  	[tilespmem:v7+s26+$0x0] =	vst.idx.msk vm1, v9;
	v7 =	vld [tilespmem:$0x1FF80];
	_ =	sdelay $0x4  }
0x74: {  	[tilespmem:v11+s17+$0x0] =	vst.idx.msk vm1, v7  }
0x75: {  	v7 =	vld [tilespmem:$0x10];
	_ =	sdelay $0x4  }
0x76: {  	vm5 =	vge.f32 v7, v5  }
0x77: {  	v7 =	vsel vm5, $0x1, v2  }
0x78: {  	(xrf0) =	vadd.scan.msk.s32 $0xffff, v7;
	_ =	sdelay $0x4  }
0x79: {  	v9 =	vmpcnt.ones.xlane vm0  }
0x7a: {  	v11, _, _ =	vpop (xrf0)  }
0x7b: {  	v11 =	vadd.s32 v9, v11  }
0x7c: {  	v13 =	vsub.s32 v11, v7  }
0x7d: {  	v15 =	vshra.s32 v13, $0x1F  }
0x7e: {  	vm6 =	vne.s32 v11, v7;
	v7 =	vshrl.u32 v15, $0x19  }
0x7f: {  	v11 =	vsel vm6, $0x1, v2;
	v7 =	vadd.s32 v7, v13  }
0x80: {  	v11 =	vor.u32 v11, v15;
	v15 =	vand.u32 $0xFFFFFF80, v7  }
0x81: {  	vm7 =	vne.s32 v11, $0x1;
	vm8 =	vne.s32 v13, v15  }
0x82: {  	vm0 =	vmand vm8, vm7  }
0x83: {  	v7 =	vshrl.u32 v7, $0x7;
	v11 =	vsel vm0, $0xFFFFFFFF, v2  }
0x84: {  	vm9 =	vlt.s32 v13, $0x200;
	v7 =	vadd.s32 v11, v7  }
0x85: {  	vm0 =	vmand vm5, vm9;
	v11 =	vand.u32 $0x7F, v13;
	v7 =	vshll.u32 v7, $0x7  }
0x86: {  	v7 =	vor.u32 v11, v7;
	_ =	sdelay $0x3  }
0x87: {  	v11 =	vor.u32 s28, v4  }
0x88: {  	[tilespmem:v7+s26+$0x0] =	vst.idx.msk vm0, v11;
	v7 =	vld [tilespmem:$0x1FF90];
	_ =	sdelay $0x4  }
0x89: {  	[tilespmem:v13+s17+$0x0] =	vst.idx.msk vm0, v7  }
0x8a: {  	v7 =	vld [tilespmem:$0x20];
	_ =	sdelay $0x4  }
0x8b: {  	vm10 =	vge.f32 v7, v5  }
0x8c: {  	v7 =	vsel vm10, $0x1, v2  }
0x8d: {  	(xrf0) =	vadd.scan.msk.s32 $0xffff, v7;
	_ =	sdelay $0x1  }
0x8e: {  	v11 =	vmpcnt.ones.xlane vm5;
	_ =	sdelay $0x3  }
0x8f: {  	v9 =	vadd.s32 v9, v11;
	v11, _, _ =	vpop (xrf0)  }
0x90: {  	v11 =	vadd.s32 v9, v11  }
0x91: {  	v13 =	vsub.s32 v11, v7  }
0x92: {  	v15 =	vshra.s32 v13, $0x1F  }
0x93: {  	vm11 =	vne.s32 v11, v7;
	v7 =	vshrl.u32 v15, $0x19  }
0x94: {  	v11 =	vsel vm11, $0x1, v2;
	v7 =	vadd.s32 v7, v13  }
0x95: {  	v11 =	vor.u32 v11, v15;
	v15 =	vand.u32 $0xFFFFFF80, v7  }
0x96: {  	vm12 =	vne.s32 v11, $0x1;
	vm13 =	vne.s32 v13, v15  }
0x97: {  	vm1 =	vmand vm13, vm12  }
0x98: {  	v7 =	vshrl.u32 v7, $0x7;
	v11 =	vsel vm1, $0xFFFFFFFF, v2  }
0x99: {  	vm14 =	vlt.s32 v13, $0x200;
	v7 =	vadd.s32 v11, v7  }
0x9a: {  	vm1 =	vmand vm10, vm14;
	v11 =	vand.u32 $0x7F, v13;
	v7 =	vshll.u32 v7, $0x7  }
0x9b: {  	v7 =	vor.u32 v11, v7;
	_ =	sdelay $0x3  }
0x9c: {  	v11 =	vor.u32 s28, v6  }
0x9d: {  	[tilespmem:v7+s26+$0x0] =	vst.idx.msk vm1, v11;
	v7 =	vld [tilespmem:$0x1FFA0];
	_ =	sdelay $0x4  }
0x9e: {  	[tilespmem:v13+s17+$0x0] =	vst.idx.msk vm1, v7  }
0x9f: {  	v7 =	vld [tilespmem:$0x30];
	_ =	sdelay $0x4  }
0xa0: {  	vm15 =	vge.f32 v7, v5  }
0xa1: {  	v7 =	vsel vm15, $0x1, v2  }
0xa2: {  	(xrf0) =	vadd.scan.msk.s32 $0xffff, v7;
	_ =	sdelay $0x1  }
0xa3: {  	v11 =	vmpcnt.ones.xlane vm10;
	_ =	sdelay $0x3  }
0xa4: {  	v9 =	vadd.s32 v9, v11;
	v11, _, _ =	vpop (xrf0)  }
0xa5: {  	v11 =	vadd.s32 v9, v11  }
0xa6: {  	v13 =	vsub.s32 v11, v7  }
0xa7: {  	v15 =	vshra.s32 v13, $0x1F  }
0xa8: {  	vm4 =	vne.s32 v11, v7;
	v7 =	vshrl.u32 v15, $0x19  }
0xa9: {  	v11 =	vsel vm4, $0x1, v2;
	v7 =	vadd.s32 v7, v13  }
0xaa: {  	v11 =	vor.u32 v11, v15;
	v15 =	vand.u32 $0xFFFFFF80, v7  }
0xab: {  	vm5 =	vne.s32 v11, $0x1;
	vm6 =	vne.s32 v13, v15  }
0xac: {  	vm0 =	vmand vm6, vm5  }
0xad: {  	v7 =	vshrl.u32 v7, $0x7;
	v11 =	vsel vm0, $0xFFFFFFFF, v2  }
0xae: {  	vm7 =	vlt.s32 v13, $0x200;
	v7 =	vadd.s32 v11, v7  }
0xaf: {  	vm0 =	vmand vm15, vm7;
	v11 =	vand.u32 $0x7F, v13;
	v7 =	vshll.u32 v7, $0x7  }
0xb0: {  	v7 =	vor.u32 v11, v7;
	_ =	sdelay $0x3  }
0xb1: {  	v11 =	vor.u32 s28, v8  }
0xb2: {  	[tilespmem:v7+s26+$0x0] =	vst.idx.msk vm0, v11;
	v7 =	vld [tilespmem:$0x1FFB0];
	_ =	sdelay $0x4  }
0xb3: {  	[tilespmem:v13+s17+$0x0] =	vst.idx.msk vm0, v7  }
0xb4: {  	v7 =	vld [tilespmem:$0x40];
	_ =	sdelay $0x4  }
0xb5: {  	vm8 =	vge.f32 v7, v5  }
0xb6: {  	v7 =	vsel vm8, $0x1, v2  }
0xb7: {  	(xrf0) =	vadd.scan.msk.s32 $0xffff, v7;
	_ =	sdelay $0x1  }
0xb8: {  	v11 =	vmpcnt.ones.xlane vm15;
	_ =	sdelay $0x3  }
0xb9: {  	v9 =	vadd.s32 v9, v11;
	v11, _, _ =	vpop (xrf0)  }
0xba: {  	v11 =	vadd.s32 v9, v11  }
0xbb: {  	v13 =	vsub.s32 v11, v7  }
0xbc: {  	v15 =	vshra.s32 v13, $0x1F  }
0xbd: {  	vm9 =	vne.s32 v11, v7;
	v7 =	vshrl.u32 v15, $0x19  }
0xbe: {  	v11 =	vsel vm9, $0x1, v2;
	v7 =	vadd.s32 v7, v13  }
0xbf: {  	v11 =	vor.u32 v11, v15;
	v15 =	vand.u32 $0xFFFFFF80, v7  }
0xc0: {  	vm10 =	vne.s32 v11, $0x1;
	vm11 =	vne.s32 v13, v15  }
0xc1: {  	vm1 =	vmand vm11, vm10  }
0xc2: {  	v7 =	vshrl.u32 v7, $0x7;
	v11 =	vsel vm1, $0xFFFFFFFF, v2  }
0xc3: {  	vm12 =	vlt.s32 v13, $0x200;
	v7 =	vadd.s32 v11, v7  }
0xc4: {  	vm1 =	vmand vm8, vm12;
	v11 =	vand.u32 $0x7F, v13;
	v7 =	vshll.u32 v7, $0x7  }
0xc5: {  	v7 =	vor.u32 v11, v7;
	_ =	sdelay $0x3  }
0xc6: {  	v11 =	vor.u32 s28, v10  }
0xc7: {  	[tilespmem:v7+s26+$0x0] =	vst.idx.msk vm1, v11;
	v7 =	vld [tilespmem:$0x1FFC0];
	_ =	sdelay $0x4  }
0xc8: {  	[tilespmem:v13+s17+$0x0] =	vst.idx.msk vm1, v7  }
0xc9: {  	v7 =	vld [tilespmem:$0x50];
	_ =	sdelay $0x4  }
0xca: {  	vm13 =	vge.f32 v7, v5  }
0xcb: {  	v7 =	vsel vm13, $0x1, v2  }
0xcc: {  	(xrf0) =	vadd.scan.msk.s32 $0xffff, v7;
	_ =	sdelay $0x1  }
0xcd: {  	v11 =	vmpcnt.ones.xlane vm8;
	_ =	sdelay $0x3  }
0xce: {  	v9 =	vadd.s32 v9, v11;
	v11, _, _ =	vpop (xrf0)  }
0xcf: {  	v11 =	vadd.s32 v9, v11  }
0xd0: {  	v13 =	vsub.s32 v11, v7  }
0xd1: {  	v15 =	vshra.s32 v13, $0x1F  }
0xd2: {  	vm14 =	vne.s32 v11, v7;
	v7 =	vshrl.u32 v15, $0x19  }
0xd3: {  	v11 =	vsel vm14, $0x1, v2;
	v7 =	vadd.s32 v7, v13  }
0xd4: {  	v11 =	vor.u32 v11, v15;
	v15 =	vand.u32 $0xFFFFFF80, v7  }
0xd5: {  	vm15 =	vne.s32 v11, $0x1;
	vm4 =	vne.s32 v13, v15  }
0xd6: {  	vm0 =	vmand vm4, vm15  }
0xd7: {  	v7 =	vshrl.u32 v7, $0x7;
	v11 =	vsel vm0, $0xFFFFFFFF, v2  }
0xd8: {  	vm5 =	vlt.s32 v13, $0x200;
	v7 =	vadd.s32 v11, v7  }
0xd9: {  	vm0 =	vmand vm13, vm5;
	v11 =	vand.u32 $0x7F, v13;
	v7 =	vshll.u32 v7, $0x7  }
0xda: {  	v7 =	vor.u32 v11, v7;
	_ =	sdelay $0x3  }
0xdb: {  	v11 =	vor.u32 s28, v12  }
0xdc: {  	[tilespmem:v7+s26+$0x0] =	vst.idx.msk vm0, v11;
	v7 =	vld [tilespmem:$0x1FFD0];
	_ =	sdelay $0x4  }
0xdd: {  	[tilespmem:v13+s17+$0x0] =	vst.idx.msk vm0, v7  }
0xde: {  	v7 =	vld [tilespmem:$0x60];
	_ =	sdelay $0x4  }
0xdf: {  	vm6 =	vge.f32 v7, v5  }
0xe0: {  	v7 =	vsel vm6, $0x1, v2  }
0xe1: {  	(xrf0) =	vadd.scan.msk.s32 $0xffff, v7;
	_ =	sdelay $0x1  }
0xe2: {  	v11 =	vmpcnt.ones.xlane vm13;
	_ =	sdelay $0x3  }
0xe3: {  	v9 =	vadd.s32 v9, v11;
	v11, _, _ =	vpop (xrf0)  }
0xe4: {  	v11 =	vadd.s32 v9, v11  }
0xe5: {  	v13 =	vsub.s32 v11, v7  }
0xe6: {  	v15 =	vshra.s32 v13, $0x1F  }
0xe7: {  	vm7 =	vne.s32 v11, v7;
	v7 =	vshrl.u32 v15, $0x19  }
0xe8: {  	v11 =	vsel vm7, $0x1, v2;
	v7 =	vadd.s32 v7, v13  }
0xe9: {  	v11 =	vor.u32 v11, v15;
	v15 =	vand.u32 $0xFFFFFF80, v7  }
0xea: {  	vm8 =	vne.s32 v11, $0x1;
	vm9 =	vne.s32 v13, v15  }
0xeb: {  	vm1 =	vmand vm9, vm8  }
0xec: {  	v7 =	vshrl.u32 v7, $0x7;
	v11 =	vsel vm1, $0xFFFFFFFF, v2  }
0xed: {  	vm10 =	vlt.s32 v13, $0x200;
	v7 =	vadd.s32 v11, v7  }
0xee: {  	vm1 =	vmand vm6, vm10;
	v11 =	vand.u32 $0x7F, v13;
	v7 =	vshll.u32 v7, $0x7  }
0xef: {  	v7 =	vor.u32 v11, v7;
	_ =	sdelay $0x3  }
0xf0: {  	v11 =	vor.u32 s28, v14  }
0xf1: {  	[tilespmem:v7+s26+$0x0] =	vst.idx.msk vm1, v11;
	v7 =	vld [tilespmem:$0x1FFE0];
	_ =	sdelay $0x4  }
0xf2: {  	[tilespmem:v13+s17+$0x0] =	vst.idx.msk vm1, v7  }
0xf3: {  	v7 =	vld [tilespmem:$0x70];
	_ =	sdelay $0x4  }
0xf4: {  	vm11 =	vge.f32 v7, v5  }
0xf5: {  	v7 =	vsel vm11, $0x1, v2  }
0xf6: {  	(xrf0) =	vadd.scan.msk.s32 $0xffff, v7;
	_ =	sdelay $0x1  }
0xf7: {  	v11 =	vmpcnt.ones.xlane vm6;
	_ =	sdelay $0x3  }
0xf8: {  	v9 =	vadd.s32 v9, v11;
	v11, _, _ =	vpop (xrf0)  }
0xf9: {  	v11 =	vadd.s32 v9, v11  }
0xfa: {  	v13 =	vsub.s32 v11, v7  }
0xfb: {  	v15 =	vshra.s32 v13, $0x1F  }
0xfc: {  	vm12 =	vne.s32 v11, v7;
	v7 =	vshrl.u32 v15, $0x19  }
0xfd: {  	v11 =	vsel vm12, $0x1, v2;
	v7 =	vadd.s32 v7, v13  }
0xfe: {  	v11 =	vor.u32 v11, v15;
	v15 =	vand.u32 $0xFFFFFF80, v7  }
0xff: {  	vm13 =	vne.s32 v11, $0x1;
	vm14 =	vne.s32 v13, v15  }
0x100: {  	vm0 =	vmand vm14, vm13  }
0x101: {  	v7 =	vshrl.u32 v7, $0x7;
	v11 =	vsel vm0, $0xFFFFFFFF, v2  }
0x102: {  	vm15 =	vlt.s32 v13, $0x200;
	v7 =	vadd.s32 v11, v7  }
0x103: {  	vm0 =	vmand vm11, vm15;
	v11 =	vand.u32 $0x7F, v13;
	v7 =	vshll.u32 v7, $0x7  }
0x104: {  	v7 =	vor.u32 v11, v7;
	_ =	sdelay $0x3  }
0x105: {  	v11 =	vor.u32 s28, v16  }
0x106: {  	[tilespmem:v7+s26+$0x0] =	vst.idx.msk vm0, v11;
	v7 =	vld [tilespmem:$0x1FFF0];
	_ =	sdelay $0x4  }
0x107: {  	[tilespmem:v13+s17+$0x0] =	vst.idx.msk vm0, v7  }
0x108: {  	v7 =	vld [tilespmem:$0x80];
	_ =	sdelay $0x4  }
0x109: {  	vm4 =	vge.f32 v7, v5  }
0x10a: {  	v7 =	vsel vm4, $0x1, v2  }
0x10b: {  	(xrf0) =	vadd.scan.msk.s32 $0xffff, v7;
	_ =	sdelay $0x1  }
0x10c: {  	v11 =	vmpcnt.ones.xlane vm11;
	_ =	sdelay $0x3  }
0x10d: {  	v9 =	vadd.s32 v9, v11;
	v11, _, _ =	vpop (xrf0)  }
0x10e: {  	v11 =	vadd.s32 v9, v11  }
0x10f: {  	v13 =	vsub.s32 v11, v7  }
0x110: {  	v15 =	vshra.s32 v13, $0x1F  }
0x111: {  	vm5 =	vne.s32 v11, v7;
	v7 =	vshrl.u32 v15, $0x19  }
0x112: {  	v11 =	vsel vm5, $0x1, v2;
	v7 =	vadd.s32 v7, v13  }
0x113: {  	v11 =	vor.u32 v11, v15;
	v15 =	vand.u32 $0xFFFFFF80, v7  }
0x114: {  	vm6 =	vne.s32 v11, $0x1;
	vm7 =	vne.s32 v13, v15  }
0x115: {  	vm1 =	vmand vm7, vm6  }
0x116: {  	v7 =	vshrl.u32 v7, $0x7;
	v11 =	vsel vm1, $0xFFFFFFFF, v2  }
0x117: {  	vm8 =	vlt.s32 v13, $0x200;
	v7 =	vadd.s32 v11, v7  }
0x118: {  	vm1 =	vmand vm4, vm8;
	v11 =	vand.u32 $0x7F, v13;
	v7 =	vshll.u32 v7, $0x7  }
0x119: {  	v7 =	vor.u32 v11, v7;
	_ =	sdelay $0x3  }
0x11a: {  	v11 =	vor.u32 s28, v18  }
0x11b: {  	[tilespmem:v7+s26+$0x0] =	vst.idx.msk vm1, v11  }
0x11c: {  	[tilespmem:v13+s17+$0x0] =	vst.idx.msk vm1, v19  }
0x11d: {  	v7 =	vld [tilespmem:$0x90];
	_ =	sdelay $0x4  }
0x11e: {  	vm9 =	vge.f32 v7, v5  }
0x11f: {  	v7 =	vsel vm9, $0x1, v2  }
0x120: {  	(xrf0) =	vadd.scan.msk.s32 $0xffff, v7;
	_ =	sdelay $0x1  }
0x121: {  	v11 =	vmpcnt.ones.xlane vm4;
	_ =	sdelay $0x3  }
0x122: {  	v9 =	vadd.s32 v9, v11;
	v11, _, _ =	vpop (xrf0)  }
0x123: {  	v11 =	vadd.s32 v9, v11  }
0x124: {  	v13 =	vsub.s32 v11, v7  }
0x125: {  	v15 =	vshra.s32 v13, $0x1F  }
0x126: {  	vm10 =	vne.s32 v11, v7;
	v7 =	vshrl.u32 v15, $0x19  }
0x127: {  	v11 =	vsel vm10, $0x1, v2;
	v7 =	vadd.s32 v7, v13  }
0x128: {  	v11 =	vor.u32 v11, v15;
	v15 =	vand.u32 $0xFFFFFF80, v7  }
0x129: {  	vm11 =	vne.s32 v11, $0x1;
	vm12 =	vne.s32 v13, v15  }
0x12a: {  	vm0 =	vmand vm12, vm11  }
0x12b: {  	v7 =	vshrl.u32 v7, $0x7;
	v11 =	vsel vm0, $0xFFFFFFFF, v2  }
0x12c: {  	vm13 =	vlt.s32 v13, $0x200;
	v7 =	vadd.s32 v11, v7  }
0x12d: {  	vm0 =	vmand vm9, vm13;
	v11 =	vand.u32 $0x7F, v13;
	v7 =	vshll.u32 v7, $0x7  }
0x12e: {  	v7 =	vor.u32 v11, v7;
	_ =	sdelay $0x3  }
0x12f: {  	v11 =	vor.u32 s28, v20  }
0x130: {  	[tilespmem:v7+s26+$0x0] =	vst.idx.msk vm0, v11  }
0x131: {  	[tilespmem:v13+s17+$0x0] =	vst.idx.msk vm0, v21  }
0x132: {  	v7 =	vld [tilespmem:$0xA0];
	_ =	sdelay $0x4  }
0x133: {  	vm14 =	vge.f32 v7, v5  }
0x134: {  	v7 =	vsel vm14, $0x1, v2  }
0x135: {  	(xrf0) =	vadd.scan.msk.s32 $0xffff, v7;
	_ =	sdelay $0x1  }
0x136: {  	v11 =	vmpcnt.ones.xlane vm9;
	_ =	sdelay $0x3  }
0x137: {  	v9 =	vadd.s32 v9, v11;
	v11, _, _ =	vpop (xrf0)  }
0x138: {  	v11 =	vadd.s32 v9, v11  }
0x139: {  	v13 =	vsub.s32 v11, v7  }
0x13a: {  	v15 =	vshra.s32 v13, $0x1F  }
0x13b: {  	vm15 =	vne.s32 v11, v7;
	v7 =	vshrl.u32 v15, $0x19  }
0x13c: {  	v11 =	vsel vm15, $0x1, v2;
	v7 =	vadd.s32 v7, v13  }
0x13d: {  	v11 =	vor.u32 v11, v15;
	v15 =	vand.u32 $0xFFFFFF80, v7  }
0x13e: {  	vm4 =	vne.s32 v11, $0x1;
	vm5 =	vne.s32 v13, v15  }
0x13f: {  	vm1 =	vmand vm5, vm4  }
0x140: {  	v7 =	vshrl.u32 v7, $0x7;
	v11 =	vsel vm1, $0xFFFFFFFF, v2  }
0x141: {  	vm6 =	vlt.s32 v13, $0x200;
	v7 =	vadd.s32 v11, v7  }
0x142: {  	vm1 =	vmand vm14, vm6;
	v11 =	vand.u32 $0x7F, v13;
	v7 =	vshll.u32 v7, $0x7  }
0x143: {  	v7 =	vor.u32 v11, v7;
	_ =	sdelay $0x3  }
0x144: {  	v11 =	vor.u32 s28, v22  }
0x145: {  	[tilespmem:v7+s26+$0x0] =	vst.idx.msk vm1, v11  }
0x146: {  	[tilespmem:v13+s17+$0x0] =	vst.idx.msk vm1, v23  }
0x147: {  	v7 =	vld [tilespmem:$0xB0];
	_ =	sdelay $0x4  }
0x148: {  	vm7 =	vge.f32 v7, v5  }
0x149: {  	v7 =	vsel vm7, $0x1, v2  }
0x14a: {  	(xrf0) =	vadd.scan.msk.s32 $0xffff, v7;
	_ =	sdelay $0x1  }
0x14b: {  	v11 =	vmpcnt.ones.xlane vm14;
	_ =	sdelay $0x3  }
0x14c: {  	v9 =	vadd.s32 v9, v11;
	v11, _, _ =	vpop (xrf0)  }
0x14d: {  	v11 =	vadd.s32 v9, v11  }
0x14e: {  	v13 =	vsub.s32 v11, v7  }
0x14f: {  	v15 =	vshra.s32 v13, $0x1F  }
0x150: {  	vm8 =	vne.s32 v11, v7;
	v7 =	vshrl.u32 v15, $0x19  }
0x151: {  	v11 =	vsel vm8, $0x1, v2;
	v7 =	vadd.s32 v7, v13  }
0x152: {  	v11 =	vor.u32 v11, v15;
	v15 =	vand.u32 $0xFFFFFF80, v7  }
0x153: {  	vm9 =	vne.s32 v11, $0x1;
	vm10 =	vne.s32 v13, v15  }
0x154: {  	vm0 =	vmand vm10, vm9  }
0x155: {  	v7 =	vshrl.u32 v7, $0x7;
	v11 =	vsel vm0, $0xFFFFFFFF, v2  }
0x156: {  	vm11 =	vlt.s32 v13, $0x200;
	v7 =	vadd.s32 v11, v7  }
0x157: {  	vm0 =	vmand vm7, vm11;
	v11 =	vand.u32 $0x7F, v13;
	v7 =	vshll.u32 v7, $0x7  }
0x158: {  	v7 =	vor.u32 v11, v7;
	_ =	sdelay $0x3  }
0x159: {  	v11 =	vor.u32 s28, v24  }
0x15a: {  	[tilespmem:v7+s26+$0x0] =	vst.idx.msk vm0, v11  }
0x15b: {  	[tilespmem:v13+s17+$0x0] =	vst.idx.msk vm0, v25  }
0x15c: {  	v7 =	vld [tilespmem:$0xC0];
	_ =	sdelay $0x4  }
0x15d: {  	vm12 =	vge.f32 v7, v5  }
0x15e: {  	v7 =	vsel vm12, $0x1, v2  }
0x15f: {  	(xrf0) =	vadd.scan.msk.s32 $0xffff, v7;
	_ =	sdelay $0x1  }
0x160: {  	v11 =	vmpcnt.ones.xlane vm7;
	_ =	sdelay $0x3  }
0x161: {  	v9 =	vadd.s32 v9, v11;
	v11, _, _ =	vpop (xrf0)  }
0x162: {  	v11 =	vadd.s32 v9, v11  }
0x163: {  	v13 =	vsub.s32 v11, v7  }
0x164: {  	v15 =	vshra.s32 v13, $0x1F  }
0x165: {  	vm13 =	vne.s32 v11, v7;
	v7 =	vshrl.u32 v15, $0x19  }
0x166: {  	v11 =	vsel vm13, $0x1, v2;
	v7 =	vadd.s32 v7, v13  }
0x167: {  	v11 =	vor.u32 v11, v15;
	v15 =	vand.u32 $0xFFFFFF80, v7  }
0x168: {  	vm14 =	vne.s32 v11, $0x1;
	vm15 =	vne.s32 v13, v15  }
0x169: {  	vm1 =	vmand vm15, vm14  }
0x16a: {  	v7 =	vshrl.u32 v7, $0x7;
	v11 =	vsel vm1, $0xFFFFFFFF, v2  }
0x16b: {  	vm4 =	vlt.s32 v13, $0x200;
	v7 =	vadd.s32 v11, v7  }
0x16c: {  	vm1 =	vmand vm12, vm4;
	v11 =	vand.u32 $0x7F, v13;
	v7 =	vshll.u32 v7, $0x7  }
0x16d: {  	v7 =	vor.u32 v11, v7;
	_ =	sdelay $0x3  }
0x16e: {  	v11 =	vor.u32 s28, v26  }
0x16f: {  	[tilespmem:v7+s26+$0x0] =	vst.idx.msk vm1, v11  }
0x170: {  	[tilespmem:v13+s17+$0x0] =	vst.idx.msk vm1, v27  }
0x171: {  	v7 =	vld [tilespmem:$0xD0];
	_ =	sdelay $0x4  }
0x172: {  	vm5 =	vge.f32 v7, v5  }
0x173: {  	v7 =	vsel vm5, $0x1, v2  }
0x174: {  	(xrf0) =	vadd.scan.msk.s32 $0xffff, v7;
	_ =	sdelay $0x1  }
0x175: {  	v11 =	vmpcnt.ones.xlane vm12;
	_ =	sdelay $0x3  }
0x176: {  	v9 =	vadd.s32 v9, v11;
	v11, _, _ =	vpop (xrf0)  }
0x177: {  	v11 =	vadd.s32 v9, v11  }
0x178: {  	v13 =	vsub.s32 v11, v7  }
0x179: {  	v15 =	vshra.s32 v13, $0x1F  }
0x17a: {  	vm6 =	vne.s32 v11, v7;
	v7 =	vshrl.u32 v15, $0x19  }
0x17b: {  	v11 =	vsel vm6, $0x1, v2;
	v7 =	vadd.s32 v7, v13  }
0x17c: {  	v11 =	vor.u32 v11, v15;
	v15 =	vand.u32 $0xFFFFFF80, v7  }
0x17d: {  	vm7 =	vne.s32 v11, $0x1;
	vm8 =	vne.s32 v13, v15  }
0x17e: {  	vm0 =	vmand vm8, vm7  }
0x17f: {  	v7 =	vshrl.u32 v7, $0x7;
	v11 =	vsel vm0, $0xFFFFFFFF, v2  }
0x180: {  	vm9 =	vlt.s32 v13, $0x200;
	v7 =	vadd.s32 v11, v7  }
0x181: {  	vm0 =	vmand vm5, vm9;
	v11 =	vand.u32 $0x7F, v13;
	v7 =	vshll.u32 v7, $0x7  }
0x182: {  	v7 =	vor.u32 v11, v7;
	_ =	sdelay $0x3  }
0x183: {  	v11 =	vor.u32 s28, v28  }
0x184: {  	[tilespmem:v7+s26+$0x0] =	vst.idx.msk vm0, v11  }
0x185: {  	[tilespmem:v13+s17+$0x0] =	vst.idx.msk vm0, v29  }
0x186: {  	v7 =	vld [tilespmem:$0xE0];
	_ =	sdelay $0x4  }
0x187: {  	vm10 =	vge.f32 v7, v5  }
0x188: {  	v7 =	vsel vm10, $0x1, v2  }
0x189: {  	(xrf0) =	vadd.scan.msk.s32 $0xffff, v7;
	_ =	sdelay $0x1  }
0x18a: {  	v11 =	vmpcnt.ones.xlane vm5;
	_ =	sdelay $0x3  }
0x18b: {  	v9 =	vadd.s32 v9, v11;
	v11, _, _ =	vpop (xrf0)  }
0x18c: {  	v11 =	vadd.s32 v9, v11  }
0x18d: {  	v13 =	vsub.s32 v11, v7  }
0x18e: {  	v15 =	vshra.s32 v13, $0x1F  }
0x18f: {  	vm11 =	vne.s32 v11, v7;
	v7 =	vshrl.u32 v15, $0x19  }
0x190: {  	v11 =	vsel vm11, $0x1, v2;
	v7 =	vadd.s32 v7, v13  }
0x191: {  	v11 =	vor.u32 v11, v15;
	v15 =	vand.u32 $0xFFFFFF80, v7  }
0x192: {  	vm12 =	vne.s32 v11, $0x1;
	vm13 =	vne.s32 v13, v15  }
0x193: {  	vm1 =	vmand vm13, vm12  }
0x194: {  	v7 =	vshrl.u32 v7, $0x7;
	v11 =	vsel vm1, $0xFFFFFFFF, v2  }
0x195: {  	vm14 =	vlt.s32 v13, $0x200;
	v7 =	vadd.s32 v11, v7  }
0x196: {  	vm1 =	vmand vm10, vm14;
	v11 =	vand.u32 $0x7F, v13;
	v7 =	vshll.u32 v7, $0x7  }
0x197: {  	v7 =	vor.u32 v11, v7;
	_ =	sdelay $0x3  }
0x198: {  	v11 =	vor.u32 s28, v30  }
0x199: {  	[tilespmem:v7+s26+$0x0] =	vst.idx.msk vm1, v11  }
0x19a: {  	[tilespmem:v13+s17+$0x0] =	vst.idx.msk vm1, v31  }
0x19b: {  	v7 =	vld [tilespmem:$0xF0];
	_ =	sdelay $0x4  }
0x19c: {  	vm15 =	vge.f32 v7, v5  }
0x19d: {  	v7 =	vsel vm15, $0x1, v2  }
0x19e: {  	(xrf0) =	vadd.scan.msk.s32 $0xffff, v7;
	_ =	sdelay $0x1  }
0x19f: {  	v11 =	vmpcnt.ones.xlane vm10;
	_ =	sdelay $0x3  }
0x1a0: {  	v9 =	vadd.s32 v9, v11;
	v11, _, _ =	vpop (xrf0)  }
0x1a1: {  	v11 =	vadd.s32 v9, v11  }
0x1a2: {  	v13 =	vsub.s32 v11, v7  }
0x1a3: {  	v15 =	vshra.s32 v13, $0x1F  }
0x1a4: {  	vm4 =	vne.s32 v11, v7;
	v7 =	vshrl.u32 v15, $0x19  }
0x1a5: {  	v11 =	vsel vm4, $0x1, v2;
	v7 =	vadd.s32 v7, v13  }
0x1a6: {  	v11 =	vor.u32 v11, v15;
	v15 =	vand.u32 $0xFFFFFF80, v7  }
0x1a7: {  	vm5 =	vne.s32 v11, $0x1;
	vm6 =	vne.s32 v13, v15  }
0x1a8: {  	vm0 =	vmand vm6, vm5  }
0x1a9: {  	v7 =	vshrl.u32 v7, $0x7;
	v11 =	vsel vm0, $0xFFFFFFFF, v2  }
0x1aa: {  	vm7 =	vlt.s32 v13, $0x200;
	v7 =	vadd.s32 v11, v7  }
0x1ab: {  	vm0 =	vmand vm15, vm7;
	v11 =	vand.u32 $0x7F, v13;
	v7 =	vshll.u32 v7, $0x7  }
0x1ac: {  	v7 =	vor.u32 v11, v7;
	_ =	sdelay $0x3  }
0x1ad: {  	v11 =	vor.u32 s28, v32  }
0x1ae: {  	[tilespmem:v7+s26+$0x0] =	vst.idx.msk vm0, v11  }
0x1af: {  	[tilespmem:v13+s17+$0x0] =	vst.idx.msk vm0, v33  }
0x1b0: {  	v7 =	vld [tilespmem:$0x100];
	_ =	sdelay $0x4  }
0x1b1: {  	vm8 =	vge.f32 v7, v5  }
0x1b2: {  	v7 =	vsel vm8, $0x1, v2  }
0x1b3: {  	(xrf0) =	vadd.scan.msk.s32 $0xffff, v7;
	_ =	sdelay $0x1  }
0x1b4: {  	v11 =	vmpcnt.ones.xlane vm15;
	_ =	sdelay $0x3  }
0x1b5: {  	v9 =	vadd.s32 v9, v11;
	v11, _, _ =	vpop (xrf0)  }
0x1b6: {  	v11 =	vadd.s32 v9, v11  }
0x1b7: {  	v13 =	vsub.s32 v11, v7  }
0x1b8: {  	v15 =	vshra.s32 v13, $0x1F  }
0x1b9: {  	vm9 =	vne.s32 v11, v7;
	v7 =	vshrl.u32 v15, $0x19  }
0x1ba: {  	v11 =	vsel vm9, $0x1, v2;
	v7 =	vadd.s32 v7, v13  }
0x1bb: {  	v11 =	vor.u32 v11, v15;
	v15 =	vand.u32 $0xFFFFFF80, v7  }
0x1bc: {  	vm10 =	vne.s32 v11, $0x1;
	vm11 =	vne.s32 v13, v15  }
0x1bd: {  	vm1 =	vmand vm11, vm10  }
0x1be: {  	v7 =	vshrl.u32 v7, $0x7;
	v11 =	vsel vm1, $0xFFFFFFFF, v2  }
0x1bf: {  	vm12 =	vlt.s32 v13, $0x200;
	v7 =	vadd.s32 v11, v7  }
0x1c0: {  	vm1 =	vmand vm8, vm12;
	v11 =	vand.u32 $0x7F, v13;
	v7 =	vshll.u32 v7, $0x7  }
0x1c1: {  	v7 =	vor.u32 v11, v7;
	_ =	sdelay $0x3  }
0x1c2: {  	v11 =	vor.u32 s28, v34  }
0x1c3: {  	[tilespmem:v7+s26+$0x0] =	vst.idx.msk vm1, v11  }
0x1c4: {  	[tilespmem:v13+s17+$0x0] =	vst.idx.msk vm1, v35  }
0x1c5: {  	v7 =	vld [tilespmem:$0x110];
	_ =	sdelay $0x4  }
0x1c6: {  	vm13 =	vge.f32 v7, v5  }
0x1c7: {  	v7 =	vsel vm13, $0x1, v2  }
0x1c8: {  	(xrf0) =	vadd.scan.msk.s32 $0xffff, v7;
	_ =	sdelay $0x1  }
0x1c9: {  	v11 =	vmpcnt.ones.xlane vm8;
	_ =	sdelay $0x3  }
0x1ca: {  	v9 =	vadd.s32 v9, v11;
	v11, _, _ =	vpop (xrf0)  }
0x1cb: {  	v11 =	vadd.s32 v9, v11  }
0x1cc: {  	v13 =	vsub.s32 v11, v7  }
0x1cd: {  	v15 =	vshra.s32 v13, $0x1F  }
0x1ce: {  	vm14 =	vne.s32 v11, v7;
	v7 =	vshrl.u32 v15, $0x19  }
0x1cf: {  	v11 =	vsel vm14, $0x1, v2;
	v7 =	vadd.s32 v7, v13  }
0x1d0: {  	v11 =	vor.u32 v11, v15;
	v15 =	vand.u32 $0xFFFFFF80, v7  }
0x1d1: {  	vm15 =	vne.s32 v11, $0x1;
	vm4 =	vne.s32 v13, v15  }
0x1d2: {  	vm0 =	vmand vm4, vm15  }
0x1d3: {  	v7 =	vshrl.u32 v7, $0x7;
	v11 =	vsel vm0, $0xFFFFFFFF, v2  }
0x1d4: {  	vm5 =	vlt.s32 v13, $0x200;
	v7 =	vadd.s32 v11, v7  }
0x1d5: {  	vm0 =	vmand vm13, vm5;
	v11 =	vand.u32 $0x7F, v13;
	v7 =	vshll.u32 v7, $0x7  }
0x1d6: {  	v7 =	vor.u32 v11, v7;
	_ =	sdelay $0x3  }
0x1d7: {  	v11 =	vor.u32 s28, v36  }
0x1d8: {  	[tilespmem:v7+s26+$0x0] =	vst.idx.msk vm0, v11  }
0x1d9: {  	[tilespmem:v13+s17+$0x0] =	vst.idx.msk vm0, v37  }
0x1da: {  	v7 =	vld [tilespmem:$0x120];
	_ =	sdelay $0x4  }
0x1db: {  	vm6 =	vge.f32 v7, v5  }
0x1dc: {  	v7 =	vsel vm6, $0x1, v2  }
0x1dd: {  	(xrf0) =	vadd.scan.msk.s32 $0xffff, v7;
	_ =	sdelay $0x1  }
0x1de: {  	v11 =	vmpcnt.ones.xlane vm13;
	_ =	sdelay $0x3  }
0x1df: {  	v9 =	vadd.s32 v9, v11;
	v11, _, _ =	vpop (xrf0)  }
0x1e0: {  	v11 =	vadd.s32 v9, v11  }
0x1e1: {  	v13 =	vsub.s32 v11, v7  }
0x1e2: {  	v15 =	vshra.s32 v13, $0x1F  }
0x1e3: {  	vm7 =	vne.s32 v11, v7;
	v7 =	vshrl.u32 v15, $0x19  }
0x1e4: {  	v11 =	vsel vm7, $0x1, v2;
	v7 =	vadd.s32 v7, v13  }
0x1e5: {  	v11 =	vor.u32 v11, v15;
	v15 =	vand.u32 $0xFFFFFF80, v7  }
0x1e6: {  	vm8 =	vne.s32 v11, $0x1;
	vm9 =	vne.s32 v13, v15  }
0x1e7: {  	vm1 =	vmand vm9, vm8  }
0x1e8: {  	v7 =	vshrl.u32 v7, $0x7;
	v11 =	vsel vm1, $0xFFFFFFFF, v2  }
0x1e9: {  	vm10 =	vlt.s32 v13, $0x200;
	v7 =	vadd.s32 v11, v7  }
0x1ea: {  	vm1 =	vmand vm6, vm10;
	v11 =	vand.u32 $0x7F, v13;
	v7 =	vshll.u32 v7, $0x7  }
0x1eb: {  	v7 =	vor.u32 v11, v7;
	_ =	sdelay $0x3  }
0x1ec: {  	v11 =	vor.u32 s28, v38  }
0x1ed: {  	[tilespmem:v7+s26+$0x0] =	vst.idx.msk vm1, v11  }
0x1ee: {  	[tilespmem:v13+s17+$0x0] =	vst.idx.msk vm1, v39  }
0x1ef: {  	v7 =	vld [tilespmem:$0x130];
	_ =	sdelay $0x4  }
0x1f0: {  	vm11 =	vge.f32 v7, v5  }
0x1f1: {  	v7 =	vsel vm11, $0x1, v2  }
0x1f2: {  	(xrf0) =	vadd.scan.msk.s32 $0xffff, v7;
	_ =	sdelay $0x1  }
0x1f3: {  	v11 =	vmpcnt.ones.xlane vm6;
	_ =	sdelay $0x3  }
0x1f4: {  	v9 =	vadd.s32 v9, v11;
	v11, _, _ =	vpop (xrf0)  }
0x1f5: {  	v11 =	vadd.s32 v9, v11  }
0x1f6: {  	v13 =	vsub.s32 v11, v7  }
0x1f7: {  	v15 =	vshra.s32 v13, $0x1F  }
0x1f8: {  	vm12 =	vne.s32 v11, v7;
	v7 =	vshrl.u32 v15, $0x19  }
0x1f9: {  	v11 =	vsel vm12, $0x1, v2;
	v7 =	vadd.s32 v7, v13  }
0x1fa: {  	v11 =	vor.u32 v11, v15;
	v15 =	vand.u32 $0xFFFFFF80, v7  }
0x1fb: {  	vm13 =	vne.s32 v11, $0x1;
	vm14 =	vne.s32 v13, v15  }
0x1fc: {  	vm0 =	vmand vm14, vm13  }
0x1fd: {  	v7 =	vshrl.u32 v7, $0x7;
	v11 =	vsel vm0, $0xFFFFFFFF, v2  }
0x1fe: {  	vm15 =	vlt.s32 v13, $0x200;
	v7 =	vadd.s32 v11, v7  }
0x1ff: {  	vm0 =	vmand vm11, vm15;
	v11 =	vand.u32 $0x7F, v13;
	v7 =	vshll.u32 v7, $0x7  }
0x200: {  	v7 =	vor.u32 v11, v7;
	_ =	sdelay $0x3  }
0x201: {  	v11 =	vor.u32 s28, v40  }
0x202: {  	[tilespmem:v7+s26+$0x0] =	vst.idx.msk vm0, v11  }
0x203: {  	[tilespmem:v13+s17+$0x0] =	vst.idx.msk vm0, v41  }
0x204: {  	v7 =	vld [tilespmem:$0x140];
	_ =	sdelay $0x4  }
0x205: {  	vm4 =	vge.f32 v7, v5  }
0x206: {  	v7 =	vsel vm4, $0x1, v2  }
0x207: {  	(xrf0) =	vadd.scan.msk.s32 $0xffff, v7;
	_ =	sdelay $0x1  }
0x208: {  	v11 =	vmpcnt.ones.xlane vm11;
	_ =	sdelay $0x3  }
0x209: {  	v9 =	vadd.s32 v9, v11;
	v11, _, _ =	vpop (xrf0)  }
0x20a: {  	v11 =	vadd.s32 v9, v11  }
0x20b: {  	v13 =	vsub.s32 v11, v7  }
0x20c: {  	v15 =	vshra.s32 v13, $0x1F  }
0x20d: {  	vm5 =	vne.s32 v11, v7;
	v7 =	vshrl.u32 v15, $0x19  }
0x20e: {  	v11 =	vsel vm5, $0x1, v2;
	v7 =	vadd.s32 v7, v13  }
0x20f: {  	v11 =	vor.u32 v11, v15;
	v15 =	vand.u32 $0xFFFFFF80, v7  }
0x210: {  	vm6 =	vne.s32 v11, $0x1;
	vm7 =	vne.s32 v13, v15  }
0x211: {  	vm1 =	vmand vm7, vm6  }
0x212: {  	v7 =	vshrl.u32 v7, $0x7;
	v11 =	vsel vm1, $0xFFFFFFFF, v2  }
0x213: {  	vm8 =	vlt.s32 v13, $0x200;
	v7 =	vadd.s32 v11, v7  }
0x214: {  	vm1 =	vmand vm4, vm8;
	v11 =	vand.u32 $0x7F, v13;
	v7 =	vshll.u32 v7, $0x7  }
0x215: {  	v7 =	vor.u32 v11, v7;
	_ =	sdelay $0x3  }
0x216: {  	v11 =	vor.u32 s28, v42  }
0x217: {  	[tilespmem:v7+s26+$0x0] =	vst.idx.msk vm1, v11  }
0x218: {  	[tilespmem:v13+s17+$0x0] =	vst.idx.msk vm1, v43  }
0x219: {  	v7 =	vld [tilespmem:$0x150];
	_ =	sdelay $0x4  }
0x21a: {  	vm9 =	vge.f32 v7, v5  }
0x21b: {  	v7 =	vsel vm9, $0x1, v2  }
0x21c: {  	(xrf0) =	vadd.scan.msk.s32 $0xffff, v7;
	_ =	sdelay $0x1  }
0x21d: {  	v11 =	vmpcnt.ones.xlane vm4;
	_ =	sdelay $0x3  }
0x21e: {  	v9 =	vadd.s32 v9, v11;
	v11, _, _ =	vpop (xrf0)  }
0x21f: {  	v11 =	vadd.s32 v9, v11  }
0x220: {  	v13 =	vsub.s32 v11, v7  }
0x221: {  	v15 =	vshra.s32 v13, $0x1F  }
0x222: {  	vm10 =	vne.s32 v11, v7;
	v7 =	vshrl.u32 v15, $0x19  }
0x223: {  	v11 =	vsel vm10, $0x1, v2;
	v7 =	vadd.s32 v7, v13  }
0x224: {  	v11 =	vor.u32 v11, v15;
	v15 =	vand.u32 $0xFFFFFF80, v7  }
0x225: {  	vm11 =	vne.s32 v11, $0x1;
	vm12 =	vne.s32 v13, v15  }
0x226: {  	vm0 =	vmand vm12, vm11  }
0x227: {  	v7 =	vshrl.u32 v7, $0x7;
	v11 =	vsel vm0, $0xFFFFFFFF, v2  }
0x228: {  	vm13 =	vlt.s32 v13, $0x200;
	v7 =	vadd.s32 v11, v7  }
0x229: {  	vm0 =	vmand vm9, vm13;
	v11 =	vand.u32 $0x7F, v13;
	v7 =	vshll.u32 v7, $0x7  }
0x22a: {  	v7 =	vor.u32 v11, v7;
	_ =	sdelay $0x3  }
0x22b: {  	v11 =	vor.u32 s28, v44  }
0x22c: {  	[tilespmem:v7+s26+$0x0] =	vst.idx.msk vm0, v11  }
0x22d: {  	[tilespmem:v13+s17+$0x0] =	vst.idx.msk vm0, v45  }
0x22e: {  	v7 =	vld [tilespmem:$0x160];
	_ =	sdelay $0x4  }
0x22f: {  	vm14 =	vge.f32 v7, v5  }
0x230: {  	v7 =	vsel vm14, $0x1, v2  }
0x231: {  	(xrf0) =	vadd.scan.msk.s32 $0xffff, v7;
	_ =	sdelay $0x1  }
0x232: {  	v11 =	vmpcnt.ones.xlane vm9;
	_ =	sdelay $0x3  }
0x233: {  	v9 =	vadd.s32 v9, v11;
	v11, _, _ =	vpop (xrf0)  }
0x234: {  	v11 =	vadd.s32 v9, v11  }
0x235: {  	v13 =	vsub.s32 v11, v7  }
0x236: {  	v15 =	vshra.s32 v13, $0x1F  }
0x237: {  	vm15 =	vne.s32 v11, v7;
	v7 =	vshrl.u32 v15, $0x19  }
0x238: {  	v11 =	vsel vm15, $0x1, v2;
	v7 =	vadd.s32 v7, v13  }
0x239: {  	v11 =	vor.u32 v11, v15;
	v15 =	vand.u32 $0xFFFFFF80, v7  }
0x23a: {  	vm4 =	vne.s32 v11, $0x1;
	vm5 =	vne.s32 v13, v15  }
0x23b: {  	vm1 =	vmand vm5, vm4  }
0x23c: {  	v7 =	vshrl.u32 v7, $0x7;
	v11 =	vsel vm1, $0xFFFFFFFF, v2  }
0x23d: {  	vm6 =	vlt.s32 v13, $0x200;
	v7 =	vadd.s32 v11, v7  }
0x23e: {  	vm1 =	vmand vm14, vm6;
	v11 =	vand.u32 $0x7F, v13;
	v7 =	vshll.u32 v7, $0x7  }
0x23f: {  	v7 =	vor.u32 v11, v7;
	_ =	sdelay $0x3  }
0x240: {  	v11 =	vor.u32 s28, v46  }
0x241: {  	[tilespmem:v7+s26+$0x0] =	vst.idx.msk vm1, v11  }
0x242: {  	[tilespmem:v13+s17+$0x0] =	vst.idx.msk vm1, v47  }
0x243: {  	v7 =	vld [tilespmem:$0x170];
	_ =	sdelay $0x4  }
0x244: {  	vm7 =	vge.f32 v7, v5  }
0x245: {  	v7 =	vsel vm7, $0x1, v2  }
0x246: {  	(xrf0) =	vadd.scan.msk.s32 $0xffff, v7;
	_ =	sdelay $0x1  }
0x247: {  	v11 =	vmpcnt.ones.xlane vm14;
	_ =	sdelay $0x3  }
0x248: {  	v9 =	vadd.s32 v9, v11;
	v11, _, _ =	vpop (xrf0)  }
0x249: {  	v11 =	vadd.s32 v9, v11  }
0x24a: {  	v13 =	vsub.s32 v11, v7  }
0x24b: {  	v15 =	vshra.s32 v13, $0x1F  }
0x24c: {  	vm8 =	vne.s32 v11, v7;
	v7 =	vshrl.u32 v15, $0x19  }
0x24d: {  	v11 =	vsel vm8, $0x1, v2;
	v7 =	vadd.s32 v7, v13  }
0x24e: {  	v11 =	vor.u32 v11, v15;
	v15 =	vand.u32 $0xFFFFFF80, v7  }
0x24f: {  	vm9 =	vne.s32 v11, $0x1;
	vm10 =	vne.s32 v13, v15  }
0x250: {  	vm0 =	vmand vm10, vm9  }
0x251: {  	v7 =	vshrl.u32 v7, $0x7;
	v11 =	vsel vm0, $0xFFFFFFFF, v2  }
0x252: {  	vm11 =	vlt.s32 v13, $0x200;
	v7 =	vadd.s32 v11, v7  }
0x253: {  	vm0 =	vmand vm7, vm11;
	v11 =	vand.u32 $0x7F, v13;
	v7 =	vshll.u32 v7, $0x7  }
0x254: {  	v7 =	vor.u32 v11, v7;
	_ =	sdelay $0x3  }
0x255: {  	v11 =	vor.u32 s28, v48  }
0x256: {  	[tilespmem:v7+s26+$0x0] =	vst.idx.msk vm0, v11  }
0x257: {  	[tilespmem:v13+s17+$0x0] =	vst.idx.msk vm0, v49  }
0x258: {  	v7 =	vld [tilespmem:$0x180];
	_ =	sdelay $0x4  }
0x259: {  	vm12 =	vge.f32 v7, v5  }
0x25a: {  	v7 =	vsel vm12, $0x1, v2  }
0x25b: {  	(xrf0) =	vadd.scan.msk.s32 $0xffff, v7;
	_ =	sdelay $0x1  }
0x25c: {  	v11 =	vmpcnt.ones.xlane vm7;
	_ =	sdelay $0x3  }
0x25d: {  	v9 =	vadd.s32 v9, v11;
	v11, _, _ =	vpop (xrf0)  }
0x25e: {  	v11 =	vadd.s32 v9, v11  }
0x25f: {  	v13 =	vsub.s32 v11, v7  }
0x260: {  	v15 =	vshra.s32 v13, $0x1F  }
0x261: {  	vm13 =	vne.s32 v11, v7;
	v7 =	vshrl.u32 v15, $0x19  }
0x262: {  	v11 =	vsel vm13, $0x1, v2;
	v7 =	vadd.s32 v7, v13  }
0x263: {  	v11 =	vor.u32 v11, v15;
	v15 =	vand.u32 $0xFFFFFF80, v7  }
0x264: {  	vm14 =	vne.s32 v11, $0x1;
	vm15 =	vne.s32 v13, v15  }
0x265: {  	vm1 =	vmand vm15, vm14  }
0x266: {  	v7 =	vshrl.u32 v7, $0x7;
	v11 =	vsel vm1, $0xFFFFFFFF, v2  }
0x267: {  	vm4 =	vlt.s32 v13, $0x200;
	v7 =	vadd.s32 v11, v7  }
0x268: {  	vm1 =	vmand vm12, vm4;
	v11 =	vand.u32 $0x7F, v13;
	v7 =	vshll.u32 v7, $0x7  }
0x269: {  	v7 =	vor.u32 v11, v7;
	_ =	sdelay $0x3  }
0x26a: {  	v11 =	vor.u32 s28, v50  }
0x26b: {  	[tilespmem:v7+s26+$0x0] =	vst.idx.msk vm1, v11  }
0x26c: {  	[tilespmem:v13+s17+$0x0] =	vst.idx.msk vm1, v51  }
0x26d: {  	v7 =	vld [tilespmem:$0x190];
	_ =	sdelay $0x4  }
0x26e: {  	vm5 =	vge.f32 v7, v5  }
0x26f: {  	v7 =	vsel vm5, $0x1, v2  }
0x270: {  	(xrf0) =	vadd.scan.msk.s32 $0xffff, v7;
	_ =	sdelay $0x1  }
0x271: {  	v11 =	vmpcnt.ones.xlane vm12;
	_ =	sdelay $0x3  }
0x272: {  	v9 =	vadd.s32 v9, v11;
	v11, _, _ =	vpop (xrf0)  }
0x273: {  	v11 =	vadd.s32 v9, v11  }
0x274: {  	v13 =	vsub.s32 v11, v7  }
0x275: {  	v15 =	vshra.s32 v13, $0x1F  }
0x276: {  	vm6 =	vne.s32 v11, v7;
	v7 =	vshrl.u32 v15, $0x19  }
0x277: {  	v11 =	vsel vm6, $0x1, v2;
	v7 =	vadd.s32 v7, v13  }
0x278: {  	v11 =	vor.u32 v11, v15;
	v15 =	vand.u32 $0xFFFFFF80, v7  }
0x279: {  	vm7 =	vne.s32 v11, $0x1;
	vm8 =	vne.s32 v13, v15  }
0x27a: {  	vm0 =	vmand vm8, vm7  }
0x27b: {  	v7 =	vshrl.u32 v7, $0x7;
	v11 =	vsel vm0, $0xFFFFFFFF, v2  }
0x27c: {  	vm9 =	vlt.s32 v13, $0x200;
	v7 =	vadd.s32 v11, v7  }
0x27d: {  	vm0 =	vmand vm5, vm9;
	v11 =	vand.u32 $0x7F, v13;
	v7 =	vshll.u32 v7, $0x7  }
0x27e: {  	v7 =	vor.u32 v11, v7;
	_ =	sdelay $0x3  }
0x27f: {  	v11 =	vor.u32 s28, v52  }
0x280: {  	[tilespmem:v7+s26+$0x0] =	vst.idx.msk vm0, v11  }
0x281: {  	[tilespmem:v13+s17+$0x0] =	vst.idx.msk vm0, v53  }
0x282: {  	v7 =	vld [tilespmem:$0x1A0];
	_ =	sdelay $0x4  }
0x283: {  	vm10 =	vge.f32 v7, v5  }
0x284: {  	v7 =	vsel vm10, $0x1, v2  }
0x285: {  	(xrf0) =	vadd.scan.msk.s32 $0xffff, v7;
	_ =	sdelay $0x1  }
0x286: {  	v11 =	vmpcnt.ones.xlane vm5;
	_ =	sdelay $0x3  }
0x287: {  	v9 =	vadd.s32 v9, v11;
	v11, _, _ =	vpop (xrf0)  }
0x288: {  	v11 =	vadd.s32 v9, v11  }
0x289: {  	v13 =	vsub.s32 v11, v7  }
0x28a: {  	v15 =	vshra.s32 v13, $0x1F  }
0x28b: {  	vm11 =	vne.s32 v11, v7;
	v7 =	vshrl.u32 v15, $0x19  }
0x28c: {  	v11 =	vsel vm11, $0x1, v2;
	v7 =	vadd.s32 v7, v13  }
0x28d: {  	v11 =	vor.u32 v11, v15;
	v15 =	vand.u32 $0xFFFFFF80, v7  }
0x28e: {  	vm12 =	vne.s32 v11, $0x1;
	vm13 =	vne.s32 v13, v15  }
0x28f: {  	vm1 =	vmand vm13, vm12  }
0x290: {  	v7 =	vshrl.u32 v7, $0x7;
	v11 =	vsel vm1, $0xFFFFFFFF, v2  }
0x291: {  	vm14 =	vlt.s32 v13, $0x200;
	v7 =	vadd.s32 v11, v7  }
0x292: {  	vm1 =	vmand vm10, vm14;
	v11 =	vand.u32 $0x7F, v13;
	v7 =	vshll.u32 v7, $0x7  }
0x293: {  	v7 =	vor.u32 v11, v7;
	_ =	sdelay $0x3  }
0x294: {  	v11 =	vor.u32 s28, v54  }
0x295: {  	[tilespmem:v7+s26+$0x0] =	vst.idx.msk vm1, v11  }
0x296: {  	[tilespmem:v13+s17+$0x0] =	vst.idx.msk vm1, v55  }
0x297: {  	v7 =	vld [tilespmem:$0x1B0];
	_ =	sdelay $0x4  }
0x298: {  	vm15 =	vge.f32 v7, v5  }
0x299: {  	v7 =	vsel vm15, $0x1, v2  }
0x29a: {  	(xrf0) =	vadd.scan.msk.s32 $0xffff, v7;
	_ =	sdelay $0x1  }
0x29b: {  	v11 =	vmpcnt.ones.xlane vm10;
	_ =	sdelay $0x3  }
0x29c: {  	v9 =	vadd.s32 v9, v11;
	v11, _, _ =	vpop (xrf0)  }
0x29d: {  	v11 =	vadd.s32 v9, v11  }
0x29e: {  	v13 =	vsub.s32 v11, v7  }
0x29f: {  	v15 =	vshra.s32 v13, $0x1F  }
0x2a0: {  	vm4 =	vne.s32 v11, v7;
	v7 =	vshrl.u32 v15, $0x19  }
0x2a1: {  	v11 =	vsel vm4, $0x1, v2;
	v7 =	vadd.s32 v7, v13  }
0x2a2: {  	v11 =	vor.u32 v11, v15;
	v15 =	vand.u32 $0xFFFFFF80, v7  }
0x2a3: {  	vm5 =	vne.s32 v11, $0x1;
	vm6 =	vne.s32 v13, v15  }
0x2a4: {  	vm0 =	vmand vm6, vm5  }
0x2a5: {  	v7 =	vshrl.u32 v7, $0x7;
	v11 =	vsel vm0, $0xFFFFFFFF, v2  }
0x2a6: {  	vm7 =	vlt.s32 v13, $0x200;
	v7 =	vadd.s32 v11, v7  }
0x2a7: {  	vm0 =	vmand vm15, vm7;
	v11 =	vand.u32 $0x7F, v13;
	v7 =	vshll.u32 v7, $0x7  }
0x2a8: {  	v7 =	vor.u32 v11, v7;
	_ =	sdelay $0x3  }
0x2a9: {  	v11 =	vor.u32 s28, v56  }
0x2aa: {  	[tilespmem:v7+s26+$0x0] =	vst.idx.msk vm0, v11  }
0x2ab: {  	[tilespmem:v13+s17+$0x0] =	vst.idx.msk vm0, v57  }
0x2ac: {  	v7 =	vld [tilespmem:$0x1C0];
	_ =	sdelay $0x4  }
0x2ad: {  	vm8 =	vge.f32 v7, v5  }
0x2ae: {  	v7 =	vsel vm8, $0x1, v2  }
0x2af: {  	(xrf0) =	vadd.scan.msk.s32 $0xffff, v7;
	_ =	sdelay $0x1  }
0x2b0: {  	v11 =	vmpcnt.ones.xlane vm15;
	_ =	sdelay $0x3  }
0x2b1: {  	v9 =	vadd.s32 v9, v11;
	v11, _, _ =	vpop (xrf0)  }
0x2b2: {  	v11 =	vadd.s32 v9, v11  }
0x2b3: {  	v13 =	vsub.s32 v11, v7  }
0x2b4: {  	v15 =	vshra.s32 v13, $0x1F  }
0x2b5: {  	vm9 =	vne.s32 v11, v7;
	v7 =	vshrl.u32 v15, $0x19  }
0x2b6: {  	v11 =	vsel vm9, $0x1, v2;
	v7 =	vadd.s32 v7, v13  }
0x2b7: {  	v11 =	vor.u32 v11, v15;
	v15 =	vand.u32 $0xFFFFFF80, v7  }
0x2b8: {  	vm10 =	vne.s32 v11, $0x1;
	vm11 =	vne.s32 v13, v15  }
0x2b9: {  	vm1 =	vmand vm11, vm10  }
0x2ba: {  	v7 =	vshrl.u32 v7, $0x7;
	v11 =	vsel vm1, $0xFFFFFFFF, v2  }
0x2bb: {  	vm12 =	vlt.s32 v13, $0x200;
	v7 =	vadd.s32 v11, v7  }
0x2bc: {  	vm1 =	vmand vm8, vm12;
	v11 =	vand.u32 $0x7F, v13;
	v7 =	vshll.u32 v7, $0x7  }
0x2bd: {  	v7 =	vor.u32 v11, v7;
	_ =	sdelay $0x3  }
0x2be: {  	v11 =	vor.u32 s28, v58  }
0x2bf: {  	[tilespmem:v7+s26+$0x0] =	vst.idx.msk vm1, v11  }
0x2c0: {  	[tilespmem:v13+s17+$0x0] =	vst.idx.msk vm1, v59  }
0x2c1: {  	v7 =	vld [tilespmem:$0x1D0];
	_ =	sdelay $0x4  }
0x2c2: {  	vm13 =	vge.f32 v7, v5  }
0x2c3: {  	v7 =	vsel vm13, $0x1, v2  }
0x2c4: {  	(xrf0) =	vadd.scan.msk.s32 $0xffff, v7;
	_ =	sdelay $0x1  }
0x2c5: {  	v11 =	vmpcnt.ones.xlane vm8;
	_ =	sdelay $0x3  }
0x2c6: {  	v9 =	vadd.s32 v9, v11;
	v11, _, _ =	vpop (xrf0)  }
0x2c7: {  	v11 =	vadd.s32 v9, v11  }
0x2c8: {  	v13 =	vsub.s32 v11, v7  }
0x2c9: {  	v15 =	vshra.s32 v13, $0x1F  }
0x2ca: {  	vm14 =	vne.s32 v11, v7;
	v7 =	vshrl.u32 v15, $0x19  }
0x2cb: {  	v11 =	vsel vm14, $0x1, v2;
	v7 =	vadd.s32 v7, v13  }
0x2cc: {  	v11 =	vor.u32 v11, v15;
	v15 =	vand.u32 $0xFFFFFF80, v7  }
0x2cd: {  	vm15 =	vne.s32 v11, $0x1;
	vm4 =	vne.s32 v13, v15  }
0x2ce: {  	vm0 =	vmand vm4, vm15  }
0x2cf: {  	v7 =	vshrl.u32 v7, $0x7;
	v11 =	vsel vm0, $0xFFFFFFFF, v2  }
0x2d0: {  	vm5 =	vlt.s32 v13, $0x200;
	v7 =	vadd.s32 v11, v7  }
0x2d1: {  	vm0 =	vmand vm13, vm5;
	v11 =	vand.u32 $0x7F, v13;
	v7 =	vshll.u32 v7, $0x7  }
0x2d2: {  	v7 =	vor.u32 v11, v7;
	_ =	sdelay $0x3  }
0x2d3: {  	v11 =	vor.u32 s28, v60  }
0x2d4: {  	[tilespmem:v7+s26+$0x0] =	vst.idx.msk vm0, v11  }
0x2d5: {  	[tilespmem:v13+s17+$0x0] =	vst.idx.msk vm0, v61  }
0x2d6: {  	v7 =	vld [tilespmem:$0x1E0];
	_ =	sdelay $0x4  }
0x2d7: {  	vm6 =	vge.f32 v7, v5  }
0x2d8: {  	v7 =	vsel vm6, $0x1, v2  }
0x2d9: {  	(xrf0) =	vadd.scan.msk.s32 $0xffff, v7;
	_ =	sdelay $0x1  }
0x2da: {  	v11 =	vmpcnt.ones.xlane vm13;
	_ =	sdelay $0x3  }
0x2db: {  	v9 =	vadd.s32 v9, v11;
	v11, _, _ =	vpop (xrf0)  }
0x2dc: {  	v11 =	vadd.s32 v9, v11  }
0x2dd: {  	v13 =	vsub.s32 v11, v7  }
0x2de: {  	v15 =	vshra.s32 v13, $0x1F  }
0x2df: {  	vm7 =	vne.s32 v11, v7;
	v7 =	vshrl.u32 v15, $0x19  }
0x2e0: {  	v11 =	vsel vm7, $0x1, v2;
	v7 =	vadd.s32 v7, v13  }
0x2e1: {  	v11 =	vor.u32 v11, v15;
	v15 =	vand.u32 $0xFFFFFF80, v7  }
0x2e2: {  	vm8 =	vne.s32 v11, $0x1;
	vm9 =	vne.s32 v13, v15  }
0x2e3: {  	vm1 =	vmand vm9, vm8  }
0x2e4: {  	v7 =	vshrl.u32 v7, $0x7;
	v11 =	vsel vm1, $0xFFFFFFFF, v2  }
0x2e5: {  	vm10 =	vlt.s32 v13, $0x200;
	v7 =	vadd.s32 v11, v7  }
0x2e6: {  	vm1 =	vmand vm6, vm10;
	v11 =	vand.u32 $0x7F, v13;
	v7 =	vshll.u32 v7, $0x7  }
0x2e7: {  	v7 =	vor.u32 v11, v7;
	_ =	sdelay $0x3  }
0x2e8: {  	v11 =	vor.u32 s28, v62  }
0x2e9: {  	[tilespmem:v7+s26+$0x0] =	vst.idx.msk vm1, v11  }
0x2ea: {  	[tilespmem:v13+s17+$0x0] =	vst.idx.msk vm1, v63  }
0x2eb: {  	v7 =	vld [tilespmem:$0x1F0];
	_ =	sdelay $0x4  }
0x2ec: {  	v11 =	vmpcnt.ones.xlane vm6;
	vm11 =	vge.f32 v7, v5  }
0x2ed: {  	v7 =	vmpcnt.ones.xlane vm11  }
0x2ee: {  	v9 =	vadd.s32 v9, v11  }
0x2ef: {  	v11 =	vsel vm11, $0x1, v2;
	v7 =	vadd.s32 v9, v7  }
0x2f0: {  	(xrf0) =	vadd.scan.msk.s32 $0xffff, v11;
	v13 =	vxor.u32 $0x80000000, v7  }
0x2f1: {  	(xrf0) =	vmax.scan.msk.u32 $0xffff, v13;
	_ =	sdelay $0x4  }
0x2f2: {  	v13, _, _ =	vpop (xrf0)  }
0x2f3: {  	v15, _, _ =	vpop (xrf0)  }
0x2f4: {  	(v2sf) =	vpush v15, $0xF;
	_ =	sdelay $0xd  }
0x2f5: {  	v9 =	vadd.s32 v9, v13  }
0x2f6: {  	v13 =	vsub.s32 v9, v11;
	s29 =	spop (v2sf)  }
0x2f7: {  	v15 =	vshra.s32 v13, $0x1F;
	s30 =	sxor.u32 $0x80000000, s29  }
0x2f8: {  	vm12 =	vne.s32 v9, v11;
	v9 =	vshrl.u32 v15, $0x19;
	p0 =	slt.s32 s30, $0x200;
	s29 =	smov.u32 s30  }
0x2f9: {  	v11 =	vsel vm12, $0x1, v2;
	v9 =	vadd.s32 v9, v13;
	s29 =	simm.s32 @!p0 $0x200  }
0x2fa: {  	v11 =	vor.u32 v11, v15;
	v15 =	vand.u32 $0xFFFFFF80, v9;
	s31 =	sadd.s32 $0x7F, s29  }
0x2fb: {  	vm13 =	vne.s32 v11, $0x1;
	vm14 =	vne.s32 v13, v15;
	s1 =	sand.u32 $0x7F, s31  }
0x2fc: {  	vm1 =	vmand vm14, vm13;
	p1 =	slt.s32 s30, $0xFFFFFF82;
	p6 =	sne.s32 s1, $0x0;
	s1 =	sshra.s32 s31, $0x1F  }
0x2fd: {  	v9 =	vshrl.u32 v9, $0x7;
	v11 =	vsel vm1, $0xFFFFFFFF, v2;
	s1 =	sshrl.u32 s1, $0x19;
	p0 =	por !p1, !p6  }
0x2fe: {  	vm15 =	vlt.s32 v13, $0x200;
	v9 =	vadd.s32 v11, v9;
	s1 =	sadd.s32 s1, s31;
	p0 =	por !p0, !p0;
	s31 =	simm.s32 $0x1  }
0x2ff: {  	vm0 =	vmand vm11, vm15;
	v11 =	vand.u32 $0x7F, v13;
	v9 =	vshll.u32 v9, $0x7;
	s1 =	sshra.s32 s1, $0x7;
	s31 =	simm.s32 @!p0 $0x0  }
0x300: {  	v9 =	vor.u32 v11, v9;
	s31 =	ssub.s32 s1, s31  }
0x301: {  	p0 =	slt.s32 s31, $0x1  }
.Ltmp4:
0x302: {  	_ = 	snop;
	(pc) =	sbr.rel @p0 .LBB2_6-.Ltmp4, $4  }
0x303: {  	v11 =	vor.u32 $0x1F0, v0  }
0x304: {  	v11 =	vor.u32 s28, v11  }
0x305: {  	[tilespmem:v9+s26+$0x0] =	vst.idx.msk vm0, v11;
	v9 =	vadd.s32 $0xF900, v1  }
0x306: {  	s28 =	simm.s32 $0x780;
	[tilespmem:v13+s17+$0x0] =	vst.idx.msk vm0, v9  }
0x307: {  	p0 =	sne.s32 s31, $0x1  }
.Ltmp5:
0x308: {  	_ = 	snop;
	(pc) =	sbr.rel @!p0 .LBB2_5-.Ltmp5, $4  }
0x309: {  	_ = 	snop  }
0x30a: {  	[tilespmem:s28], [sflag:$0x1] =	stream.indirect.gather [hbm4b:s4+s14], $0x80, s26, s14, $0xb8;
	[tilespmem:$0x11000] =	vst v63  }
0x30b: {  	_ =	swait.ge [sflag:s13], $0x4000  }
0x30c: {  	s31 =	sadd.s32 $0xFFFFFFFF, s31;
	[sflag:s13] =	ssyncset.done $0x0  }
.LBB2_4:
0x30d: {  	[sflag:s13] =	ssyncadd.s32 $0xFFFFC000  }
0x30e: {  	s26 =	sadd.s32 $0x80, s26;
	s28 =	sadd.s32 $0x4000, s28;
	p0 =	sne.s32 s31, $0x1  }
.Ltmp6:
0x30f: {  	s31 =	sadd.s32 $0xFFFFFFFF, s31;
	(pc) =	sbr.rel @p0 .LBB2_4-.Ltmp6, $4  }
0x310: {  	_ = 	snop  }
0x311: {  	[tilespmem:s28], [sflag:$0x1] =	stream.indirect.gather [hbm4b:s4+s14], $0x80, s26, s14, $0xb8;
	[tilespmem:$0x11000] =	vst v63  }
0x312: {  	_ =	swait.ge [sflag:s13], $0x4000  }
0x313: {  	[sflag:s13] =	ssyncset.done $0x0  }
.LBB2_5:
0x314: {  	[sflag:s13] =	ssyncadd.s32 $0xFFFFC000  }
.LBB2_6:
0x315: {  	[tilespmem:$0x10B80] =	vst v3  }
0x316: {  	[tilespmem:$0x10B90] =	vst v3  }
0x317: {  	[tilespmem:$0x10BA0] =	vst v3  }
0x318: {  	[tilespmem:$0x10BB0] =	vst v3  }
0x319: {  	[tilespmem:$0x10BC0] =	vst v3  }
0x31a: {  	[tilespmem:$0x10BD0] =	vst v3  }
0x31b: {  	[tilespmem:$0x10BE0] =	vst v3  }
0x31c: {  	[tilespmem:$0x10BF0] =	vst v3  }
0x31d: {  	[tilespmem:$0x10C00] =	vst v3  }
0x31e: {  	[tilespmem:$0x10C10] =	vst v3  }
0x31f: {  	[tilespmem:$0x10C20] =	vst v3  }
0x320: {  	[tilespmem:$0x10C30] =	vst v3  }
0x321: {  	[tilespmem:$0x10C40] =	vst v3  }
0x322: {  	[tilespmem:$0x10C50] =	vst v3  }
0x323: {  	[tilespmem:$0x10C60] =	vst v3  }
0x324: {  	[tilespmem:$0x10C70] =	vst v3  }
0x325: {  	[tilespmem:$0x10C80] =	vst v3  }
0x326: {  	[tilespmem:$0x10C90] =	vst v3  }
0x327: {  	[tilespmem:$0x10CA0] =	vst v3  }
0x328: {  	[tilespmem:$0x10CB0] =	vst v3  }
0x329: {  	[tilespmem:$0x10CC0] =	vst v3  }
0x32a: {  	[tilespmem:$0x10CD0] =	vst v3  }
0x32b: {  	[tilespmem:$0x10CE0] =	vst v3  }
0x32c: {  	[tilespmem:$0x10CF0] =	vst v3  }
0x32d: {  	[tilespmem:$0x10D00] =	vst v3  }
0x32e: {  	[tilespmem:$0x10D10] =	vst v3  }
0x32f: {  	[tilespmem:$0x10D20] =	vst v3  }
0x330: {  	[tilespmem:$0x10D30] =	vst v3  }
0x331: {  	[tilespmem:$0x10D40] =	vst v3  }
0x332: {  	[tilespmem:$0x10D50] =	vst v3  }
0x333: {  	[tilespmem:$0x10D60] =	vst v3  }
0x334: {  	[tilespmem:$0x10D70] =	vst v3  }
0x335: {  	[tilespmem:$0x10D80] =	vst v3  }
0x336: {  	[tilespmem:$0x10D90] =	vst v3  }
0x337: {  	[tilespmem:$0x10DA0] =	vst v3  }
0x338: {  	[tilespmem:$0x10DB0] =	vst v3  }
0x339: {  	[tilespmem:$0x10DC0] =	vst v3  }
0x33a: {  	[tilespmem:$0x10DD0] =	vst v3  }
0x33b: {  	[tilespmem:$0x10DE0] =	vst v3  }
0x33c: {  	[tilespmem:$0x10DF0] =	vst v3  }
0x33d: {  	[tilespmem:$0x10E00] =	vst v3  }
0x33e: {  	[tilespmem:$0x10E10] =	vst v3  }
0x33f: {  	[tilespmem:$0x10E20] =	vst v3;
	v9 =	vld [tilespmem:$0x200]  }
0x340: {  	[tilespmem:$0x10E30] =	vst v3  }
0x341: {  	[tilespmem:$0x10E40] =	vst v3  }
0x342: {  	[tilespmem:$0x10E50] =	vst v3  }
0x343: {  	[tilespmem:$0x10E60] =	vst v3  }
0x344: {  	[tilespmem:$0x10E70] =	vst v3;
	vm0 =	vge.f32 v9, v5  }
0x345: {  	[tilespmem:$0x10E80] =	vst v3;
	v11 =	vsel vm0, $0x1, v2  }
0x346: {  	[tilespmem:$0x10E90] =	vst v3;
	(xrf0) =	vadd.scan.msk.s32 $0xffff, v11  }
0x347: {  	[tilespmem:$0x10EA0] =	vst v3  }
0x348: {  	[tilespmem:$0x10EB0] =	vst v3  }
0x349: {  	[tilespmem:$0x10EC0] =	vst v3  }
0x34a: {  	[tilespmem:$0x10ED0] =	vst v3  }
0x34b: {  	[tilespmem:$0x10EE0] =	vst v3  }
0x34c: {  	[tilespmem:$0x10EF0] =	vst v3;
	v13, _, _ =	vpop (xrf0)  }
0x34d: {  	[tilespmem:$0x10F00] =	vst v3;
	v11 =	vsub.s32 v13, v11  }
0x34e: {  	[tilespmem:$0x10F10] =	vst v3;
	vm1 =	vlt.s32 v11, $0x400  }
0x34f: {  	[tilespmem:$0x10F20] =	vst v3;
	vm1 =	vmand vm0, vm1  }
0x350: {  	[tilespmem:$0x10F30] =	vst v3  }
0x351: {  	[tilespmem:$0x10F40] =	vst v3  }
0x352: {  	[tilespmem:$0x10F50] =	vst v3  }
0x353: {  	[tilespmem:$0x10F60] =	vst v3  }
0x354: {  	[tilespmem:$0x10F70] =	vst v3  }
0x355: {  	[tilespmem:v11+s18+$0x0] =	vst.idx.msk vm1, v9  }
0x356: {  	[tilespmem:v11+s19+$0x0] =	vst.idx.msk vm1, v0  }
0x357: {  	v9 =	vld [tilespmem:$0x210];
	_ =	sdelay $0x4  }
0x358: {  	vm10 =	vge.f32 v9, v5  }
0x359: {  	v11 =	vsel vm10, $0x1, v2  }
0x35a: {  	(xrf0) =	vadd.scan.msk.s32 $0xffff, v11;
	_ =	sdelay $0x3  }
0x35b: {  	v11 =	vmpcnt.ones.xlane vm0  }
0x35c: {  	v13 =	vsel vm10, $0xFFFFFFFF, v2  }
0x35d: {  	v13 =	vadd.s32 v13, v11;
	v15, _, _ =	vpop (xrf0)  }
0x35e: {  	v13 =	vadd.s32 v15, v13  }
0x35f: {  	vm11 =	vlt.s32 v13, $0x400  }
0x360: {  	vm0 =	vmand vm10, vm11;
	_ =	sdelay $0x5  }
0x361: {  	[tilespmem:v13+s18+$0x0] =	vst.idx.msk vm0, v9  }
0x362: {  	[tilespmem:v13+s19+$0x0] =	vst.idx.msk vm0, v4  }
0x363: {  	v9 =	vld [tilespmem:$0x220];
	_ =	sdelay $0x4  }
0x364: {  	vm12 =	vge.f32 v9, v5  }
0x365: {  	v13 =	vsel vm12, $0x1, v2  }
0x366: {  	(xrf0) =	vadd.scan.msk.s32 $0xffff, v13;
	_ =	sdelay $0x2  }
0x367: {  	v13 =	vmpcnt.ones.xlane vm10;
	_ =	sdelay $0x1  }
0x368: {  	v11 =	vadd.s32 v11, v13;
	v13 =	vsel vm12, $0xFFFFFFFF, v2  }
0x369: {  	v13 =	vadd.s32 v13, v11;
	v15, _, _ =	vpop (xrf0)  }
0x36a: {  	v13 =	vadd.s32 v15, v13  }
0x36b: {  	vm13 =	vlt.s32 v13, $0x400  }
0x36c: {  	vm1 =	vmand vm12, vm13;
	_ =	sdelay $0x5  }
0x36d: {  	[tilespmem:v13+s18+$0x0] =	vst.idx.msk vm1, v9  }
0x36e: {  	[tilespmem:v13+s19+$0x0] =	vst.idx.msk vm1, v6  }
0x36f: {  	v9 =	vld [tilespmem:$0x230];
	_ =	sdelay $0x4  }
0x370: {  	vm14 =	vge.f32 v9, v5  }
0x371: {  	v13 =	vsel vm14, $0x1, v2  }
0x372: {  	(xrf0) =	vadd.scan.msk.s32 $0xffff, v13;
	_ =	sdelay $0x2  }
0x373: {  	v13 =	vmpcnt.ones.xlane vm12;
	_ =	sdelay $0x1  }
0x374: {  	v11 =	vadd.s32 v11, v13;
	v13 =	vsel vm14, $0xFFFFFFFF, v2  }
0x375: {  	v13 =	vadd.s32 v13, v11;
	v15, _, _ =	vpop (xrf0)  }
0x376: {  	v13 =	vadd.s32 v15, v13  }
0x377: {  	vm15 =	vlt.s32 v13, $0x400  }
0x378: {  	vm0 =	vmand vm14, vm15;
	_ =	sdelay $0x5  }
0x379: {  	[tilespmem:v13+s18+$0x0] =	vst.idx.msk vm0, v9  }
0x37a: {  	[tilespmem:v13+s19+$0x0] =	vst.idx.msk vm0, v8  }
0x37b: {  	v9 =	vld [tilespmem:$0x240];
	_ =	sdelay $0x4  }
0x37c: {  	vm4 =	vge.f32 v9, v5  }
0x37d: {  	v13 =	vsel vm4, $0x1, v2  }
0x37e: {  	(xrf0) =	vadd.scan.msk.s32 $0xffff, v13;
	_ =	sdelay $0x2  }
0x37f: {  	v13 =	vmpcnt.ones.xlane vm14;
	_ =	sdelay $0x1  }
0x380: {  	v11 =	vadd.s32 v11, v13;
	v13 =	vsel vm4, $0xFFFFFFFF, v2  }
0x381: {  	v13 =	vadd.s32 v13, v11;
	v15, _, _ =	vpop (xrf0)  }
0x382: {  	v13 =	vadd.s32 v15, v13  }
0x383: {  	vm5 =	vlt.s32 v13, $0x400  }
0x384: {  	vm1 =	vmand vm4, vm5;
	_ =	sdelay $0x5  }
0x385: {  	[tilespmem:v13+s18+$0x0] =	vst.idx.msk vm1, v9  }
0x386: {  	[tilespmem:v13+s19+$0x0] =	vst.idx.msk vm1, v10  }
0x387: {  	v9 =	vld [tilespmem:$0x250];
	_ =	sdelay $0x4  }
0x388: {  	vm6 =	vge.f32 v9, v5  }
0x389: {  	v13 =	vsel vm6, $0x1, v2  }
0x38a: {  	(xrf0) =	vadd.scan.msk.s32 $0xffff, v13;
	_ =	sdelay $0x2  }
0x38b: {  	v13 =	vmpcnt.ones.xlane vm4;
	_ =	sdelay $0x1  }
0x38c: {  	v11 =	vadd.s32 v11, v13;
	v13 =	vsel vm6, $0xFFFFFFFF, v2  }
0x38d: {  	v13 =	vadd.s32 v13, v11;
	v15, _, _ =	vpop (xrf0)  }
0x38e: {  	v13 =	vadd.s32 v15, v13  }
0x38f: {  	vm7 =	vlt.s32 v13, $0x400  }
0x390: {  	vm0 =	vmand vm6, vm7;
	_ =	sdelay $0x5  }
0x391: {  	[tilespmem:v13+s18+$0x0] =	vst.idx.msk vm0, v9  }
0x392: {  	[tilespmem:v13+s19+$0x0] =	vst.idx.msk vm0, v12  }
0x393: {  	v9 =	vld [tilespmem:$0x260];
	_ =	sdelay $0x4  }
0x394: {  	vm8 =	vge.f32 v9, v5  }
0x395: {  	v13 =	vsel vm8, $0x1, v2  }
0x396: {  	(xrf0) =	vadd.scan.msk.s32 $0xffff, v13;
	_ =	sdelay $0x2  }
0x397: {  	v13 =	vmpcnt.ones.xlane vm6;
	_ =	sdelay $0x1  }
0x398: {  	v11 =	vadd.s32 v11, v13;
	v13 =	vsel vm8, $0xFFFFFFFF, v2  }
0x399: {  	v13 =	vadd.s32 v13, v11;
	v15, _, _ =	vpop (xrf0)  }
0x39a: {  	v13 =	vadd.s32 v15, v13  }
0x39b: {  	vm9 =	vlt.s32 v13, $0x400  }
0x39c: {  	vm1 =	vmand vm8, vm9;
	_ =	sdelay $0x5  }
0x39d: {  	[tilespmem:v13+s18+$0x0] =	vst.idx.msk vm1, v9  }
0x39e: {  	[tilespmem:v13+s19+$0x0] =	vst.idx.msk vm1, v14  }
0x39f: {  	v9 =	vld [tilespmem:$0x270];
	_ =	sdelay $0x4  }
0x3a0: {  	vm10 =	vge.f32 v9, v5  }
0x3a1: {  	v13 =	vsel vm10, $0x1, v2  }
0x3a2: {  	(xrf0) =	vadd.scan.msk.s32 $0xffff, v13;
	_ =	sdelay $0x2  }
0x3a3: {  	v13 =	vmpcnt.ones.xlane vm8;
	_ =	sdelay $0x1  }
0x3a4: {  	v11 =	vadd.s32 v11, v13;
	v13 =	vsel vm10, $0xFFFFFFFF, v2  }
0x3a5: {  	v13 =	vadd.s32 v13, v11;
	v15, _, _ =	vpop (xrf0)  }
0x3a6: {  	v13 =	vadd.s32 v15, v13  }
0x3a7: {  	vm11 =	vlt.s32 v13, $0x400  }
0x3a8: {  	vm0 =	vmand vm10, vm11;
	_ =	sdelay $0x5  }
0x3a9: {  	[tilespmem:v13+s18+$0x0] =	vst.idx.msk vm0, v9  }
0x3aa: {  	[tilespmem:v13+s19+$0x0] =	vst.idx.msk vm0, v16  }
0x3ab: {  	v9 =	vld [tilespmem:$0x280];
	_ =	sdelay $0x4  }
0x3ac: {  	vm12 =	vge.f32 v9, v5  }
0x3ad: {  	v13 =	vsel vm12, $0x1, v2  }
0x3ae: {  	(xrf0) =	vadd.scan.msk.s32 $0xffff, v13;
	_ =	sdelay $0x2  }
0x3af: {  	v13 =	vmpcnt.ones.xlane vm10;
	_ =	sdelay $0x1  }
0x3b0: {  	v11 =	vadd.s32 v11, v13;
	v13 =	vsel vm12, $0xFFFFFFFF, v2  }
0x3b1: {  	v13 =	vadd.s32 v13, v11;
	v15, _, _ =	vpop (xrf0)  }
0x3b2: {  	v13 =	vadd.s32 v15, v13  }
0x3b3: {  	vm13 =	vlt.s32 v13, $0x400  }
0x3b4: {  	vm1 =	vmand vm12, vm13;
	_ =	sdelay $0x5  }
0x3b5: {  	[tilespmem:v13+s18+$0x0] =	vst.idx.msk vm1, v9  }
0x3b6: {  	[tilespmem:v13+s19+$0x0] =	vst.idx.msk vm1, v18  }
0x3b7: {  	v9 =	vld [tilespmem:$0x290];
	_ =	sdelay $0x4  }
0x3b8: {  	vm14 =	vge.f32 v9, v5  }
0x3b9: {  	v13 =	vsel vm14, $0x1, v2  }
0x3ba: {  	(xrf0) =	vadd.scan.msk.s32 $0xffff, v13;
	_ =	sdelay $0x2  }
0x3bb: {  	v13 =	vmpcnt.ones.xlane vm12;
	_ =	sdelay $0x1  }
0x3bc: {  	v11 =	vadd.s32 v11, v13;
	v13 =	vsel vm14, $0xFFFFFFFF, v2  }
0x3bd: {  	v13 =	vadd.s32 v13, v11;
	v15, _, _ =	vpop (xrf0)  }
0x3be: {  	v13 =	vadd.s32 v15, v13  }
0x3bf: {  	vm15 =	vlt.s32 v13, $0x400  }
0x3c0: {  	vm0 =	vmand vm14, vm15;
	_ =	sdelay $0x5  }
0x3c1: {  	[tilespmem:v13+s18+$0x0] =	vst.idx.msk vm0, v9  }
0x3c2: {  	[tilespmem:v13+s19+$0x0] =	vst.idx.msk vm0, v20  }
0x3c3: {  	v9 =	vld [tilespmem:$0x2A0];
	_ =	sdelay $0x4  }
0x3c4: {  	vm4 =	vge.f32 v9, v5  }
0x3c5: {  	v13 =	vsel vm4, $0x1, v2  }
0x3c6: {  	(xrf0) =	vadd.scan.msk.s32 $0xffff, v13;
	_ =	sdelay $0x2  }
0x3c7: {  	v13 =	vmpcnt.ones.xlane vm14;
	_ =	sdelay $0x1  }
0x3c8: {  	v11 =	vadd.s32 v11, v13;
	v13 =	vsel vm4, $0xFFFFFFFF, v2  }
0x3c9: {  	v13 =	vadd.s32 v13, v11;
	v15, _, _ =	vpop (xrf0)  }
0x3ca: {  	v13 =	vadd.s32 v15, v13  }
0x3cb: {  	vm5 =	vlt.s32 v13, $0x400  }
0x3cc: {  	vm1 =	vmand vm4, vm5;
	_ =	sdelay $0x5  }
0x3cd: {  	[tilespmem:v13+s18+$0x0] =	vst.idx.msk vm1, v9  }
0x3ce: {  	[tilespmem:v13+s19+$0x0] =	vst.idx.msk vm1, v22  }
0x3cf: {  	v9 =	vld [tilespmem:$0x2B0];
	_ =	sdelay $0x4  }
0x3d0: {  	vm6 =	vge.f32 v9, v5  }
0x3d1: {  	v13 =	vsel vm6, $0x1, v2  }
0x3d2: {  	(xrf0) =	vadd.scan.msk.s32 $0xffff, v13;
	_ =	sdelay $0x2  }
0x3d3: {  	v13 =	vmpcnt.ones.xlane vm4;
	_ =	sdelay $0x1  }
0x3d4: {  	v11 =	vadd.s32 v11, v13;
	v13 =	vsel vm6, $0xFFFFFFFF, v2  }
0x3d5: {  	v13 =	vadd.s32 v13, v11;
	v15, _, _ =	vpop (xrf0)  }
0x3d6: {  	v13 =	vadd.s32 v15, v13  }
0x3d7: {  	vm7 =	vlt.s32 v13, $0x400  }
0x3d8: {  	vm0 =	vmand vm6, vm7;
	_ =	sdelay $0x5  }
0x3d9: {  	[tilespmem:v13+s18+$0x0] =	vst.idx.msk vm0, v9  }
0x3da: {  	[tilespmem:v13+s19+$0x0] =	vst.idx.msk vm0, v24  }
0x3db: {  	v9 =	vld [tilespmem:$0x2C0];
	_ =	sdelay $0x4  }
0x3dc: {  	vm8 =	vge.f32 v9, v5  }
0x3dd: {  	v13 =	vsel vm8, $0x1, v2  }
0x3de: {  	(xrf0) =	vadd.scan.msk.s32 $0xffff, v13;
	_ =	sdelay $0x2  }
0x3df: {  	v13 =	vmpcnt.ones.xlane vm6;
	_ =	sdelay $0x1  }
0x3e0: {  	v11 =	vadd.s32 v11, v13;
	v13 =	vsel vm8, $0xFFFFFFFF, v2  }
0x3e1: {  	v13 =	vadd.s32 v13, v11;
	v15, _, _ =	vpop (xrf0)  }
0x3e2: {  	v13 =	vadd.s32 v15, v13  }
0x3e3: {  	vm9 =	vlt.s32 v13, $0x400  }
0x3e4: {  	vm1 =	vmand vm8, vm9;
	_ =	sdelay $0x5  }
0x3e5: {  	[tilespmem:v13+s18+$0x0] =	vst.idx.msk vm1, v9  }
0x3e6: {  	[tilespmem:v13+s19+$0x0] =	vst.idx.msk vm1, v26  }
0x3e7: {  	v9 =	vld [tilespmem:$0x2D0];
	_ =	sdelay $0x4  }
0x3e8: {  	vm10 =	vge.f32 v9, v5  }
0x3e9: {  	v13 =	vsel vm10, $0x1, v2  }
0x3ea: {  	(xrf0) =	vadd.scan.msk.s32 $0xffff, v13;
	_ =	sdelay $0x2  }
0x3eb: {  	v13 =	vmpcnt.ones.xlane vm8;
	_ =	sdelay $0x1  }
0x3ec: {  	v11 =	vadd.s32 v11, v13;
	v13 =	vsel vm10, $0xFFFFFFFF, v2  }
0x3ed: {  	v13 =	vadd.s32 v13, v11;
	v15, _, _ =	vpop (xrf0)  }
0x3ee: {  	v13 =	vadd.s32 v15, v13  }
0x3ef: {  	vm11 =	vlt.s32 v13, $0x400  }
0x3f0: {  	vm0 =	vmand vm10, vm11;
	_ =	sdelay $0x5  }
0x3f1: {  	[tilespmem:v13+s18+$0x0] =	vst.idx.msk vm0, v9  }
0x3f2: {  	[tilespmem:v13+s19+$0x0] =	vst.idx.msk vm0, v28  }
0x3f3: {  	v9 =	vld [tilespmem:$0x2E0];
	_ =	sdelay $0x4  }
0x3f4: {  	vm12 =	vge.f32 v9, v5  }
0x3f5: {  	v13 =	vsel vm12, $0x1, v2  }
0x3f6: {  	(xrf0) =	vadd.scan.msk.s32 $0xffff, v13;
	_ =	sdelay $0x2  }
0x3f7: {  	v13 =	vmpcnt.ones.xlane vm10;
	_ =	sdelay $0x1  }
0x3f8: {  	v11 =	vadd.s32 v11, v13;
	v13 =	vsel vm12, $0xFFFFFFFF, v2  }
0x3f9: {  	v13 =	vadd.s32 v13, v11;
	v15, _, _ =	vpop (xrf0)  }
0x3fa: {  	v13 =	vadd.s32 v15, v13  }
0x3fb: {  	vm13 =	vlt.s32 v13, $0x400  }
0x3fc: {  	vm1 =	vmand vm12, vm13;
	_ =	sdelay $0x5  }
0x3fd: {  	[tilespmem:v13+s18+$0x0] =	vst.idx.msk vm1, v9  }
0x3fe: {  	[tilespmem:v13+s19+$0x0] =	vst.idx.msk vm1, v30  }
0x3ff: {  	v9 =	vld [tilespmem:$0x2F0];
	_ =	sdelay $0x4  }
0x400: {  	vm14 =	vge.f32 v9, v5  }
0x401: {  	v13 =	vsel vm14, $0x1, v2  }
0x402: {  	(xrf0) =	vadd.scan.msk.s32 $0xffff, v13;
	_ =	sdelay $0x2  }
0x403: {  	v13 =	vmpcnt.ones.xlane vm12;
	_ =	sdelay $0x1  }
0x404: {  	v11 =	vadd.s32 v11, v13;
	v13 =	vsel vm14, $0xFFFFFFFF, v2  }
0x405: {  	v13 =	vadd.s32 v13, v11;
	v15, _, _ =	vpop (xrf0)  }
0x406: {  	v13 =	vadd.s32 v15, v13  }
0x407: {  	vm15 =	vlt.s32 v13, $0x400  }
0x408: {  	vm0 =	vmand vm14, vm15;
	_ =	sdelay $0x1  }
0x409: {  	p0 =	slt.s32 s30, $0x1  }
.Ltmp7:
0x40a: {  	_ = 	snop;
	(pc) =	sbr.rel @p0 .LBB2_9-.Ltmp7, $4  }
0x40b: {  	_ = 	snop  }
0x40c: {  	v15 =	vmpcnt.ones.xlane vm14  }
0x40d: {  	[tilespmem:v13+s18+$0x0] =	vst.idx.msk vm0, v9  }
0x40e: {  	v9 =	vadd.s32 v11, v15;
	[tilespmem:v13+s19+$0x0] =	vst.idx.msk vm0, v32  }
0x40f: {  	s26 =	simm.s32 $0x0;
	s28 =	simm.s32 $0x7C0  }
.LBB2_8:
0x410: {  	v11 =	vld [tilespmem:s28+$0xFFFFFFC0];
	_ =	sdelay $0x4  }
0x411: {  	vm0 =	vge.f32 v11, v5  }
0x412: {  	v13 =	vsel vm0, $0x1, v2  }
0x413: {  	(xrf0) =	vadd.scan.msk.s32 $0xffff, v13;
	_ =	sdelay $0x4  }
0x414: {  	v15 =	vsel vm0, $0xFFFFFFFF, v2;
	v13 =	vmov s26  }
0x415: {  	v15 =	vadd.s32 v15, v9;
	v17, _, _ =	vpop (xrf0)  }
0x416: {  	v15 =	vadd.s32 v17, v15  }
0x417: {  	vm1 =	vlt.s32 v15, $0x400  }
0x418: {  	vm1 =	vmand vm0, vm1  }
0x419: {  	v13 =	vld.idx.msk [tilespmem:v13+s17+$0x0], $0xffff;
	_ =	sdelay $0x4  }
0x41a: {  	[tilespmem:v15+s18+$0x0] =	vst.idx.msk vm1, v11;
	v11 =	vadd.s32 v0, v13  }
0x41b: {  	[tilespmem:v15+s19+$0x0] =	vst.idx.msk vm1, v11  }
0x41c: {  	v11 =	vld [tilespmem:s28+$0xFFFFFFD0];
	_ =	sdelay $0x4  }
0x41d: {  	vm14 =	vge.f32 v11, v5  }
0x41e: {  	v15 =	vsel vm14, $0x1, v2  }
0x41f: {  	(xrf0) =	vadd.scan.msk.s32 $0xffff, v15;
	_ =	sdelay $0x2  }
0x420: {  	v15 =	vmpcnt.ones.xlane vm0;
	_ =	sdelay $0x1  }
0x421: {  	v9 =	vadd.s32 v9, v15;
	v15 =	vsel vm14, $0xFFFFFFFF, v2  }
0x422: {  	v15 =	vadd.s32 v15, v9;
	v17, _, _ =	vpop (xrf0)  }
0x423: {  	v15 =	vadd.s32 v17, v15  }
0x424: {  	vm15 =	vlt.s32 v15, $0x400  }
0x425: {  	vm0 =	vmand vm14, vm15;
	_ =	sdelay $0x5  }
0x426: {  	[tilespmem:v15+s18+$0x0] =	vst.idx.msk vm0, v11;
	v11 =	vadd.s32 v4, v13  }
0x427: {  	[tilespmem:v15+s19+$0x0] =	vst.idx.msk vm0, v11  }
0x428: {  	v11 =	vld [tilespmem:s28+$0xFFFFFFE0];
	_ =	sdelay $0x4  }
0x429: {  	vm4 =	vge.f32 v11, v5  }
0x42a: {  	v15 =	vsel vm4, $0x1, v2  }
0x42b: {  	(xrf0) =	vadd.scan.msk.s32 $0xffff, v15;
	_ =	sdelay $0x2  }
0x42c: {  	v15 =	vmpcnt.ones.xlane vm14;
	_ =	sdelay $0x1  }
0x42d: {  	v9 =	vadd.s32 v9, v15;
	v15 =	vsel vm4, $0xFFFFFFFF, v2  }
0x42e: {  	v15 =	vadd.s32 v15, v9;
	v17, _, _ =	vpop (xrf0)  }
0x42f: {  	v15 =	vadd.s32 v17, v15  }
0x430: {  	vm5 =	vlt.s32 v15, $0x400  }
0x431: {  	vm1 =	vmand vm4, vm5;
	_ =	sdelay $0x5  }
0x432: {  	[tilespmem:v15+s18+$0x0] =	vst.idx.msk vm1, v11;
	v11 =	vadd.s32 v6, v13  }
0x433: {  	[tilespmem:v15+s19+$0x0] =	vst.idx.msk vm1, v11  }
0x434: {  	v11 =	vld [tilespmem:s28+$0xFFFFFFF0];
	_ =	sdelay $0x4  }
0x435: {  	vm6 =	vge.f32 v11, v5  }
0x436: {  	v15 =	vsel vm6, $0x1, v2  }
0x437: {  	(xrf0) =	vadd.scan.msk.s32 $0xffff, v15;
	_ =	sdelay $0x2  }
0x438: {  	v15 =	vmpcnt.ones.xlane vm4;
	_ =	sdelay $0x1  }
0x439: {  	v9 =	vadd.s32 v9, v15;
	v15 =	vsel vm6, $0xFFFFFFFF, v2  }
0x43a: {  	v15 =	vadd.s32 v15, v9;
	v17, _, _ =	vpop (xrf0)  }
0x43b: {  	v15 =	vadd.s32 v17, v15  }
0x43c: {  	vm7 =	vlt.s32 v15, $0x400  }
0x43d: {  	vm0 =	vmand vm6, vm7;
	_ =	sdelay $0x5  }
0x43e: {  	[tilespmem:v15+s18+$0x0] =	vst.idx.msk vm0, v11;
	v11 =	vadd.s32 v8, v13  }
0x43f: {  	[tilespmem:v15+s19+$0x0] =	vst.idx.msk vm0, v11  }
0x440: {  	v11 =	vld [tilespmem:s28+$0x0];
	_ =	sdelay $0x4  }
0x441: {  	vm8 =	vge.f32 v11, v5  }
0x442: {  	v15 =	vsel vm8, $0x1, v2  }
0x443: {  	(xrf0) =	vadd.scan.msk.s32 $0xffff, v15;
	_ =	sdelay $0x2  }
0x444: {  	v15 =	vmpcnt.ones.xlane vm6;
	_ =	sdelay $0x1  }
0x445: {  	v9 =	vadd.s32 v9, v15;
	v15 =	vsel vm8, $0xFFFFFFFF, v2  }
0x446: {  	v15 =	vadd.s32 v15, v9;
	v17, _, _ =	vpop (xrf0)  }
0x447: {  	v15 =	vadd.s32 v17, v15  }
0x448: {  	vm9 =	vlt.s32 v15, $0x400  }
0x449: {  	vm1 =	vmand vm8, vm9;
	_ =	sdelay $0x5  }
0x44a: {  	[tilespmem:v15+s18+$0x0] =	vst.idx.msk vm1, v11;
	v11 =	vadd.s32 v10, v13  }
0x44b: {  	[tilespmem:v15+s19+$0x0] =	vst.idx.msk vm1, v11  }
0x44c: {  	v11 =	vld [tilespmem:s28+$0x10];
	_ =	sdelay $0x4  }
0x44d: {  	vm10 =	vge.f32 v11, v5  }
0x44e: {  	v15 =	vsel vm10, $0x1, v2  }
0x44f: {  	(xrf0) =	vadd.scan.msk.s32 $0xffff, v15;
	_ =	sdelay $0x2  }
0x450: {  	v15 =	vmpcnt.ones.xlane vm8;
	_ =	sdelay $0x1  }
0x451: {  	v9 =	vadd.s32 v9, v15;
	v15 =	vsel vm10, $0xFFFFFFFF, v2  }
0x452: {  	v15 =	vadd.s32 v15, v9;
	v17, _, _ =	vpop (xrf0)  }
0x453: {  	v15 =	vadd.s32 v17, v15  }
0x454: {  	vm11 =	vlt.s32 v15, $0x400  }
0x455: {  	vm0 =	vmand vm10, vm11;
	_ =	sdelay $0x5  }
0x456: {  	[tilespmem:v15+s18+$0x0] =	vst.idx.msk vm0, v11;
	v11 =	vadd.s32 v12, v13  }
0x457: {  	[tilespmem:v15+s19+$0x0] =	vst.idx.msk vm0, v11  }
0x458: {  	v11 =	vld [tilespmem:s28+$0x20];
	_ =	sdelay $0x4  }
0x459: {  	vm12 =	vge.f32 v11, v5  }
0x45a: {  	v15 =	vsel vm12, $0x1, v2  }
0x45b: {  	(xrf0) =	vadd.scan.msk.s32 $0xffff, v15;
	_ =	sdelay $0x2  }
0x45c: {  	v15 =	vmpcnt.ones.xlane vm10;
	_ =	sdelay $0x1  }
0x45d: {  	v9 =	vadd.s32 v9, v15;
	v15 =	vsel vm12, $0xFFFFFFFF, v2  }
0x45e: {  	v15 =	vadd.s32 v15, v9;
	v17, _, _ =	vpop (xrf0)  }
0x45f: {  	v15 =	vadd.s32 v17, v15  }
0x460: {  	vm13 =	vlt.s32 v15, $0x400  }
0x461: {  	vm1 =	vmand vm12, vm13;
	_ =	sdelay $0x5  }
0x462: {  	[tilespmem:v15+s18+$0x0] =	vst.idx.msk vm1, v11;
	v11 =	vadd.s32 v14, v13  }
0x463: {  	[tilespmem:v15+s19+$0x0] =	vst.idx.msk vm1, v11  }
0x464: {  	v11 =	vld [tilespmem:s28+$0x30];
	_ =	sdelay $0x4  }
0x465: {  	vm14 =	vge.f32 v11, v5  }
0x466: {  	v15 =	vsel vm14, $0x1, v2  }
0x467: {  	(xrf0) =	vadd.scan.msk.s32 $0xffff, v15;
	_ =	sdelay $0x2  }
0x468: {  	v15 =	vmpcnt.ones.xlane vm12;
	_ =	sdelay $0x1  }
0x469: {  	v9 =	vadd.s32 v9, v15;
	v15 =	vsel vm14, $0xFFFFFFFF, v2  }
0x46a: {  	v15 =	vadd.s32 v15, v9;
	v17, _, _ =	vpop (xrf0)  }
0x46b: {  	v15 =	vadd.s32 v17, v15  }
0x46c: {  	vm15 =	vlt.s32 v15, $0x400  }
0x46d: {  	vm0 =	vmand vm14, vm15  }
0x46e: {  	s26 =	sadd.s32 $0x1, s26  }
0x46f: {  	p0 =	sne.s32 s29, s26  }
.Ltmp8:
0x470: {  	_ = 	snop;
	(pc) =	sbr.rel @p0 .LBB2_8-.Ltmp8, $4  }
0x471: {  	_ = 	snop  }
0x472: {  	v17 =	vmpcnt.ones.xlane vm14  }
0x473: {  	[tilespmem:v15+s18+$0x0] =	vst.idx.msk vm0, v11;
	v11 =	vadd.s32 v16, v13  }
0x474: {  	s28 =	sadd.s32 $0x80, s28;
	v9 =	vadd.s32 v9, v17;
	[tilespmem:v15+s19+$0x0] =	vst.idx.msk vm0, v11  }
.Ltmp9:
0x475: {  	_ = 	snop;
	(pc) =	sbr.rel .LBB2_9-.Ltmp9, $1  }
0x476: {  	_ =	sdelay $0x3  }
.LBB2_11:
0x477: {  	_ =	sfence.sel $0x180000  }
0x478: {  	[bflag:$0x0] =	sbarrier.arrive $0xFFFF  }
0x479: {  	_ =	strace $0x9000004A  }
0x47a: {  	[bflag:$0x2] =	sbarrier.arrive $0xFFFF  }
0x47b: {  	p0 =	sne.s32 s8, $0x0;
	s0 =	rddreg [dreg:$0x2]  }
0x47c: {  	s0 =	sadd.s32 @!p0 $0x100000, s0  }
0x47d: {  	[sflag:s0] =	ssyncadd.tile.s32 @!p0 $0x1;
	_ =	shalt  }
.Lfunc_end2:
_tile_overlayer_lowered:
.L_overlay_start_2:
0x47e: {  	(tag) =	ssettag $0x2  }
0x47f: {  	s0 =	rddreg [dreg:$0x0];
	s2 =	stileid.u32  }
0x480: {  	s1 =	rddreg [dreg:$0x1];
	p0 =	sne.s32 s2, $0x0  }
0x481: {  	s3 =	rddreg [dreg:$0x2];
	[bflag:$0x3] =	sbarrier.arrive $0xFFFF;
	s2 =	simm.s32 @!p0 $0x1C01  }
0x482: {  	[timem:s3], [sflag:s2] =	dma.local @!p0 [hbm:s0], s1  }
0x483: {  	s0 =	simm.s32 @!p0 $0x1  }
0x484: {  	_ =	swait.ge @!p0 [sflag:s0], s1  }
0x485: {  	s1 =	ssub.s32 @!p0 $0x0, s1;
	[sflag:s0] =	ssyncset.done @!p0 $0x0  }
0x486: {  	[sflag:s0] =	ssyncadd.s32 @!p0 s1  }
0x487: {  	[bflag:$0x3] =	sbarrier.arrive $0xFFFF  }
0x488: {  	_ =	shalt  }

</sc_bundles>
